<compile_context>
chip_gen: v7x
topology: tpu7x:2x2x1
jax: 0.10.2.dev20260603
libtpu: 0.0.44.dev20260713+nightly
codegen_flags: <defaults>
</compile_context>

<pallas_src>
import functools

import jax
import jax.numpy as jnp
from jax import lax
from jax.experimental import pallas as pl
from jax.experimental.pallas import tpu as pltpu
from jax.experimental.pallas import tpu_sc as plsc

_VOCAB = 1000000
_EMBED = 64
_CUT1 = 100000
_CUT2 = 500000
_ADAPT_CUT = 20000
_MID_VOCAB = _CUT2 - _CUT1
_F1_SIZE = 633
_F2_SIZE = 632
_NFC = 256
_NHB = 100000
_NHF = 4

_OFF_F1 = _CUT1
_OFF_F2 = _OFF_F1 + 640
_OFF_B = _OFF_F2 + 640
_ZROW = _OFF_B + 256
_OFF_T = _ZROW + 32
_NROWS = _OFF_T + _NHF * _NHB

_CHUNK = 128
_IDXB = 128


def _mm_block(x, w):
    n, k = x.shape
    bn = 4000

    def body(x_ref, w_ref, o_ref):
        o_ref[...] = jnp.dot(x_ref[...], w_ref[...],
                             preferred_element_type=jnp.float32)

    return pl.pallas_call(
        body,
        grid=(n // bn,),
        in_specs=[pl.BlockSpec((bn, k), lambda i: (i, jnp.int32(0))),
                  pl.BlockSpec((k, _EMBED), lambda i: (jnp.int32(0), jnp.int32(0)))],
        out_specs=pl.BlockSpec((bn, _EMBED), lambda i: (i, jnp.int32(0))),
        out_shape=jax.ShapeDtypeStruct((n, _EMBED), jnp.float32),
    )(x, w)


def _mm_small(x, w, bias):
    n = x.shape[0]

    def body(x_ref, w_ref, b_ref, o_ref):
        o_ref[...] = jnp.dot(x_ref[...], w_ref[...],
                             preferred_element_type=jnp.float32) + b_ref[...]

    return pl.pallas_call(
        body,
        out_shape=jax.ShapeDtypeStruct((n, _EMBED), jnp.float32),
    )(x, w, bias)


def _mm_rh(x, w4, b4):
    bn = 10000

    def body(x_ref, w_ref, b_ref, o_ref):
        o_ref[0] = jnp.dot(x_ref[0], w_ref[0],
                           preferred_element_type=jnp.float32) + b_ref[0]

    return pl.pallas_call(
        body,
        grid=(_NHF, _NHB // bn),
        in_specs=[pl.BlockSpec((1, bn, 16), lambda i, j: (i, j, jnp.int32(0))),
                  pl.BlockSpec((1, 16, _EMBED), lambda i, j: (i, jnp.int32(0), jnp.int32(0))),
                  pl.BlockSpec((1, 1, _EMBED), lambda i, j: (i, jnp.int32(0), jnp.int32(0)))],
        out_specs=pl.BlockSpec((1, bn, _EMBED), lambda i, j: (i, j, jnp.int32(0))),
        out_shape=jax.ShapeDtypeStruct((_NHF, _NHB, _EMBED), jnp.float32),
    )(x, w4, b4)


def _sc_lookup(table, ids32, fch32, params, n_tokens):
    info = plsc.get_sparse_core_info()
    nc, ns = info.num_cores, info.num_subcores
    nw = nc * ns
    per_w = n_tokens // nw
    n_chunks = per_w // _CHUNK
    n_pairs = n_chunks // 2
    mesh = plsc.VectorSubcoreMesh(core_axis_name="c", subcore_axis_name="s")

    @functools.partial(
        pl.kernel,
        out_type=jax.ShapeDtypeStruct((n_tokens, _EMBED), jnp.float32),
        mesh=mesh,
        scratch_types=[
            pltpu.VMEM((per_w,), jnp.int32),
            pltpu.VMEM((12 * 16,), jnp.int32),
            pltpu.VMEM((2, _CHUNK), jnp.int32),
            pltpu.VMEM((2, _CHUNK), jnp.int32),
            pltpu.VMEM((2, 4 * _CHUNK), jnp.int32),
            pltpu.VMEM((2, 4 * _CHUNK, _EMBED), jnp.float32),
            pltpu.VMEM((_CHUNK, _EMBED), jnp.float32),
            pltpu.SemaphoreType.DMA,
            pltpu.SemaphoreType.DMA,
            pltpu.SemaphoreType.DMA,
        ],
        compiler_params=pltpu.CompilerParams(use_tc_tiling_on_sc=False),
    )
    def k(table_hbm, ids_hbm, fch_hbm, par_hbm, out_hbm,
          ids_v, par_v, hidx_v, hv_v, idx_v, rows_v, out_v,
          semh, semg0, semg1):
        wid = lax.axis_index("s") * jnp.int32(nc) + lax.axis_index("c")
        base = wid * jnp.int32(per_w)
        pltpu.sync_copy(par_hbm, par_v)
        pltpu.sync_copy(ids_hbm.at[pl.ds(base, per_w)], ids_v)

        nvr = _CHUNK // 16
        semg = (semg0, semg1)

        def prep(coff, b):
            @plsc.parallel_loop(jnp.int32(0), jnp.int32(nvr), jnp.int32(1),
                                unroll=4)
            def pass1(v):
                v16 = coff + v * jnp.int32(16)
                ids = ids_v[pl.ds(v16, 16)]
                t2 = jnp.logical_and(ids >= _CUT1, ids < _CUT2)
                hidx_v[b, pl.ds(v * jnp.int32(16), 16)] = jnp.where(
                    t2, ids - _CUT1, 0)

            pltpu.async_copy(fch_hbm.at[hidx_v.at[b]], hv_v.at[b],
                             semh).wait()

            @plsc.parallel_loop(jnp.int32(0), jnp.int32(nvr), jnp.int32(1),
                                unroll=2)
            def pass2(v):
                o16 = v * jnp.int32(16)
                ids = ids_v[pl.ds(coff + o16, 16)]
                hv = hv_v[b, pl.ds(o16, 16)]
                t1 = ids < _CUT1
                t3 = ids >= _CUT2
                t2 = jnp.logical_and(ids >= _CUT1, ids < _CUT2)
                idf = ids - _CUT1
                q = (idf.astype(jnp.float32)
                     * jnp.float32(1.0 / _F1_SIZE)).astype(jnp.int32)
                r = idf - q * _F1_SIZE
                q = (q + jnp.where(r >= _F1_SIZE, 1, 0)
                     - jnp.where(r < 0, 1, 0))
                r = idf - q * _F1_SIZE
                idr = ids - _CUT2
                hi = idr >> 8
                lo = idr & 255
                hs = []
                for i in range(_NHF):
                    a256 = par_v[pl.ds(i * 16, 16)]
                    a1 = par_v[pl.ds((4 + i) * 16, 16)]
                    bi = par_v[pl.ds((8 + i) * 16, 16)]
                    x = hi * a256 + lo * a1 + bi
                    qh = (x.astype(jnp.float32)
                          * jnp.float32(1e-5)).astype(jnp.int32)
                    h = x - qh * _NHB
                    h = h + jnp.where(h < 0, _NHB, 0)
                    h = h - jnp.where(h >= _NHB, _NHB, 0)
                    hs.append(h)
                r0 = jnp.where(t1, ids,
                               jnp.where(t2, _OFF_F1 + r, _OFF_T + hs[0]))
                r1 = jnp.where(t2, _OFF_F2 + q,
                               jnp.where(t3, (_OFF_T + _NHB) + hs[1], _ZROW))
                r2 = jnp.where(t2, hv,
                               jnp.where(t3, (_OFF_T + 2 * _NHB) + hs[2],
                                         _ZROW))
                r3 = jnp.where(t3, (_OFF_T + 3 * _NHB) + hs[3], _ZROW)
                idx_v[b, pl.ds(o16, 16)] = r0
                idx_v[b, pl.ds(_CHUNK + o16, 16)] = r1
                idx_v[b, pl.ds(2 * _CHUNK + o16, 16)] = r2
                idx_v[b, pl.ds(3 * _CHUNK + o16, 16)] = r3

        def fire_rows(b):
            for j in range(4 * _CHUNK // _IDXB):
                pltpu.async_copy(
                    table_hbm.at[idx_v.at[b, pl.ds(j * _IDXB, _IDXB)]],
                    rows_v.at[b, pl.ds(j * _IDXB, _IDXB)], semg[b])

        def drain_rows(b):
            for j in range(4 * _CHUNK // _IDXB):
                pltpu.make_async_copy(
                    table_hbm.at[pl.ds(0, _IDXB)],
                    rows_v.at[b, pl.ds(j * _IDXB, _IDXB)], semg[b]).wait()

        def consume(off, b):
            @plsc.parallel_loop(jnp.int32(0), jnp.int32(_CHUNK), jnp.int32(1),
                                unroll=4)
            def pass3(t):
                for col in range(_EMBED // 16):
                    sl = pl.ds(col * jnp.int32(16), 16)
                    out_v[t, sl] = (rows_v[b, t, sl]
                                    + rows_v[b, _CHUNK + t, sl]
                                    + rows_v[b, 2 * _CHUNK + t, sl]
                                    + rows_v[b, 3 * _CHUNK + t, sl])
            pltpu.sync_copy(out_v, out_hbm.at[pl.ds(off, _CHUNK)])

        prep(jnp.int32(0), 0)
        fire_rows(0)

        def pair(j, carry):
            coff0 = j * jnp.int32(2 * _CHUNK)
            for b in (0, 1):
                coff = coff0 + jnp.int32(b * _CHUNK)
                nb = 1 - b
                ncoff = jnp.minimum(coff + jnp.int32(_CHUNK),
                                    jnp.int32(per_w - _CHUNK))
                prep(ncoff, nb)
                drain_rows(b)
                fire_rows(nb)
                consume(base + coff, b)
            return carry
        lax.fori_loop(jnp.int32(0), jnp.int32(n_pairs), pair, jnp.int32(0))
        drain_rows(0)

    return k(table, ids32, fch32, params)


def kernel(input_ids, adapt_emb0, adapt_emb1, adapt_proj1, fc_f1, fc_f2,
           fc_basis, fc_hash, fc_W, fc_b, rh_tables, hash_a, hash_b,
           rh_W, rh_b):
    orig_shape = input_ids.shape
    n_tokens = orig_shape[0] * orig_shape[1]
    with jax.enable_x64(False):
        out = _kernel_32(input_ids, adapt_emb0, adapt_emb1, adapt_proj1,
                         fc_f1, fc_f2, fc_basis, fc_hash, fc_W, fc_b,
                         rh_tables, hash_a, hash_b, rh_W, rh_b, n_tokens)
    return out.reshape(orig_shape[0], orig_shape[1], _EMBED).astype(jnp.float64)


def _kernel_32(input_ids, adapt_emb0, adapt_emb1, adapt_proj1, fc_f1, fc_f2,
               fc_basis, fc_hash, fc_W, fc_b, rh_tables, hash_a, hash_b,
               rh_W, rh_b, n_tokens):
    f32 = jnp.float32

    e1 = _mm_block(adapt_emb1.astype(f32), adapt_proj1.astype(f32))

    xs = jnp.concatenate([
        jnp.pad(fc_f1.astype(f32), ((0, 7), (0, 32))),
        jnp.pad(fc_f2.astype(f32), ((0, 8), (32, 0))),
        fc_basis.astype(f32) * 0.1,
        jnp.zeros((32, _EMBED), f32),
    ], axis=0)
    bias_small = jnp.where((jnp.arange(1568) < 640)[:, None],
                           fc_b.astype(f32)[None, :], 0.0).astype(f32)
    small = _mm_small(xs, fc_W.astype(f32), bias_small)

    w4 = rh_W.astype(f32).reshape(_NHF, 16, _EMBED)
    b4 = jnp.concatenate([rh_b.astype(f32)[None, None, :],
                          jnp.zeros((_NHF - 1, 1, _EMBED), f32)], axis=0)
    t4 = _mm_rh(rh_tables.astype(f32), w4, b4)

    table = jnp.concatenate([
        adapt_emb0.astype(f32),
        e1,
        small,
        t4.reshape(_NHF * _NHB, _EMBED),
    ], axis=0)

    ids32 = input_ids.reshape(-1).astype(jnp.int32)
    fch32 = fc_hash.astype(jnp.int32) + _OFF_B
    a32 = hash_a.astype(jnp.int32)
    b32 = hash_b.astype(jnp.int32)
    pvals = jnp.concatenate([(a32 * 256) % _NHB, a32 % _NHB, b32 % _NHB])
    params = jnp.broadcast_to(pvals[:, None], (12, 16)).reshape(12 * 16)

    return _sc_lookup(table, ids32, fch32, params, n_tokens)

# --- scband reference (transcript-rebuilt; emitter-appended) ---
"""Pipeline reference for scband-hierarchical-vocabulary-embedding-27066883900162 (READ-ONLY COPY).

The authoritative reference and input builder live on the scoring server;
editing this copy changes nothing except your own understanding.
"""

import jax, jax.numpy as jnp
import numpy as np
jax.config.update('jax_enable_x64', True)

VOCAB = 1000000
EMBED = 64
CUT1 = 100000   # frequent tier: AdaptiveEmbedding
CUT2 = 500000   # mid tier: FrequencyCompressedEmbedding; rest: ResonanceHashEmbedding
ADAPT_CUT = 20000
MID_VOCAB = CUT2 - CUT1            # 400000
F1_SIZE = int(np.sqrt(MID_VOCAB)) + 1   # 633
F2_SIZE = MID_VOCAB // F1_SIZE + 1      # 632
NFC = 256
NHB = 100000
NHF = 4
HDIM = EMBED // NHF                # 16


def setup_inputs(seed: int = 0) -> dict:
    key = jax.random.key(seed)
    ks = jax.random.split(key, 16)
    inp = {}
    inp['input_ids'] = jax.random.randint(ks[0], (4096, 200), 0, VOCAB, dtype=jnp.int64)
    # Adaptive tier params (vocab CUT1, cutoff ADAPT_CUT): cluster dims 64 and 32
    inp['adapt_emb0'] = jax.random.normal(ks[1], (ADAPT_CUT, EMBED), dtype=jnp.float32) * 0.02
    inp['adapt_emb1'] = jax.random.normal(ks[2], (CUT1 - ADAPT_CUT, 32), dtype=jnp.float32) * 0.02
    inp['adapt_proj1'] = jax.random.normal(ks[3], (32, EMBED), dtype=jnp.float32) * (1.0 / np.sqrt(32))
    # Frequency-compressed tier params (vocab MID_VOCAB)
    inp['fc_f1'] = jax.random.normal(ks[4], (F1_SIZE, EMBED // 2), dtype=jnp.float32) * 0.02
    inp['fc_f2'] = jax.random.normal(ks[5], (F2_SIZE, EMBED // 2), dtype=jnp.float32) * 0.02
    inp['fc_basis'] = jax.random.normal(ks[6], (NFC, EMBED), dtype=jnp.float32) * 0.01
    inp['fc_hash'] = jax.random.randint(ks[7], (MID_VOCAB,), 0, NFC, dtype=jnp.int64)
    inp['fc_W'] = jax.random.normal(ks[8], (EMBED, EMBED), dtype=jnp.float32) * (1.0 / np.sqrt(EMBED))
    inp['fc_b'] = jnp.zeros((EMBED,), dtype=jnp.float32)
    # Resonance-hash tier params (vocab VOCAB - CUT2)
    inp['rh_tables'] = jax.random.normal(ks[9], (NHF, NHB, HDIM), dtype=jnp.float32) * 0.02
    inp['hash_a'] = jax.random.randint(ks[10], (NHF,), 1, 1000000, dtype=jnp.int64)
    inp['hash_b'] = jax.random.randint(ks[11], (NHF,), 0, 1000000, dtype=jnp.int64)
    inp['rh_W'] = jax.random.normal(ks[12], (EMBED, EMBED), dtype=jnp.float32) * (1.0 / np.sqrt(EMBED))
    inp['rh_b'] = jnp.zeros((EMBED,), dtype=jnp.float32)
    return inp


def reference(input_ids, adapt_emb0, adapt_emb1, adapt_proj1, fc_f1, fc_f2, fc_basis,
              fc_hash, fc_W, fc_b, rh_tables, hash_a, hash_b, rh_W, rh_b):
    orig_shape = input_ids.shape
    ids = input_ids.reshape(-1)
    m_freq = ids < CUT1
    m_mid = (ids >= CUT1) & (ids < CUT2)
    # ---- Tier 1: AdaptiveEmbedding over [0, CUT1) ----
    ida = jnp.clip(ids, 0, CUT1 - 1)
    c0 = jnp.clip(ida, 0, ADAPT_CUT - 1)
    e0 = jnp.take(adapt_emb0, c0, axis=0)
    c1 = jnp.clip(ida - ADAPT_CUT, 0, (CUT1 - ADAPT_CUT) - 1)
    e1 = jnp.take(adapt_emb1, c1, axis=0) @ adapt_proj1
    adapt_out = jnp.where((ida < ADAPT_CUT)[:, None], e0, e1)
    # ---- Tier 2: FrequencyCompressedEmbedding over [CUT1, CUT2) ----
    idf = jnp.clip(ids - CUT1, 0, MID_VOCAB - 1)
    f1 = jnp.take(fc_f1, idf % F1_SIZE, axis=0)
    f2 = jnp.take(fc_f2, jnp.clip(idf // F1_SIZE, 0, F2_SIZE - 1), axis=0)
    factored = jnp.concatenate([f1, f2], axis=-1)
    freq_comp = jnp.take(fc_basis, jnp.take(fc_hash, idf, axis=0), axis=0)
    fc_out = (factored + 0.1 * freq_comp) @ fc_W + fc_b
    # ---- Tier 3: ResonanceHashEmbedding over [CUT2, VOCAB) ----
    idr = jnp.clip(ids - CUT2, 0, (VOCAB - CUT2) - 1)
    parts = []
    for i in range(NHF):
        h = (idr * hash_a[i] + hash_b[i]) % NHB
        parts.append(jnp.take(rh_tables[i], h, axis=0))
    rh_out = jnp.concatenate(parts, axis=-1) @ rh_W + rh_b
    out = jnp.where(m_freq[:, None], adapt_out, jnp.where(m_mid[:, None], fc_out, rh_out))
    return out.reshape(orig_shape[0], orig_shape[1], EMBED)

if __name__ == "__main__":
    import jax
    _d = setup_inputs()
    print(jax.jit(kernel)(*tuple(_d.values())))

</pallas_src>

<mosaic_0001>
#map = affine_map<(d0, d1) -> (0, 0)>
#map1 = affine_map<(d0, d1) -> (0)>
module attributes {stable_mosaic.version = 14 : i64} {
  func.func @k(%arg0: i32, %arg1: i32, %arg2: memref<501568x64xf32, #tpu.memory_space<hbm>>, %arg3: memref<819200xi32, #tpu.memory_space<hbm>>, %arg4: memref<400000xi32, #tpu.memory_space<hbm>>, %arg5: memref<192xi32, #tpu.memory_space<hbm>>, %arg6: memref<819200x64xf32, #tpu.memory_space<hbm>>, %arg7: memref<25600xi32, #tpu.memory_space<vmem>>, %arg8: memref<192xi32, #tpu.memory_space<vmem>>, %arg9: memref<2x128xi32, #tpu.memory_space<vmem>>, %arg10: memref<2x128xi32, #tpu.memory_space<vmem>>, %arg11: memref<2x512xi32, #tpu.memory_space<vmem>>, %arg12: memref<2x512x64xf32, #tpu.memory_space<vmem>>, %arg13: memref<128x64xf32, #tpu.memory_space<vmem>>, %arg14: memref<!tpu.dma_semaphore, #tpu.memory_space<semaphore_mem>>, %arg15: memref<!tpu.dma_semaphore, #tpu.memory_space<semaphore_mem>>, %arg16: memref<!tpu.dma_semaphore, #tpu.memory_space<semaphore_mem>>) attributes {dimension_semantics = [#tpu.dimension_semantics<core_parallel>, #tpu.dimension_semantics<subcore_parallel>], iteration_bounds = array<i64: 2, 16>, scalar_prefetch = 0 : i64, scratch_operands = 10 : i64, tpu.core_type = #tpu.core_type<sc_vector_subcore>, window_params = [{transform_indices = #map}, {transform_indices = #map1}, {transform_indices = #map1}, {transform_indices = #map1}, {transform_indices = #map}]} {
    %mul3A = arith.constant 2 : i32
    %mul3A_0 = arith.muli %arg1, %mul3A : i32
    %add3A = arith.addi %mul3A_0, %arg0 : i32
    %mul3A_1 = arith.constant 25600 : i32
    %mul3A_2 = arith.muli %add3A, %mul3A_1 : i32
    "tpu.region"() ({
      %run_scoped3A = tpu.sem_alloc : memref<!tpu.dma_semaphore, #tpu.memory_space<semaphore_mem>>
      tpu.enqueue_dma source(%arg5 : memref<192xi32, #tpu.memory_space<hbm>>) target(%arg8 : memref<192xi32, #tpu.memory_space<vmem>>) target_semaphore(%run_scoped3A : memref<!tpu.dma_semaphore, #tpu.memory_space<semaphore_mem>>)
      tpu.wait_dma2 semaphore(%run_scoped3A : memref<!tpu.dma_semaphore, #tpu.memory_space<semaphore_mem>>) src(%arg5 : memref<192xi32, #tpu.memory_space<hbm>>) dst(%arg8 : memref<192xi32, #tpu.memory_space<vmem>>)
      tpu.yield
    }) : () -> ()
    "tpu.region"() ({
      %run_scoped3A = tpu.sem_alloc : memref<!tpu.dma_semaphore, #tpu.memory_space<semaphore_mem>>
      %dma_start3A_146 = tpu.memref_slice %arg3[%mul3A_2] : memref<819200xi32, #tpu.memory_space<hbm>> -> memref<25600xi32, #tpu.memory_space<hbm>>
      %dma_start3A_147 = tpu.memref_slice %arg3[%mul3A_2] : memref<819200xi32, #tpu.memory_space<hbm>> -> memref<25600xi32, #tpu.memory_space<hbm>>
      tpu.enqueue_dma source(%dma_start3A_147 : memref<25600xi32, #tpu.memory_space<hbm>>) target(%arg7 : memref<25600xi32, #tpu.memory_space<vmem>>) target_semaphore(%run_scoped3A : memref<!tpu.dma_semaphore, #tpu.memory_space<semaphore_mem>>)
      %dma_wait3A_148 = tpu.memref_slice %arg3[%mul3A_2] : memref<819200xi32, #tpu.memory_space<hbm>> -> memref<25600xi32, #tpu.memory_space<hbm>>
      %dma_wait3A_149 = tpu.memref_slice %arg3[%mul3A_2] : memref<819200xi32, #tpu.memory_space<hbm>> -> memref<25600xi32, #tpu.memory_space<hbm>>
      tpu.wait_dma2 semaphore(%run_scoped3A : memref<!tpu.dma_semaphore, #tpu.memory_space<semaphore_mem>>) src(%dma_wait3A_149 : memref<25600xi32, #tpu.memory_space<hbm>>) dst(%arg7 : memref<25600xi32, #tpu.memory_space<vmem>>)
      tpu.yield
    }) : () -> ()
    %parallel_loop3A = arith.constant 0 : i32
    %parallel_loop3A_3 = arith.constant 8 : i32
    %parallel_loop3A_4 = arith.constant 1 : i32
    %parallel_loop3A_5 = arith.constant 0 : i32
    scf.for %parallel_loop3A_146 = %parallel_loop3A to %parallel_loop3A_3 step %parallel_loop3A_4  : i32 {
      %parallel_loop3A_147 = arith.constant 16 : i32
      %parallel_loop3A_148 = arith.muli %parallel_loop3A_146, %parallel_loop3A_147 : i32
      %parallel_loop3A_149 = arith.addi %parallel_loop3A_5, %parallel_loop3A_148 : i32
      %parallel_loop3A_150 = arith.index_cast %parallel_loop3A_149 : i32 to index
      %parallel_loop3A_151 = tpu.vector_load %arg7[%parallel_loop3A_150] {strides = array<i32>} : memref<25600xi32, #tpu.memory_space<vmem>>, vector<16xi32>,
      %parallel_loop3A_152 = vector.shape_cast %parallel_loop3A_151 : vector<16xi32> to vector<16xi32>
      %parallel_loop3A_153 = arith.constant 100000 : i32
      %parallel_loop3A_154 = vector.broadcast %parallel_loop3A_153 : i32 to vector<16xi32>
      %parallel_loop3A_155 = arith.cmpi sge, %parallel_loop3A_152, %parallel_loop3A_154 : vector<16xi32>
      %parallel_loop3A_156 = arith.constant 500000 : i32
      %parallel_loop3A_157 = vector.broadcast %parallel_loop3A_156 : i32 to vector<16xi32>
      %parallel_loop3A_158 = arith.cmpi slt, %parallel_loop3A_152, %parallel_loop3A_157 : vector<16xi32>
      %parallel_loop3A_159 = arith.andi %parallel_loop3A_155, %parallel_loop3A_158 : vector<16xi1>
      %parallel_loop3A_160 = arith.constant 100000 : i32
      %parallel_loop3A_161 = vector.broadcast %parallel_loop3A_160 : i32 to vector<16xi32>
      %parallel_loop3A_162 = arith.subi %parallel_loop3A_152, %parallel_loop3A_161 : vector<16xi32>
      %parallel_loop3A_163 = arith.constant 0 : i32
      %parallel_loop3A_164 = vector.broadcast %parallel_loop3A_163 : i32 to vector<16xi32>
      %parallel_loop3A_165 = arith.select %parallel_loop3A_159, %parallel_loop3A_162, %parallel_loop3A_164 : vector<16xi1>, vector<16xi32>
      %parallel_loop3A_166 = arith.constant 16 : i32
      %parallel_loop3A_167 = arith.muli %parallel_loop3A_146, %parallel_loop3A_166 : i32
      %parallel_loop3A_168 = arith.constant 0 : i32
      %parallel_loop3A_169 = arith.index_cast %parallel_loop3A_168 : i32 to index
      %parallel_loop3A_170 = arith.index_cast %parallel_loop3A_167 : i32 to index
      %parallel_loop3A_171 = tpu.vector_load %arg9[%parallel_loop3A_169, %parallel_loop3A_170] {strides = array<i32>} : memref<2x128xi32, #tpu.memory_space<vmem>>, vector<1x16xi32>,
      %parallel_loop3A_172 = vector.shape_cast %parallel_loop3A_171 : vector<1x16xi32> to vector<16xi32>
      %parallel_loop3A_173 = vector.shape_cast %parallel_loop3A_165 : vector<16xi32> to vector<1x16xi32>
      tpu.vector_store %arg9[%parallel_loop3A_169, %parallel_loop3A_170], %parallel_loop3A_173 {strides = array<i32>} : memref<2x128xi32, #tpu.memory_space<vmem>>, vector<1x16xi32>,
    } {sc.loop_unroll_factor = 4 : i64, sc.parallel_access}
    %dma_start3A = arith.constant 0 : i32
    %dma_start3A_6 = arith.constant 0 : i32
    %dma_start3A_7 = arith.constant 0 : i32
    %dma_start3A_8 = tpu.memref_slice %arg10[%dma_start3A_6, %dma_start3A_7] : memref<2x128xi32, #tpu.memory_space<vmem>> -> memref<1x128xi32, #tpu.memory_space<vmem>>
    %dma_start3A_9 = tpu.memref_squeeze %dma_start3A_8 : memref<1x128xi32, #tpu.memory_space<vmem>> -> memref<128xi32, #tpu.memory_space<vmem>>
    %dma_start3A_10 = arith.constant 0 : i32
    %dma_start3A_11 = tpu.memref_slice %arg9[%dma_start3A, %dma_start3A_10] : memref<2x128xi32, #tpu.memory_space<vmem>> -> memref<1x128xi32, #tpu.memory_space<vmem>>
    %dma_start3A_12 = tpu.memref_squeeze %dma_start3A_11 : memref<1x128xi32, #tpu.memory_space<vmem>> -> memref<128xi32, #tpu.memory_space<vmem>>
    %dma_start3A_13 = arith.constant 0 : i32
    %dma_start3A_14 = tpu.memref_slice %arg4[%dma_start3A_13] : memref<400000xi32, #tpu.memory_space<hbm>> -> memref<400000xi32, #tpu.memory_space<hbm>>
    tpu.enqueue_indirect_dma source(%dma_start3A_14 : memref<400000xi32, #tpu.memory_space<hbm>>) target(%dma_start3A_9 : memref<128xi32, #tpu.memory_space<vmem>>) offsets(%dma_start3A_12 : memref<128xi32, #tpu.memory_space<vmem>>) semaphore(%arg14 : memref<!tpu.dma_semaphore, #tpu.memory_space<semaphore_mem>>)
    %dma_wait3A = arith.constant 0 : i32
    %dma_wait3A_15 = arith.constant 0 : i32
    %dma_wait3A_16 = arith.constant 0 : i32
    %dma_wait3A_17 = tpu.memref_slice %arg10[%dma_wait3A_15, %dma_wait3A_16] : memref<2x128xi32, #tpu.memory_space<vmem>> -> memref<1x128xi32, #tpu.memory_space<vmem>>
    %dma_wait3A_18 = tpu.memref_squeeze %dma_wait3A_17 : memref<1x128xi32, #tpu.memory_space<vmem>> -> memref<128xi32, #tpu.memory_space<vmem>>
    %dma_wait3A_19 = arith.constant 0 : i32
    %dma_wait3A_20 = tpu.memref_slice %arg9[%dma_wait3A, %dma_wait3A_19] : memref<2x128xi32, #tpu.memory_space<vmem>> -> memref<1x128xi32, #tpu.memory_space<vmem>>
    %dma_wait3A_21 = tpu.memref_squeeze %dma_wait3A_20 : memref<1x128xi32, #tpu.memory_space<vmem>> -> memref<128xi32, #tpu.memory_space<vmem>>
    %dma_wait3A_22 = arith.constant 0 : i32
    %dma_wait3A_23 = tpu.memref_slice %arg4[%dma_wait3A_22] : memref<400000xi32, #tpu.memory_space<hbm>> -> memref<400000xi32, #tpu.memory_space<hbm>>
    tpu.wait_indirect_dma semaphore(%arg14 : memref<!tpu.dma_semaphore, #tpu.memory_space<semaphore_mem>>) src(%dma_wait3A_23 : memref<400000xi32, #tpu.memory_space<hbm>>) dst(%dma_wait3A_18 : memref<128xi32, #tpu.memory_space<vmem>>)
    %parallel_loop3A_24 = arith.constant 0 : i32
    %parallel_loop3A_25 = arith.constant 8 : i32
    %parallel_loop3A_26 = arith.constant 1 : i32
    %parallel_loop3A_27 = arith.constant 0 : i32
    scf.for %parallel_loop3A_146 = %parallel_loop3A_24 to %parallel_loop3A_25 step %parallel_loop3A_26  : i32 {
      %parallel_loop3A_147 = arith.constant 16 : i32
      %parallel_loop3A_148 = arith.muli %parallel_loop3A_146, %parallel_loop3A_147 : i32
      %parallel_loop3A_149 = arith.addi %parallel_loop3A_27, %parallel_loop3A_148 : i32
      %parallel_loop3A_150 = arith.index_cast %parallel_loop3A_149 : i32 to index
      %parallel_loop3A_151 = tpu.vector_load %arg7[%parallel_loop3A_150] {strides = array<i32>} : memref<25600xi32, #tpu.memory_space<vmem>>, vector<16xi32>,
      %parallel_loop3A_152 = vector.shape_cast %parallel_loop3A_151 : vector<16xi32> to vector<16xi32>
      %parallel_loop3A_153 = arith.constant 0 : i32
      %parallel_loop3A_154 = arith.index_cast %parallel_loop3A_153 : i32 to index
      %parallel_loop3A_155 = arith.index_cast %parallel_loop3A_148 : i32 to index
      %parallel_loop3A_156 = tpu.vector_load %arg10[%parallel_loop3A_154, %parallel_loop3A_155] {strides = array<i32>} : memref<2x128xi32, #tpu.memory_space<vmem>>, vector<1x16xi32>,
      %parallel_loop3A_157 = vector.shape_cast %parallel_loop3A_156 : vector<1x16xi32> to vector<16xi32>
      %parallel_loop3A_158 = arith.constant 100000 : i32
      %parallel_loop3A_159 = vector.broadcast %parallel_loop3A_158 : i32 to vector<16xi32>
      %parallel_loop3A_160 = arith.cmpi slt, %parallel_loop3A_152, %parallel_loop3A_159 : vector<16xi32>
      %parallel_loop3A_161 = arith.constant 500000 : i32
      %parallel_loop3A_162 = vector.broadcast %parallel_loop3A_161 : i32 to vector<16xi32>
      %parallel_loop3A_163 = arith.cmpi sge, %parallel_loop3A_152, %parallel_loop3A_162 : vector<16xi32>
      %parallel_loop3A_164 = arith.constant 100000 : i32
      %parallel_loop3A_165 = vector.broadcast %parallel_loop3A_164 : i32 to vector<16xi32>
      %parallel_loop3A_166 = arith.cmpi sge, %parallel_loop3A_152, %parallel_loop3A_165 : vector<16xi32>
      %parallel_loop3A_167 = arith.constant 500000 : i32
      %parallel_loop3A_168 = vector.broadcast %parallel_loop3A_167 : i32 to vector<16xi32>
      %parallel_loop3A_169 = arith.cmpi slt, %parallel_loop3A_152, %parallel_loop3A_168 : vector<16xi32>
      %parallel_loop3A_170 = arith.andi %parallel_loop3A_166, %parallel_loop3A_169 : vector<16xi1>
      %parallel_loop3A_171 = arith.constant 100000 : i32
      %parallel_loop3A_172 = vector.broadcast %parallel_loop3A_171 : i32 to vector<16xi32>
      %parallel_loop3A_173 = arith.subi %parallel_loop3A_152, %parallel_loop3A_172 : vector<16xi32>
      %parallel_loop3A_174 = arith.sitofp %parallel_loop3A_173 : vector<16xi32> to vector<16xf32>
      %parallel_loop3A_175 = arith.constant 0.00157977885 : f32
      %parallel_loop3A_176 = vector.broadcast %parallel_loop3A_175 : f32 to vector<16xf32>
      %parallel_loop3A_177 = arith.mulf %parallel_loop3A_174, %parallel_loop3A_176 : vector<16xf32>
      %parallel_loop3A_178 = arith.fptosi %parallel_loop3A_177 : vector<16xf32> to vector<16xi32>
      %parallel_loop3A_179 = arith.constant 633 : i32
      %parallel_loop3A_180 = vector.broadcast %parallel_loop3A_179 : i32 to vector<16xi32>
      %parallel_loop3A_181 = arith.muli %parallel_loop3A_178, %parallel_loop3A_180 : vector<16xi32>
      %parallel_loop3A_182 = arith.subi %parallel_loop3A_173, %parallel_loop3A_181 : vector<16xi32>
      %parallel_loop3A_183 = arith.constant 633 : i32
      %parallel_loop3A_184 = vector.broadcast %parallel_loop3A_183 : i32 to vector<16xi32>
      %parallel_loop3A_185 = arith.cmpi sge, %parallel_loop3A_182, %parallel_loop3A_184 : vector<16xi32>
      %parallel_loop3A_186 = arith.constant 1 : i32
      %parallel_loop3A_187 = arith.constant 0 : i32
      %parallel_loop3A_188 = vector.broadcast %parallel_loop3A_186 : i32 to vector<16xi32>
      %parallel_loop3A_189 = vector.broadcast %parallel_loop3A_187 : i32 to vector<16xi32>
      %parallel_loop3A_190 = arith.select %parallel_loop3A_185, %parallel_loop3A_188, %parallel_loop3A_189 : vector<16xi1>, vector<16xi32>
      %parallel_loop3A_191 = arith.addi %parallel_loop3A_178, %parallel_loop3A_190 : vector<16xi32>
      %parallel_loop3A_192 = arith.constant 0 : i32
      %parallel_loop3A_193 = vector.broadcast %parallel_loop3A_192 : i32 to vector<16xi32>
      %parallel_loop3A_194 = arith.cmpi slt, %parallel_loop3A_182, %parallel_loop3A_193 : vector<16xi32>
      %parallel_loop3A_195 = arith.constant 1 : i32
      %parallel_loop3A_196 = arith.constant 0 : i32
      %parallel_loop3A_197 = vector.broadcast %parallel_loop3A_195 : i32 to vector<16xi32>
      %parallel_loop3A_198 = vector.broadcast %parallel_loop3A_196 : i32 to vector<16xi32>
      %parallel_loop3A_199 = arith.select %parallel_loop3A_194, %parallel_loop3A_197, %parallel_loop3A_198 : vector<16xi1>, vector<16xi32>
      %parallel_loop3A_200 = arith.subi %parallel_loop3A_191, %parallel_loop3A_199 : vector<16xi32>
      %parallel_loop3A_201 = arith.constant 633 : i32
      %parallel_loop3A_202 = vector.broadcast %parallel_loop3A_201 : i32 to vector<16xi32>
      %parallel_loop3A_203 = arith.muli %parallel_loop3A_200, %parallel_loop3A_202 : vector<16xi32>
      %parallel_loop3A_204 = arith.subi %parallel_loop3A_173, %parallel_loop3A_203 : vector<16xi32>
      %parallel_loop3A_205 = arith.constant 500000 : i32
      %parallel_loop3A_206 = vector.broadcast %parallel_loop3A_205 : i32 to vector<16xi32>
      %parallel_loop3A_207 = arith.subi %parallel_loop3A_152, %parallel_loop3A_206 : vector<16xi32>
      %parallel_loop3A_208 = arith.constant 8 : i32
      %parallel_loop3A_209 = vector.broadcast %parallel_loop3A_208 : i32 to vector<16xi32>
      %parallel_loop3A_210 = arith.shrsi %parallel_loop3A_207, %parallel_loop3A_209 : vector<16xi32>
      %parallel_loop3A_211 = arith.constant 255 : i32
      %parallel_loop3A_212 = vector.broadcast %parallel_loop3A_211 : i32 to vector<16xi32>
      %parallel_loop3A_213 = arith.andi %parallel_loop3A_207, %parallel_loop3A_212 : vector<16xi32>
      %parallel_loop3A_214 = arith.constant 0 : index
      %parallel_loop3A_215 = tpu.vector_load %arg8[%parallel_loop3A_214] {strides = array<i32>} : memref<192xi32, #tpu.memory_space<vmem>>, vector<16xi32>,
      %parallel_loop3A_216 = vector.shape_cast %parallel_loop3A_215 : vector<16xi32> to vector<16xi32>
      %parallel_loop3A_217 = arith.constant 64 : index
      %parallel_loop3A_218 = tpu.vector_load %arg8[%parallel_loop3A_217] {strides = array<i32>} : memref<192xi32, #tpu.memory_space<vmem>>, vector<16xi32>,
      %parallel_loop3A_219 = vector.shape_cast %parallel_loop3A_218 : vector<16xi32> to vector<16xi32>
      %parallel_loop3A_220 = arith.constant 128 : index
      %parallel_loop3A_221 = tpu.vector_load %arg8[%parallel_loop3A_220] {strides = array<i32>} : memref<192xi32, #tpu.memory_space<vmem>>, vector<16xi32>,
      %parallel_loop3A_222 = vector.shape_cast %parallel_loop3A_221 : vector<16xi32> to vector<16xi32>
      %parallel_loop3A_223 = arith.muli %parallel_loop3A_210, %parallel_loop3A_216 : vector<16xi32>
      %parallel_loop3A_224 = arith.muli %parallel_loop3A_213, %parallel_loop3A_219 : vector<16xi32>
      %parallel_loop3A_225 = arith.addi %parallel_loop3A_223, %parallel_loop3A_224 : vector<16xi32>
      %parallel_loop3A_226 = arith.addi %parallel_loop3A_225, %parallel_loop3A_222 : vector<16xi32>
      %parallel_loop3A_227 = arith.sitofp %parallel_loop3A_226 : vector<16xi32> to vector<16xf32>
      %parallel_loop3A_228 = arith.constant 9.99999974E-6 : f32
      %parallel_loop3A_229 = vector.broadcast %parallel_loop3A_228 : f32 to vector<16xf32>
      %parallel_loop3A_230 = arith.mulf %parallel_loop3A_227, %parallel_loop3A_229 : vector<16xf32>
      %parallel_loop3A_231 = arith.fptosi %parallel_loop3A_230 : vector<16xf32> to vector<16xi32>
      %parallel_loop3A_232 = arith.constant 100000 : i32
      %parallel_loop3A_233 = vector.broadcast %parallel_loop3A_232 : i32 to vector<16xi32>
      %parallel_loop3A_234 = arith.muli %parallel_loop3A_231, %parallel_loop3A_233 : vector<16xi32>
      %parallel_loop3A_235 = arith.subi %parallel_loop3A_226, %parallel_loop3A_234 : vector<16xi32>
      %parallel_loop3A_236 = arith.constant 0 : i32
      %parallel_loop3A_237 = vector.broadcast %parallel_loop3A_236 : i32 to vector<16xi32>
      %parallel_loop3A_238 = arith.cmpi slt, %parallel_loop3A_235, %parallel_loop3A_237 : vector<16xi32>
      %parallel_loop3A_239 = arith.constant 100000 : i32
      %parallel_loop3A_240 = arith.constant 0 : i32
      %parallel_loop3A_241 = vector.broadcast %parallel_loop3A_239 : i32 to vector<16xi32>
      %parallel_loop3A_242 = vector.broadcast %parallel_loop3A_240 : i32 to vector<16xi32>
      %parallel_loop3A_243 = arith.select %parallel_loop3A_238, %parallel_loop3A_241, %parallel_loop3A_242 : vector<16xi1>, vector<16xi32>
      %parallel_loop3A_244 = arith.addi %parallel_loop3A_235, %parallel_loop3A_243 : vector<16xi32>
      %parallel_loop3A_245 = arith.constant 100000 : i32
      %parallel_loop3A_246 = vector.broadcast %parallel_loop3A_245 : i32 to vector<16xi32>
      %parallel_loop3A_247 = arith.cmpi sge, %parallel_loop3A_244, %parallel_loop3A_246 : vector<16xi32>
      %parallel_loop3A_248 = arith.constant 100000 : i32
      %parallel_loop3A_249 = arith.constant 0 : i32
      %parallel_loop3A_250 = vector.broadcast %parallel_loop3A_248 : i32 to vector<16xi32>
      %parallel_loop3A_251 = vector.broadcast %parallel_loop3A_249 : i32 to vector<16xi32>
      %parallel_loop3A_252 = arith.select %parallel_loop3A_247, %parallel_loop3A_250, %parallel_loop3A_251 : vector<16xi1>, vector<16xi32>
      %parallel_loop3A_253 = arith.subi %parallel_loop3A_244, %parallel_loop3A_252 : vector<16xi32>
      %parallel_loop3A_254 = arith.constant 16 : index
      %parallel_loop3A_255 = tpu.vector_load %arg8[%parallel_loop3A_254] {strides = array<i32>} : memref<192xi32, #tpu.memory_space<vmem>>, vector<16xi32>,
      %parallel_loop3A_256 = vector.shape_cast %parallel_loop3A_255 : vector<16xi32> to vector<16xi32>
      %parallel_loop3A_257 = arith.constant 80 : index
      %parallel_loop3A_258 = tpu.vector_load %arg8[%parallel_loop3A_257] {strides = array<i32>} : memref<192xi32, #tpu.memory_space<vmem>>, vector<16xi32>,
      %parallel_loop3A_259 = vector.shape_cast %parallel_loop3A_258 : vector<16xi32> to vector<16xi32>
      %parallel_loop3A_260 = arith.constant 144 : index
      %parallel_loop3A_261 = tpu.vector_load %arg8[%parallel_loop3A_260] {strides = array<i32>} : memref<192xi32, #tpu.memory_space<vmem>>, vector<16xi32>,
      %parallel_loop3A_262 = vector.shape_cast %parallel_loop3A_261 : vector<16xi32> to vector<16xi32>
      %parallel_loop3A_263 = arith.muli %parallel_loop3A_210, %parallel_loop3A_256 : vector<16xi32>
      %parallel_loop3A_264 = arith.muli %parallel_loop3A_213, %parallel_loop3A_259 : vector<16xi32>
      %parallel_loop3A_265 = arith.addi %parallel_loop3A_263, %parallel_loop3A_264 : vector<16xi32>
      %parallel_loop3A_266 = arith.addi %parallel_loop3A_265, %parallel_loop3A_262 : vector<16xi32>
      %parallel_loop3A_267 = arith.sitofp %parallel_loop3A_266 : vector<16xi32> to vector<16xf32>
      %parallel_loop3A_268 = arith.constant 9.99999974E-6 : f32
      %parallel_loop3A_269 = vector.broadcast %parallel_loop3A_268 : f32 to vector<16xf32>
      %parallel_loop3A_270 = arith.mulf %parallel_loop3A_267, %parallel_loop3A_269 : vector<16xf32>
      %parallel_loop3A_271 = arith.fptosi %parallel_loop3A_270 : vector<16xf32> to vector<16xi32>
      %parallel_loop3A_272 = arith.constant 100000 : i32
      %parallel_loop3A_273 = vector.broadcast %parallel_loop3A_272 : i32 to vector<16xi32>
      %parallel_loop3A_274 = arith.muli %parallel_loop3A_271, %parallel_loop3A_273 : vector<16xi32>
      %parallel_loop3A_275 = arith.subi %parallel_loop3A_266, %parallel_loop3A_274 : vector<16xi32>
      %parallel_loop3A_276 = arith.constant 0 : i32
      %parallel_loop3A_277 = vector.broadcast %parallel_loop3A_276 : i32 to vector<16xi32>
      %parallel_loop3A_278 = arith.cmpi slt, %parallel_loop3A_275, %parallel_loop3A_277 : vector<16xi32>
      %parallel_loop3A_279 = arith.constant 100000 : i32
      %parallel_loop3A_280 = arith.constant 0 : i32
      %parallel_loop3A_281 = vector.broadcast %parallel_loop3A_279 : i32 to vector<16xi32>
      %parallel_loop3A_282 = vector.broadcast %parallel_loop3A_280 : i32 to vector<16xi32>
      %parallel_loop3A_283 = arith.select %parallel_loop3A_278, %parallel_loop3A_281, %parallel_loop3A_282 : vector<16xi1>, vector<16xi32>
      %parallel_loop3A_284 = arith.addi %parallel_loop3A_275, %parallel_loop3A_283 : vector<16xi32>
      %parallel_loop3A_285 = arith.constant 100000 : i32
      %parallel_loop3A_286 = vector.broadcast %parallel_loop3A_285 : i32 to vector<16xi32>
      %parallel_loop3A_287 = arith.cmpi sge, %parallel_loop3A_284, %parallel_loop3A_286 : vector<16xi32>
      %parallel_loop3A_288 = arith.constant 100000 : i32
      %parallel_loop3A_289 = arith.constant 0 : i32
      %parallel_loop3A_290 = vector.broadcast %parallel_loop3A_288 : i32 to vector<16xi32>
      %parallel_loop3A_291 = vector.broadcast %parallel_loop3A_289 : i32 to vector<16xi32>
      %parallel_loop3A_292 = arith.select %parallel_loop3A_287, %parallel_loop3A_290, %parallel_loop3A_291 : vector<16xi1>, vector<16xi32>
      %parallel_loop3A_293 = arith.subi %parallel_loop3A_284, %parallel_loop3A_292 : vector<16xi32>
      %parallel_loop3A_294 = arith.constant 32 : index
      %parallel_loop3A_295 = tpu.vector_load %arg8[%parallel_loop3A_294] {strides = array<i32>} : memref<192xi32, #tpu.memory_space<vmem>>, vector<16xi32>,
      %parallel_loop3A_296 = vector.shape_cast %parallel_loop3A_295 : vector<16xi32> to vector<16xi32>
      %parallel_loop3A_297 = arith.constant 96 : index
      %parallel_loop3A_298 = tpu.vector_load %arg8[%parallel_loop3A_297] {strides = array<i32>} : memref<192xi32, #tpu.memory_space<vmem>>, vector<16xi32>,
      %parallel_loop3A_299 = vector.shape_cast %parallel_loop3A_298 : vector<16xi32> to vector<16xi32>
      %parallel_loop3A_300 = arith.constant 160 : index
      %parallel_loop3A_301 = tpu.vector_load %arg8[%parallel_loop3A_300] {strides = array<i32>} : memref<192xi32, #tpu.memory_space<vmem>>, vector<16xi32>,
      %parallel_loop3A_302 = vector.shape_cast %parallel_loop3A_301 : vector<16xi32> to vector<16xi32>
      %parallel_loop3A_303 = arith.muli %parallel_loop3A_210, %parallel_loop3A_296 : vector<16xi32>
      %parallel_loop3A_304 = arith.muli %parallel_loop3A_213, %parallel_loop3A_299 : vector<16xi32>
      %parallel_loop3A_305 = arith.addi %parallel_loop3A_303, %parallel_loop3A_304 : vector<16xi32>
      %parallel_loop3A_306 = arith.addi %parallel_loop3A_305, %parallel_loop3A_302 : vector<16xi32>
      %parallel_loop3A_307 = arith.sitofp %parallel_loop3A_306 : vector<16xi32> to vector<16xf32>
      %parallel_loop3A_308 = arith.constant 9.99999974E-6 : f32
      %parallel_loop3A_309 = vector.broadcast %parallel_loop3A_308 : f32 to vector<16xf32>
      %parallel_loop3A_310 = arith.mulf %parallel_loop3A_307, %parallel_loop3A_309 : vector<16xf32>
      %parallel_loop3A_311 = arith.fptosi %parallel_loop3A_310 : vector<16xf32> to vector<16xi32>
      %parallel_loop3A_312 = arith.constant 100000 : i32
      %parallel_loop3A_313 = vector.broadcast %parallel_loop3A_312 : i32 to vector<16xi32>
      %parallel_loop3A_314 = arith.muli %parallel_loop3A_311, %parallel_loop3A_313 : vector<16xi32>
      %parallel_loop3A_315 = arith.subi %parallel_loop3A_306, %parallel_loop3A_314 : vector<16xi32>
      %parallel_loop3A_316 = arith.constant 0 : i32
      %parallel_loop3A_317 = vector.broadcast %parallel_loop3A_316 : i32 to vector<16xi32>
      %parallel_loop3A_318 = arith.cmpi slt, %parallel_loop3A_315, %parallel_loop3A_317 : vector<16xi32>
      %parallel_loop3A_319 = arith.constant 100000 : i32
      %parallel_loop3A_320 = arith.constant 0 : i32
      %parallel_loop3A_321 = vector.broadcast %parallel_loop3A_319 : i32 to vector<16xi32>
      %parallel_loop3A_322 = vector.broadcast %parallel_loop3A_320 : i32 to vector<16xi32>
      %parallel_loop3A_323 = arith.select %parallel_loop3A_318, %parallel_loop3A_321, %parallel_loop3A_322 : vector<16xi1>, vector<16xi32>
      %parallel_loop3A_324 = arith.addi %parallel_loop3A_315, %parallel_loop3A_323 : vector<16xi32>
      %parallel_loop3A_325 = arith.constant 100000 : i32
      %parallel_loop3A_326 = vector.broadcast %parallel_loop3A_325 : i32 to vector<16xi32>
      %parallel_loop3A_327 = arith.cmpi sge, %parallel_loop3A_324, %parallel_loop3A_326 : vector<16xi32>
      %parallel_loop3A_328 = arith.constant 100000 : i32
      %parallel_loop3A_329 = arith.constant 0 : i32
      %parallel_loop3A_330 = vector.broadcast %parallel_loop3A_328 : i32 to vector<16xi32>
      %parallel_loop3A_331 = vector.broadcast %parallel_loop3A_329 : i32 to vector<16xi32>
      %parallel_loop3A_332 = arith.select %parallel_loop3A_327, %parallel_loop3A_330, %parallel_loop3A_331 : vector<16xi1>, vector<16xi32>
      %parallel_loop3A_333 = arith.subi %parallel_loop3A_324, %parallel_loop3A_332 : vector<16xi32>
      %parallel_loop3A_334 = arith.constant 48 : index
      %parallel_loop3A_335 = tpu.vector_load %arg8[%parallel_loop3A_334] {strides = array<i32>} : memref<192xi32, #tpu.memory_space<vmem>>, vector<16xi32>,
      %parallel_loop3A_336 = vector.shape_cast %parallel_loop3A_335 : vector<16xi32> to vector<16xi32>
      %parallel_loop3A_337 = arith.constant 112 : index
      %parallel_loop3A_338 = tpu.vector_load %arg8[%parallel_loop3A_337] {strides = array<i32>} : memref<192xi32, #tpu.memory_space<vmem>>, vector<16xi32>,
      %parallel_loop3A_339 = vector.shape_cast %parallel_loop3A_338 : vector<16xi32> to vector<16xi32>
      %parallel_loop3A_340 = arith.constant 176 : index
      %parallel_loop3A_341 = tpu.vector_load %arg8[%parallel_loop3A_340] {strides = array<i32>} : memref<192xi32, #tpu.memory_space<vmem>>, vector<16xi32>,
      %parallel_loop3A_342 = vector.shape_cast %parallel_loop3A_341 : vector<16xi32> to vector<16xi32>
      %parallel_loop3A_343 = arith.muli %parallel_loop3A_210, %parallel_loop3A_336 : vector<16xi32>
      %parallel_loop3A_344 = arith.muli %parallel_loop3A_213, %parallel_loop3A_339 : vector<16xi32>
      %parallel_loop3A_345 = arith.addi %parallel_loop3A_343, %parallel_loop3A_344 : vector<16xi32>
      %parallel_loop3A_346 = arith.addi %parallel_loop3A_345, %parallel_loop3A_342 : vector<16xi32>
      %parallel_loop3A_347 = arith.sitofp %parallel_loop3A_346 : vector<16xi32> to vector<16xf32>
      %parallel_loop3A_348 = arith.constant 9.99999974E-6 : f32
      %parallel_loop3A_349 = vector.broadcast %parallel_loop3A_348 : f32 to vector<16xf32>
      %parallel_loop3A_350 = arith.mulf %parallel_loop3A_347, %parallel_loop3A_349 : vector<16xf32>
      %parallel_loop3A_351 = arith.fptosi %parallel_loop3A_350 : vector<16xf32> to vector<16xi32>
      %parallel_loop3A_352 = arith.constant 100000 : i32
      %parallel_loop3A_353 = vector.broadcast %parallel_loop3A_352 : i32 to vector<16xi32>
      %parallel_loop3A_354 = arith.muli %parallel_loop3A_351, %parallel_loop3A_353 : vector<16xi32>
      %parallel_loop3A_355 = arith.subi %parallel_loop3A_346, %parallel_loop3A_354 : vector<16xi32>
      %parallel_loop3A_356 = arith.constant 0 : i32
      %parallel_loop3A_357 = vector.broadcast %parallel_loop3A_356 : i32 to vector<16xi32>
      %parallel_loop3A_358 = arith.cmpi slt, %parallel_loop3A_355, %parallel_loop3A_357 : vector<16xi32>
      %parallel_loop3A_359 = arith.constant 100000 : i32
      %parallel_loop3A_360 = arith.constant 0 : i32
      %parallel_loop3A_361 = vector.broadcast %parallel_loop3A_359 : i32 to vector<16xi32>
      %parallel_loop3A_362 = vector.broadcast %parallel_loop3A_360 : i32 to vector<16xi32>
      %parallel_loop3A_363 = arith.select %parallel_loop3A_358, %parallel_loop3A_361, %parallel_loop3A_362 : vector<16xi1>, vector<16xi32>
      %parallel_loop3A_364 = arith.addi %parallel_loop3A_355, %parallel_loop3A_363 : vector<16xi32>
      %parallel_loop3A_365 = arith.constant 100000 : i32
      %parallel_loop3A_366 = vector.broadcast %parallel_loop3A_365 : i32 to vector<16xi32>
      %parallel_loop3A_367 = arith.cmpi sge, %parallel_loop3A_364, %parallel_loop3A_366 : vector<16xi32>
      %parallel_loop3A_368 = arith.constant 100000 : i32
      %parallel_loop3A_369 = arith.constant 0 : i32
      %parallel_loop3A_370 = vector.broadcast %parallel_loop3A_368 : i32 to vector<16xi32>
      %parallel_loop3A_371 = vector.broadcast %parallel_loop3A_369 : i32 to vector<16xi32>
      %parallel_loop3A_372 = arith.select %parallel_loop3A_367, %parallel_loop3A_370, %parallel_loop3A_371 : vector<16xi1>, vector<16xi32>
      %parallel_loop3A_373 = arith.subi %parallel_loop3A_364, %parallel_loop3A_372 : vector<16xi32>
      %parallel_loop3A_374 = arith.constant 100000 : i32
      %parallel_loop3A_375 = vector.broadcast %parallel_loop3A_374 : i32 to vector<16xi32>
      %parallel_loop3A_376 = arith.addi %parallel_loop3A_375, %parallel_loop3A_204 : vector<16xi32>
      %parallel_loop3A_377 = arith.constant 101568 : i32
      %parallel_loop3A_378 = vector.broadcast %parallel_loop3A_377 : i32 to vector<16xi32>
      %parallel_loop3A_379 = arith.addi %parallel_loop3A_378, %parallel_loop3A_253 : vector<16xi32>
      %parallel_loop3A_380 = arith.select %parallel_loop3A_170, %parallel_loop3A_376, %parallel_loop3A_379 : vector<16xi1>, vector<16xi32>
      %parallel_loop3A_381 = arith.select %parallel_loop3A_160, %parallel_loop3A_152, %parallel_loop3A_380 : vector<16xi1>, vector<16xi32>
      %parallel_loop3A_382 = arith.constant 100640 : i32
      %parallel_loop3A_383 = vector.broadcast %parallel_loop3A_382 : i32 to vector<16xi32>
      %parallel_loop3A_384 = arith.addi %parallel_loop3A_383, %parallel_loop3A_200 : vector<16xi32>
      %parallel_loop3A_385 = arith.constant 201568 : i32
      %parallel_loop3A_386 = vector.broadcast %parallel_loop3A_385 : i32 to vector<16xi32>
      %parallel_loop3A_387 = arith.addi %parallel_loop3A_386, %parallel_loop3A_293 : vector<16xi32>
      %parallel_loop3A_388 = arith.constant 101536 : i32
      %parallel_loop3A_389 = vector.broadcast %parallel_loop3A_388 : i32 to vector<16xi32>
      %parallel_loop3A_390 = arith.select %parallel_loop3A_163, %parallel_loop3A_387, %parallel_loop3A_389 : vector<16xi1>, vector<16xi32>
      %parallel_loop3A_391 = arith.select %parallel_loop3A_170, %parallel_loop3A_384, %parallel_loop3A_390 : vector<16xi1>, vector<16xi32>
      %parallel_loop3A_392 = arith.constant 301568 : i32
      %parallel_loop3A_393 = vector.broadcast %parallel_loop3A_392 : i32 to vector<16xi32>
      %parallel_loop3A_394 = arith.addi %parallel_loop3A_393, %parallel_loop3A_333 : vector<16xi32>
      %parallel_loop3A_395 = arith.constant 101536 : i32
      %parallel_loop3A_396 = vector.broadcast %parallel_loop3A_395 : i32 to vector<16xi32>
      %parallel_loop3A_397 = arith.select %parallel_loop3A_163, %parallel_loop3A_394, %parallel_loop3A_396 : vector<16xi1>, vector<16xi32>
      %parallel_loop3A_398 = arith.select %parallel_loop3A_170, %parallel_loop3A_157, %parallel_loop3A_397 : vector<16xi1>, vector<16xi32>
      %parallel_loop3A_399 = arith.constant 401568 : i32
      %parallel_loop3A_400 = vector.broadcast %parallel_loop3A_399 : i32 to vector<16xi32>
      %parallel_loop3A_401 = arith.addi %parallel_loop3A_400, %parallel_loop3A_373 : vector<16xi32>
      %parallel_loop3A_402 = arith.constant 101536 : i32
      %parallel_loop3A_403 = vector.broadcast %parallel_loop3A_402 : i32 to vector<16xi32>
      %parallel_loop3A_404 = arith.select %parallel_loop3A_163, %parallel_loop3A_401, %parallel_loop3A_403 : vector<16xi1>, vector<16xi32>
      %parallel_loop3A_405 = arith.constant 0 : i32
      %parallel_loop3A_406 = arith.index_cast %parallel_loop3A_405 : i32 to index
      %parallel_loop3A_407 = arith.index_cast %parallel_loop3A_148 : i32 to index
      %parallel_loop3A_408 = tpu.vector_load %arg11[%parallel_loop3A_406, %parallel_loop3A_407] {strides = array<i32>} : memref<2x512xi32, #tpu.memory_space<vmem>>, vector<1x16xi32>,
      %parallel_loop3A_409 = vector.shape_cast %parallel_loop3A_408 : vector<1x16xi32> to vector<16xi32>
      %parallel_loop3A_410 = vector.shape_cast %parallel_loop3A_381 : vector<16xi32> to vector<1x16xi32>
      tpu.vector_store %arg11[%parallel_loop3A_406, %parallel_loop3A_407], %parallel_loop3A_410 {strides = array<i32>} : memref<2x512xi32, #tpu.memory_space<vmem>>, vector<1x16xi32>,
      %parallel_loop3A_411 = arith.constant 128 : i32
      %parallel_loop3A_412 = arith.addi %parallel_loop3A_411, %parallel_loop3A_148 : i32
      %parallel_loop3A_413 = arith.constant 0 : i32
      %parallel_loop3A_414 = arith.index_cast %parallel_loop3A_413 : i32 to index
      %parallel_loop3A_415 = arith.index_cast %parallel_loop3A_412 : i32 to index
      %parallel_loop3A_416 = tpu.vector_load %arg11[%parallel_loop3A_414, %parallel_loop3A_415] {strides = array<i32>} : memref<2x512xi32, #tpu.memory_space<vmem>>, vector<1x16xi32>,
      %parallel_loop3A_417 = vector.shape_cast %parallel_loop3A_416 : vector<1x16xi32> to vector<16xi32>
      %parallel_loop3A_418 = vector.shape_cast %parallel_loop3A_391 : vector<16xi32> to vector<1x16xi32>
      tpu.vector_store %arg11[%parallel_loop3A_414, %parallel_loop3A_415], %parallel_loop3A_418 {strides = array<i32>} : memref<2x512xi32, #tpu.memory_space<vmem>>, vector<1x16xi32>,
      %parallel_loop3A_419 = arith.constant 256 : i32
      %parallel_loop3A_420 = arith.addi %parallel_loop3A_419, %parallel_loop3A_148 : i32
      %parallel_loop3A_421 = arith.constant 0 : i32
      %parallel_loop3A_422 = arith.index_cast %parallel_loop3A_421 : i32 to index
      %parallel_loop3A_423 = arith.index_cast %parallel_loop3A_420 : i32 to index
      %parallel_loop3A_424 = tpu.vector_load %arg11[%parallel_loop3A_422, %parallel_loop3A_423] {strides = array<i32>} : memref<2x512xi32, #tpu.memory_space<vmem>>, vector<1x16xi32>,
      %parallel_loop3A_425 = vector.shape_cast %parallel_loop3A_424 : vector<1x16xi32> to vector<16xi32>
      %parallel_loop3A_426 = vector.shape_cast %parallel_loop3A_398 : vector<16xi32> to vector<1x16xi32>
      tpu.vector_store %arg11[%parallel_loop3A_422, %parallel_loop3A_423], %parallel_loop3A_426 {strides = array<i32>} : memref<2x512xi32, #tpu.memory_space<vmem>>, vector<1x16xi32>,
      %parallel_loop3A_427 = arith.constant 384 : i32
      %parallel_loop3A_428 = arith.addi %parallel_loop3A_427, %parallel_loop3A_148 : i32
      %parallel_loop3A_429 = arith.constant 0 : i32
      %parallel_loop3A_430 = arith.index_cast %parallel_loop3A_429 : i32 to index
      %parallel_loop3A_431 = arith.index_cast %parallel_loop3A_428 : i32 to index
      %parallel_loop3A_432 = tpu.vector_load %arg11[%parallel_loop3A_430, %parallel_loop3A_431] {strides = array<i32>} : memref<2x512xi32, #tpu.memory_space<vmem>>, vector<1x16xi32>,
      %parallel_loop3A_433 = vector.shape_cast %parallel_loop3A_432 : vector<1x16xi32> to vector<16xi32>
      %parallel_loop3A_434 = vector.shape_cast %parallel_loop3A_404 : vector<16xi32> to vector<1x16xi32>
      tpu.vector_store %arg11[%parallel_loop3A_430, %parallel_loop3A_431], %parallel_loop3A_434 {strides = array<i32>} : memref<2x512xi32, #tpu.memory_space<vmem>>, vector<1x16xi32>,
    } {sc.loop_unroll_factor = 2 : i64, sc.parallel_access}
    %dma_start3A_28 = arith.constant 0 : i32
    %dma_start3A_29 = arith.constant 0 : i32
    %dma_start3A_30 = arith.constant 0 : i32
    %dma_start3A_31 = arith.constant 0 : i32
    %dma_start3A_32 = tpu.memref_slice %arg12[%dma_start3A_29, %dma_start3A_30, %dma_start3A_31] : memref<2x512x64xf32, #tpu.memory_space<vmem>> -> memref<1x128x64xf32, #tpu.memory_space<vmem>>
    %dma_start3A_33 = tpu.memref_squeeze %dma_start3A_32 : memref<1x128x64xf32, #tpu.memory_space<vmem>> -> memref<128x64xf32, #tpu.memory_space<vmem>>
    %dma_start3A_34 = arith.constant 0 : i32
    %dma_start3A_35 = tpu.memref_slice %arg11[%dma_start3A_28, %dma_start3A_34] : memref<2x512xi32, #tpu.memory_space<vmem>> -> memref<1x128xi32, #tpu.memory_space<vmem>>
    %dma_start3A_36 = tpu.memref_squeeze %dma_start3A_35 : memref<1x128xi32, #tpu.memory_space<vmem>> -> memref<128xi32, #tpu.memory_space<vmem>>
    %dma_start3A_37 = arith.constant 0 : i32
    %dma_start3A_38 = arith.constant 0 : i32
    %dma_start3A_39 = tpu.memref_slice %arg2[%dma_start3A_37, %dma_start3A_38] : memref<501568x64xf32, #tpu.memory_space<hbm>> -> memref<501568x64xf32, #tpu.memory_space<hbm>>
    tpu.enqueue_indirect_dma source(%dma_start3A_39 : memref<501568x64xf32, #tpu.memory_space<hbm>>) target(%dma_start3A_33 : memref<128x64xf32, #tpu.memory_space<vmem>>) offsets(%dma_start3A_36 : memref<128xi32, #tpu.memory_space<vmem>>) semaphore(%arg15 : memref<!tpu.dma_semaphore, #tpu.memory_space<semaphore_mem>>)
    %dma_start3A_40 = arith.constant 0 : i32
    %dma_start3A_41 = arith.constant 0 : i32
    %dma_start3A_42 = arith.constant 128 : i32
    %dma_start3A_43 = arith.constant 0 : i32
    %dma_start3A_44 = tpu.memref_slice %arg12[%dma_start3A_41, %dma_start3A_42, %dma_start3A_43] : memref<2x512x64xf32, #tpu.memory_space<vmem>> -> memref<1x128x64xf32, #tpu.memory_space<vmem>>
    %dma_start3A_45 = tpu.memref_squeeze %dma_start3A_44 : memref<1x128x64xf32, #tpu.memory_space<vmem>> -> memref<128x64xf32, #tpu.memory_space<vmem>>
    %dma_start3A_46 = arith.constant 128 : i32
    %dma_start3A_47 = tpu.memref_slice %arg11[%dma_start3A_40, %dma_start3A_46] : memref<2x512xi32, #tpu.memory_space<vmem>> -> memref<1x128xi32, #tpu.memory_space<vmem>>
    %dma_start3A_48 = tpu.memref_squeeze %dma_start3A_47 : memref<1x128xi32, #tpu.memory_space<vmem>> -> memref<128xi32, #tpu.memory_space<vmem>>
    %dma_start3A_49 = arith.constant 0 : i32
    %dma_start3A_50 = arith.constant 0 : i32
    %dma_start3A_51 = tpu.memref_slice %arg2[%dma_start3A_49, %dma_start3A_50] : memref<501568x64xf32, #tpu.memory_space<hbm>> -> memref<501568x64xf32, #tpu.memory_space<hbm>>
    tpu.enqueue_indirect_dma source(%dma_start3A_51 : memref<501568x64xf32, #tpu.memory_space<hbm>>) target(%dma_start3A_45 : memref<128x64xf32, #tpu.memory_space<vmem>>) offsets(%dma_start3A_48 : memref<128xi32, #tpu.memory_space<vmem>>) semaphore(%arg15 : memref<!tpu.dma_semaphore, #tpu.memory_space<semaphore_mem>>)
    %dma_start3A_52 = arith.constant 0 : i32
    %dma_start3A_53 = arith.constant 0 : i32
    %dma_start3A_54 = arith.constant 256 : i32
    %dma_start3A_55 = arith.constant 0 : i32
    %dma_start3A_56 = tpu.memref_slice %arg12[%dma_start3A_53, %dma_start3A_54, %dma_start3A_55] : memref<2x512x64xf32, #tpu.memory_space<vmem>> -> memref<1x128x64xf32, #tpu.memory_space<vmem>>
    %dma_start3A_57 = tpu.memref_squeeze %dma_start3A_56 : memref<1x128x64xf32, #tpu.memory_space<vmem>> -> memref<128x64xf32, #tpu.memory_space<vmem>>
    %dma_start3A_58 = arith.constant 256 : i32
    %dma_start3A_59 = tpu.memref_slice %arg11[%dma_start3A_52, %dma_start3A_58] : memref<2x512xi32, #tpu.memory_space<vmem>> -> memref<1x128xi32, #tpu.memory_space<vmem>>
    %dma_start3A_60 = tpu.memref_squeeze %dma_start3A_59 : memref<1x128xi32, #tpu.memory_space<vmem>> -> memref<128xi32, #tpu.memory_space<vmem>>
    %dma_start3A_61 = arith.constant 0 : i32
    %dma_start3A_62 = arith.constant 0 : i32
    %dma_start3A_63 = tpu.memref_slice %arg2[%dma_start3A_61, %dma_start3A_62] : memref<501568x64xf32, #tpu.memory_space<hbm>> -> memref<501568x64xf32, #tpu.memory_space<hbm>>
    tpu.enqueue_indirect_dma source(%dma_start3A_63 : memref<501568x64xf32, #tpu.memory_space<hbm>>) target(%dma_start3A_57 : memref<128x64xf32, #tpu.memory_space<vmem>>) offsets(%dma_start3A_60 : memref<128xi32, #tpu.memory_space<vmem>>) semaphore(%arg15 : memref<!tpu.dma_semaphore, #tpu.memory_space<semaphore_mem>>)
    %dma_start3A_64 = arith.constant 0 : i32
    %dma_start3A_65 = arith.constant 0 : i32
    %dma_start3A_66 = arith.constant 384 : i32
    %dma_start3A_67 = arith.constant 0 : i32
    %dma_start3A_68 = tpu.memref_slice %arg12[%dma_start3A_65, %dma_start3A_66, %dma_start3A_67] : memref<2x512x64xf32, #tpu.memory_space<vmem>> -> memref<1x128x64xf32, #tpu.memory_space<vmem>>
    %dma_start3A_69 = tpu.memref_squeeze %dma_start3A_68 : memref<1x128x64xf32, #tpu.memory_space<vmem>> -> memref<128x64xf32, #tpu.memory_space<vmem>>
    %dma_start3A_70 = arith.constant 384 : i32
    %dma_start3A_71 = tpu.memref_slice %arg11[%dma_start3A_64, %dma_start3A_70] : memref<2x512xi32, #tpu.memory_space<vmem>> -> memref<1x128xi32, #tpu.memory_space<vmem>>
    %dma_start3A_72 = tpu.memref_squeeze %dma_start3A_71 : memref<1x128xi32, #tpu.memory_space<vmem>> -> memref<128xi32, #tpu.memory_space<vmem>>
    %dma_start3A_73 = arith.constant 0 : i32
    %dma_start3A_74 = arith.constant 0 : i32
    %dma_start3A_75 = tpu.memref_slice %arg2[%dma_start3A_73, %dma_start3A_74] : memref<501568x64xf32, #tpu.memory_space<hbm>> -> memref<501568x64xf32, #tpu.memory_space<hbm>>
    tpu.enqueue_indirect_dma source(%dma_start3A_75 : memref<501568x64xf32, #tpu.memory_space<hbm>>) target(%dma_start3A_69 : memref<128x64xf32, #tpu.memory_space<vmem>>) offsets(%dma_start3A_72 : memref<128xi32, #tpu.memory_space<vmem>>) semaphore(%arg15 : memref<!tpu.dma_semaphore, #tpu.memory_space<semaphore_mem>>)
    %while3A = arith.constant 0 : i32
    %while3A_76 = arith.constant 0 : i32
    %while3A_77 = arith.constant 100 : i32
    %while3A_78 = arith.subi %while3A_77, %while3A_76 : i32
    %while3A_79 = arith.addi %while3A_76, %while3A_78 : i32
    %while3A_80 = arith.constant 1 : i32
    %while3A_81 = arith.divsi %while3A_78, %while3A_80 : i32
    %while3A_82 = arith.muli %while3A_81, %while3A_80 : i32
    %while3A_83 = arith.addi %while3A_76, %while3A_82 : i32
    %while3A_84 = arith.constant 1 : i32
    scf.for %while3A_146 = %while3A_76 to %while3A_83 step %while3A_84  : i32 {
      %mul3A_147 = arith.constant 256 : i32
      %mul3A_148 = arith.muli %while3A_146, %mul3A_147 : i32
      %add3A_149 = arith.constant 0 : i32
      %add3A_150 = arith.addi %mul3A_148, %add3A_149 : i32
      %add3A_151 = arith.constant 128 : i32
      %add3A_152 = arith.addi %add3A_150, %add3A_151 : i32
      %min3A = arith.constant 25472 : i32
      %min3A_153 = arith.minsi %add3A_152, %min3A : i32
      %parallel_loop3A_154 = arith.constant 0 : i32
      %parallel_loop3A_155 = arith.constant 8 : i32
      %parallel_loop3A_156 = arith.constant 1 : i32
      scf.for %parallel_loop3A_436 = %parallel_loop3A_154 to %parallel_loop3A_155 step %parallel_loop3A_156  : i32 {
        %parallel_loop3A_437 = arith.constant 16 : i32
        %parallel_loop3A_438 = arith.muli %parallel_loop3A_436, %parallel_loop3A_437 : i32
        %parallel_loop3A_439 = arith.addi %min3A_153, %parallel_loop3A_438 : i32
        %parallel_loop3A_440 = arith.index_cast %parallel_loop3A_439 : i32 to index
        %parallel_loop3A_441 = tpu.vector_load %arg7[%parallel_loop3A_440] {strides = array<i32>} : memref<25600xi32, #tpu.memory_space<vmem>>, vector<16xi32>,
        %parallel_loop3A_442 = vector.shape_cast %parallel_loop3A_441 : vector<16xi32> to vector<16xi32>
        %parallel_loop3A_443 = arith.constant 100000 : i32
        %parallel_loop3A_444 = vector.broadcast %parallel_loop3A_443 : i32 to vector<16xi32>
        %parallel_loop3A_445 = arith.cmpi sge, %parallel_loop3A_442, %parallel_loop3A_444 : vector<16xi32>
        %parallel_loop3A_446 = arith.constant 500000 : i32
        %parallel_loop3A_447 = vector.broadcast %parallel_loop3A_446 : i32 to vector<16xi32>
        %parallel_loop3A_448 = arith.cmpi slt, %parallel_loop3A_442, %parallel_loop3A_447 : vector<16xi32>
        %parallel_loop3A_449 = arith.andi %parallel_loop3A_445, %parallel_loop3A_448 : vector<16xi1>
        %parallel_loop3A_450 = arith.constant 100000 : i32
        %parallel_loop3A_451 = vector.broadcast %parallel_loop3A_450 : i32 to vector<16xi32>
        %parallel_loop3A_452 = arith.subi %parallel_loop3A_442, %parallel_loop3A_451 : vector<16xi32>
        %parallel_loop3A_453 = arith.constant 0 : i32
        %parallel_loop3A_454 = vector.broadcast %parallel_loop3A_453 : i32 to vector<16xi32>
        %parallel_loop3A_455 = arith.select %parallel_loop3A_449, %parallel_loop3A_452, %parallel_loop3A_454 : vector<16xi1>, vector<16xi32>
        %parallel_loop3A_456 = arith.constant 16 : i32
        %parallel_loop3A_457 = arith.muli %parallel_loop3A_436, %parallel_loop3A_456 : i32
        %parallel_loop3A_458 = arith.constant 1 : i32
        %parallel_loop3A_459 = arith.index_cast %parallel_loop3A_458 : i32 to index
        %parallel_loop3A_460 = arith.index_cast %parallel_loop3A_457 : i32 to index
        %parallel_loop3A_461 = tpu.vector_load %arg9[%parallel_loop3A_459, %parallel_loop3A_460] {strides = array<i32>} : memref<2x128xi32, #tpu.memory_space<vmem>>, vector<1x16xi32>,
        %parallel_loop3A_462 = vector.shape_cast %parallel_loop3A_461 : vector<1x16xi32> to vector<16xi32>
        %parallel_loop3A_463 = vector.shape_cast %parallel_loop3A_455 : vector<16xi32> to vector<1x16xi32>
        tpu.vector_store %arg9[%parallel_loop3A_459, %parallel_loop3A_460], %parallel_loop3A_463 {strides = array<i32>} : memref<2x128xi32, #tpu.memory_space<vmem>>, vector<1x16xi32>,
      } {sc.loop_unroll_factor = 4 : i64, sc.parallel_access}
      %dma_start3A_157 = arith.constant 1 : i32
      %dma_start3A_158 = arith.constant 1 : i32
      %dma_start3A_159 = arith.constant 0 : i32
      %dma_start3A_160 = tpu.memref_slice %arg10[%dma_start3A_158, %dma_start3A_159] : memref<2x128xi32, #tpu.memory_space<vmem>> -> memref<1x128xi32, #tpu.memory_space<vmem>>
      %dma_start3A_161 = tpu.memref_squeeze %dma_start3A_160 : memref<1x128xi32, #tpu.memory_space<vmem>> -> memref<128xi32, #tpu.memory_space<vmem>>
      %dma_start3A_162 = arith.constant 0 : i32
      %dma_start3A_163 = tpu.memref_slice %arg9[%dma_start3A_157, %dma_start3A_162] : memref<2x128xi32, #tpu.memory_space<vmem>> -> memref<1x128xi32, #tpu.memory_space<vmem>>
      %dma_start3A_164 = tpu.memref_squeeze %dma_start3A_163 : memref<1x128xi32, #tpu.memory_space<vmem>> -> memref<128xi32, #tpu.memory_space<vmem>>
      %dma_start3A_165 = arith.constant 0 : i32
      %dma_start3A_166 = tpu.memref_slice %arg4[%dma_start3A_165] : memref<400000xi32, #tpu.memory_space<hbm>> -> memref<400000xi32, #tpu.memory_space<hbm>>
      tpu.enqueue_indirect_dma source(%dma_start3A_166 : memref<400000xi32, #tpu.memory_space<hbm>>) target(%dma_start3A_161 : memref<128xi32, #tpu.memory_space<vmem>>) offsets(%dma_start3A_164 : memref<128xi32, #tpu.memory_space<vmem>>) semaphore(%arg14 : memref<!tpu.dma_semaphore, #tpu.memory_space<semaphore_mem>>)
      %dma_wait3A_167 = arith.constant 1 : i32
      %dma_wait3A_168 = arith.constant 1 : i32
      %dma_wait3A_169 = arith.constant 0 : i32
      %dma_wait3A_170 = tpu.memref_slice %arg10[%dma_wait3A_168, %dma_wait3A_169] : memref<2x128xi32, #tpu.memory_space<vmem>> -> memref<1x128xi32, #tpu.memory_space<vmem>>
      %dma_wait3A_171 = tpu.memref_squeeze %dma_wait3A_170 : memref<1x128xi32, #tpu.memory_space<vmem>> -> memref<128xi32, #tpu.memory_space<vmem>>
      %dma_wait3A_172 = arith.constant 0 : i32
      %dma_wait3A_173 = tpu.memref_slice %arg9[%dma_wait3A_167, %dma_wait3A_172] : memref<2x128xi32, #tpu.memory_space<vmem>> -> memref<1x128xi32, #tpu.memory_space<vmem>>
      %dma_wait3A_174 = tpu.memref_squeeze %dma_wait3A_173 : memref<1x128xi32, #tpu.memory_space<vmem>> -> memref<128xi32, #tpu.memory_space<vmem>>
      %dma_wait3A_175 = arith.constant 0 : i32
      %dma_wait3A_176 = tpu.memref_slice %arg4[%dma_wait3A_175] : memref<400000xi32, #tpu.memory_space<hbm>> -> memref<400000xi32, #tpu.memory_space<hbm>>
      tpu.wait_indirect_dma semaphore(%arg14 : memref<!tpu.dma_semaphore, #tpu.memory_space<semaphore_mem>>) src(%dma_wait3A_176 : memref<400000xi32, #tpu.memory_space<hbm>>) dst(%dma_wait3A_171 : memref<128xi32, #tpu.memory_space<vmem>>)
      %parallel_loop3A_177 = arith.constant 0 : i32
      %parallel_loop3A_178 = arith.constant 8 : i32
      %parallel_loop3A_179 = arith.constant 1 : i32
      scf.for %parallel_loop3A_436 = %parallel_loop3A_177 to %parallel_loop3A_178 step %parallel_loop3A_179  : i32 {
        %parallel_loop3A_437 = arith.constant 16 : i32
        %parallel_loop3A_438 = arith.muli %parallel_loop3A_436, %parallel_loop3A_437 : i32
        %parallel_loop3A_439 = arith.addi %min3A_153, %parallel_loop3A_438 : i32
        %parallel_loop3A_440 = arith.index_cast %parallel_loop3A_439 : i32 to index
        %parallel_loop3A_441 = tpu.vector_load %arg7[%parallel_loop3A_440] {strides = array<i32>} : memref<25600xi32, #tpu.memory_space<vmem>>, vector<16xi32>,
        %parallel_loop3A_442 = vector.shape_cast %parallel_loop3A_441 : vector<16xi32> to vector<16xi32>
        %parallel_loop3A_443 = arith.constant 1 : i32
        %parallel_loop3A_444 = arith.index_cast %parallel_loop3A_443 : i32 to index
        %parallel_loop3A_445 = arith.index_cast %parallel_loop3A_438 : i32 to index
        %parallel_loop3A_446 = tpu.vector_load %arg10[%parallel_loop3A_444, %parallel_loop3A_445] {strides = array<i32>} : memref<2x128xi32, #tpu.memory_space<vmem>>, vector<1x16xi32>,
        %parallel_loop3A_447 = vector.shape_cast %parallel_loop3A_446 : vector<1x16xi32> to vector<16xi32>
        %parallel_loop3A_448 = arith.constant 100000 : i32
        %parallel_loop3A_449 = vector.broadcast %parallel_loop3A_448 : i32 to vector<16xi32>
        %parallel_loop3A_450 = arith.cmpi slt, %parallel_loop3A_442, %parallel_loop3A_449 : vector<16xi32>
        %parallel_loop3A_451 = arith.constant 500000 : i32
        %parallel_loop3A_452 = vector.broadcast %parallel_loop3A_451 : i32 to vector<16xi32>
        %parallel_loop3A_453 = arith.cmpi sge, %parallel_loop3A_442, %parallel_loop3A_452 : vector<16xi32>
        %parallel_loop3A_454 = arith.constant 100000 : i32
        %parallel_loop3A_455 = vector.broadcast %parallel_loop3A_454 : i32 to vector<16xi32>
        %parallel_loop3A_456 = arith.cmpi sge, %parallel_loop3A_442, %parallel_loop3A_455 : vector<16xi32>
        %parallel_loop3A_457 = arith.constant 500000 : i32
        %parallel_loop3A_458 = vector.broadcast %parallel_loop3A_457 : i32 to vector<16xi32>
        %parallel_loop3A_459 = arith.cmpi slt, %parallel_loop3A_442, %parallel_loop3A_458 : vector<16xi32>
        %parallel_loop3A_460 = arith.andi %parallel_loop3A_456, %parallel_loop3A_459 : vector<16xi1>
        %parallel_loop3A_461 = arith.constant 100000 : i32
        %parallel_loop3A_462 = vector.broadcast %parallel_loop3A_461 : i32 to vector<16xi32>
        %parallel_loop3A_463 = arith.subi %parallel_loop3A_442, %parallel_loop3A_462 : vector<16xi32>
        %parallel_loop3A_464 = arith.sitofp %parallel_loop3A_463 : vector<16xi32> to vector<16xf32>
        %parallel_loop3A_465 = arith.constant 0.00157977885 : f32
        %parallel_loop3A_466 = vector.broadcast %parallel_loop3A_465 : f32 to vector<16xf32>
        %parallel_loop3A_467 = arith.mulf %parallel_loop3A_464, %parallel_loop3A_466 : vector<16xf32>
        %parallel_loop3A_468 = arith.fptosi %parallel_loop3A_467 : vector<16xf32> to vector<16xi32>
        %parallel_loop3A_469 = arith.constant 633 : i32
        %parallel_loop3A_470 = vector.broadcast %parallel_loop3A_469 : i32 to vector<16xi32>
        %parallel_loop3A_471 = arith.muli %parallel_loop3A_468, %parallel_loop3A_470 : vector<16xi32>
        %parallel_loop3A_472 = arith.subi %parallel_loop3A_463, %parallel_loop3A_471 : vector<16xi32>
        %parallel_loop3A_473 = arith.constant 633 : i32
        %parallel_loop3A_474 = vector.broadcast %parallel_loop3A_473 : i32 to vector<16xi32>
        %parallel_loop3A_475 = arith.cmpi sge, %parallel_loop3A_472, %parallel_loop3A_474 : vector<16xi32>
        %parallel_loop3A_476 = arith.constant 1 : i32
        %parallel_loop3A_477 = arith.constant 0 : i32
        %parallel_loop3A_478 = vector.broadcast %parallel_loop3A_476 : i32 to vector<16xi32>
        %parallel_loop3A_479 = vector.broadcast %parallel_loop3A_477 : i32 to vector<16xi32>
        %parallel_loop3A_480 = arith.select %parallel_loop3A_475, %parallel_loop3A_478, %parallel_loop3A_479 : vector<16xi1>, vector<16xi32>
        %parallel_loop3A_481 = arith.addi %parallel_loop3A_468, %parallel_loop3A_480 : vector<16xi32>
        %parallel_loop3A_482 = arith.constant 0 : i32
        %parallel_loop3A_483 = vector.broadcast %parallel_loop3A_482 : i32 to vector<16xi32>
        %parallel_loop3A_484 = arith.cmpi slt, %parallel_loop3A_472, %parallel_loop3A_483 : vector<16xi32>
        %parallel_loop3A_485 = arith.constant 1 : i32
        %parallel_loop3A_486 = arith.constant 0 : i32
        %parallel_loop3A_487 = vector.broadcast %parallel_loop3A_485 : i32 to vector<16xi32>
        %parallel_loop3A_488 = vector.broadcast %parallel_loop3A_486 : i32 to vector<16xi32>
        %parallel_loop3A_489 = arith.select %parallel_loop3A_484, %parallel_loop3A_487, %parallel_loop3A_488 : vector<16xi1>, vector<16xi32>
        %parallel_loop3A_490 = arith.subi %parallel_loop3A_481, %parallel_loop3A_489 : vector<16xi32>
        %parallel_loop3A_491 = arith.constant 633 : i32
        %parallel_loop3A_492 = vector.broadcast %parallel_loop3A_491 : i32 to vector<16xi32>
        %parallel_loop3A_493 = arith.muli %parallel_loop3A_490, %parallel_loop3A_492 : vector<16xi32>
        %parallel_loop3A_494 = arith.subi %parallel_loop3A_463, %parallel_loop3A_493 : vector<16xi32>
        %parallel_loop3A_495 = arith.constant 500000 : i32
        %parallel_loop3A_496 = vector.broadcast %parallel_loop3A_495 : i32 to vector<16xi32>
        %parallel_loop3A_497 = arith.subi %parallel_loop3A_442, %parallel_loop3A_496 : vector<16xi32>
        %parallel_loop3A_498 = arith.constant 8 : i32
        %parallel_loop3A_499 = vector.broadcast %parallel_loop3A_498 : i32 to vector<16xi32>
        %parallel_loop3A_500 = arith.shrsi %parallel_loop3A_497, %parallel_loop3A_499 : vector<16xi32>
        %parallel_loop3A_501 = arith.constant 255 : i32
        %parallel_loop3A_502 = vector.broadcast %parallel_loop3A_501 : i32 to vector<16xi32>
        %parallel_loop3A_503 = arith.andi %parallel_loop3A_497, %parallel_loop3A_502 : vector<16xi32>
        %parallel_loop3A_504 = arith.constant 0 : index
        %parallel_loop3A_505 = tpu.vector_load %arg8[%parallel_loop3A_504] {strides = array<i32>} : memref<192xi32, #tpu.memory_space<vmem>>, vector<16xi32>,
        %parallel_loop3A_506 = vector.shape_cast %parallel_loop3A_505 : vector<16xi32> to vector<16xi32>
        %parallel_loop3A_507 = arith.constant 64 : index
        %parallel_loop3A_508 = tpu.vector_load %arg8[%parallel_loop3A_507] {strides = array<i32>} : memref<192xi32, #tpu.memory_space<vmem>>, vector<16xi32>,
        %parallel_loop3A_509 = vector.shape_cast %parallel_loop3A_508 : vector<16xi32> to vector<16xi32>
        %parallel_loop3A_510 = arith.constant 128 : index
        %parallel_loop3A_511 = tpu.vector_load %arg8[%parallel_loop3A_510] {strides = array<i32>} : memref<192xi32, #tpu.memory_space<vmem>>, vector<16xi32>,
        %parallel_loop3A_512 = vector.shape_cast %parallel_loop3A_511 : vector<16xi32> to vector<16xi32>
        %parallel_loop3A_513 = arith.muli %parallel_loop3A_500, %parallel_loop3A_506 : vector<16xi32>
        %parallel_loop3A_514 = arith.muli %parallel_loop3A_503, %parallel_loop3A_509 : vector<16xi32>
        %parallel_loop3A_515 = arith.addi %parallel_loop3A_513, %parallel_loop3A_514 : vector<16xi32>
        %parallel_loop3A_516 = arith.addi %parallel_loop3A_515, %parallel_loop3A_512 : vector<16xi32>
        %parallel_loop3A_517 = arith.sitofp %parallel_loop3A_516 : vector<16xi32> to vector<16xf32>
        %parallel_loop3A_518 = arith.constant 9.99999974E-6 : f32
        %parallel_loop3A_519 = vector.broadcast %parallel_loop3A_518 : f32 to vector<16xf32>
        %parallel_loop3A_520 = arith.mulf %parallel_loop3A_517, %parallel_loop3A_519 : vector<16xf32>
        %parallel_loop3A_521 = arith.fptosi %parallel_loop3A_520 : vector<16xf32> to vector<16xi32>
        %parallel_loop3A_522 = arith.constant 100000 : i32
        %parallel_loop3A_523 = vector.broadcast %parallel_loop3A_522 : i32 to vector<16xi32>
        %parallel_loop3A_524 = arith.muli %parallel_loop3A_521, %parallel_loop3A_523 : vector<16xi32>
        %parallel_loop3A_525 = arith.subi %parallel_loop3A_516, %parallel_loop3A_524 : vector<16xi32>
        %parallel_loop3A_526 = arith.constant 0 : i32
        %parallel_loop3A_527 = vector.broadcast %parallel_loop3A_526 : i32 to vector<16xi32>
        %parallel_loop3A_528 = arith.cmpi slt, %parallel_loop3A_525, %parallel_loop3A_527 : vector<16xi32>
        %parallel_loop3A_529 = arith.constant 100000 : i32
        %parallel_loop3A_530 = arith.constant 0 : i32
        %parallel_loop3A_531 = vector.broadcast %parallel_loop3A_529 : i32 to vector<16xi32>
        %parallel_loop3A_532 = vector.broadcast %parallel_loop3A_530 : i32 to vector<16xi32>
        %parallel_loop3A_533 = arith.select %parallel_loop3A_528, %parallel_loop3A_531, %parallel_loop3A_532 : vector<16xi1>, vector<16xi32>
        %parallel_loop3A_534 = arith.addi %parallel_loop3A_525, %parallel_loop3A_533 : vector<16xi32>
        %parallel_loop3A_535 = arith.constant 100000 : i32
        %parallel_loop3A_536 = vector.broadcast %parallel_loop3A_535 : i32 to vector<16xi32>
        %parallel_loop3A_537 = arith.cmpi sge, %parallel_loop3A_534, %parallel_loop3A_536 : vector<16xi32>
        %parallel_loop3A_538 = arith.constant 100000 : i32
        %parallel_loop3A_539 = arith.constant 0 : i32
        %parallel_loop3A_540 = vector.broadcast %parallel_loop3A_538 : i32 to vector<16xi32>
        %parallel_loop3A_541 = vector.broadcast %parallel_loop3A_539 : i32 to vector<16xi32>
        %parallel_loop3A_542 = arith.select %parallel_loop3A_537, %parallel_loop3A_540, %parallel_loop3A_541 : vector<16xi1>, vector<16xi32>
        %parallel_loop3A_543 = arith.subi %parallel_loop3A_534, %parallel_loop3A_542 : vector<16xi32>
        %parallel_loop3A_544 = arith.constant 16 : index
        %parallel_loop3A_545 = tpu.vector_load %arg8[%parallel_loop3A_544] {strides = array<i32>} : memref<192xi32, #tpu.memory_space<vmem>>, vector<16xi32>,
        %parallel_loop3A_546 = vector.shape_cast %parallel_loop3A_545 : vector<16xi32> to vector<16xi32>
        %parallel_loop3A_547 = arith.constant 80 : index
        %parallel_loop3A_548 = tpu.vector_load %arg8[%parallel_loop3A_547] {strides = array<i32>} : memref<192xi32, #tpu.memory_space<vmem>>, vector<16xi32>,
        %parallel_loop3A_549 = vector.shape_cast %parallel_loop3A_548 : vector<16xi32> to vector<16xi32>
        %parallel_loop3A_550 = arith.constant 144 : index
        %parallel_loop3A_551 = tpu.vector_load %arg8[%parallel_loop3A_550] {strides = array<i32>} : memref<192xi32, #tpu.memory_space<vmem>>, vector<16xi32>,
        %parallel_loop3A_552 = vector.shape_cast %parallel_loop3A_551 : vector<16xi32> to vector<16xi32>
        %parallel_loop3A_553 = arith.muli %parallel_loop3A_500, %parallel_loop3A_546 : vector<16xi32>
        %parallel_loop3A_554 = arith.muli %parallel_loop3A_503, %parallel_loop3A_549 : vector<16xi32>
        %parallel_loop3A_555 = arith.addi %parallel_loop3A_553, %parallel_loop3A_554 : vector<16xi32>
        %parallel_loop3A_556 = arith.addi %parallel_loop3A_555, %parallel_loop3A_552 : vector<16xi32>
        %parallel_loop3A_557 = arith.sitofp %parallel_loop3A_556 : vector<16xi32> to vector<16xf32>
        %parallel_loop3A_558 = arith.constant 9.99999974E-6 : f32
        %parallel_loop3A_559 = vector.broadcast %parallel_loop3A_558 : f32 to vector<16xf32>
        %parallel_loop3A_560 = arith.mulf %parallel_loop3A_557, %parallel_loop3A_559 : vector<16xf32>
        %parallel_loop3A_561 = arith.fptosi %parallel_loop3A_560 : vector<16xf32> to vector<16xi32>
        %parallel_loop3A_562 = arith.constant 100000 : i32
        %parallel_loop3A_563 = vector.broadcast %parallel_loop3A_562 : i32 to vector<16xi32>
        %parallel_loop3A_564 = arith.muli %parallel_loop3A_561, %parallel_loop3A_563 : vector<16xi32>
        %parallel_loop3A_565 = arith.subi %parallel_loop3A_556, %parallel_loop3A_564 : vector<16xi32>
        %parallel_loop3A_566 = arith.constant 0 : i32
        %parallel_loop3A_567 = vector.broadcast %parallel_loop3A_566 : i32 to vector<16xi32>
        %parallel_loop3A_568 = arith.cmpi slt, %parallel_loop3A_565, %parallel_loop3A_567 : vector<16xi32>
        %parallel_loop3A_569 = arith.constant 100000 : i32
        %parallel_loop3A_570 = arith.constant 0 : i32
        %parallel_loop3A_571 = vector.broadcast %parallel_loop3A_569 : i32 to vector<16xi32>
        %parallel_loop3A_572 = vector.broadcast %parallel_loop3A_570 : i32 to vector<16xi32>
        %parallel_loop3A_573 = arith.select %parallel_loop3A_568, %parallel_loop3A_571, %parallel_loop3A_572 : vector<16xi1>, vector<16xi32>
        %parallel_loop3A_574 = arith.addi %parallel_loop3A_565, %parallel_loop3A_573 : vector<16xi32>
        %parallel_loop3A_575 = arith.constant 100000 : i32
        %parallel_loop3A_576 = vector.broadcast %parallel_loop3A_575 : i32 to vector<16xi32>
        %parallel_loop3A_577 = arith.cmpi sge, %parallel_loop3A_574, %parallel_loop3A_576 : vector<16xi32>
        %parallel_loop3A_578 = arith.constant 100000 : i32
        %parallel_loop3A_579 = arith.constant 0 : i32
        %parallel_loop3A_580 = vector.broadcast %parallel_loop3A_578 : i32 to vector<16xi32>
        %parallel_loop3A_581 = vector.broadcast %parallel_loop3A_579 : i32 to vector<16xi32>
        %parallel_loop3A_582 = arith.select %parallel_loop3A_577, %parallel_loop3A_580, %parallel_loop3A_581 : vector<16xi1>, vector<16xi32>
        %parallel_loop3A_583 = arith.subi %parallel_loop3A_574, %parallel_loop3A_582 : vector<16xi32>
        %parallel_loop3A_584 = arith.constant 32 : index
        %parallel_loop3A_585 = tpu.vector_load %arg8[%parallel_loop3A_584] {strides = array<i32>} : memref<192xi32, #tpu.memory_space<vmem>>, vector<16xi32>,
        %parallel_loop3A_586 = vector.shape_cast %parallel_loop3A_585 : vector<16xi32> to vector<16xi32>
        %parallel_loop3A_587 = arith.constant 96 : index
        %parallel_loop3A_588 = tpu.vector_load %arg8[%parallel_loop3A_587] {strides = array<i32>} : memref<192xi32, #tpu.memory_space<vmem>>, vector<16xi32>,
        %parallel_loop3A_589 = vector.shape_cast %parallel_loop3A_588 : vector<16xi32> to vector<16xi32>
        %parallel_loop3A_590 = arith.constant 160 : index
        %parallel_loop3A_591 = tpu.vector_load %arg8[%parallel_loop3A_590] {strides = array<i32>} : memref<192xi32, #tpu.memory_space<vmem>>, vector<16xi32>,
        %parallel_loop3A_592 = vector.shape_cast %parallel_loop3A_591 : vector<16xi32> to vector<16xi32>
        %parallel_loop3A_593 = arith.muli %parallel_loop3A_500, %parallel_loop3A_586 : vector<16xi32>
        %parallel_loop3A_594 = arith.muli %parallel_loop3A_503, %parallel_loop3A_589 : vector<16xi32>
        %parallel_loop3A_595 = arith.addi %parallel_loop3A_593, %parallel_loop3A_594 : vector<16xi32>
        %parallel_loop3A_596 = arith.addi %parallel_loop3A_595, %parallel_loop3A_592 : vector<16xi32>
        %parallel_loop3A_597 = arith.sitofp %parallel_loop3A_596 : vector<16xi32> to vector<16xf32>
        %parallel_loop3A_598 = arith.constant 9.99999974E-6 : f32
        %parallel_loop3A_599 = vector.broadcast %parallel_loop3A_598 : f32 to vector<16xf32>
        %parallel_loop3A_600 = arith.mulf %parallel_loop3A_597, %parallel_loop3A_599 : vector<16xf32>
        %parallel_loop3A_601 = arith.fptosi %parallel_loop3A_600 : vector<16xf32> to vector<16xi32>
        %parallel_loop3A_602 = arith.constant 100000 : i32
        %parallel_loop3A_603 = vector.broadcast %parallel_loop3A_602 : i32 to vector<16xi32>
        %parallel_loop3A_604 = arith.muli %parallel_loop3A_601, %parallel_loop3A_603 : vector<16xi32>
        %parallel_loop3A_605 = arith.subi %parallel_loop3A_596, %parallel_loop3A_604 : vector<16xi32>
        %parallel_loop3A_606 = arith.constant 0 : i32
        %parallel_loop3A_607 = vector.broadcast %parallel_loop3A_606 : i32 to vector<16xi32>
        %parallel_loop3A_608 = arith.cmpi slt, %parallel_loop3A_605, %parallel_loop3A_607 : vector<16xi32>
        %parallel_loop3A_609 = arith.constant 100000 : i32
        %parallel_loop3A_610 = arith.constant 0 : i32
        %parallel_loop3A_611 = vector.broadcast %parallel_loop3A_609 : i32 to vector<16xi32>
        %parallel_loop3A_612 = vector.broadcast %parallel_loop3A_610 : i32 to vector<16xi32>
        %parallel_loop3A_613 = arith.select %parallel_loop3A_608, %parallel_loop3A_611, %parallel_loop3A_612 : vector<16xi1>, vector<16xi32>
        %parallel_loop3A_614 = arith.addi %parallel_loop3A_605, %parallel_loop3A_613 : vector<16xi32>
        %parallel_loop3A_615 = arith.constant 100000 : i32
        %parallel_loop3A_616 = vector.broadcast %parallel_loop3A_615 : i32 to vector<16xi32>
        %parallel_loop3A_617 = arith.cmpi sge, %parallel_loop3A_614, %parallel_loop3A_616 : vector<16xi32>
        %parallel_loop3A_618 = arith.constant 100000 : i32
        %parallel_loop3A_619 = arith.constant 0 : i32
        %parallel_loop3A_620 = vector.broadcast %parallel_loop3A_618 : i32 to vector<16xi32>
        %parallel_loop3A_621 = vector.broadcast %parallel_loop3A_619 : i32 to vector<16xi32>
        %parallel_loop3A_622 = arith.select %parallel_loop3A_617, %parallel_loop3A_620, %parallel_loop3A_621 : vector<16xi1>, vector<16xi32>
        %parallel_loop3A_623 = arith.subi %parallel_loop3A_614, %parallel_loop3A_622 : vector<16xi32>
        %parallel_loop3A_624 = arith.constant 48 : index
        %parallel_loop3A_625 = tpu.vector_load %arg8[%parallel_loop3A_624] {strides = array<i32>} : memref<192xi32, #tpu.memory_space<vmem>>, vector<16xi32>,
        %parallel_loop3A_626 = vector.shape_cast %parallel_loop3A_625 : vector<16xi32> to vector<16xi32>
        %parallel_loop3A_627 = arith.constant 112 : index
        %parallel_loop3A_628 = tpu.vector_load %arg8[%parallel_loop3A_627] {strides = array<i32>} : memref<192xi32, #tpu.memory_space<vmem>>, vector<16xi32>,
        %parallel_loop3A_629 = vector.shape_cast %parallel_loop3A_628 : vector<16xi32> to vector<16xi32>
        %parallel_loop3A_630 = arith.constant 176 : index
        %parallel_loop3A_631 = tpu.vector_load %arg8[%parallel_loop3A_630] {strides = array<i32>} : memref<192xi32, #tpu.memory_space<vmem>>, vector<16xi32>,
        %parallel_loop3A_632 = vector.shape_cast %parallel_loop3A_631 : vector<16xi32> to vector<16xi32>
        %parallel_loop3A_633 = arith.muli %parallel_loop3A_500, %parallel_loop3A_626 : vector<16xi32>
        %parallel_loop3A_634 = arith.muli %parallel_loop3A_503, %parallel_loop3A_629 : vector<16xi32>
        %parallel_loop3A_635 = arith.addi %parallel_loop3A_633, %parallel_loop3A_634 : vector<16xi32>
        %parallel_loop3A_636 = arith.addi %parallel_loop3A_635, %parallel_loop3A_632 : vector<16xi32>
        %parallel_loop3A_637 = arith.sitofp %parallel_loop3A_636 : vector<16xi32> to vector<16xf32>
        %parallel_loop3A_638 = arith.constant 9.99999974E-6 : f32
        %parallel_loop3A_639 = vector.broadcast %parallel_loop3A_638 : f32 to vector<16xf32>
        %parallel_loop3A_640 = arith.mulf %parallel_loop3A_637, %parallel_loop3A_639 : vector<16xf32>
        %parallel_loop3A_641 = arith.fptosi %parallel_loop3A_640 : vector<16xf32> to vector<16xi32>
        %parallel_loop3A_642 = arith.constant 100000 : i32
        %parallel_loop3A_643 = vector.broadcast %parallel_loop3A_642 : i32 to vector<16xi32>
        %parallel_loop3A_644 = arith.muli %parallel_loop3A_641, %parallel_loop3A_643 : vector<16xi32>
        %parallel_loop3A_645 = arith.subi %parallel_loop3A_636, %parallel_loop3A_644 : vector<16xi32>
        %parallel_loop3A_646 = arith.constant 0 : i32
        %parallel_loop3A_647 = vector.broadcast %parallel_loop3A_646 : i32 to vector<16xi32>
        %parallel_loop3A_648 = arith.cmpi slt, %parallel_loop3A_645, %parallel_loop3A_647 : vector<16xi32>
        %parallel_loop3A_649 = arith.constant 100000 : i32
        %parallel_loop3A_650 = arith.constant 0 : i32
        %parallel_loop3A_651 = vector.broadcast %parallel_loop3A_649 : i32 to vector<16xi32>
        %parallel_loop3A_652 = vector.broadcast %parallel_loop3A_650 : i32 to vector<16xi32>
        %parallel_loop3A_653 = arith.select %parallel_loop3A_648, %parallel_loop3A_651, %parallel_loop3A_652 : vector<16xi1>, vector<16xi32>
        %parallel_loop3A_654 = arith.addi %parallel_loop3A_645, %parallel_loop3A_653 : vector<16xi32>
        %parallel_loop3A_655 = arith.constant 100000 : i32
        %parallel_loop3A_656 = vector.broadcast %parallel_loop3A_655 : i32 to vector<16xi32>
        %parallel_loop3A_657 = arith.cmpi sge, %parallel_loop3A_654, %parallel_loop3A_656 : vector<16xi32>
        %parallel_loop3A_658 = arith.constant 100000 : i32
        %parallel_loop3A_659 = arith.constant 0 : i32
        %parallel_loop3A_660 = vector.broadcast %parallel_loop3A_658 : i32 to vector<16xi32>
        %parallel_loop3A_661 = vector.broadcast %parallel_loop3A_659 : i32 to vector<16xi32>
        %parallel_loop3A_662 = arith.select %parallel_loop3A_657, %parallel_loop3A_660, %parallel_loop3A_661 : vector<16xi1>, vector<16xi32>
        %parallel_loop3A_663 = arith.subi %parallel_loop3A_654, %parallel_loop3A_662 : vector<16xi32>
        %parallel_loop3A_664 = arith.constant 100000 : i32
        %parallel_loop3A_665 = vector.broadcast %parallel_loop3A_664 : i32 to vector<16xi32>
        %parallel_loop3A_666 = arith.addi %parallel_loop3A_665, %parallel_loop3A_494 : vector<16xi32>
        %parallel_loop3A_667 = arith.constant 101568 : i32
        %parallel_loop3A_668 = vector.broadcast %parallel_loop3A_667 : i32 to vector<16xi32>
        %parallel_loop3A_669 = arith.addi %parallel_loop3A_668, %parallel_loop3A_543 : vector<16xi32>
        %parallel_loop3A_670 = arith.select %parallel_loop3A_460, %parallel_loop3A_666, %parallel_loop3A_669 : vector<16xi1>, vector<16xi32>
        %parallel_loop3A_671 = arith.select %parallel_loop3A_450, %parallel_loop3A_442, %parallel_loop3A_670 : vector<16xi1>, vector<16xi32>
        %parallel_loop3A_672 = arith.constant 100640 : i32
        %parallel_loop3A_673 = vector.broadcast %parallel_loop3A_672 : i32 to vector<16xi32>
        %parallel_loop3A_674 = arith.addi %parallel_loop3A_673, %parallel_loop3A_490 : vector<16xi32>
        %parallel_loop3A_675 = arith.constant 201568 : i32
        %parallel_loop3A_676 = vector.broadcast %parallel_loop3A_675 : i32 to vector<16xi32>
        %parallel_loop3A_677 = arith.addi %parallel_loop3A_676, %parallel_loop3A_583 : vector<16xi32>
        %parallel_loop3A_678 = arith.constant 101536 : i32
        %parallel_loop3A_679 = vector.broadcast %parallel_loop3A_678 : i32 to vector<16xi32>
        %parallel_loop3A_680 = arith.select %parallel_loop3A_453, %parallel_loop3A_677, %parallel_loop3A_679 : vector<16xi1>, vector<16xi32>
        %parallel_loop3A_681 = arith.select %parallel_loop3A_460, %parallel_loop3A_674, %parallel_loop3A_680 : vector<16xi1>, vector<16xi32>
        %parallel_loop3A_682 = arith.constant 301568 : i32
        %parallel_loop3A_683 = vector.broadcast %parallel_loop3A_682 : i32 to vector<16xi32>
        %parallel_loop3A_684 = arith.addi %parallel_loop3A_683, %parallel_loop3A_623 : vector<16xi32>
        %parallel_loop3A_685 = arith.constant 101536 : i32
        %parallel_loop3A_686 = vector.broadcast %parallel_loop3A_685 : i32 to vector<16xi32>
        %parallel_loop3A_687 = arith.select %parallel_loop3A_453, %parallel_loop3A_684, %parallel_loop3A_686 : vector<16xi1>, vector<16xi32>
        %parallel_loop3A_688 = arith.select %parallel_loop3A_460, %parallel_loop3A_447, %parallel_loop3A_687 : vector<16xi1>, vector<16xi32>
        %parallel_loop3A_689 = arith.constant 401568 : i32
        %parallel_loop3A_690 = vector.broadcast %parallel_loop3A_689 : i32 to vector<16xi32>
        %parallel_loop3A_691 = arith.addi %parallel_loop3A_690, %parallel_loop3A_663 : vector<16xi32>
        %parallel_loop3A_692 = arith.constant 101536 : i32
        %parallel_loop3A_693 = vector.broadcast %parallel_loop3A_692 : i32 to vector<16xi32>
        %parallel_loop3A_694 = arith.select %parallel_loop3A_453, %parallel_loop3A_691, %parallel_loop3A_693 : vector<16xi1>, vector<16xi32>
        %parallel_loop3A_695 = arith.constant 1 : i32
        %parallel_loop3A_696 = arith.index_cast %parallel_loop3A_695 : i32 to index
        %parallel_loop3A_697 = arith.index_cast %parallel_loop3A_438 : i32 to index
        %parallel_loop3A_698 = tpu.vector_load %arg11[%parallel_loop3A_696, %parallel_loop3A_697] {strides = array<i32>} : memref<2x512xi32, #tpu.memory_space<vmem>>, vector<1x16xi32>,
        %parallel_loop3A_699 = vector.shape_cast %parallel_loop3A_698 : vector<1x16xi32> to vector<16xi32>
        %parallel_loop3A_700 = vector.shape_cast %parallel_loop3A_671 : vector<16xi32> to vector<1x16xi32>
        tpu.vector_store %arg11[%parallel_loop3A_696, %parallel_loop3A_697], %parallel_loop3A_700 {strides = array<i32>} : memref<2x512xi32, #tpu.memory_space<vmem>>, vector<1x16xi32>,
        %parallel_loop3A_701 = arith.constant 128 : i32
        %parallel_loop3A_702 = arith.addi %parallel_loop3A_701, %parallel_loop3A_438 : i32
        %parallel_loop3A_703 = arith.constant 1 : i32
        %parallel_loop3A_704 = arith.index_cast %parallel_loop3A_703 : i32 to index
        %parallel_loop3A_705 = arith.index_cast %parallel_loop3A_702 : i32 to index
        %parallel_loop3A_706 = tpu.vector_load %arg11[%parallel_loop3A_704, %parallel_loop3A_705] {strides = array<i32>} : memref<2x512xi32, #tpu.memory_space<vmem>>, vector<1x16xi32>,
        %parallel_loop3A_707 = vector.shape_cast %parallel_loop3A_706 : vector<1x16xi32> to vector<16xi32>
        %parallel_loop3A_708 = vector.shape_cast %parallel_loop3A_681 : vector<16xi32> to vector<1x16xi32>
        tpu.vector_store %arg11[%parallel_loop3A_704, %parallel_loop3A_705], %parallel_loop3A_708 {strides = array<i32>} : memref<2x512xi32, #tpu.memory_space<vmem>>, vector<1x16xi32>,
        %parallel_loop3A_709 = arith.constant 256 : i32
        %parallel_loop3A_710 = arith.addi %parallel_loop3A_709, %parallel_loop3A_438 : i32
        %parallel_loop3A_711 = arith.constant 1 : i32
        %parallel_loop3A_712 = arith.index_cast %parallel_loop3A_711 : i32 to index
        %parallel_loop3A_713 = arith.index_cast %parallel_loop3A_710 : i32 to index
        %parallel_loop3A_714 = tpu.vector_load %arg11[%parallel_loop3A_712, %parallel_loop3A_713] {strides = array<i32>} : memref<2x512xi32, #tpu.memory_space<vmem>>, vector<1x16xi32>,
        %parallel_loop3A_715 = vector.shape_cast %parallel_loop3A_714 : vector<1x16xi32> to vector<16xi32>
        %parallel_loop3A_716 = vector.shape_cast %parallel_loop3A_688 : vector<16xi32> to vector<1x16xi32>
        tpu.vector_store %arg11[%parallel_loop3A_712, %parallel_loop3A_713], %parallel_loop3A_716 {strides = array<i32>} : memref<2x512xi32, #tpu.memory_space<vmem>>, vector<1x16xi32>,
        %parallel_loop3A_717 = arith.constant 384 : i32
        %parallel_loop3A_718 = arith.addi %parallel_loop3A_717, %parallel_loop3A_438 : i32
        %parallel_loop3A_719 = arith.constant 1 : i32
        %parallel_loop3A_720 = arith.index_cast %parallel_loop3A_719 : i32 to index
        %parallel_loop3A_721 = arith.index_cast %parallel_loop3A_718 : i32 to index
        %parallel_loop3A_722 = tpu.vector_load %arg11[%parallel_loop3A_720, %parallel_loop3A_721] {strides = array<i32>} : memref<2x512xi32, #tpu.memory_space<vmem>>, vector<1x16xi32>,
        %parallel_loop3A_723 = vector.shape_cast %parallel_loop3A_722 : vector<1x16xi32> to vector<16xi32>
        %parallel_loop3A_724 = vector.shape_cast %parallel_loop3A_694 : vector<16xi32> to vector<1x16xi32>
        tpu.vector_store %arg11[%parallel_loop3A_720, %parallel_loop3A_721], %parallel_loop3A_724 {strides = array<i32>} : memref<2x512xi32, #tpu.memory_space<vmem>>, vector<1x16xi32>,
      } {sc.loop_unroll_factor = 2 : i64, sc.parallel_access}
      %dma_wait3A_180 = arith.constant 0 : i32
      %dma_wait3A_181 = arith.constant 0 : i32
      %dma_wait3A_182 = arith.constant 0 : i32
      %dma_wait3A_183 = tpu.memref_slice %arg12[%dma_wait3A_180, %dma_wait3A_181, %dma_wait3A_182] : memref<2x512x64xf32, #tpu.memory_space<vmem>> -> memref<1x128x64xf32, #tpu.memory_space<vmem>>
      %dma_wait3A_184 = tpu.memref_squeeze %dma_wait3A_183 : memref<1x128x64xf32, #tpu.memory_space<vmem>> -> memref<128x64xf32, #tpu.memory_space<vmem>>
      %dma_wait3A_185 = arith.constant 0 : i32
      %dma_wait3A_186 = arith.constant 0 : i32
      %dma_wait3A_187 = tpu.memref_slice %arg2[%dma_wait3A_185, %dma_wait3A_186] : memref<501568x64xf32, #tpu.memory_space<hbm>> -> memref<128x64xf32, #tpu.memory_space<hbm>>
      %dma_wait3A_188 = arith.constant 0 : i32
      %dma_wait3A_189 = arith.constant 0 : i32
      %dma_wait3A_190 = tpu.memref_slice %arg12[%dma_wait3A_180, %dma_wait3A_188, %dma_wait3A_189] : memref<2x512x64xf32, #tpu.memory_space<vmem>> -> memref<1x128x64xf32, #tpu.memory_space<vmem>>
      %dma_wait3A_191 = tpu.memref_squeeze %dma_wait3A_190 : memref<1x128x64xf32, #tpu.memory_space<vmem>> -> memref<128x64xf32, #tpu.memory_space<vmem>>
      %dma_wait3A_192 = arith.constant 0 : i32
      %dma_wait3A_193 = arith.constant 0 : i32
      %dma_wait3A_194 = tpu.memref_slice %arg2[%dma_wait3A_192, %dma_wait3A_193] : memref<501568x64xf32, #tpu.memory_space<hbm>> -> memref<128x64xf32, #tpu.memory_space<hbm>>
      tpu.wait_dma2 semaphore(%arg15 : memref<!tpu.dma_semaphore, #tpu.memory_space<semaphore_mem>>) src(%dma_wait3A_194 : memref<128x64xf32, #tpu.memory_space<hbm>>) dst(%dma_wait3A_191 : memref<128x64xf32, #tpu.memory_space<vmem>>)
      %dma_wait3A_195 = arith.constant 0 : i32
      %dma_wait3A_196 = arith.constant 128 : i32
      %dma_wait3A_197 = arith.constant 0 : i32
      %dma_wait3A_198 = tpu.memref_slice %arg12[%dma_wait3A_195, %dma_wait3A_196, %dma_wait3A_197] : memref<2x512x64xf32, #tpu.memory_space<vmem>> -> memref<1x128x64xf32, #tpu.memory_space<vmem>>
      %dma_wait3A_199 = tpu.memref_squeeze %dma_wait3A_198 : memref<1x128x64xf32, #tpu.memory_space<vmem>> -> memref<128x64xf32, #tpu.memory_space<vmem>>
      %dma_wait3A_200 = arith.constant 0 : i32
      %dma_wait3A_201 = arith.constant 0 : i32
      %dma_wait3A_202 = tpu.memref_slice %arg2[%dma_wait3A_200, %dma_wait3A_201] : memref<501568x64xf32, #tpu.memory_space<hbm>> -> memref<128x64xf32, #tpu.memory_space<hbm>>
      %dma_wait3A_203 = arith.constant 128 : i32
      %dma_wait3A_204 = arith.constant 0 : i32
      %dma_wait3A_205 = tpu.memref_slice %arg12[%dma_wait3A_195, %dma_wait3A_203, %dma_wait3A_204] : memref<2x512x64xf32, #tpu.memory_space<vmem>> -> memref<1x128x64xf32, #tpu.memory_space<vmem>>
      %dma_wait3A_206 = tpu.memref_squeeze %dma_wait3A_205 : memref<1x128x64xf32, #tpu.memory_space<vmem>> -> memref<128x64xf32, #tpu.memory_space<vmem>>
      %dma_wait3A_207 = arith.constant 0 : i32
      %dma_wait3A_208 = arith.constant 0 : i32
      %dma_wait3A_209 = tpu.memref_slice %arg2[%dma_wait3A_207, %dma_wait3A_208] : memref<501568x64xf32, #tpu.memory_space<hbm>> -> memref<128x64xf32, #tpu.memory_space<hbm>>
      tpu.wait_dma2 semaphore(%arg15 : memref<!tpu.dma_semaphore, #tpu.memory_space<semaphore_mem>>) src(%dma_wait3A_209 : memref<128x64xf32, #tpu.memory_space<hbm>>) dst(%dma_wait3A_206 : memref<128x64xf32, #tpu.memory_space<vmem>>)
      %dma_wait3A_210 = arith.constant 0 : i32
      %dma_wait3A_211 = arith.constant 256 : i32
      %dma_wait3A_212 = arith.constant 0 : i32
      %dma_wait3A_213 = tpu.memref_slice %arg12[%dma_wait3A_210, %dma_wait3A_211, %dma_wait3A_212] : memref<2x512x64xf32, #tpu.memory_space<vmem>> -> memref<1x128x64xf32, #tpu.memory_space<vmem>>
      %dma_wait3A_214 = tpu.memref_squeeze %dma_wait3A_213 : memref<1x128x64xf32, #tpu.memory_space<vmem>> -> memref<128x64xf32, #tpu.memory_space<vmem>>
      %dma_wait3A_215 = arith.constant 0 : i32
      %dma_wait3A_216 = arith.constant 0 : i32
      %dma_wait3A_217 = tpu.memref_slice %arg2[%dma_wait3A_215, %dma_wait3A_216] : memref<501568x64xf32, #tpu.memory_space<hbm>> -> memref<128x64xf32, #tpu.memory_space<hbm>>
      %dma_wait3A_218 = arith.constant 256 : i32
      %dma_wait3A_219 = arith.constant 0 : i32
      %dma_wait3A_220 = tpu.memref_slice %arg12[%dma_wait3A_210, %dma_wait3A_218, %dma_wait3A_219] : memref<2x512x64xf32, #tpu.memory_space<vmem>> -> memref<1x128x64xf32, #tpu.memory_space<vmem>>
      %dma_wait3A_221 = tpu.memref_squeeze %dma_wait3A_220 : memref<1x128x64xf32, #tpu.memory_space<vmem>> -> memref<128x64xf32, #tpu.memory_space<vmem>>
      %dma_wait3A_222 = arith.constant 0 : i32
      %dma_wait3A_223 = arith.constant 0 : i32
      %dma_wait3A_224 = tpu.memref_slice %arg2[%dma_wait3A_222, %dma_wait3A_223] : memref<501568x64xf32, #tpu.memory_space<hbm>> -> memref<128x64xf32, #tpu.memory_space<hbm>>
      tpu.wait_dma2 semaphore(%arg15 : memref<!tpu.dma_semaphore, #tpu.memory_space<semaphore_mem>>) src(%dma_wait3A_224 : memref<128x64xf32, #tpu.memory_space<hbm>>) dst(%dma_wait3A_221 : memref<128x64xf32, #tpu.memory_space<vmem>>)
      %dma_wait3A_225 = arith.constant 0 : i32
      %dma_wait3A_226 = arith.constant 384 : i32
      %dma_wait3A_227 = arith.constant 0 : i32
      %dma_wait3A_228 = tpu.memref_slice %arg12[%dma_wait3A_225, %dma_wait3A_226, %dma_wait3A_227] : memref<2x512x64xf32, #tpu.memory_space<vmem>> -> memref<1x128x64xf32, #tpu.memory_space<vmem>>
      %dma_wait3A_229 = tpu.memref_squeeze %dma_wait3A_228 : memref<1x128x64xf32, #tpu.memory_space<vmem>> -> memref<128x64xf32, #tpu.memory_space<vmem>>
      %dma_wait3A_230 = arith.constant 0 : i32
      %dma_wait3A_231 = arith.constant 0 : i32
      %dma_wait3A_232 = tpu.memref_slice %arg2[%dma_wait3A_230, %dma_wait3A_231] : memref<501568x64xf32, #tpu.memory_space<hbm>> -> memref<128x64xf32, #tpu.memory_space<hbm>>
      %dma_wait3A_233 = arith.constant 384 : i32
      %dma_wait3A_234 = arith.constant 0 : i32
      %dma_wait3A_235 = tpu.memref_slice %arg12[%dma_wait3A_225, %dma_wait3A_233, %dma_wait3A_234] : memref<2x512x64xf32, #tpu.memory_space<vmem>> -> memref<1x128x64xf32, #tpu.memory_space<vmem>>
      %dma_wait3A_236 = tpu.memref_squeeze %dma_wait3A_235 : memref<1x128x64xf32, #tpu.memory_space<vmem>> -> memref<128x64xf32, #tpu.memory_space<vmem>>
      %dma_wait3A_237 = arith.constant 0 : i32
      %dma_wait3A_238 = arith.constant 0 : i32
      %dma_wait3A_239 = tpu.memref_slice %arg2[%dma_wait3A_237, %dma_wait3A_238] : memref<501568x64xf32, #tpu.memory_space<hbm>> -> memref<128x64xf32, #tpu.memory_space<hbm>>
      tpu.wait_dma2 semaphore(%arg15 : memref<!tpu.dma_semaphore, #tpu.memory_space<semaphore_mem>>) src(%dma_wait3A_239 : memref<128x64xf32, #tpu.memory_space<hbm>>) dst(%dma_wait3A_236 : memref<128x64xf32, #tpu.memory_space<vmem>>)
      %dma_start3A_240 = arith.constant 1 : i32
      %dma_start3A_241 = arith.constant 1 : i32
      %dma_start3A_242 = arith.constant 0 : i32
      %dma_start3A_243 = arith.constant 0 : i32
      %dma_start3A_244 = tpu.memref_slice %arg12[%dma_start3A_241, %dma_start3A_242, %dma_start3A_243] : memref<2x512x64xf32, #tpu.memory_space<vmem>> -> memref<1x128x64xf32, #tpu.memory_space<vmem>>
      %dma_start3A_245 = tpu.memref_squeeze %dma_start3A_244 : memref<1x128x64xf32, #tpu.memory_space<vmem>> -> memref<128x64xf32, #tpu.memory_space<vmem>>
      %dma_start3A_246 = arith.constant 0 : i32
      %dma_start3A_247 = tpu.memref_slice %arg11[%dma_start3A_240, %dma_start3A_246] : memref<2x512xi32, #tpu.memory_space<vmem>> -> memref<1x128xi32, #tpu.memory_space<vmem>>
      %dma_start3A_248 = tpu.memref_squeeze %dma_start3A_247 : memref<1x128xi32, #tpu.memory_space<vmem>> -> memref<128xi32, #tpu.memory_space<vmem>>
      %dma_start3A_249 = arith.constant 0 : i32
      %dma_start3A_250 = arith.constant 0 : i32
      %dma_start3A_251 = tpu.memref_slice %arg2[%dma_start3A_249, %dma_start3A_250] : memref<501568x64xf32, #tpu.memory_space<hbm>> -> memref<501568x64xf32, #tpu.memory_space<hbm>>
      tpu.enqueue_indirect_dma source(%dma_start3A_251 : memref<501568x64xf32, #tpu.memory_space<hbm>>) target(%dma_start3A_245 : memref<128x64xf32, #tpu.memory_space<vmem>>) offsets(%dma_start3A_248 : memref<128xi32, #tpu.memory_space<vmem>>) semaphore(%arg16 : memref<!tpu.dma_semaphore, #tpu.memory_space<semaphore_mem>>)
      %dma_start3A_252 = arith.constant 1 : i32
      %dma_start3A_253 = arith.constant 1 : i32
      %dma_start3A_254 = arith.constant 128 : i32
      %dma_start3A_255 = arith.constant 0 : i32
      %dma_start3A_256 = tpu.memref_slice %arg12[%dma_start3A_253, %dma_start3A_254, %dma_start3A_255] : memref<2x512x64xf32, #tpu.memory_space<vmem>> -> memref<1x128x64xf32, #tpu.memory_space<vmem>>
      %dma_start3A_257 = tpu.memref_squeeze %dma_start3A_256 : memref<1x128x64xf32, #tpu.memory_space<vmem>> -> memref<128x64xf32, #tpu.memory_space<vmem>>
      %dma_start3A_258 = arith.constant 128 : i32
      %dma_start3A_259 = tpu.memref_slice %arg11[%dma_start3A_252, %dma_start3A_258] : memref<2x512xi32, #tpu.memory_space<vmem>> -> memref<1x128xi32, #tpu.memory_space<vmem>>
      %dma_start3A_260 = tpu.memref_squeeze %dma_start3A_259 : memref<1x128xi32, #tpu.memory_space<vmem>> -> memref<128xi32, #tpu.memory_space<vmem>>
      %dma_start3A_261 = arith.constant 0 : i32
      %dma_start3A_262 = arith.constant 0 : i32
      %dma_start3A_263 = tpu.memref_slice %arg2[%dma_start3A_261, %dma_start3A_262] : memref<501568x64xf32, #tpu.memory_space<hbm>> -> memref<501568x64xf32, #tpu.memory_space<hbm>>
      tpu.enqueue_indirect_dma source(%dma_start3A_263 : memref<501568x64xf32, #tpu.memory_space<hbm>>) target(%dma_start3A_257 : memref<128x64xf32, #tpu.memory_space<vmem>>) offsets(%dma_start3A_260 : memref<128xi32, #tpu.memory_space<vmem>>) semaphore(%arg16 : memref<!tpu.dma_semaphore, #tpu.memory_space<semaphore_mem>>)
      %dma_start3A_264 = arith.constant 1 : i32
      %dma_start3A_265 = arith.constant 1 : i32
      %dma_start3A_266 = arith.constant 256 : i32
      %dma_start3A_267 = arith.constant 0 : i32
      %dma_start3A_268 = tpu.memref_slice %arg12[%dma_start3A_265, %dma_start3A_266, %dma_start3A_267] : memref<2x512x64xf32, #tpu.memory_space<vmem>> -> memref<1x128x64xf32, #tpu.memory_space<vmem>>
      %dma_start3A_269 = tpu.memref_squeeze %dma_start3A_268 : memref<1x128x64xf32, #tpu.memory_space<vmem>> -> memref<128x64xf32, #tpu.memory_space<vmem>>
      %dma_start3A_270 = arith.constant 256 : i32
      %dma_start3A_271 = tpu.memref_slice %arg11[%dma_start3A_264, %dma_start3A_270] : memref<2x512xi32, #tpu.memory_space<vmem>> -> memref<1x128xi32, #tpu.memory_space<vmem>>
      %dma_start3A_272 = tpu.memref_squeeze %dma_start3A_271 : memref<1x128xi32, #tpu.memory_space<vmem>> -> memref<128xi32, #tpu.memory_space<vmem>>
      %dma_start3A_273 = arith.constant 0 : i32
      %dma_start3A_274 = arith.constant 0 : i32
      %dma_start3A_275 = tpu.memref_slice %arg2[%dma_start3A_273, %dma_start3A_274] : memref<501568x64xf32, #tpu.memory_space<hbm>> -> memref<501568x64xf32, #tpu.memory_space<hbm>>
      tpu.enqueue_indirect_dma source(%dma_start3A_275 : memref<501568x64xf32, #tpu.memory_space<hbm>>) target(%dma_start3A_269 : memref<128x64xf32, #tpu.memory_space<vmem>>) offsets(%dma_start3A_272 : memref<128xi32, #tpu.memory_space<vmem>>) semaphore(%arg16 : memref<!tpu.dma_semaphore, #tpu.memory_space<semaphore_mem>>)
      %dma_start3A_276 = arith.constant 1 : i32
      %dma_start3A_277 = arith.constant 1 : i32
      %dma_start3A_278 = arith.constant 384 : i32
      %dma_start3A_279 = arith.constant 0 : i32
      %dma_start3A_280 = tpu.memref_slice %arg12[%dma_start3A_277, %dma_start3A_278, %dma_start3A_279] : memref<2x512x64xf32, #tpu.memory_space<vmem>> -> memref<1x128x64xf32, #tpu.memory_space<vmem>>
      %dma_start3A_281 = tpu.memref_squeeze %dma_start3A_280 : memref<1x128x64xf32, #tpu.memory_space<vmem>> -> memref<128x64xf32, #tpu.memory_space<vmem>>
      %dma_start3A_282 = arith.constant 384 : i32
      %dma_start3A_283 = tpu.memref_slice %arg11[%dma_start3A_276, %dma_start3A_282] : memref<2x512xi32, #tpu.memory_space<vmem>> -> memref<1x128xi32, #tpu.memory_space<vmem>>
      %dma_start3A_284 = tpu.memref_squeeze %dma_start3A_283 : memref<1x128xi32, #tpu.memory_space<vmem>> -> memref<128xi32, #tpu.memory_space<vmem>>
      %dma_start3A_285 = arith.constant 0 : i32
      %dma_start3A_286 = arith.constant 0 : i32
      %dma_start3A_287 = tpu.memref_slice %arg2[%dma_start3A_285, %dma_start3A_286] : memref<501568x64xf32, #tpu.memory_space<hbm>> -> memref<501568x64xf32, #tpu.memory_space<hbm>>
      tpu.enqueue_indirect_dma source(%dma_start3A_287 : memref<501568x64xf32, #tpu.memory_space<hbm>>) target(%dma_start3A_281 : memref<128x64xf32, #tpu.memory_space<vmem>>) offsets(%dma_start3A_284 : memref<128xi32, #tpu.memory_space<vmem>>) semaphore(%arg16 : memref<!tpu.dma_semaphore, #tpu.memory_space<semaphore_mem>>)
      %add3A_288 = arith.addi %mul3A_2, %add3A_150 : i32
      %parallel_loop3A_289 = arith.constant 0 : i32
      %parallel_loop3A_290 = arith.constant 128 : i32
      %parallel_loop3A_291 = arith.constant 1 : i32
      scf.for %parallel_loop3A_436 = %parallel_loop3A_289 to %parallel_loop3A_290 step %parallel_loop3A_291  : i32 {
        %parallel_loop3A_437 = arith.constant 0 : i32
        %parallel_loop3A_438 = arith.constant 16 : i32
        %parallel_loop3A_439 = arith.muli %parallel_loop3A_437, %parallel_loop3A_438 : i32
        %parallel_loop3A_440 = arith.constant 0 : i32
        %parallel_loop3A_441 = arith.index_cast %parallel_loop3A_440 : i32 to index
        %parallel_loop3A_442 = arith.index_cast %parallel_loop3A_436 : i32 to index
        %parallel_loop3A_443 = arith.index_cast %parallel_loop3A_439 : i32 to index
        %parallel_loop3A_444 = tpu.vector_load %arg12[%parallel_loop3A_441, %parallel_loop3A_442, %parallel_loop3A_443] {strides = array<i32>} : memref<2x512x64xf32, #tpu.memory_space<vmem>>, vector<1x1x16xf32>,
        %parallel_loop3A_445 = vector.shape_cast %parallel_loop3A_444 : vector<1x1x16xf32> to vector<16xf32>
        %parallel_loop3A_446 = arith.constant 128 : i32
        %parallel_loop3A_447 = arith.addi %parallel_loop3A_446, %parallel_loop3A_436 : i32
        %parallel_loop3A_448 = arith.constant 0 : i32
        %parallel_loop3A_449 = arith.index_cast %parallel_loop3A_448 : i32 to index
        %parallel_loop3A_450 = arith.index_cast %parallel_loop3A_447 : i32 to index
        %parallel_loop3A_451 = arith.index_cast %parallel_loop3A_439 : i32 to index
        %parallel_loop3A_452 = tpu.vector_load %arg12[%parallel_loop3A_449, %parallel_loop3A_450, %parallel_loop3A_451] {strides = array<i32>} : memref<2x512x64xf32, #tpu.memory_space<vmem>>, vector<1x1x16xf32>,
        %parallel_loop3A_453 = vector.shape_cast %parallel_loop3A_452 : vector<1x1x16xf32> to vector<16xf32>
        %parallel_loop3A_454 = arith.addf %parallel_loop3A_445, %parallel_loop3A_453 : vector<16xf32>
        %parallel_loop3A_455 = arith.constant 256 : i32
        %parallel_loop3A_456 = arith.addi %parallel_loop3A_455, %parallel_loop3A_436 : i32
        %parallel_loop3A_457 = arith.constant 0 : i32
        %parallel_loop3A_458 = arith.index_cast %parallel_loop3A_457 : i32 to index
        %parallel_loop3A_459 = arith.index_cast %parallel_loop3A_456 : i32 to index
        %parallel_loop3A_460 = arith.index_cast %parallel_loop3A_439 : i32 to index
        %parallel_loop3A_461 = tpu.vector_load %arg12[%parallel_loop3A_458, %parallel_loop3A_459, %parallel_loop3A_460] {strides = array<i32>} : memref<2x512x64xf32, #tpu.memory_space<vmem>>, vector<1x1x16xf32>,
        %parallel_loop3A_462 = vector.shape_cast %parallel_loop3A_461 : vector<1x1x16xf32> to vector<16xf32>
        %parallel_loop3A_463 = arith.addf %parallel_loop3A_454, %parallel_loop3A_462 : vector<16xf32>
        %parallel_loop3A_464 = arith.constant 384 : i32
        %parallel_loop3A_465 = arith.addi %parallel_loop3A_464, %parallel_loop3A_436 : i32
        %parallel_loop3A_466 = arith.constant 0 : i32
        %parallel_loop3A_467 = arith.index_cast %parallel_loop3A_466 : i32 to index
        %parallel_loop3A_468 = arith.index_cast %parallel_loop3A_465 : i32 to index
        %parallel_loop3A_469 = arith.index_cast %parallel_loop3A_439 : i32 to index
        %parallel_loop3A_470 = tpu.vector_load %arg12[%parallel_loop3A_467, %parallel_loop3A_468, %parallel_loop3A_469] {strides = array<i32>} : memref<2x512x64xf32, #tpu.memory_space<vmem>>, vector<1x1x16xf32>,
        %parallel_loop3A_471 = vector.shape_cast %parallel_loop3A_470 : vector<1x1x16xf32> to vector<16xf32>
        %parallel_loop3A_472 = arith.addf %parallel_loop3A_463, %parallel_loop3A_471 : vector<16xf32>
        %parallel_loop3A_473 = arith.index_cast %parallel_loop3A_436 : i32 to index
        %parallel_loop3A_474 = arith.index_cast %parallel_loop3A_439 : i32 to index
        %parallel_loop3A_475 = tpu.vector_load %arg13[%parallel_loop3A_473, %parallel_loop3A_474] {strides = array<i32>} : memref<128x64xf32, #tpu.memory_space<vmem>>, vector<1x16xf32>,
        %parallel_loop3A_476 = vector.shape_cast %parallel_loop3A_475 : vector<1x16xf32> to vector<16xf32>
        %parallel_loop3A_477 = vector.shape_cast %parallel_loop3A_472 : vector<16xf32> to vector<1x16xf32>
        tpu.vector_store %arg13[%parallel_loop3A_473, %parallel_loop3A_474], %parallel_loop3A_477 {strides = array<i32>} : memref<128x64xf32, #tpu.memory_space<vmem>>, vector<1x16xf32>,
        %parallel_loop3A_478 = arith.constant 1 : i32
        %parallel_loop3A_479 = arith.constant 16 : i32
        %parallel_loop3A_480 = arith.muli %parallel_loop3A_478, %parallel_loop3A_479 : i32
        %parallel_loop3A_481 = arith.constant 0 : i32
        %parallel_loop3A_482 = arith.index_cast %parallel_loop3A_481 : i32 to index
        %parallel_loop3A_483 = arith.index_cast %parallel_loop3A_436 : i32 to index
        %parallel_loop3A_484 = arith.index_cast %parallel_loop3A_480 : i32 to index
        %parallel_loop3A_485 = tpu.vector_load %arg12[%parallel_loop3A_482, %parallel_loop3A_483, %parallel_loop3A_484] {strides = array<i32>} : memref<2x512x64xf32, #tpu.memory_space<vmem>>, vector<1x1x16xf32>,
        %parallel_loop3A_486 = vector.shape_cast %parallel_loop3A_485 : vector<1x1x16xf32> to vector<16xf32>
        %parallel_loop3A_487 = arith.constant 128 : i32
        %parallel_loop3A_488 = arith.addi %parallel_loop3A_487, %parallel_loop3A_436 : i32
        %parallel_loop3A_489 = arith.constant 0 : i32
        %parallel_loop3A_490 = arith.index_cast %parallel_loop3A_489 : i32 to index
        %parallel_loop3A_491 = arith.index_cast %parallel_loop3A_488 : i32 to index
        %parallel_loop3A_492 = arith.index_cast %parallel_loop3A_480 : i32 to index
        %parallel_loop3A_493 = tpu.vector_load %arg12[%parallel_loop3A_490, %parallel_loop3A_491, %parallel_loop3A_492] {strides = array<i32>} : memref<2x512x64xf32, #tpu.memory_space<vmem>>, vector<1x1x16xf32>,
        %parallel_loop3A_494 = vector.shape_cast %parallel_loop3A_493 : vector<1x1x16xf32> to vector<16xf32>
        %parallel_loop3A_495 = arith.addf %parallel_loop3A_486, %parallel_loop3A_494 : vector<16xf32>
        %parallel_loop3A_496 = arith.constant 256 : i32
        %parallel_loop3A_497 = arith.addi %parallel_loop3A_496, %parallel_loop3A_436 : i32
        %parallel_loop3A_498 = arith.constant 0 : i32
        %parallel_loop3A_499 = arith.index_cast %parallel_loop3A_498 : i32 to index
        %parallel_loop3A_500 = arith.index_cast %parallel_loop3A_497 : i32 to index
        %parallel_loop3A_501 = arith.index_cast %parallel_loop3A_480 : i32 to index
        %parallel_loop3A_502 = tpu.vector_load %arg12[%parallel_loop3A_499, %parallel_loop3A_500, %parallel_loop3A_501] {strides = array<i32>} : memref<2x512x64xf32, #tpu.memory_space<vmem>>, vector<1x1x16xf32>,
        %parallel_loop3A_503 = vector.shape_cast %parallel_loop3A_502 : vector<1x1x16xf32> to vector<16xf32>
        %parallel_loop3A_504 = arith.addf %parallel_loop3A_495, %parallel_loop3A_503 : vector<16xf32>
        %parallel_loop3A_505 = arith.constant 384 : i32
        %parallel_loop3A_506 = arith.addi %parallel_loop3A_505, %parallel_loop3A_436 : i32
        %parallel_loop3A_507 = arith.constant 0 : i32
        %parallel_loop3A_508 = arith.index_cast %parallel_loop3A_507 : i32 to index
        %parallel_loop3A_509 = arith.index_cast %parallel_loop3A_506 : i32 to index
        %parallel_loop3A_510 = arith.index_cast %parallel_loop3A_480 : i32 to index
        %parallel_loop3A_511 = tpu.vector_load %arg12[%parallel_loop3A_508, %parallel_loop3A_509, %parallel_loop3A_510] {strides = array<i32>} : memref<2x512x64xf32, #tpu.memory_space<vmem>>, vector<1x1x16xf32>,
        %parallel_loop3A_512 = vector.shape_cast %parallel_loop3A_511 : vector<1x1x16xf32> to vector<16xf32>
        %parallel_loop3A_513 = arith.addf %parallel_loop3A_504, %parallel_loop3A_512 : vector<16xf32>
        %parallel_loop3A_514 = arith.index_cast %parallel_loop3A_436 : i32 to index
        %parallel_loop3A_515 = arith.index_cast %parallel_loop3A_480 : i32 to index
        %parallel_loop3A_516 = tpu.vector_load %arg13[%parallel_loop3A_514, %parallel_loop3A_515] {strides = array<i32>} : memref<128x64xf32, #tpu.memory_space<vmem>>, vector<1x16xf32>,
        %parallel_loop3A_517 = vector.shape_cast %parallel_loop3A_516 : vector<1x16xf32> to vector<16xf32>
        %parallel_loop3A_518 = vector.shape_cast %parallel_loop3A_513 : vector<16xf32> to vector<1x16xf32>
        tpu.vector_store %arg13[%parallel_loop3A_514, %parallel_loop3A_515], %parallel_loop3A_518 {strides = array<i32>} : memref<128x64xf32, #tpu.memory_space<vmem>>, vector<1x16xf32>,
        %parallel_loop3A_519 = arith.constant 2 : i32
        %parallel_loop3A_520 = arith.constant 16 : i32
        %parallel_loop3A_521 = arith.muli %parallel_loop3A_519, %parallel_loop3A_520 : i32
        %parallel_loop3A_522 = arith.constant 0 : i32
        %parallel_loop3A_523 = arith.index_cast %parallel_loop3A_522 : i32 to index
        %parallel_loop3A_524 = arith.index_cast %parallel_loop3A_436 : i32 to index
        %parallel_loop3A_525 = arith.index_cast %parallel_loop3A_521 : i32 to index
        %parallel_loop3A_526 = tpu.vector_load %arg12[%parallel_loop3A_523, %parallel_loop3A_524, %parallel_loop3A_525] {strides = array<i32>} : memref<2x512x64xf32, #tpu.memory_space<vmem>>, vector<1x1x16xf32>,
        %parallel_loop3A_527 = vector.shape_cast %parallel_loop3A_526 : vector<1x1x16xf32> to vector<16xf32>
        %parallel_loop3A_528 = arith.constant 128 : i32
        %parallel_loop3A_529 = arith.addi %parallel_loop3A_528, %parallel_loop3A_436 : i32
        %parallel_loop3A_530 = arith.constant 0 : i32
        %parallel_loop3A_531 = arith.index_cast %parallel_loop3A_530 : i32 to index
        %parallel_loop3A_532 = arith.index_cast %parallel_loop3A_529 : i32 to index
        %parallel_loop3A_533 = arith.index_cast %parallel_loop3A_521 : i32 to index
        %parallel_loop3A_534 = tpu.vector_load %arg12[%parallel_loop3A_531, %parallel_loop3A_532, %parallel_loop3A_533] {strides = array<i32>} : memref<2x512x64xf32, #tpu.memory_space<vmem>>, vector<1x1x16xf32>,
        %parallel_loop3A_535 = vector.shape_cast %parallel_loop3A_534 : vector<1x1x16xf32> to vector<16xf32>
        %parallel_loop3A_536 = arith.addf %parallel_loop3A_527, %parallel_loop3A_535 : vector<16xf32>
        %parallel_loop3A_537 = arith.constant 256 : i32
        %parallel_loop3A_538 = arith.addi %parallel_loop3A_537, %parallel_loop3A_436 : i32
        %parallel_loop3A_539 = arith.constant 0 : i32
        %parallel_loop3A_540 = arith.index_cast %parallel_loop3A_539 : i32 to index
        %parallel_loop3A_541 = arith.index_cast %parallel_loop3A_538 : i32 to index
        %parallel_loop3A_542 = arith.index_cast %parallel_loop3A_521 : i32 to index
        %parallel_loop3A_543 = tpu.vector_load %arg12[%parallel_loop3A_540, %parallel_loop3A_541, %parallel_loop3A_542] {strides = array<i32>} : memref<2x512x64xf32, #tpu.memory_space<vmem>>, vector<1x1x16xf32>,
        %parallel_loop3A_544 = vector.shape_cast %parallel_loop3A_543 : vector<1x1x16xf32> to vector<16xf32>
        %parallel_loop3A_545 = arith.addf %parallel_loop3A_536, %parallel_loop3A_544 : vector<16xf32>
        %parallel_loop3A_546 = arith.constant 384 : i32
        %parallel_loop3A_547 = arith.addi %parallel_loop3A_546, %parallel_loop3A_436 : i32
        %parallel_loop3A_548 = arith.constant 0 : i32
        %parallel_loop3A_549 = arith.index_cast %parallel_loop3A_548 : i32 to index
        %parallel_loop3A_550 = arith.index_cast %parallel_loop3A_547 : i32 to index
        %parallel_loop3A_551 = arith.index_cast %parallel_loop3A_521 : i32 to index
        %parallel_loop3A_552 = tpu.vector_load %arg12[%parallel_loop3A_549, %parallel_loop3A_550, %parallel_loop3A_551] {strides = array<i32>} : memref<2x512x64xf32, #tpu.memory_space<vmem>>, vector<1x1x16xf32>,
        %parallel_loop3A_553 = vector.shape_cast %parallel_loop3A_552 : vector<1x1x16xf32> to vector<16xf32>
        %parallel_loop3A_554 = arith.addf %parallel_loop3A_545, %parallel_loop3A_553 : vector<16xf32>
        %parallel_loop3A_555 = arith.index_cast %parallel_loop3A_436 : i32 to index
        %parallel_loop3A_556 = arith.index_cast %parallel_loop3A_521 : i32 to index
        %parallel_loop3A_557 = tpu.vector_load %arg13[%parallel_loop3A_555, %parallel_loop3A_556] {strides = array<i32>} : memref<128x64xf32, #tpu.memory_space<vmem>>, vector<1x16xf32>,
        %parallel_loop3A_558 = vector.shape_cast %parallel_loop3A_557 : vector<1x16xf32> to vector<16xf32>
        %parallel_loop3A_559 = vector.shape_cast %parallel_loop3A_554 : vector<16xf32> to vector<1x16xf32>
        tpu.vector_store %arg13[%parallel_loop3A_555, %parallel_loop3A_556], %parallel_loop3A_559 {strides = array<i32>} : memref<128x64xf32, #tpu.memory_space<vmem>>, vector<1x16xf32>,
        %parallel_loop3A_560 = arith.constant 3 : i32
        %parallel_loop3A_561 = arith.constant 16 : i32
        %parallel_loop3A_562 = arith.muli %parallel_loop3A_560, %parallel_loop3A_561 : i32
        %parallel_loop3A_563 = arith.constant 0 : i32
        %parallel_loop3A_564 = arith.index_cast %parallel_loop3A_563 : i32 to index
        %parallel_loop3A_565 = arith.index_cast %parallel_loop3A_436 : i32 to index
        %parallel_loop3A_566 = arith.index_cast %parallel_loop3A_562 : i32 to index
        %parallel_loop3A_567 = tpu.vector_load %arg12[%parallel_loop3A_564, %parallel_loop3A_565, %parallel_loop3A_566] {strides = array<i32>} : memref<2x512x64xf32, #tpu.memory_space<vmem>>, vector<1x1x16xf32>,
        %parallel_loop3A_568 = vector.shape_cast %parallel_loop3A_567 : vector<1x1x16xf32> to vector<16xf32>
        %parallel_loop3A_569 = arith.constant 128 : i32
        %parallel_loop3A_570 = arith.addi %parallel_loop3A_569, %parallel_loop3A_436 : i32
        %parallel_loop3A_571 = arith.constant 0 : i32
        %parallel_loop3A_572 = arith.index_cast %parallel_loop3A_571 : i32 to index
        %parallel_loop3A_573 = arith.index_cast %parallel_loop3A_570 : i32 to index
        %parallel_loop3A_574 = arith.index_cast %parallel_loop3A_562 : i32 to index
        %parallel_loop3A_575 = tpu.vector_load %arg12[%parallel_loop3A_572, %parallel_loop3A_573, %parallel_loop3A_574] {strides = array<i32>} : memref<2x512x64xf32, #tpu.memory_space<vmem>>, vector<1x1x16xf32>,
        %parallel_loop3A_576 = vector.shape_cast %parallel_loop3A_575 : vector<1x1x16xf32> to vector<16xf32>
        %parallel_loop3A_577 = arith.addf %parallel_loop3A_568, %parallel_loop3A_576 : vector<16xf32>
        %parallel_loop3A_578 = arith.constant 256 : i32
        %parallel_loop3A_579 = arith.addi %parallel_loop3A_578, %parallel_loop3A_436 : i32
        %parallel_loop3A_580 = arith.constant 0 : i32
        %parallel_loop3A_581 = arith.index_cast %parallel_loop3A_580 : i32 to index
        %parallel_loop3A_582 = arith.index_cast %parallel_loop3A_579 : i32 to index
        %parallel_loop3A_583 = arith.index_cast %parallel_loop3A_562 : i32 to index
        %parallel_loop3A_584 = tpu.vector_load %arg12[%parallel_loop3A_581, %parallel_loop3A_582, %parallel_loop3A_583] {strides = array<i32>} : memref<2x512x64xf32, #tpu.memory_space<vmem>>, vector<1x1x16xf32>,
        %parallel_loop3A_585 = vector.shape_cast %parallel_loop3A_584 : vector<1x1x16xf32> to vector<16xf32>
        %parallel_loop3A_586 = arith.addf %parallel_loop3A_577, %parallel_loop3A_585 : vector<16xf32>
        %parallel_loop3A_587 = arith.constant 384 : i32
        %parallel_loop3A_588 = arith.addi %parallel_loop3A_587, %parallel_loop3A_436 : i32
        %parallel_loop3A_589 = arith.constant 0 : i32
        %parallel_loop3A_590 = arith.index_cast %parallel_loop3A_589 : i32 to index
        %parallel_loop3A_591 = arith.index_cast %parallel_loop3A_588 : i32 to index
        %parallel_loop3A_592 = arith.index_cast %parallel_loop3A_562 : i32 to index
        %parallel_loop3A_593 = tpu.vector_load %arg12[%parallel_loop3A_590, %parallel_loop3A_591, %parallel_loop3A_592] {strides = array<i32>} : memref<2x512x64xf32, #tpu.memory_space<vmem>>, vector<1x1x16xf32>,
        %parallel_loop3A_594 = vector.shape_cast %parallel_loop3A_593 : vector<1x1x16xf32> to vector<16xf32>
        %parallel_loop3A_595 = arith.addf %parallel_loop3A_586, %parallel_loop3A_594 : vector<16xf32>
        %parallel_loop3A_596 = arith.index_cast %parallel_loop3A_436 : i32 to index
        %parallel_loop3A_597 = arith.index_cast %parallel_loop3A_562 : i32 to index
        %parallel_loop3A_598 = tpu.vector_load %arg13[%parallel_loop3A_596, %parallel_loop3A_597] {strides = array<i32>} : memref<128x64xf32, #tpu.memory_space<vmem>>, vector<1x16xf32>,
        %parallel_loop3A_599 = vector.shape_cast %parallel_loop3A_598 : vector<1x16xf32> to vector<16xf32>
        %parallel_loop3A_600 = vector.shape_cast %parallel_loop3A_595 : vector<16xf32> to vector<1x16xf32>
        tpu.vector_store %arg13[%parallel_loop3A_596, %parallel_loop3A_597], %parallel_loop3A_600 {strides = array<i32>} : memref<128x64xf32, #tpu.memory_space<vmem>>, vector<1x16xf32>,
      } {sc.loop_unroll_factor = 4 : i64, sc.parallel_access}
      "tpu.region"() ({
        %run_scoped3A = tpu.sem_alloc : memref<!tpu.dma_semaphore, #tpu.memory_space<semaphore_mem>>
        %dma_start3A_436 = arith.constant 0 : i32
        %dma_start3A_437 = tpu.memref_slice %arg6[%add3A_288, %dma_start3A_436] : memref<819200x64xf32, #tpu.memory_space<hbm>> -> memref<128x64xf32, #tpu.memory_space<hbm>>
        %dma_start3A_438 = arith.constant 0 : i32
        %dma_start3A_439 = tpu.memref_slice %arg6[%add3A_288, %dma_start3A_438] : memref<819200x64xf32, #tpu.memory_space<hbm>> -> memref<128x64xf32, #tpu.memory_space<hbm>>
        tpu.enqueue_dma source(%arg13 : memref<128x64xf32, #tpu.memory_space<vmem>>) target(%dma_start3A_439 : memref<128x64xf32, #tpu.memory_space<hbm>>) target_semaphore(%run_scoped3A : memref<!tpu.dma_semaphore, #tpu.memory_space<semaphore_mem>>)
        %dma_wait3A_440 = arith.constant 0 : i32
        %dma_wait3A_441 = tpu.memref_slice %arg6[%add3A_288, %dma_wait3A_440] : memref<819200x64xf32, #tpu.memory_space<hbm>> -> memref<128x64xf32, #tpu.memory_space<hbm>>
        %dma_wait3A_442 = arith.constant 0 : i32
        %dma_wait3A_443 = tpu.memref_slice %arg6[%add3A_288, %dma_wait3A_442] : memref<819200x64xf32, #tpu.memory_space<hbm>> -> memref<128x64xf32, #tpu.memory_space<hbm>>
        tpu.wait_dma2 semaphore(%run_scoped3A : memref<!tpu.dma_semaphore, #tpu.memory_space<semaphore_mem>>) src(%arg13 : memref<128x64xf32, #tpu.memory_space<vmem>>) dst(%dma_wait3A_443 : memref<128x64xf32, #tpu.memory_space<hbm>>)
        tpu.yield
      }) : () -> ()
      %add3A_292 = arith.constant 128 : i32
      %add3A_293 = arith.addi %mul3A_148, %add3A_292 : i32
      %add3A_294 = arith.constant 128 : i32
      %add3A_295 = arith.addi %add3A_293, %add3A_294 : i32
      %min3A_296 = arith.constant 25472 : i32
      %min3A_297 = arith.minsi %add3A_295, %min3A_296 : i32
      %parallel_loop3A_298 = arith.constant 0 : i32
      %parallel_loop3A_299 = arith.constant 8 : i32
      %parallel_loop3A_300 = arith.constant 1 : i32
      scf.for %parallel_loop3A_436 = %parallel_loop3A_298 to %parallel_loop3A_299 step %parallel_loop3A_300  : i32 {
        %parallel_loop3A_437 = arith.constant 16 : i32
        %parallel_loop3A_438 = arith.muli %parallel_loop3A_436, %parallel_loop3A_437 : i32
        %parallel_loop3A_439 = arith.addi %min3A_297, %parallel_loop3A_438 : i32
        %parallel_loop3A_440 = arith.index_cast %parallel_loop3A_439 : i32 to index
        %parallel_loop3A_441 = tpu.vector_load %arg7[%parallel_loop3A_440] {strides = array<i32>} : memref<25600xi32, #tpu.memory_space<vmem>>, vector<16xi32>,
        %parallel_loop3A_442 = vector.shape_cast %parallel_loop3A_441 : vector<16xi32> to vector<16xi32>
        %parallel_loop3A_443 = arith.constant 100000 : i32
        %parallel_loop3A_444 = vector.broadcast %parallel_loop3A_443 : i32 to vector<16xi32>
        %parallel_loop3A_445 = arith.cmpi sge, %parallel_loop3A_442, %parallel_loop3A_444 : vector<16xi32>
        %parallel_loop3A_446 = arith.constant 500000 : i32
        %parallel_loop3A_447 = vector.broadcast %parallel_loop3A_446 : i32 to vector<16xi32>
        %parallel_loop3A_448 = arith.cmpi slt, %parallel_loop3A_442, %parallel_loop3A_447 : vector<16xi32>
        %parallel_loop3A_449 = arith.andi %parallel_loop3A_445, %parallel_loop3A_448 : vector<16xi1>
        %parallel_loop3A_450 = arith.constant 100000 : i32
        %parallel_loop3A_451 = vector.broadcast %parallel_loop3A_450 : i32 to vector<16xi32>
        %parallel_loop3A_452 = arith.subi %parallel_loop3A_442, %parallel_loop3A_451 : vector<16xi32>
        %parallel_loop3A_453 = arith.constant 0 : i32
        %parallel_loop3A_454 = vector.broadcast %parallel_loop3A_453 : i32 to vector<16xi32>
        %parallel_loop3A_455 = arith.select %parallel_loop3A_449, %parallel_loop3A_452, %parallel_loop3A_454 : vector<16xi1>, vector<16xi32>
        %parallel_loop3A_456 = arith.constant 16 : i32
        %parallel_loop3A_457 = arith.muli %parallel_loop3A_436, %parallel_loop3A_456 : i32
        %parallel_loop3A_458 = arith.constant 0 : i32
        %parallel_loop3A_459 = arith.index_cast %parallel_loop3A_458 : i32 to index
        %parallel_loop3A_460 = arith.index_cast %parallel_loop3A_457 : i32 to index
        %parallel_loop3A_461 = tpu.vector_load %arg9[%parallel_loop3A_459, %parallel_loop3A_460] {strides = array<i32>} : memref<2x128xi32, #tpu.memory_space<vmem>>, vector<1x16xi32>,
        %parallel_loop3A_462 = vector.shape_cast %parallel_loop3A_461 : vector<1x16xi32> to vector<16xi32>
        %parallel_loop3A_463 = vector.shape_cast %parallel_loop3A_455 : vector<16xi32> to vector<1x16xi32>
        tpu.vector_store %arg9[%parallel_loop3A_459, %parallel_loop3A_460], %parallel_loop3A_463 {strides = array<i32>} : memref<2x128xi32, #tpu.memory_space<vmem>>, vector<1x16xi32>,
      } {sc.loop_unroll_factor = 4 : i64, sc.parallel_access}
      %dma_start3A_301 = arith.constant 0 : i32
      %dma_start3A_302 = arith.constant 0 : i32
      %dma_start3A_303 = arith.constant 0 : i32
      %dma_start3A_304 = tpu.memref_slice %arg10[%dma_start3A_302, %dma_start3A_303] : memref<2x128xi32, #tpu.memory_space<vmem>> -> memref<1x128xi32, #tpu.memory_space<vmem>>
      %dma_start3A_305 = tpu.memref_squeeze %dma_start3A_304 : memref<1x128xi32, #tpu.memory_space<vmem>> -> memref<128xi32, #tpu.memory_space<vmem>>
      %dma_start3A_306 = arith.constant 0 : i32
      %dma_start3A_307 = tpu.memref_slice %arg9[%dma_start3A_301, %dma_start3A_306] : memref<2x128xi32, #tpu.memory_space<vmem>> -> memref<1x128xi32, #tpu.memory_space<vmem>>
      %dma_start3A_308 = tpu.memref_squeeze %dma_start3A_307 : memref<1x128xi32, #tpu.memory_space<vmem>> -> memref<128xi32, #tpu.memory_space<vmem>>
      %dma_start3A_309 = arith.constant 0 : i32
      %dma_start3A_310 = tpu.memref_slice %arg4[%dma_start3A_309] : memref<400000xi32, #tpu.memory_space<hbm>> -> memref<400000xi32, #tpu.memory_space<hbm>>
      tpu.enqueue_indirect_dma source(%dma_start3A_310 : memref<400000xi32, #tpu.memory_space<hbm>>) target(%dma_start3A_305 : memref<128xi32, #tpu.memory_space<vmem>>) offsets(%dma_start3A_308 : memref<128xi32, #tpu.memory_space<vmem>>) semaphore(%arg14 : memref<!tpu.dma_semaphore, #tpu.memory_space<semaphore_mem>>)
      %dma_wait3A_311 = arith.constant 0 : i32
      %dma_wait3A_312 = arith.constant 0 : i32
      %dma_wait3A_313 = arith.constant 0 : i32
      %dma_wait3A_314 = tpu.memref_slice %arg10[%dma_wait3A_312, %dma_wait3A_313] : memref<2x128xi32, #tpu.memory_space<vmem>> -> memref<1x128xi32, #tpu.memory_space<vmem>>
      %dma_wait3A_315 = tpu.memref_squeeze %dma_wait3A_314 : memref<1x128xi32, #tpu.memory_space<vmem>> -> memref<128xi32, #tpu.memory_space<vmem>>
      %dma_wait3A_316 = arith.constant 0 : i32
      %dma_wait3A_317 = tpu.memref_slice %arg9[%dma_wait3A_311, %dma_wait3A_316] : memref<2x128xi32, #tpu.memory_space<vmem>> -> memref<1x128xi32, #tpu.memory_space<vmem>>
      %dma_wait3A_318 = tpu.memref_squeeze %dma_wait3A_317 : memref<1x128xi32, #tpu.memory_space<vmem>> -> memref<128xi32, #tpu.memory_space<vmem>>
      %dma_wait3A_319 = arith.constant 0 : i32
      %dma_wait3A_320 = tpu.memref_slice %arg4[%dma_wait3A_319] : memref<400000xi32, #tpu.memory_space<hbm>> -> memref<400000xi32, #tpu.memory_space<hbm>>
      tpu.wait_indirect_dma semaphore(%arg14 : memref<!tpu.dma_semaphore, #tpu.memory_space<semaphore_mem>>) src(%dma_wait3A_320 : memref<400000xi32, #tpu.memory_space<hbm>>) dst(%dma_wait3A_315 : memref<128xi32, #tpu.memory_space<vmem>>)
      %parallel_loop3A_321 = arith.constant 0 : i32
      %parallel_loop3A_322 = arith.constant 8 : i32
      %parallel_loop3A_323 = arith.constant 1 : i32
      scf.for %parallel_loop3A_436 = %parallel_loop3A_321 to %parallel_loop3A_322 step %parallel_loop3A_323  : i32 {
        %parallel_loop3A_437 = arith.constant 16 : i32
        %parallel_loop3A_438 = arith.muli %parallel_loop3A_436, %parallel_loop3A_437 : i32
        %parallel_loop3A_439 = arith.addi %min3A_297, %parallel_loop3A_438 : i32
        %parallel_loop3A_440 = arith.index_cast %parallel_loop3A_439 : i32 to index
        %parallel_loop3A_441 = tpu.vector_load %arg7[%parallel_loop3A_440] {strides = array<i32>} : memref<25600xi32, #tpu.memory_space<vmem>>, vector<16xi32>,
        %parallel_loop3A_442 = vector.shape_cast %parallel_loop3A_441 : vector<16xi32> to vector<16xi32>
        %parallel_loop3A_443 = arith.constant 0 : i32
        %parallel_loop3A_444 = arith.index_cast %parallel_loop3A_443 : i32 to index
        %parallel_loop3A_445 = arith.index_cast %parallel_loop3A_438 : i32 to index
        %parallel_loop3A_446 = tpu.vector_load %arg10[%parallel_loop3A_444, %parallel_loop3A_445] {strides = array<i32>} : memref<2x128xi32, #tpu.memory_space<vmem>>, vector<1x16xi32>,
        %parallel_loop3A_447 = vector.shape_cast %parallel_loop3A_446 : vector<1x16xi32> to vector<16xi32>
        %parallel_loop3A_448 = arith.constant 100000 : i32
        %parallel_loop3A_449 = vector.broadcast %parallel_loop3A_448 : i32 to vector<16xi32>
        %parallel_loop3A_450 = arith.cmpi slt, %parallel_loop3A_442, %parallel_loop3A_449 : vector<16xi32>
        %parallel_loop3A_451 = arith.constant 500000 : i32
        %parallel_loop3A_452 = vector.broadcast %parallel_loop3A_451 : i32 to vector<16xi32>
        %parallel_loop3A_453 = arith.cmpi sge, %parallel_loop3A_442, %parallel_loop3A_452 : vector<16xi32>
        %parallel_loop3A_454 = arith.constant 100000 : i32
        %parallel_loop3A_455 = vector.broadcast %parallel_loop3A_454 : i32 to vector<16xi32>
        %parallel_loop3A_456 = arith.cmpi sge, %parallel_loop3A_442, %parallel_loop3A_455 : vector<16xi32>
        %parallel_loop3A_457 = arith.constant 500000 : i32
        %parallel_loop3A_458 = vector.broadcast %parallel_loop3A_457 : i32 to vector<16xi32>
        %parallel_loop3A_459 = arith.cmpi slt, %parallel_loop3A_442, %parallel_loop3A_458 : vector<16xi32>
        %parallel_loop3A_460 = arith.andi %parallel_loop3A_456, %parallel_loop3A_459 : vector<16xi1>
        %parallel_loop3A_461 = arith.constant 100000 : i32
        %parallel_loop3A_462 = vector.broadcast %parallel_loop3A_461 : i32 to vector<16xi32>
        %parallel_loop3A_463 = arith.subi %parallel_loop3A_442, %parallel_loop3A_462 : vector<16xi32>
        %parallel_loop3A_464 = arith.sitofp %parallel_loop3A_463 : vector<16xi32> to vector<16xf32>
        %parallel_loop3A_465 = arith.constant 0.00157977885 : f32
        %parallel_loop3A_466 = vector.broadcast %parallel_loop3A_465 : f32 to vector<16xf32>
        %parallel_loop3A_467 = arith.mulf %parallel_loop3A_464, %parallel_loop3A_466 : vector<16xf32>
        %parallel_loop3A_468 = arith.fptosi %parallel_loop3A_467 : vector<16xf32> to vector<16xi32>
        %parallel_loop3A_469 = arith.constant 633 : i32
        %parallel_loop3A_470 = vector.broadcast %parallel_loop3A_469 : i32 to vector<16xi32>
        %parallel_loop3A_471 = arith.muli %parallel_loop3A_468, %parallel_loop3A_470 : vector<16xi32>
        %parallel_loop3A_472 = arith.subi %parallel_loop3A_463, %parallel_loop3A_471 : vector<16xi32>
        %parallel_loop3A_473 = arith.constant 633 : i32
        %parallel_loop3A_474 = vector.broadcast %parallel_loop3A_473 : i32 to vector<16xi32>
        %parallel_loop3A_475 = arith.cmpi sge, %parallel_loop3A_472, %parallel_loop3A_474 : vector<16xi32>
        %parallel_loop3A_476 = arith.constant 1 : i32
        %parallel_loop3A_477 = arith.constant 0 : i32
        %parallel_loop3A_478 = vector.broadcast %parallel_loop3A_476 : i32 to vector<16xi32>
        %parallel_loop3A_479 = vector.broadcast %parallel_loop3A_477 : i32 to vector<16xi32>
        %parallel_loop3A_480 = arith.select %parallel_loop3A_475, %parallel_loop3A_478, %parallel_loop3A_479 : vector<16xi1>, vector<16xi32>
        %parallel_loop3A_481 = arith.addi %parallel_loop3A_468, %parallel_loop3A_480 : vector<16xi32>
        %parallel_loop3A_482 = arith.constant 0 : i32
        %parallel_loop3A_483 = vector.broadcast %parallel_loop3A_482 : i32 to vector<16xi32>
        %parallel_loop3A_484 = arith.cmpi slt, %parallel_loop3A_472, %parallel_loop3A_483 : vector<16xi32>
        %parallel_loop3A_485 = arith.constant 1 : i32
        %parallel_loop3A_486 = arith.constant 0 : i32
        %parallel_loop3A_487 = vector.broadcast %parallel_loop3A_485 : i32 to vector<16xi32>
        %parallel_loop3A_488 = vector.broadcast %parallel_loop3A_486 : i32 to vector<16xi32>
        %parallel_loop3A_489 = arith.select %parallel_loop3A_484, %parallel_loop3A_487, %parallel_loop3A_488 : vector<16xi1>, vector<16xi32>
        %parallel_loop3A_490 = arith.subi %parallel_loop3A_481, %parallel_loop3A_489 : vector<16xi32>
        %parallel_loop3A_491 = arith.constant 633 : i32
        %parallel_loop3A_492 = vector.broadcast %parallel_loop3A_491 : i32 to vector<16xi32>
        %parallel_loop3A_493 = arith.muli %parallel_loop3A_490, %parallel_loop3A_492 : vector<16xi32>
        %parallel_loop3A_494 = arith.subi %parallel_loop3A_463, %parallel_loop3A_493 : vector<16xi32>
        %parallel_loop3A_495 = arith.constant 500000 : i32
        %parallel_loop3A_496 = vector.broadcast %parallel_loop3A_495 : i32 to vector<16xi32>
        %parallel_loop3A_497 = arith.subi %parallel_loop3A_442, %parallel_loop3A_496 : vector<16xi32>
        %parallel_loop3A_498 = arith.constant 8 : i32
        %parallel_loop3A_499 = vector.broadcast %parallel_loop3A_498 : i32 to vector<16xi32>
        %parallel_loop3A_500 = arith.shrsi %parallel_loop3A_497, %parallel_loop3A_499 : vector<16xi32>
        %parallel_loop3A_501 = arith.constant 255 : i32
        %parallel_loop3A_502 = vector.broadcast %parallel_loop3A_501 : i32 to vector<16xi32>
        %parallel_loop3A_503 = arith.andi %parallel_loop3A_497, %parallel_loop3A_502 : vector<16xi32>
        %parallel_loop3A_504 = arith.constant 0 : index
        %parallel_loop3A_505 = tpu.vector_load %arg8[%parallel_loop3A_504] {strides = array<i32>} : memref<192xi32, #tpu.memory_space<vmem>>, vector<16xi32>,
        %parallel_loop3A_506 = vector.shape_cast %parallel_loop3A_505 : vector<16xi32> to vector<16xi32>
        %parallel_loop3A_507 = arith.constant 64 : index
        %parallel_loop3A_508 = tpu.vector_load %arg8[%parallel_loop3A_507] {strides = array<i32>} : memref<192xi32, #tpu.memory_space<vmem>>, vector<16xi32>,
        %parallel_loop3A_509 = vector.shape_cast %parallel_loop3A_508 : vector<16xi32> to vector<16xi32>
        %parallel_loop3A_510 = arith.constant 128 : index
        %parallel_loop3A_511 = tpu.vector_load %arg8[%parallel_loop3A_510] {strides = array<i32>} : memref<192xi32, #tpu.memory_space<vmem>>, vector<16xi32>,
        %parallel_loop3A_512 = vector.shape_cast %parallel_loop3A_511 : vector<16xi32> to vector<16xi32>
        %parallel_loop3A_513 = arith.muli %parallel_loop3A_500, %parallel_loop3A_506 : vector<16xi32>
        %parallel_loop3A_514 = arith.muli %parallel_loop3A_503, %parallel_loop3A_509 : vector<16xi32>
        %parallel_loop3A_515 = arith.addi %parallel_loop3A_513, %parallel_loop3A_514 : vector<16xi32>
        %parallel_loop3A_516 = arith.addi %parallel_loop3A_515, %parallel_loop3A_512 : vector<16xi32>
        %parallel_loop3A_517 = arith.sitofp %parallel_loop3A_516 : vector<16xi32> to vector<16xf32>
        %parallel_loop3A_518 = arith.constant 9.99999974E-6 : f32
        %parallel_loop3A_519 = vector.broadcast %parallel_loop3A_518 : f32 to vector<16xf32>
        %parallel_loop3A_520 = arith.mulf %parallel_loop3A_517, %parallel_loop3A_519 : vector<16xf32>
        %parallel_loop3A_521 = arith.fptosi %parallel_loop3A_520 : vector<16xf32> to vector<16xi32>
        %parallel_loop3A_522 = arith.constant 100000 : i32
        %parallel_loop3A_523 = vector.broadcast %parallel_loop3A_522 : i32 to vector<16xi32>
        %parallel_loop3A_524 = arith.muli %parallel_loop3A_521, %parallel_loop3A_523 : vector<16xi32>
        %parallel_loop3A_525 = arith.subi %parallel_loop3A_516, %parallel_loop3A_524 : vector<16xi32>
        %parallel_loop3A_526 = arith.constant 0 : i32
        %parallel_loop3A_527 = vector.broadcast %parallel_loop3A_526 : i32 to vector<16xi32>
        %parallel_loop3A_528 = arith.cmpi slt, %parallel_loop3A_525, %parallel_loop3A_527 : vector<16xi32>
        %parallel_loop3A_529 = arith.constant 100000 : i32
        %parallel_loop3A_530 = arith.constant 0 : i32
        %parallel_loop3A_531 = vector.broadcast %parallel_loop3A_529 : i32 to vector<16xi32>
        %parallel_loop3A_532 = vector.broadcast %parallel_loop3A_530 : i32 to vector<16xi32>
        %parallel_loop3A_533 = arith.select %parallel_loop3A_528, %parallel_loop3A_531, %parallel_loop3A_532 : vector<16xi1>, vector<16xi32>
        %parallel_loop3A_534 = arith.addi %parallel_loop3A_525, %parallel_loop3A_533 : vector<16xi32>
        %parallel_loop3A_535 = arith.constant 100000 : i32
        %parallel_loop3A_536 = vector.broadcast %parallel_loop3A_535 : i32 to vector<16xi32>
        %parallel_loop3A_537 = arith.cmpi sge, %parallel_loop3A_534, %parallel_loop3A_536 : vector<16xi32>
        %parallel_loop3A_538 = arith.constant 100000 : i32
        %parallel_loop3A_539 = arith.constant 0 : i32
        %parallel_loop3A_540 = vector.broadcast %parallel_loop3A_538 : i32 to vector<16xi32>
        %parallel_loop3A_541 = vector.broadcast %parallel_loop3A_539 : i32 to vector<16xi32>
        %parallel_loop3A_542 = arith.select %parallel_loop3A_537, %parallel_loop3A_540, %parallel_loop3A_541 : vector<16xi1>, vector<16xi32>
        %parallel_loop3A_543 = arith.subi %parallel_loop3A_534, %parallel_loop3A_542 : vector<16xi32>
        %parallel_loop3A_544 = arith.constant 16 : index
        %parallel_loop3A_545 = tpu.vector_load %arg8[%parallel_loop3A_544] {strides = array<i32>} : memref<192xi32, #tpu.memory_space<vmem>>, vector<16xi32>,
        %parallel_loop3A_546 = vector.shape_cast %parallel_loop3A_545 : vector<16xi32> to vector<16xi32>
        %parallel_loop3A_547 = arith.constant 80 : index
        %parallel_loop3A_548 = tpu.vector_load %arg8[%parallel_loop3A_547] {strides = array<i32>} : memref<192xi32, #tpu.memory_space<vmem>>, vector<16xi32>,
        %parallel_loop3A_549 = vector.shape_cast %parallel_loop3A_548 : vector<16xi32> to vector<16xi32>
        %parallel_loop3A_550 = arith.constant 144 : index
        %parallel_loop3A_551 = tpu.vector_load %arg8[%parallel_loop3A_550] {strides = array<i32>} : memref<192xi32, #tpu.memory_space<vmem>>, vector<16xi32>,
        %parallel_loop3A_552 = vector.shape_cast %parallel_loop3A_551 : vector<16xi32> to vector<16xi32>
        %parallel_loop3A_553 = arith.muli %parallel_loop3A_500, %parallel_loop3A_546 : vector<16xi32>
        %parallel_loop3A_554 = arith.muli %parallel_loop3A_503, %parallel_loop3A_549 : vector<16xi32>
        %parallel_loop3A_555 = arith.addi %parallel_loop3A_553, %parallel_loop3A_554 : vector<16xi32>
        %parallel_loop3A_556 = arith.addi %parallel_loop3A_555, %parallel_loop3A_552 : vector<16xi32>
        %parallel_loop3A_557 = arith.sitofp %parallel_loop3A_556 : vector<16xi32> to vector<16xf32>
        %parallel_loop3A_558 = arith.constant 9.99999974E-6 : f32
        %parallel_loop3A_559 = vector.broadcast %parallel_loop3A_558 : f32 to vector<16xf32>
        %parallel_loop3A_560 = arith.mulf %parallel_loop3A_557, %parallel_loop3A_559 : vector<16xf32>
        %parallel_loop3A_561 = arith.fptosi %parallel_loop3A_560 : vector<16xf32> to vector<16xi32>
        %parallel_loop3A_562 = arith.constant 100000 : i32
        %parallel_loop3A_563 = vector.broadcast %parallel_loop3A_562 : i32 to vector<16xi32>
        %parallel_loop3A_564 = arith.muli %parallel_loop3A_561, %parallel_loop3A_563 : vector<16xi32>
        %parallel_loop3A_565 = arith.subi %parallel_loop3A_556, %parallel_loop3A_564 : vector<16xi32>
        %parallel_loop3A_566 = arith.constant 0 : i32
        %parallel_loop3A_567 = vector.broadcast %parallel_loop3A_566 : i32 to vector<16xi32>
        %parallel_loop3A_568 = arith.cmpi slt, %parallel_loop3A_565, %parallel_loop3A_567 : vector<16xi32>
        %parallel_loop3A_569 = arith.constant 100000 : i32
        %parallel_loop3A_570 = arith.constant 0 : i32
        %parallel_loop3A_571 = vector.broadcast %parallel_loop3A_569 : i32 to vector<16xi32>
        %parallel_loop3A_572 = vector.broadcast %parallel_loop3A_570 : i32 to vector<16xi32>
        %parallel_loop3A_573 = arith.select %parallel_loop3A_568, %parallel_loop3A_571, %parallel_loop3A_572 : vector<16xi1>, vector<16xi32>
        %parallel_loop3A_574 = arith.addi %parallel_loop3A_565, %parallel_loop3A_573 : vector<16xi32>
        %parallel_loop3A_575 = arith.constant 100000 : i32
        %parallel_loop3A_576 = vector.broadcast %parallel_loop3A_575 : i32 to vector<16xi32>
        %parallel_loop3A_577 = arith.cmpi sge, %parallel_loop3A_574, %parallel_loop3A_576 : vector<16xi32>
        %parallel_loop3A_578 = arith.constant 100000 : i32
        %parallel_loop3A_579 = arith.constant 0 : i32
        %parallel_loop3A_580 = vector.broadcast %parallel_loop3A_578 : i32 to vector<16xi32>
        %parallel_loop3A_581 = vector.broadcast %parallel_loop3A_579 : i32 to vector<16xi32>
        %parallel_loop3A_582 = arith.select %parallel_loop3A_577, %parallel_loop3A_580, %parallel_loop3A_581 : vector<16xi1>, vector<16xi32>
        %parallel_loop3A_583 = arith.subi %parallel_loop3A_574, %parallel_loop3A_582 : vector<16xi32>
        %parallel_loop3A_584 = arith.constant 32 : index
        %parallel_loop3A_585 = tpu.vector_load %arg8[%parallel_loop3A_584] {strides = array<i32>} : memref<192xi32, #tpu.memory_space<vmem>>, vector<16xi32>,
        %parallel_loop3A_586 = vector.shape_cast %parallel_loop3A_585 : vector<16xi32> to vector<16xi32>
        %parallel_loop3A_587 = arith.constant 96 : index
        %parallel_loop3A_588 = tpu.vector_load %arg8[%parallel_loop3A_587] {strides = array<i32>} : memref<192xi32, #tpu.memory_space<vmem>>, vector<16xi32>,
        %parallel_loop3A_589 = vector.shape_cast %parallel_loop3A_588 : vector<16xi32> to vector<16xi32>
        %parallel_loop3A_590 = arith.constant 160 : index
        %parallel_loop3A_591 = tpu.vector_load %arg8[%parallel_loop3A_590] {strides = array<i32>} : memref<192xi32, #tpu.memory_space<vmem>>, vector<16xi32>,
        %parallel_loop3A_592 = vector.shape_cast %parallel_loop3A_591 : vector<16xi32> to vector<16xi32>
        %parallel_loop3A_593 = arith.muli %parallel_loop3A_500, %parallel_loop3A_586 : vector<16xi32>
        %parallel_loop3A_594 = arith.muli %parallel_loop3A_503, %parallel_loop3A_589 : vector<16xi32>
        %parallel_loop3A_595 = arith.addi %parallel_loop3A_593, %parallel_loop3A_594 : vector<16xi32>
        %parallel_loop3A_596 = arith.addi %parallel_loop3A_595, %parallel_loop3A_592 : vector<16xi32>
        %parallel_loop3A_597 = arith.sitofp %parallel_loop3A_596 : vector<16xi32> to vector<16xf32>
        %parallel_loop3A_598 = arith.constant 9.99999974E-6 : f32
        %parallel_loop3A_599 = vector.broadcast %parallel_loop3A_598 : f32 to vector<16xf32>
        %parallel_loop3A_600 = arith.mulf %parallel_loop3A_597, %parallel_loop3A_599 : vector<16xf32>
        %parallel_loop3A_601 = arith.fptosi %parallel_loop3A_600 : vector<16xf32> to vector<16xi32>
        %parallel_loop3A_602 = arith.constant 100000 : i32
        %parallel_loop3A_603 = vector.broadcast %parallel_loop3A_602 : i32 to vector<16xi32>
        %parallel_loop3A_604 = arith.muli %parallel_loop3A_601, %parallel_loop3A_603 : vector<16xi32>
        %parallel_loop3A_605 = arith.subi %parallel_loop3A_596, %parallel_loop3A_604 : vector<16xi32>
        %parallel_loop3A_606 = arith.constant 0 : i32
        %parallel_loop3A_607 = vector.broadcast %parallel_loop3A_606 : i32 to vector<16xi32>
        %parallel_loop3A_608 = arith.cmpi slt, %parallel_loop3A_605, %parallel_loop3A_607 : vector<16xi32>
        %parallel_loop3A_609 = arith.constant 100000 : i32
        %parallel_loop3A_610 = arith.constant 0 : i32
        %parallel_loop3A_611 = vector.broadcast %parallel_loop3A_609 : i32 to vector<16xi32>
        %parallel_loop3A_612 = vector.broadcast %parallel_loop3A_610 : i32 to vector<16xi32>
        %parallel_loop3A_613 = arith.select %parallel_loop3A_608, %parallel_loop3A_611, %parallel_loop3A_612 : vector<16xi1>, vector<16xi32>
        %parallel_loop3A_614 = arith.addi %parallel_loop3A_605, %parallel_loop3A_613 : vector<16xi32>
        %parallel_loop3A_615 = arith.constant 100000 : i32
        %parallel_loop3A_616 = vector.broadcast %parallel_loop3A_615 : i32 to vector<16xi32>
        %parallel_loop3A_617 = arith.cmpi sge, %parallel_loop3A_614, %parallel_loop3A_616 : vector<16xi32>
        %parallel_loop3A_618 = arith.constant 100000 : i32
        %parallel_loop3A_619 = arith.constant 0 : i32
        %parallel_loop3A_620 = vector.broadcast %parallel_loop3A_618 : i32 to vector<16xi32>
        %parallel_loop3A_621 = vector.broadcast %parallel_loop3A_619 : i32 to vector<16xi32>
        %parallel_loop3A_622 = arith.select %parallel_loop3A_617, %parallel_loop3A_620, %parallel_loop3A_621 : vector<16xi1>, vector<16xi32>
        %parallel_loop3A_623 = arith.subi %parallel_loop3A_614, %parallel_loop3A_622 : vector<16xi32>
        %parallel_loop3A_624 = arith.constant 48 : index
        %parallel_loop3A_625 = tpu.vector_load %arg8[%parallel_loop3A_624] {strides = array<i32>} : memref<192xi32, #tpu.memory_space<vmem>>, vector<16xi32>,
        %parallel_loop3A_626 = vector.shape_cast %parallel_loop3A_625 : vector<16xi32> to vector<16xi32>
        %parallel_loop3A_627 = arith.constant 112 : index
        %parallel_loop3A_628 = tpu.vector_load %arg8[%parallel_loop3A_627] {strides = array<i32>} : memref<192xi32, #tpu.memory_space<vmem>>, vector<16xi32>,
        %parallel_loop3A_629 = vector.shape_cast %parallel_loop3A_628 : vector<16xi32> to vector<16xi32>
        %parallel_loop3A_630 = arith.constant 176 : index
        %parallel_loop3A_631 = tpu.vector_load %arg8[%parallel_loop3A_630] {strides = array<i32>} : memref<192xi32, #tpu.memory_space<vmem>>, vector<16xi32>,
        %parallel_loop3A_632 = vector.shape_cast %parallel_loop3A_631 : vector<16xi32> to vector<16xi32>
        %parallel_loop3A_633 = arith.muli %parallel_loop3A_500, %parallel_loop3A_626 : vector<16xi32>
        %parallel_loop3A_634 = arith.muli %parallel_loop3A_503, %parallel_loop3A_629 : vector<16xi32>
        %parallel_loop3A_635 = arith.addi %parallel_loop3A_633, %parallel_loop3A_634 : vector<16xi32>
        %parallel_loop3A_636 = arith.addi %parallel_loop3A_635, %parallel_loop3A_632 : vector<16xi32>
        %parallel_loop3A_637 = arith.sitofp %parallel_loop3A_636 : vector<16xi32> to vector<16xf32>
        %parallel_loop3A_638 = arith.constant 9.99999974E-6 : f32
        %parallel_loop3A_639 = vector.broadcast %parallel_loop3A_638 : f32 to vector<16xf32>
        %parallel_loop3A_640 = arith.mulf %parallel_loop3A_637, %parallel_loop3A_639 : vector<16xf32>
        %parallel_loop3A_641 = arith.fptosi %parallel_loop3A_640 : vector<16xf32> to vector<16xi32>
        %parallel_loop3A_642 = arith.constant 100000 : i32
        %parallel_loop3A_643 = vector.broadcast %parallel_loop3A_642 : i32 to vector<16xi32>
        %parallel_loop3A_644 = arith.muli %parallel_loop3A_641, %parallel_loop3A_643 : vector<16xi32>
        %parallel_loop3A_645 = arith.subi %parallel_loop3A_636, %parallel_loop3A_644 : vector<16xi32>
        %parallel_loop3A_646 = arith.constant 0 : i32
        %parallel_loop3A_647 = vector.broadcast %parallel_loop3A_646 : i32 to vector<16xi32>
        %parallel_loop3A_648 = arith.cmpi slt, %parallel_loop3A_645, %parallel_loop3A_647 : vector<16xi32>
        %parallel_loop3A_649 = arith.constant 100000 : i32
        %parallel_loop3A_650 = arith.constant 0 : i32
        %parallel_loop3A_651 = vector.broadcast %parallel_loop3A_649 : i32 to vector<16xi32>
        %parallel_loop3A_652 = vector.broadcast %parallel_loop3A_650 : i32 to vector<16xi32>
        %parallel_loop3A_653 = arith.select %parallel_loop3A_648, %parallel_loop3A_651, %parallel_loop3A_652 : vector<16xi1>, vector<16xi32>
        %parallel_loop3A_654 = arith.addi %parallel_loop3A_645, %parallel_loop3A_653 : vector<16xi32>
        %parallel_loop3A_655 = arith.constant 100000 : i32
        %parallel_loop3A_656 = vector.broadcast %parallel_loop3A_655 : i32 to vector<16xi32>
        %parallel_loop3A_657 = arith.cmpi sge, %parallel_loop3A_654, %parallel_loop3A_656 : vector<16xi32>
        %parallel_loop3A_658 = arith.constant 100000 : i32
        %parallel_loop3A_659 = arith.constant 0 : i32
        %parallel_loop3A_660 = vector.broadcast %parallel_loop3A_658 : i32 to vector<16xi32>
        %parallel_loop3A_661 = vector.broadcast %parallel_loop3A_659 : i32 to vector<16xi32>
        %parallel_loop3A_662 = arith.select %parallel_loop3A_657, %parallel_loop3A_660, %parallel_loop3A_661 : vector<16xi1>, vector<16xi32>
        %parallel_loop3A_663 = arith.subi %parallel_loop3A_654, %parallel_loop3A_662 : vector<16xi32>
        %parallel_loop3A_664 = arith.constant 100000 : i32
        %parallel_loop3A_665 = vector.broadcast %parallel_loop3A_664 : i32 to vector<16xi32>
        %parallel_loop3A_666 = arith.addi %parallel_loop3A_665, %parallel_loop3A_494 : vector<16xi32>
        %parallel_loop3A_667 = arith.constant 101568 : i32
        %parallel_loop3A_668 = vector.broadcast %parallel_loop3A_667 : i32 to vector<16xi32>
        %parallel_loop3A_669 = arith.addi %parallel_loop3A_668, %parallel_loop3A_543 : vector<16xi32>
        %parallel_loop3A_670 = arith.select %parallel_loop3A_460, %parallel_loop3A_666, %parallel_loop3A_669 : vector<16xi1>, vector<16xi32>
        %parallel_loop3A_671 = arith.select %parallel_loop3A_450, %parallel_loop3A_442, %parallel_loop3A_670 : vector<16xi1>, vector<16xi32>
        %parallel_loop3A_672 = arith.constant 100640 : i32
        %parallel_loop3A_673 = vector.broadcast %parallel_loop3A_672 : i32 to vector<16xi32>
        %parallel_loop3A_674 = arith.addi %parallel_loop3A_673, %parallel_loop3A_490 : vector<16xi32>
        %parallel_loop3A_675 = arith.constant 201568 : i32
        %parallel_loop3A_676 = vector.broadcast %parallel_loop3A_675 : i32 to vector<16xi32>
        %parallel_loop3A_677 = arith.addi %parallel_loop3A_676, %parallel_loop3A_583 : vector<16xi32>
        %parallel_loop3A_678 = arith.constant 101536 : i32
        %parallel_loop3A_679 = vector.broadcast %parallel_loop3A_678 : i32 to vector<16xi32>
        %parallel_loop3A_680 = arith.select %parallel_loop3A_453, %parallel_loop3A_677, %parallel_loop3A_679 : vector<16xi1>, vector<16xi32>
        %parallel_loop3A_681 = arith.select %parallel_loop3A_460, %parallel_loop3A_674, %parallel_loop3A_680 : vector<16xi1>, vector<16xi32>
        %parallel_loop3A_682 = arith.constant 301568 : i32
        %parallel_loop3A_683 = vector.broadcast %parallel_loop3A_682 : i32 to vector<16xi32>
        %parallel_loop3A_684 = arith.addi %parallel_loop3A_683, %parallel_loop3A_623 : vector<16xi32>
        %parallel_loop3A_685 = arith.constant 101536 : i32
        %parallel_loop3A_686 = vector.broadcast %parallel_loop3A_685 : i32 to vector<16xi32>
        %parallel_loop3A_687 = arith.select %parallel_loop3A_453, %parallel_loop3A_684, %parallel_loop3A_686 : vector<16xi1>, vector<16xi32>
        %parallel_loop3A_688 = arith.select %parallel_loop3A_460, %parallel_loop3A_447, %parallel_loop3A_687 : vector<16xi1>, vector<16xi32>
        %parallel_loop3A_689 = arith.constant 401568 : i32
        %parallel_loop3A_690 = vector.broadcast %parallel_loop3A_689 : i32 to vector<16xi32>
        %parallel_loop3A_691 = arith.addi %parallel_loop3A_690, %parallel_loop3A_663 : vector<16xi32>
        %parallel_loop3A_692 = arith.constant 101536 : i32
        %parallel_loop3A_693 = vector.broadcast %parallel_loop3A_692 : i32 to vector<16xi32>
        %parallel_loop3A_694 = arith.select %parallel_loop3A_453, %parallel_loop3A_691, %parallel_loop3A_693 : vector<16xi1>, vector<16xi32>
        %parallel_loop3A_695 = arith.constant 0 : i32
        %parallel_loop3A_696 = arith.index_cast %parallel_loop3A_695 : i32 to index
        %parallel_loop3A_697 = arith.index_cast %parallel_loop3A_438 : i32 to index
        %parallel_loop3A_698 = tpu.vector_load %arg11[%parallel_loop3A_696, %parallel_loop3A_697] {strides = array<i32>} : memref<2x512xi32, #tpu.memory_space<vmem>>, vector<1x16xi32>,
        %parallel_loop3A_699 = vector.shape_cast %parallel_loop3A_698 : vector<1x16xi32> to vector<16xi32>
        %parallel_loop3A_700 = vector.shape_cast %parallel_loop3A_671 : vector<16xi32> to vector<1x16xi32>
        tpu.vector_store %arg11[%parallel_loop3A_696, %parallel_loop3A_697], %parallel_loop3A_700 {strides = array<i32>} : memref<2x512xi32, #tpu.memory_space<vmem>>, vector<1x16xi32>,
        %parallel_loop3A_701 = arith.constant 128 : i32
        %parallel_loop3A_702 = arith.addi %parallel_loop3A_701, %parallel_loop3A_438 : i32
        %parallel_loop3A_703 = arith.constant 0 : i32
        %parallel_loop3A_704 = arith.index_cast %parallel_loop3A_703 : i32 to index
        %parallel_loop3A_705 = arith.index_cast %parallel_loop3A_702 : i32 to index
        %parallel_loop3A_706 = tpu.vector_load %arg11[%parallel_loop3A_704, %parallel_loop3A_705] {strides = array<i32>} : memref<2x512xi32, #tpu.memory_space<vmem>>, vector<1x16xi32>,
        %parallel_loop3A_707 = vector.shape_cast %parallel_loop3A_706 : vector<1x16xi32> to vector<16xi32>
        %parallel_loop3A_708 = vector.shape_cast %parallel_loop3A_681 : vector<16xi32> to vector<1x16xi32>
        tpu.vector_store %arg11[%parallel_loop3A_704, %parallel_loop3A_705], %parallel_loop3A_708 {strides = array<i32>} : memref<2x512xi32, #tpu.memory_space<vmem>>, vector<1x16xi32>,
        %parallel_loop3A_709 = arith.constant 256 : i32
        %parallel_loop3A_710 = arith.addi %parallel_loop3A_709, %parallel_loop3A_438 : i32
        %parallel_loop3A_711 = arith.constant 0 : i32
        %parallel_loop3A_712 = arith.index_cast %parallel_loop3A_711 : i32 to index
        %parallel_loop3A_713 = arith.index_cast %parallel_loop3A_710 : i32 to index
        %parallel_loop3A_714 = tpu.vector_load %arg11[%parallel_loop3A_712, %parallel_loop3A_713] {strides = array<i32>} : memref<2x512xi32, #tpu.memory_space<vmem>>, vector<1x16xi32>,
        %parallel_loop3A_715 = vector.shape_cast %parallel_loop3A_714 : vector<1x16xi32> to vector<16xi32>
        %parallel_loop3A_716 = vector.shape_cast %parallel_loop3A_688 : vector<16xi32> to vector<1x16xi32>
        tpu.vector_store %arg11[%parallel_loop3A_712, %parallel_loop3A_713], %parallel_loop3A_716 {strides = array<i32>} : memref<2x512xi32, #tpu.memory_space<vmem>>, vector<1x16xi32>,
        %parallel_loop3A_717 = arith.constant 384 : i32
        %parallel_loop3A_718 = arith.addi %parallel_loop3A_717, %parallel_loop3A_438 : i32
        %parallel_loop3A_719 = arith.constant 0 : i32
        %parallel_loop3A_720 = arith.index_cast %parallel_loop3A_719 : i32 to index
        %parallel_loop3A_721 = arith.index_cast %parallel_loop3A_718 : i32 to index
        %parallel_loop3A_722 = tpu.vector_load %arg11[%parallel_loop3A_720, %parallel_loop3A_721] {strides = array<i32>} : memref<2x512xi32, #tpu.memory_space<vmem>>, vector<1x16xi32>,
        %parallel_loop3A_723 = vector.shape_cast %parallel_loop3A_722 : vector<1x16xi32> to vector<16xi32>
        %parallel_loop3A_724 = vector.shape_cast %parallel_loop3A_694 : vector<16xi32> to vector<1x16xi32>
        tpu.vector_store %arg11[%parallel_loop3A_720, %parallel_loop3A_721], %parallel_loop3A_724 {strides = array<i32>} : memref<2x512xi32, #tpu.memory_space<vmem>>, vector<1x16xi32>,
      } {sc.loop_unroll_factor = 2 : i64, sc.parallel_access}
      %dma_wait3A_324 = arith.constant 1 : i32
      %dma_wait3A_325 = arith.constant 0 : i32
      %dma_wait3A_326 = arith.constant 0 : i32
      %dma_wait3A_327 = tpu.memref_slice %arg12[%dma_wait3A_324, %dma_wait3A_325, %dma_wait3A_326] : memref<2x512x64xf32, #tpu.memory_space<vmem>> -> memref<1x128x64xf32, #tpu.memory_space<vmem>>
      %dma_wait3A_328 = tpu.memref_squeeze %dma_wait3A_327 : memref<1x128x64xf32, #tpu.memory_space<vmem>> -> memref<128x64xf32, #tpu.memory_space<vmem>>
      %dma_wait3A_329 = arith.constant 0 : i32
      %dma_wait3A_330 = arith.constant 0 : i32
      %dma_wait3A_331 = tpu.memref_slice %arg2[%dma_wait3A_329, %dma_wait3A_330] : memref<501568x64xf32, #tpu.memory_space<hbm>> -> memref<128x64xf32, #tpu.memory_space<hbm>>
      %dma_wait3A_332 = arith.constant 0 : i32
      %dma_wait3A_333 = arith.constant 0 : i32
      %dma_wait3A_334 = tpu.memref_slice %arg12[%dma_wait3A_324, %dma_wait3A_332, %dma_wait3A_333] : memref<2x512x64xf32, #tpu.memory_space<vmem>> -> memref<1x128x64xf32, #tpu.memory_space<vmem>>
      %dma_wait3A_335 = tpu.memref_squeeze %dma_wait3A_334 : memref<1x128x64xf32, #tpu.memory_space<vmem>> -> memref<128x64xf32, #tpu.memory_space<vmem>>
      %dma_wait3A_336 = arith.constant 0 : i32
      %dma_wait3A_337 = arith.constant 0 : i32
      %dma_wait3A_338 = tpu.memref_slice %arg2[%dma_wait3A_336, %dma_wait3A_337] : memref<501568x64xf32, #tpu.memory_space<hbm>> -> memref<128x64xf32, #tpu.memory_space<hbm>>
      tpu.wait_dma2 semaphore(%arg16 : memref<!tpu.dma_semaphore, #tpu.memory_space<semaphore_mem>>) src(%dma_wait3A_338 : memref<128x64xf32, #tpu.memory_space<hbm>>) dst(%dma_wait3A_335 : memref<128x64xf32, #tpu.memory_space<vmem>>)
      %dma_wait3A_339 = arith.constant 1 : i32
      %dma_wait3A_340 = arith.constant 128 : i32
      %dma_wait3A_341 = arith.constant 0 : i32
      %dma_wait3A_342 = tpu.memref_slice %arg12[%dma_wait3A_339, %dma_wait3A_340, %dma_wait3A_341] : memref<2x512x64xf32, #tpu.memory_space<vmem>> -> memref<1x128x64xf32, #tpu.memory_space<vmem>>
      %dma_wait3A_343 = tpu.memref_squeeze %dma_wait3A_342 : memref<1x128x64xf32, #tpu.memory_space<vmem>> -> memref<128x64xf32, #tpu.memory_space<vmem>>
      %dma_wait3A_344 = arith.constant 0 : i32
      %dma_wait3A_345 = arith.constant 0 : i32
      %dma_wait3A_346 = tpu.memref_slice %arg2[%dma_wait3A_344, %dma_wait3A_345] : memref<501568x64xf32, #tpu.memory_space<hbm>> -> memref<128x64xf32, #tpu.memory_space<hbm>>
      %dma_wait3A_347 = arith.constant 128 : i32
      %dma_wait3A_348 = arith.constant 0 : i32
      %dma_wait3A_349 = tpu.memref_slice %arg12[%dma_wait3A_339, %dma_wait3A_347, %dma_wait3A_348] : memref<2x512x64xf32, #tpu.memory_space<vmem>> -> memref<1x128x64xf32, #tpu.memory_space<vmem>>
      %dma_wait3A_350 = tpu.memref_squeeze %dma_wait3A_349 : memref<1x128x64xf32, #tpu.memory_space<vmem>> -> memref<128x64xf32, #tpu.memory_space<vmem>>
      %dma_wait3A_351 = arith.constant 0 : i32
      %dma_wait3A_352 = arith.constant 0 : i32
      %dma_wait3A_353 = tpu.memref_slice %arg2[%dma_wait3A_351, %dma_wait3A_352] : memref<501568x64xf32, #tpu.memory_space<hbm>> -> memref<128x64xf32, #tpu.memory_space<hbm>>
      tpu.wait_dma2 semaphore(%arg16 : memref<!tpu.dma_semaphore, #tpu.memory_space<semaphore_mem>>) src(%dma_wait3A_353 : memref<128x64xf32, #tpu.memory_space<hbm>>) dst(%dma_wait3A_350 : memref<128x64xf32, #tpu.memory_space<vmem>>)
      %dma_wait3A_354 = arith.constant 1 : i32
      %dma_wait3A_355 = arith.constant 256 : i32
      %dma_wait3A_356 = arith.constant 0 : i32
      %dma_wait3A_357 = tpu.memref_slice %arg12[%dma_wait3A_354, %dma_wait3A_355, %dma_wait3A_356] : memref<2x512x64xf32, #tpu.memory_space<vmem>> -> memref<1x128x64xf32, #tpu.memory_space<vmem>>
      %dma_wait3A_358 = tpu.memref_squeeze %dma_wait3A_357 : memref<1x128x64xf32, #tpu.memory_space<vmem>> -> memref<128x64xf32, #tpu.memory_space<vmem>>
      %dma_wait3A_359 = arith.constant 0 : i32
      %dma_wait3A_360 = arith.constant 0 : i32
      %dma_wait3A_361 = tpu.memref_slice %arg2[%dma_wait3A_359, %dma_wait3A_360] : memref<501568x64xf32, #tpu.memory_space<hbm>> -> memref<128x64xf32, #tpu.memory_space<hbm>>
      %dma_wait3A_362 = arith.constant 256 : i32
      %dma_wait3A_363 = arith.constant 0 : i32
      %dma_wait3A_364 = tpu.memref_slice %arg12[%dma_wait3A_354, %dma_wait3A_362, %dma_wait3A_363] : memref<2x512x64xf32, #tpu.memory_space<vmem>> -> memref<1x128x64xf32, #tpu.memory_space<vmem>>
      %dma_wait3A_365 = tpu.memref_squeeze %dma_wait3A_364 : memref<1x128x64xf32, #tpu.memory_space<vmem>> -> memref<128x64xf32, #tpu.memory_space<vmem>>
      %dma_wait3A_366 = arith.constant 0 : i32
      %dma_wait3A_367 = arith.constant 0 : i32
      %dma_wait3A_368 = tpu.memref_slice %arg2[%dma_wait3A_366, %dma_wait3A_367] : memref<501568x64xf32, #tpu.memory_space<hbm>> -> memref<128x64xf32, #tpu.memory_space<hbm>>
      tpu.wait_dma2 semaphore(%arg16 : memref<!tpu.dma_semaphore, #tpu.memory_space<semaphore_mem>>) src(%dma_wait3A_368 : memref<128x64xf32, #tpu.memory_space<hbm>>) dst(%dma_wait3A_365 : memref<128x64xf32, #tpu.memory_space<vmem>>)
      %dma_wait3A_369 = arith.constant 1 : i32
      %dma_wait3A_370 = arith.constant 384 : i32
      %dma_wait3A_371 = arith.constant 0 : i32
      %dma_wait3A_372 = tpu.memref_slice %arg12[%dma_wait3A_369, %dma_wait3A_370, %dma_wait3A_371] : memref<2x512x64xf32, #tpu.memory_space<vmem>> -> memref<1x128x64xf32, #tpu.memory_space<vmem>>
      %dma_wait3A_373 = tpu.memref_squeeze %dma_wait3A_372 : memref<1x128x64xf32, #tpu.memory_space<vmem>> -> memref<128x64xf32, #tpu.memory_space<vmem>>
      %dma_wait3A_374 = arith.constant 0 : i32
      %dma_wait3A_375 = arith.constant 0 : i32
      %dma_wait3A_376 = tpu.memref_slice %arg2[%dma_wait3A_374, %dma_wait3A_375] : memref<501568x64xf32, #tpu.memory_space<hbm>> -> memref<128x64xf32, #tpu.memory_space<hbm>>
      %dma_wait3A_377 = arith.constant 384 : i32
      %dma_wait3A_378 = arith.constant 0 : i32
      %dma_wait3A_379 = tpu.memref_slice %arg12[%dma_wait3A_369, %dma_wait3A_377, %dma_wait3A_378] : memref<2x512x64xf32, #tpu.memory_space<vmem>> -> memref<1x128x64xf32, #tpu.memory_space<vmem>>
      %dma_wait3A_380 = tpu.memref_squeeze %dma_wait3A_379 : memref<1x128x64xf32, #tpu.memory_space<vmem>> -> memref<128x64xf32, #tpu.memory_space<vmem>>
      %dma_wait3A_381 = arith.constant 0 : i32
      %dma_wait3A_382 = arith.constant 0 : i32
      %dma_wait3A_383 = tpu.memref_slice %arg2[%dma_wait3A_381, %dma_wait3A_382] : memref<501568x64xf32, #tpu.memory_space<hbm>> -> memref<128x64xf32, #tpu.memory_space<hbm>>
      tpu.wait_dma2 semaphore(%arg16 : memref<!tpu.dma_semaphore, #tpu.memory_space<semaphore_mem>>) src(%dma_wait3A_383 : memref<128x64xf32, #tpu.memory_space<hbm>>) dst(%dma_wait3A_380 : memref<128x64xf32, #tpu.memory_space<vmem>>)
      %dma_start3A_384 = arith.constant 0 : i32
      %dma_start3A_385 = arith.constant 0 : i32
      %dma_start3A_386 = arith.constant 0 : i32
      %dma_start3A_387 = arith.constant 0 : i32
      %dma_start3A_388 = tpu.memref_slice %arg12[%dma_start3A_385, %dma_start3A_386, %dma_start3A_387] : memref<2x512x64xf32, #tpu.memory_space<vmem>> -> memref<1x128x64xf32, #tpu.memory_space<vmem>>
      %dma_start3A_389 = tpu.memref_squeeze %dma_start3A_388 : memref<1x128x64xf32, #tpu.memory_space<vmem>> -> memref<128x64xf32, #tpu.memory_space<vmem>>
      %dma_start3A_390 = arith.constant 0 : i32
      %dma_start3A_391 = tpu.memref_slice %arg11[%dma_start3A_384, %dma_start3A_390] : memref<2x512xi32, #tpu.memory_space<vmem>> -> memref<1x128xi32, #tpu.memory_space<vmem>>
      %dma_start3A_392 = tpu.memref_squeeze %dma_start3A_391 : memref<1x128xi32, #tpu.memory_space<vmem>> -> memref<128xi32, #tpu.memory_space<vmem>>
      %dma_start3A_393 = arith.constant 0 : i32
      %dma_start3A_394 = arith.constant 0 : i32
      %dma_start3A_395 = tpu.memref_slice %arg2[%dma_start3A_393, %dma_start3A_394] : memref<501568x64xf32, #tpu.memory_space<hbm>> -> memref<501568x64xf32, #tpu.memory_space<hbm>>
      tpu.enqueue_indirect_dma source(%dma_start3A_395 : memref<501568x64xf32, #tpu.memory_space<hbm>>) target(%dma_start3A_389 : memref<128x64xf32, #tpu.memory_space<vmem>>) offsets(%dma_start3A_392 : memref<128xi32, #tpu.memory_space<vmem>>) semaphore(%arg15 : memref<!tpu.dma_semaphore, #tpu.memory_space<semaphore_mem>>)
      %dma_start3A_396 = arith.constant 0 : i32
      %dma_start3A_397 = arith.constant 0 : i32
      %dma_start3A_398 = arith.constant 128 : i32
      %dma_start3A_399 = arith.constant 0 : i32
      %dma_start3A_400 = tpu.memref_slice %arg12[%dma_start3A_397, %dma_start3A_398, %dma_start3A_399] : memref<2x512x64xf32, #tpu.memory_space<vmem>> -> memref<1x128x64xf32, #tpu.memory_space<vmem>>
      %dma_start3A_401 = tpu.memref_squeeze %dma_start3A_400 : memref<1x128x64xf32, #tpu.memory_space<vmem>> -> memref<128x64xf32, #tpu.memory_space<vmem>>
      %dma_start3A_402 = arith.constant 128 : i32
      %dma_start3A_403 = tpu.memref_slice %arg11[%dma_start3A_396, %dma_start3A_402] : memref<2x512xi32, #tpu.memory_space<vmem>> -> memref<1x128xi32, #tpu.memory_space<vmem>>
      %dma_start3A_404 = tpu.memref_squeeze %dma_start3A_403 : memref<1x128xi32, #tpu.memory_space<vmem>> -> memref<128xi32, #tpu.memory_space<vmem>>
      %dma_start3A_405 = arith.constant 0 : i32
      %dma_start3A_406 = arith.constant 0 : i32
      %dma_start3A_407 = tpu.memref_slice %arg2[%dma_start3A_405, %dma_start3A_406] : memref<501568x64xf32, #tpu.memory_space<hbm>> -> memref<501568x64xf32, #tpu.memory_space<hbm>>
      tpu.enqueue_indirect_dma source(%dma_start3A_407 : memref<501568x64xf32, #tpu.memory_space<hbm>>) target(%dma_start3A_401 : memref<128x64xf32, #tpu.memory_space<vmem>>) offsets(%dma_start3A_404 : memref<128xi32, #tpu.memory_space<vmem>>) semaphore(%arg15 : memref<!tpu.dma_semaphore, #tpu.memory_space<semaphore_mem>>)
      %dma_start3A_408 = arith.constant 0 : i32
      %dma_start3A_409 = arith.constant 0 : i32
      %dma_start3A_410 = arith.constant 256 : i32
      %dma_start3A_411 = arith.constant 0 : i32
      %dma_start3A_412 = tpu.memref_slice %arg12[%dma_start3A_409, %dma_start3A_410, %dma_start3A_411] : memref<2x512x64xf32, #tpu.memory_space<vmem>> -> memref<1x128x64xf32, #tpu.memory_space<vmem>>
      %dma_start3A_413 = tpu.memref_squeeze %dma_start3A_412 : memref<1x128x64xf32, #tpu.memory_space<vmem>> -> memref<128x64xf32, #tpu.memory_space<vmem>>
      %dma_start3A_414 = arith.constant 256 : i32
      %dma_start3A_415 = tpu.memref_slice %arg11[%dma_start3A_408, %dma_start3A_414] : memref<2x512xi32, #tpu.memory_space<vmem>> -> memref<1x128xi32, #tpu.memory_space<vmem>>
      %dma_start3A_416 = tpu.memref_squeeze %dma_start3A_415 : memref<1x128xi32, #tpu.memory_space<vmem>> -> memref<128xi32, #tpu.memory_space<vmem>>
      %dma_start3A_417 = arith.constant 0 : i32
      %dma_start3A_418 = arith.constant 0 : i32
      %dma_start3A_419 = tpu.memref_slice %arg2[%dma_start3A_417, %dma_start3A_418] : memref<501568x64xf32, #tpu.memory_space<hbm>> -> memref<501568x64xf32, #tpu.memory_space<hbm>>
      tpu.enqueue_indirect_dma source(%dma_start3A_419 : memref<501568x64xf32, #tpu.memory_space<hbm>>) target(%dma_start3A_413 : memref<128x64xf32, #tpu.memory_space<vmem>>) offsets(%dma_start3A_416 : memref<128xi32, #tpu.memory_space<vmem>>) semaphore(%arg15 : memref<!tpu.dma_semaphore, #tpu.memory_space<semaphore_mem>>)
      %dma_start3A_420 = arith.constant 0 : i32
      %dma_start3A_421 = arith.constant 0 : i32
      %dma_start3A_422 = arith.constant 384 : i32
      %dma_start3A_423 = arith.constant 0 : i32
      %dma_start3A_424 = tpu.memref_slice %arg12[%dma_start3A_421, %dma_start3A_422, %dma_start3A_423] : memref<2x512x64xf32, #tpu.memory_space<vmem>> -> memref<1x128x64xf32, #tpu.memory_space<vmem>>
      %dma_start3A_425 = tpu.memref_squeeze %dma_start3A_424 : memref<1x128x64xf32, #tpu.memory_space<vmem>> -> memref<128x64xf32, #tpu.memory_space<vmem>>
      %dma_start3A_426 = arith.constant 384 : i32
      %dma_start3A_427 = tpu.memref_slice %arg11[%dma_start3A_420, %dma_start3A_426] : memref<2x512xi32, #tpu.memory_space<vmem>> -> memref<1x128xi32, #tpu.memory_space<vmem>>
      %dma_start3A_428 = tpu.memref_squeeze %dma_start3A_427 : memref<1x128xi32, #tpu.memory_space<vmem>> -> memref<128xi32, #tpu.memory_space<vmem>>
      %dma_start3A_429 = arith.constant 0 : i32
      %dma_start3A_430 = arith.constant 0 : i32
      %dma_start3A_431 = tpu.memref_slice %arg2[%dma_start3A_429, %dma_start3A_430] : memref<501568x64xf32, #tpu.memory_space<hbm>> -> memref<501568x64xf32, #tpu.memory_space<hbm>>
      tpu.enqueue_indirect_dma source(%dma_start3A_431 : memref<501568x64xf32, #tpu.memory_space<hbm>>) target(%dma_start3A_425 : memref<128x64xf32, #tpu.memory_space<vmem>>) offsets(%dma_start3A_428 : memref<128xi32, #tpu.memory_space<vmem>>) semaphore(%arg15 : memref<!tpu.dma_semaphore, #tpu.memory_space<semaphore_mem>>)
      %add3A_432 = arith.addi %mul3A_2, %add3A_293 : i32
      %parallel_loop3A_433 = arith.constant 0 : i32
      %parallel_loop3A_434 = arith.constant 128 : i32
      %parallel_loop3A_435 = arith.constant 1 : i32
      scf.for %parallel_loop3A_436 = %parallel_loop3A_433 to %parallel_loop3A_434 step %parallel_loop3A_435  : i32 {
        %parallel_loop3A_437 = arith.constant 0 : i32
        %parallel_loop3A_438 = arith.constant 16 : i32
        %parallel_loop3A_439 = arith.muli %parallel_loop3A_437, %parallel_loop3A_438 : i32
        %parallel_loop3A_440 = arith.constant 1 : i32
        %parallel_loop3A_441 = arith.index_cast %parallel_loop3A_440 : i32 to index
        %parallel_loop3A_442 = arith.index_cast %parallel_loop3A_436 : i32 to index
        %parallel_loop3A_443 = arith.index_cast %parallel_loop3A_439 : i32 to index
        %parallel_loop3A_444 = tpu.vector_load %arg12[%parallel_loop3A_441, %parallel_loop3A_442, %parallel_loop3A_443] {strides = array<i32>} : memref<2x512x64xf32, #tpu.memory_space<vmem>>, vector<1x1x16xf32>,
        %parallel_loop3A_445 = vector.shape_cast %parallel_loop3A_444 : vector<1x1x16xf32> to vector<16xf32>
        %parallel_loop3A_446 = arith.constant 128 : i32
        %parallel_loop3A_447 = arith.addi %parallel_loop3A_446, %parallel_loop3A_436 : i32
        %parallel_loop3A_448 = arith.constant 1 : i32
        %parallel_loop3A_449 = arith.index_cast %parallel_loop3A_448 : i32 to index
        %parallel_loop3A_450 = arith.index_cast %parallel_loop3A_447 : i32 to index
        %parallel_loop3A_451 = arith.index_cast %parallel_loop3A_439 : i32 to index
        %parallel_loop3A_452 = tpu.vector_load %arg12[%parallel_loop3A_449, %parallel_loop3A_450, %parallel_loop3A_451] {strides = array<i32>} : memref<2x512x64xf32, #tpu.memory_space<vmem>>, vector<1x1x16xf32>,
        %parallel_loop3A_453 = vector.shape_cast %parallel_loop3A_452 : vector<1x1x16xf32> to vector<16xf32>
        %parallel_loop3A_454 = arith.addf %parallel_loop3A_445, %parallel_loop3A_453 : vector<16xf32>
        %parallel_loop3A_455 = arith.constant 256 : i32
        %parallel_loop3A_456 = arith.addi %parallel_loop3A_455, %parallel_loop3A_436 : i32
        %parallel_loop3A_457 = arith.constant 1 : i32
        %parallel_loop3A_458 = arith.index_cast %parallel_loop3A_457 : i32 to index
        %parallel_loop3A_459 = arith.index_cast %parallel_loop3A_456 : i32 to index
        %parallel_loop3A_460 = arith.index_cast %parallel_loop3A_439 : i32 to index
        %parallel_loop3A_461 = tpu.vector_load %arg12[%parallel_loop3A_458, %parallel_loop3A_459, %parallel_loop3A_460] {strides = array<i32>} : memref<2x512x64xf32, #tpu.memory_space<vmem>>, vector<1x1x16xf32>,
        %parallel_loop3A_462 = vector.shape_cast %parallel_loop3A_461 : vector<1x1x16xf32> to vector<16xf32>
        %parallel_loop3A_463 = arith.addf %parallel_loop3A_454, %parallel_loop3A_462 : vector<16xf32>
        %parallel_loop3A_464 = arith.constant 384 : i32
        %parallel_loop3A_465 = arith.addi %parallel_loop3A_464, %parallel_loop3A_436 : i32
        %parallel_loop3A_466 = arith.constant 1 : i32
        %parallel_loop3A_467 = arith.index_cast %parallel_loop3A_466 : i32 to index
        %parallel_loop3A_468 = arith.index_cast %parallel_loop3A_465 : i32 to index
        %parallel_loop3A_469 = arith.index_cast %parallel_loop3A_439 : i32 to index
        %parallel_loop3A_470 = tpu.vector_load %arg12[%parallel_loop3A_467, %parallel_loop3A_468, %parallel_loop3A_469] {strides = array<i32>} : memref<2x512x64xf32, #tpu.memory_space<vmem>>, vector<1x1x16xf32>,
        %parallel_loop3A_471 = vector.shape_cast %parallel_loop3A_470 : vector<1x1x16xf32> to vector<16xf32>
        %parallel_loop3A_472 = arith.addf %parallel_loop3A_463, %parallel_loop3A_471 : vector<16xf32>
        %parallel_loop3A_473 = arith.index_cast %parallel_loop3A_436 : i32 to index
        %parallel_loop3A_474 = arith.index_cast %parallel_loop3A_439 : i32 to index
        %parallel_loop3A_475 = tpu.vector_load %arg13[%parallel_loop3A_473, %parallel_loop3A_474] {strides = array<i32>} : memref<128x64xf32, #tpu.memory_space<vmem>>, vector<1x16xf32>,
        %parallel_loop3A_476 = vector.shape_cast %parallel_loop3A_475 : vector<1x16xf32> to vector<16xf32>
        %parallel_loop3A_477 = vector.shape_cast %parallel_loop3A_472 : vector<16xf32> to vector<1x16xf32>
        tpu.vector_store %arg13[%parallel_loop3A_473, %parallel_loop3A_474], %parallel_loop3A_477 {strides = array<i32>} : memref<128x64xf32, #tpu.memory_space<vmem>>, vector<1x16xf32>,
        %parallel_loop3A_478 = arith.constant 1 : i32
        %parallel_loop3A_479 = arith.constant 16 : i32
        %parallel_loop3A_480 = arith.muli %parallel_loop3A_478, %parallel_loop3A_479 : i32
        %parallel_loop3A_481 = arith.constant 1 : i32
        %parallel_loop3A_482 = arith.index_cast %parallel_loop3A_481 : i32 to index
        %parallel_loop3A_483 = arith.index_cast %parallel_loop3A_436 : i32 to index
        %parallel_loop3A_484 = arith.index_cast %parallel_loop3A_480 : i32 to index
        %parallel_loop3A_485 = tpu.vector_load %arg12[%parallel_loop3A_482, %parallel_loop3A_483, %parallel_loop3A_484] {strides = array<i32>} : memref<2x512x64xf32, #tpu.memory_space<vmem>>, vector<1x1x16xf32>,
        %parallel_loop3A_486 = vector.shape_cast %parallel_loop3A_485 : vector<1x1x16xf32> to vector<16xf32>
        %parallel_loop3A_487 = arith.constant 128 : i32
        %parallel_loop3A_488 = arith.addi %parallel_loop3A_487, %parallel_loop3A_436 : i32
        %parallel_loop3A_489 = arith.constant 1 : i32
        %parallel_loop3A_490 = arith.index_cast %parallel_loop3A_489 : i32 to index
        %parallel_loop3A_491 = arith.index_cast %parallel_loop3A_488 : i32 to index
        %parallel_loop3A_492 = arith.index_cast %parallel_loop3A_480 : i32 to index
        %parallel_loop3A_493 = tpu.vector_load %arg12[%parallel_loop3A_490, %parallel_loop3A_491, %parallel_loop3A_492] {strides = array<i32>} : memref<2x512x64xf32, #tpu.memory_space<vmem>>, vector<1x1x16xf32>,
        %parallel_loop3A_494 = vector.shape_cast %parallel_loop3A_493 : vector<1x1x16xf32> to vector<16xf32>
        %parallel_loop3A_495 = arith.addf %parallel_loop3A_486, %parallel_loop3A_494 : vector<16xf32>
        %parallel_loop3A_496 = arith.constant 256 : i32
        %parallel_loop3A_497 = arith.addi %parallel_loop3A_496, %parallel_loop3A_436 : i32
        %parallel_loop3A_498 = arith.constant 1 : i32
        %parallel_loop3A_499 = arith.index_cast %parallel_loop3A_498 : i32 to index
        %parallel_loop3A_500 = arith.index_cast %parallel_loop3A_497 : i32 to index
        %parallel_loop3A_501 = arith.index_cast %parallel_loop3A_480 : i32 to index
        %parallel_loop3A_502 = tpu.vector_load %arg12[%parallel_loop3A_499, %parallel_loop3A_500, %parallel_loop3A_501] {strides = array<i32>} : memref<2x512x64xf32, #tpu.memory_space<vmem>>, vector<1x1x16xf32>,
        %parallel_loop3A_503 = vector.shape_cast %parallel_loop3A_502 : vector<1x1x16xf32> to vector<16xf32>
        %parallel_loop3A_504 = arith.addf %parallel_loop3A_495, %parallel_loop3A_503 : vector<16xf32>
        %parallel_loop3A_505 = arith.constant 384 : i32
        %parallel_loop3A_506 = arith.addi %parallel_loop3A_505, %parallel_loop3A_436 : i32
        %parallel_loop3A_507 = arith.constant 1 : i32
        %parallel_loop3A_508 = arith.index_cast %parallel_loop3A_507 : i32 to index
        %parallel_loop3A_509 = arith.index_cast %parallel_loop3A_506 : i32 to index
        %parallel_loop3A_510 = arith.index_cast %parallel_loop3A_480 : i32 to index
        %parallel_loop3A_511 = tpu.vector_load %arg12[%parallel_loop3A_508, %parallel_loop3A_509, %parallel_loop3A_510] {strides = array<i32>} : memref<2x512x64xf32, #tpu.memory_space<vmem>>, vector<1x1x16xf32>,
        %parallel_loop3A_512 = vector.shape_cast %parallel_loop3A_511 : vector<1x1x16xf32> to vector<16xf32>
        %parallel_loop3A_513 = arith.addf %parallel_loop3A_504, %parallel_loop3A_512 : vector<16xf32>
        %parallel_loop3A_514 = arith.index_cast %parallel_loop3A_436 : i32 to index
        %parallel_loop3A_515 = arith.index_cast %parallel_loop3A_480 : i32 to index
        %parallel_loop3A_516 = tpu.vector_load %arg13[%parallel_loop3A_514, %parallel_loop3A_515] {strides = array<i32>} : memref<128x64xf32, #tpu.memory_space<vmem>>, vector<1x16xf32>,
        %parallel_loop3A_517 = vector.shape_cast %parallel_loop3A_516 : vector<1x16xf32> to vector<16xf32>
        %parallel_loop3A_518 = vector.shape_cast %parallel_loop3A_513 : vector<16xf32> to vector<1x16xf32>
        tpu.vector_store %arg13[%parallel_loop3A_514, %parallel_loop3A_515], %parallel_loop3A_518 {strides = array<i32>} : memref<128x64xf32, #tpu.memory_space<vmem>>, vector<1x16xf32>,
        %parallel_loop3A_519 = arith.constant 2 : i32
        %parallel_loop3A_520 = arith.constant 16 : i32
        %parallel_loop3A_521 = arith.muli %parallel_loop3A_519, %parallel_loop3A_520 : i32
        %parallel_loop3A_522 = arith.constant 1 : i32
        %parallel_loop3A_523 = arith.index_cast %parallel_loop3A_522 : i32 to index
        %parallel_loop3A_524 = arith.index_cast %parallel_loop3A_436 : i32 to index
        %parallel_loop3A_525 = arith.index_cast %parallel_loop3A_521 : i32 to index
        %parallel_loop3A_526 = tpu.vector_load %arg12[%parallel_loop3A_523, %parallel_loop3A_524, %parallel_loop3A_525] {strides = array<i32>} : memref<2x512x64xf32, #tpu.memory_space<vmem>>, vector<1x1x16xf32>,
        %parallel_loop3A_527 = vector.shape_cast %parallel_loop3A_526 : vector<1x1x16xf32> to vector<16xf32>
        %parallel_loop3A_528 = arith.constant 128 : i32
        %parallel_loop3A_529 = arith.addi %parallel_loop3A_528, %parallel_loop3A_436 : i32
        %parallel_loop3A_530 = arith.constant 1 : i32
        %parallel_loop3A_531 = arith.index_cast %parallel_loop3A_530 : i32 to index
        %parallel_loop3A_532 = arith.index_cast %parallel_loop3A_529 : i32 to index
        %parallel_loop3A_533 = arith.index_cast %parallel_loop3A_521 : i32 to index
        %parallel_loop3A_534 = tpu.vector_load %arg12[%parallel_loop3A_531, %parallel_loop3A_532, %parallel_loop3A_533] {strides = array<i32>} : memref<2x512x64xf32, #tpu.memory_space<vmem>>, vector<1x1x16xf32>,
        %parallel_loop3A_535 = vector.shape_cast %parallel_loop3A_534 : vector<1x1x16xf32> to vector<16xf32>
        %parallel_loop3A_536 = arith.addf %parallel_loop3A_527, %parallel_loop3A_535 : vector<16xf32>
        %parallel_loop3A_537 = arith.constant 256 : i32
        %parallel_loop3A_538 = arith.addi %parallel_loop3A_537, %parallel_loop3A_436 : i32
        %parallel_loop3A_539 = arith.constant 1 : i32
        %parallel_loop3A_540 = arith.index_cast %parallel_loop3A_539 : i32 to index
        %parallel_loop3A_541 = arith.index_cast %parallel_loop3A_538 : i32 to index
        %parallel_loop3A_542 = arith.index_cast %parallel_loop3A_521 : i32 to index
        %parallel_loop3A_543 = tpu.vector_load %arg12[%parallel_loop3A_540, %parallel_loop3A_541, %parallel_loop3A_542] {strides = array<i32>} : memref<2x512x64xf32, #tpu.memory_space<vmem>>, vector<1x1x16xf32>,
        %parallel_loop3A_544 = vector.shape_cast %parallel_loop3A_543 : vector<1x1x16xf32> to vector<16xf32>
        %parallel_loop3A_545 = arith.addf %parallel_loop3A_536, %parallel_loop3A_544 : vector<16xf32>
        %parallel_loop3A_546 = arith.constant 384 : i32
        %parallel_loop3A_547 = arith.addi %parallel_loop3A_546, %parallel_loop3A_436 : i32
        %parallel_loop3A_548 = arith.constant 1 : i32
        %parallel_loop3A_549 = arith.index_cast %parallel_loop3A_548 : i32 to index
        %parallel_loop3A_550 = arith.index_cast %parallel_loop3A_547 : i32 to index
        %parallel_loop3A_551 = arith.index_cast %parallel_loop3A_521 : i32 to index
        %parallel_loop3A_552 = tpu.vector_load %arg12[%parallel_loop3A_549, %parallel_loop3A_550, %parallel_loop3A_551] {strides = array<i32>} : memref<2x512x64xf32, #tpu.memory_space<vmem>>, vector<1x1x16xf32>,
        %parallel_loop3A_553 = vector.shape_cast %parallel_loop3A_552 : vector<1x1x16xf32> to vector<16xf32>
        %parallel_loop3A_554 = arith.addf %parallel_loop3A_545, %parallel_loop3A_553 : vector<16xf32>
        %parallel_loop3A_555 = arith.index_cast %parallel_loop3A_436 : i32 to index
        %parallel_loop3A_556 = arith.index_cast %parallel_loop3A_521 : i32 to index
        %parallel_loop3A_557 = tpu.vector_load %arg13[%parallel_loop3A_555, %parallel_loop3A_556] {strides = array<i32>} : memref<128x64xf32, #tpu.memory_space<vmem>>, vector<1x16xf32>,
        %parallel_loop3A_558 = vector.shape_cast %parallel_loop3A_557 : vector<1x16xf32> to vector<16xf32>
        %parallel_loop3A_559 = vector.shape_cast %parallel_loop3A_554 : vector<16xf32> to vector<1x16xf32>
        tpu.vector_store %arg13[%parallel_loop3A_555, %parallel_loop3A_556], %parallel_loop3A_559 {strides = array<i32>} : memref<128x64xf32, #tpu.memory_space<vmem>>, vector<1x16xf32>,
        %parallel_loop3A_560 = arith.constant 3 : i32
        %parallel_loop3A_561 = arith.constant 16 : i32
        %parallel_loop3A_562 = arith.muli %parallel_loop3A_560, %parallel_loop3A_561 : i32
        %parallel_loop3A_563 = arith.constant 1 : i32
        %parallel_loop3A_564 = arith.index_cast %parallel_loop3A_563 : i32 to index
        %parallel_loop3A_565 = arith.index_cast %parallel_loop3A_436 : i32 to index
        %parallel_loop3A_566 = arith.index_cast %parallel_loop3A_562 : i32 to index
        %parallel_loop3A_567 = tpu.vector_load %arg12[%parallel_loop3A_564, %parallel_loop3A_565, %parallel_loop3A_566] {strides = array<i32>} : memref<2x512x64xf32, #tpu.memory_space<vmem>>, vector<1x1x16xf32>,
        %parallel_loop3A_568 = vector.shape_cast %parallel_loop3A_567 : vector<1x1x16xf32> to vector<16xf32>
        %parallel_loop3A_569 = arith.constant 128 : i32
        %parallel_loop3A_570 = arith.addi %parallel_loop3A_569, %parallel_loop3A_436 : i32
        %parallel_loop3A_571 = arith.constant 1 : i32
        %parallel_loop3A_572 = arith.index_cast %parallel_loop3A_571 : i32 to index
        %parallel_loop3A_573 = arith.index_cast %parallel_loop3A_570 : i32 to index
        %parallel_loop3A_574 = arith.index_cast %parallel_loop3A_562 : i32 to index
        %parallel_loop3A_575 = tpu.vector_load %arg12[%parallel_loop3A_572, %parallel_loop3A_573, %parallel_loop3A_574] {strides = array<i32>} : memref<2x512x64xf32, #tpu.memory_space<vmem>>, vector<1x1x16xf32>,
        %parallel_loop3A_576 = vector.shape_cast %parallel_loop3A_575 : vector<1x1x16xf32> to vector<16xf32>
        %parallel_loop3A_577 = arith.addf %parallel_loop3A_568, %parallel_loop3A_576 : vector<16xf32>
        %parallel_loop3A_578 = arith.constant 256 : i32
        %parallel_loop3A_579 = arith.addi %parallel_loop3A_578, %parallel_loop3A_436 : i32
        %parallel_loop3A_580 = arith.constant 1 : i32
        %parallel_loop3A_581 = arith.index_cast %parallel_loop3A_580 : i32 to index
        %parallel_loop3A_582 = arith.index_cast %parallel_loop3A_579 : i32 to index
        %parallel_loop3A_583 = arith.index_cast %parallel_loop3A_562 : i32 to index
        %parallel_loop3A_584 = tpu.vector_load %arg12[%parallel_loop3A_581, %parallel_loop3A_582, %parallel_loop3A_583] {strides = array<i32>} : memref<2x512x64xf32, #tpu.memory_space<vmem>>, vector<1x1x16xf32>,
        %parallel_loop3A_585 = vector.shape_cast %parallel_loop3A_584 : vector<1x1x16xf32> to vector<16xf32>
        %parallel_loop3A_586 = arith.addf %parallel_loop3A_577, %parallel_loop3A_585 : vector<16xf32>
        %parallel_loop3A_587 = arith.constant 384 : i32
        %parallel_loop3A_588 = arith.addi %parallel_loop3A_587, %parallel_loop3A_436 : i32
        %parallel_loop3A_589 = arith.constant 1 : i32
        %parallel_loop3A_590 = arith.index_cast %parallel_loop3A_589 : i32 to index
        %parallel_loop3A_591 = arith.index_cast %parallel_loop3A_588 : i32 to index
        %parallel_loop3A_592 = arith.index_cast %parallel_loop3A_562 : i32 to index
        %parallel_loop3A_593 = tpu.vector_load %arg12[%parallel_loop3A_590, %parallel_loop3A_591, %parallel_loop3A_592] {strides = array<i32>} : memref<2x512x64xf32, #tpu.memory_space<vmem>>, vector<1x1x16xf32>,
        %parallel_loop3A_594 = vector.shape_cast %parallel_loop3A_593 : vector<1x1x16xf32> to vector<16xf32>
        %parallel_loop3A_595 = arith.addf %parallel_loop3A_586, %parallel_loop3A_594 : vector<16xf32>
        %parallel_loop3A_596 = arith.index_cast %parallel_loop3A_436 : i32 to index
        %parallel_loop3A_597 = arith.index_cast %parallel_loop3A_562 : i32 to index
        %parallel_loop3A_598 = tpu.vector_load %arg13[%parallel_loop3A_596, %parallel_loop3A_597] {strides = array<i32>} : memref<128x64xf32, #tpu.memory_space<vmem>>, vector<1x16xf32>,
        %parallel_loop3A_599 = vector.shape_cast %parallel_loop3A_598 : vector<1x16xf32> to vector<16xf32>
        %parallel_loop3A_600 = vector.shape_cast %parallel_loop3A_595 : vector<16xf32> to vector<1x16xf32>
        tpu.vector_store %arg13[%parallel_loop3A_596, %parallel_loop3A_597], %parallel_loop3A_600 {strides = array<i32>} : memref<128x64xf32, #tpu.memory_space<vmem>>, vector<1x16xf32>,
      } {sc.loop_unroll_factor = 4 : i64, sc.parallel_access}
      "tpu.region"() ({
        %run_scoped3A = tpu.sem_alloc : memref<!tpu.dma_semaphore, #tpu.memory_space<semaphore_mem>>
        %dma_start3A_436 = arith.constant 0 : i32
        %dma_start3A_437 = tpu.memref_slice %arg6[%add3A_432, %dma_start3A_436] : memref<819200x64xf32, #tpu.memory_space<hbm>> -> memref<128x64xf32, #tpu.memory_space<hbm>>
        %dma_start3A_438 = arith.constant 0 : i32
        %dma_start3A_439 = tpu.memref_slice %arg6[%add3A_432, %dma_start3A_438] : memref<819200x64xf32, #tpu.memory_space<hbm>> -> memref<128x64xf32, #tpu.memory_space<hbm>>
        tpu.enqueue_dma source(%arg13 : memref<128x64xf32, #tpu.memory_space<vmem>>) target(%dma_start3A_439 : memref<128x64xf32, #tpu.memory_space<hbm>>) target_semaphore(%run_scoped3A : memref<!tpu.dma_semaphore, #tpu.memory_space<semaphore_mem>>)
        %dma_wait3A_440 = arith.constant 0 : i32
        %dma_wait3A_441 = tpu.memref_slice %arg6[%add3A_432, %dma_wait3A_440] : memref<819200x64xf32, #tpu.memory_space<hbm>> -> memref<128x64xf32, #tpu.memory_space<hbm>>
        %dma_wait3A_442 = arith.constant 0 : i32
        %dma_wait3A_443 = tpu.memref_slice %arg6[%add3A_432, %dma_wait3A_442] : memref<819200x64xf32, #tpu.memory_space<hbm>> -> memref<128x64xf32, #tpu.memory_space<hbm>>
        tpu.wait_dma2 semaphore(%run_scoped3A : memref<!tpu.dma_semaphore, #tpu.memory_space<semaphore_mem>>) src(%arg13 : memref<128x64xf32, #tpu.memory_space<vmem>>) dst(%dma_wait3A_443 : memref<128x64xf32, #tpu.memory_space<hbm>>)
        tpu.yield
      }) : () -> ()
    }
    %while3A_85 = arith.constant 1 : i32
    scf.for %while3A_146 = %while3A_83 to %while3A_79 step %while3A_85  : i32 {
      %mul3A_147 = arith.constant 256 : i32
      %mul3A_148 = arith.muli %while3A_146, %mul3A_147 : i32
      %add3A_149 = arith.constant 0 : i32
      %add3A_150 = arith.addi %mul3A_148, %add3A_149 : i32
      %add3A_151 = arith.constant 128 : i32
      %add3A_152 = arith.addi %add3A_150, %add3A_151 : i32
      %min3A = arith.constant 25472 : i32
      %min3A_153 = arith.minsi %add3A_152, %min3A : i32
      %parallel_loop3A_154 = arith.constant 0 : i32
      %parallel_loop3A_155 = arith.constant 8 : i32
      %parallel_loop3A_156 = arith.constant 1 : i32
      scf.for %parallel_loop3A_436 = %parallel_loop3A_154 to %parallel_loop3A_155 step %parallel_loop3A_156  : i32 {
        %parallel_loop3A_437 = arith.constant 16 : i32
        %parallel_loop3A_438 = arith.muli %parallel_loop3A_436, %parallel_loop3A_437 : i32
        %parallel_loop3A_439 = arith.addi %min3A_153, %parallel_loop3A_438 : i32
        %parallel_loop3A_440 = arith.index_cast %parallel_loop3A_439 : i32 to index
        %parallel_loop3A_441 = tpu.vector_load %arg7[%parallel_loop3A_440] {strides = array<i32>} : memref<25600xi32, #tpu.memory_space<vmem>>, vector<16xi32>,
        %parallel_loop3A_442 = vector.shape_cast %parallel_loop3A_441 : vector<16xi32> to vector<16xi32>
        %parallel_loop3A_443 = arith.constant 100000 : i32
        %parallel_loop3A_444 = vector.broadcast %parallel_loop3A_443 : i32 to vector<16xi32>
        %parallel_loop3A_445 = arith.cmpi sge, %parallel_loop3A_442, %parallel_loop3A_444 : vector<16xi32>
        %parallel_loop3A_446 = arith.constant 500000 : i32
        %parallel_loop3A_447 = vector.broadcast %parallel_loop3A_446 : i32 to vector<16xi32>
        %parallel_loop3A_448 = arith.cmpi slt, %parallel_loop3A_442, %parallel_loop3A_447 : vector<16xi32>
        %parallel_loop3A_449 = arith.andi %parallel_loop3A_445, %parallel_loop3A_448 : vector<16xi1>
        %parallel_loop3A_450 = arith.constant 100000 : i32
        %parallel_loop3A_451 = vector.broadcast %parallel_loop3A_450 : i32 to vector<16xi32>
        %parallel_loop3A_452 = arith.subi %parallel_loop3A_442, %parallel_loop3A_451 : vector<16xi32>
        %parallel_loop3A_453 = arith.constant 0 : i32
        %parallel_loop3A_454 = vector.broadcast %parallel_loop3A_453 : i32 to vector<16xi32>
        %parallel_loop3A_455 = arith.select %parallel_loop3A_449, %parallel_loop3A_452, %parallel_loop3A_454 : vector<16xi1>, vector<16xi32>
        %parallel_loop3A_456 = arith.constant 16 : i32
        %parallel_loop3A_457 = arith.muli %parallel_loop3A_436, %parallel_loop3A_456 : i32
        %parallel_loop3A_458 = arith.constant 1 : i32
        %parallel_loop3A_459 = arith.index_cast %parallel_loop3A_458 : i32 to index
        %parallel_loop3A_460 = arith.index_cast %parallel_loop3A_457 : i32 to index
        %parallel_loop3A_461 = tpu.vector_load %arg9[%parallel_loop3A_459, %parallel_loop3A_460] {strides = array<i32>} : memref<2x128xi32, #tpu.memory_space<vmem>>, vector<1x16xi32>,
        %parallel_loop3A_462 = vector.shape_cast %parallel_loop3A_461 : vector<1x16xi32> to vector<16xi32>
        %parallel_loop3A_463 = vector.shape_cast %parallel_loop3A_455 : vector<16xi32> to vector<1x16xi32>
        tpu.vector_store %arg9[%parallel_loop3A_459, %parallel_loop3A_460], %parallel_loop3A_463 {strides = array<i32>} : memref<2x128xi32, #tpu.memory_space<vmem>>, vector<1x16xi32>,
      } {sc.loop_unroll_factor = 4 : i64, sc.parallel_access}
      %dma_start3A_157 = arith.constant 1 : i32
      %dma_start3A_158 = arith.constant 1 : i32
      %dma_start3A_159 = arith.constant 0 : i32
      %dma_start3A_160 = tpu.memref_slice %arg10[%dma_start3A_158, %dma_start3A_159] : memref<2x128xi32, #tpu.memory_space<vmem>> -> memref<1x128xi32, #tpu.memory_space<vmem>>
      %dma_start3A_161 = tpu.memref_squeeze %dma_start3A_160 : memref<1x128xi32, #tpu.memory_space<vmem>> -> memref<128xi32, #tpu.memory_space<vmem>>
      %dma_start3A_162 = arith.constant 0 : i32
      %dma_start3A_163 = tpu.memref_slice %arg9[%dma_start3A_157, %dma_start3A_162] : memref<2x128xi32, #tpu.memory_space<vmem>> -> memref<1x128xi32, #tpu.memory_space<vmem>>
      %dma_start3A_164 = tpu.memref_squeeze %dma_start3A_163 : memref<1x128xi32, #tpu.memory_space<vmem>> -> memref<128xi32, #tpu.memory_space<vmem>>
      %dma_start3A_165 = arith.constant 0 : i32
      %dma_start3A_166 = tpu.memref_slice %arg4[%dma_start3A_165] : memref<400000xi32, #tpu.memory_space<hbm>> -> memref<400000xi32, #tpu.memory_space<hbm>>
      tpu.enqueue_indirect_dma source(%dma_start3A_166 : memref<400000xi32, #tpu.memory_space<hbm>>) target(%dma_start3A_161 : memref<128xi32, #tpu.memory_space<vmem>>) offsets(%dma_start3A_164 : memref<128xi32, #tpu.memory_space<vmem>>) semaphore(%arg14 : memref<!tpu.dma_semaphore, #tpu.memory_space<semaphore_mem>>)
      %dma_wait3A_167 = arith.constant 1 : i32
      %dma_wait3A_168 = arith.constant 1 : i32
      %dma_wait3A_169 = arith.constant 0 : i32
      %dma_wait3A_170 = tpu.memref_slice %arg10[%dma_wait3A_168, %dma_wait3A_169] : memref<2x128xi32, #tpu.memory_space<vmem>> -> memref<1x128xi32, #tpu.memory_space<vmem>>
      %dma_wait3A_171 = tpu.memref_squeeze %dma_wait3A_170 : memref<1x128xi32, #tpu.memory_space<vmem>> -> memref<128xi32, #tpu.memory_space<vmem>>
      %dma_wait3A_172 = arith.constant 0 : i32
      %dma_wait3A_173 = tpu.memref_slice %arg9[%dma_wait3A_167, %dma_wait3A_172] : memref<2x128xi32, #tpu.memory_space<vmem>> -> memref<1x128xi32, #tpu.memory_space<vmem>>
      %dma_wait3A_174 = tpu.memref_squeeze %dma_wait3A_173 : memref<1x128xi32, #tpu.memory_space<vmem>> -> memref<128xi32, #tpu.memory_space<vmem>>
      %dma_wait3A_175 = arith.constant 0 : i32
      %dma_wait3A_176 = tpu.memref_slice %arg4[%dma_wait3A_175] : memref<400000xi32, #tpu.memory_space<hbm>> -> memref<400000xi32, #tpu.memory_space<hbm>>
      tpu.wait_indirect_dma semaphore(%arg14 : memref<!tpu.dma_semaphore, #tpu.memory_space<semaphore_mem>>) src(%dma_wait3A_176 : memref<400000xi32, #tpu.memory_space<hbm>>) dst(%dma_wait3A_171 : memref<128xi32, #tpu.memory_space<vmem>>)
      %parallel_loop3A_177 = arith.constant 0 : i32
      %parallel_loop3A_178 = arith.constant 8 : i32
      %parallel_loop3A_179 = arith.constant 1 : i32
      scf.for %parallel_loop3A_436 = %parallel_loop3A_177 to %parallel_loop3A_178 step %parallel_loop3A_179  : i32 {
        %parallel_loop3A_437 = arith.constant 16 : i32
        %parallel_loop3A_438 = arith.muli %parallel_loop3A_436, %parallel_loop3A_437 : i32
        %parallel_loop3A_439 = arith.addi %min3A_153, %parallel_loop3A_438 : i32
        %parallel_loop3A_440 = arith.index_cast %parallel_loop3A_439 : i32 to index
        %parallel_loop3A_441 = tpu.vector_load %arg7[%parallel_loop3A_440] {strides = array<i32>} : memref<25600xi32, #tpu.memory_space<vmem>>, vector<16xi32>,
        %parallel_loop3A_442 = vector.shape_cast %parallel_loop3A_441 : vector<16xi32> to vector<16xi32>
        %parallel_loop3A_443 = arith.constant 1 : i32
        %parallel_loop3A_444 = arith.index_cast %parallel_loop3A_443 : i32 to index
        %parallel_loop3A_445 = arith.index_cast %parallel_loop3A_438 : i32 to index
        %parallel_loop3A_446 = tpu.vector_load %arg10[%parallel_loop3A_444, %parallel_loop3A_445] {strides = array<i32>} : memref<2x128xi32, #tpu.memory_space<vmem>>, vector<1x16xi32>,
        %parallel_loop3A_447 = vector.shape_cast %parallel_loop3A_446 : vector<1x16xi32> to vector<16xi32>
        %parallel_loop3A_448 = arith.constant 100000 : i32
        %parallel_loop3A_449 = vector.broadcast %parallel_loop3A_448 : i32 to vector<16xi32>
        %parallel_loop3A_450 = arith.cmpi slt, %parallel_loop3A_442, %parallel_loop3A_449 : vector<16xi32>
        %parallel_loop3A_451 = arith.constant 500000 : i32
        %parallel_loop3A_452 = vector.broadcast %parallel_loop3A_451 : i32 to vector<16xi32>
        %parallel_loop3A_453 = arith.cmpi sge, %parallel_loop3A_442, %parallel_loop3A_452 : vector<16xi32>
        %parallel_loop3A_454 = arith.constant 100000 : i32
        %parallel_loop3A_455 = vector.broadcast %parallel_loop3A_454 : i32 to vector<16xi32>
        %parallel_loop3A_456 = arith.cmpi sge, %parallel_loop3A_442, %parallel_loop3A_455 : vector<16xi32>
        %parallel_loop3A_457 = arith.constant 500000 : i32
        %parallel_loop3A_458 = vector.broadcast %parallel_loop3A_457 : i32 to vector<16xi32>
        %parallel_loop3A_459 = arith.cmpi slt, %parallel_loop3A_442, %parallel_loop3A_458 : vector<16xi32>
        %parallel_loop3A_460 = arith.andi %parallel_loop3A_456, %parallel_loop3A_459 : vector<16xi1>
        %parallel_loop3A_461 = arith.constant 100000 : i32
        %parallel_loop3A_462 = vector.broadcast %parallel_loop3A_461 : i32 to vector<16xi32>
        %parallel_loop3A_463 = arith.subi %parallel_loop3A_442, %parallel_loop3A_462 : vector<16xi32>
        %parallel_loop3A_464 = arith.sitofp %parallel_loop3A_463 : vector<16xi32> to vector<16xf32>
        %parallel_loop3A_465 = arith.constant 0.00157977885 : f32
        %parallel_loop3A_466 = vector.broadcast %parallel_loop3A_465 : f32 to vector<16xf32>
        %parallel_loop3A_467 = arith.mulf %parallel_loop3A_464, %parallel_loop3A_466 : vector<16xf32>
        %parallel_loop3A_468 = arith.fptosi %parallel_loop3A_467 : vector<16xf32> to vector<16xi32>
        %parallel_loop3A_469 = arith.constant 633 : i32
        %parallel_loop3A_470 = vector.broadcast %parallel_loop3A_469 : i32 to vector<16xi32>
        %parallel_loop3A_471 = arith.muli %parallel_loop3A_468, %parallel_loop3A_470 : vector<16xi32>
        %parallel_loop3A_472 = arith.subi %parallel_loop3A_463, %parallel_loop3A_471 : vector<16xi32>
        %parallel_loop3A_473 = arith.constant 633 : i32
        %parallel_loop3A_474 = vector.broadcast %parallel_loop3A_473 : i32 to vector<16xi32>
        %parallel_loop3A_475 = arith.cmpi sge, %parallel_loop3A_472, %parallel_loop3A_474 : vector<16xi32>
        %parallel_loop3A_476 = arith.constant 1 : i32
        %parallel_loop3A_477 = arith.constant 0 : i32
        %parallel_loop3A_478 = vector.broadcast %parallel_loop3A_476 : i32 to vector<16xi32>
        %parallel_loop3A_479 = vector.broadcast %parallel_loop3A_477 : i32 to vector<16xi32>
        %parallel_loop3A_480 = arith.select %parallel_loop3A_475, %parallel_loop3A_478, %parallel_loop3A_479 : vector<16xi1>, vector<16xi32>
        %parallel_loop3A_481 = arith.addi %parallel_loop3A_468, %parallel_loop3A_480 : vector<16xi32>
        %parallel_loop3A_482 = arith.constant 0 : i32
        %parallel_loop3A_483 = vector.broadcast %parallel_loop3A_482 : i32 to vector<16xi32>
        %parallel_loop3A_484 = arith.cmpi slt, %parallel_loop3A_472, %parallel_loop3A_483 : vector<16xi32>
        %parallel_loop3A_485 = arith.constant 1 : i32
        %parallel_loop3A_486 = arith.constant 0 : i32
        %parallel_loop3A_487 = vector.broadcast %parallel_loop3A_485 : i32 to vector<16xi32>
        %parallel_loop3A_488 = vector.broadcast %parallel_loop3A_486 : i32 to vector<16xi32>
        %parallel_loop3A_489 = arith.select %parallel_loop3A_484, %parallel_loop3A_487, %parallel_loop3A_488 : vector<16xi1>, vector<16xi32>
        %parallel_loop3A_490 = arith.subi %parallel_loop3A_481, %parallel_loop3A_489 : vector<16xi32>
        %parallel_loop3A_491 = arith.constant 633 : i32
        %parallel_loop3A_492 = vector.broadcast %parallel_loop3A_491 : i32 to vector<16xi32>
        %parallel_loop3A_493 = arith.muli %parallel_loop3A_490, %parallel_loop3A_492 : vector<16xi32>
        %parallel_loop3A_494 = arith.subi %parallel_loop3A_463, %parallel_loop3A_493 : vector<16xi32>
        %parallel_loop3A_495 = arith.constant 500000 : i32
        %parallel_loop3A_496 = vector.broadcast %parallel_loop3A_495 : i32 to vector<16xi32>
        %parallel_loop3A_497 = arith.subi %parallel_loop3A_442, %parallel_loop3A_496 : vector<16xi32>
        %parallel_loop3A_498 = arith.constant 8 : i32
        %parallel_loop3A_499 = vector.broadcast %parallel_loop3A_498 : i32 to vector<16xi32>
        %parallel_loop3A_500 = arith.shrsi %parallel_loop3A_497, %parallel_loop3A_499 : vector<16xi32>
        %parallel_loop3A_501 = arith.constant 255 : i32
        %parallel_loop3A_502 = vector.broadcast %parallel_loop3A_501 : i32 to vector<16xi32>
        %parallel_loop3A_503 = arith.andi %parallel_loop3A_497, %parallel_loop3A_502 : vector<16xi32>
        %parallel_loop3A_504 = arith.constant 0 : index
        %parallel_loop3A_505 = tpu.vector_load %arg8[%parallel_loop3A_504] {strides = array<i32>} : memref<192xi32, #tpu.memory_space<vmem>>, vector<16xi32>,
        %parallel_loop3A_506 = vector.shape_cast %parallel_loop3A_505 : vector<16xi32> to vector<16xi32>
        %parallel_loop3A_507 = arith.constant 64 : index
        %parallel_loop3A_508 = tpu.vector_load %arg8[%parallel_loop3A_507] {strides = array<i32>} : memref<192xi32, #tpu.memory_space<vmem>>, vector<16xi32>,
        %parallel_loop3A_509 = vector.shape_cast %parallel_loop3A_508 : vector<16xi32> to vector<16xi32>
        %parallel_loop3A_510 = arith.constant 128 : index
        %parallel_loop3A_511 = tpu.vector_load %arg8[%parallel_loop3A_510] {strides = array<i32>} : memref<192xi32, #tpu.memory_space<vmem>>, vector<16xi32>,
        %parallel_loop3A_512 = vector.shape_cast %parallel_loop3A_511 : vector<16xi32> to vector<16xi32>
        %parallel_loop3A_513 = arith.muli %parallel_loop3A_500, %parallel_loop3A_506 : vector<16xi32>
        %parallel_loop3A_514 = arith.muli %parallel_loop3A_503, %parallel_loop3A_509 : vector<16xi32>
        %parallel_loop3A_515 = arith.addi %parallel_loop3A_513, %parallel_loop3A_514 : vector<16xi32>
        %parallel_loop3A_516 = arith.addi %parallel_loop3A_515, %parallel_loop3A_512 : vector<16xi32>
        %parallel_loop3A_517 = arith.sitofp %parallel_loop3A_516 : vector<16xi32> to vector<16xf32>
        %parallel_loop3A_518 = arith.constant 9.99999974E-6 : f32
        %parallel_loop3A_519 = vector.broadcast %parallel_loop3A_518 : f32 to vector<16xf32>
        %parallel_loop3A_520 = arith.mulf %parallel_loop3A_517, %parallel_loop3A_519 : vector<16xf32>
        %parallel_loop3A_521 = arith.fptosi %parallel_loop3A_520 : vector<16xf32> to vector<16xi32>
        %parallel_loop3A_522 = arith.constant 100000 : i32
        %parallel_loop3A_523 = vector.broadcast %parallel_loop3A_522 : i32 to vector<16xi32>
        %parallel_loop3A_524 = arith.muli %parallel_loop3A_521, %parallel_loop3A_523 : vector<16xi32>
        %parallel_loop3A_525 = arith.subi %parallel_loop3A_516, %parallel_loop3A_524 : vector<16xi32>
        %parallel_loop3A_526 = arith.constant 0 : i32
        %parallel_loop3A_527 = vector.broadcast %parallel_loop3A_526 : i32 to vector<16xi32>
        %parallel_loop3A_528 = arith.cmpi slt, %parallel_loop3A_525, %parallel_loop3A_527 : vector<16xi32>
        %parallel_loop3A_529 = arith.constant 100000 : i32
        %parallel_loop3A_530 = arith.constant 0 : i32
        %parallel_loop3A_531 = vector.broadcast %parallel_loop3A_529 : i32 to vector<16xi32>
        %parallel_loop3A_532 = vector.broadcast %parallel_loop3A_530 : i32 to vector<16xi32>
        %parallel_loop3A_533 = arith.select %parallel_loop3A_528, %parallel_loop3A_531, %parallel_loop3A_532 : vector<16xi1>, vector<16xi32>
        %parallel_loop3A_534 = arith.addi %parallel_loop3A_525, %parallel_loop3A_533 : vector<16xi32>
        %parallel_loop3A_535 = arith.constant 100000 : i32
        %parallel_loop3A_536 = vector.broadcast %parallel_loop3A_535 : i32 to vector<16xi32>
        %parallel_loop3A_537 = arith.cmpi sge, %parallel_loop3A_534, %parallel_loop3A_536 : vector<16xi32>
        %parallel_loop3A_538 = arith.constant 100000 : i32
        %parallel_loop3A_539 = arith.constant 0 : i32
        %parallel_loop3A_540 = vector.broadcast %parallel_loop3A_538 : i32 to vector<16xi32>
        %parallel_loop3A_541 = vector.broadcast %parallel_loop3A_539 : i32 to vector<16xi32>
        %parallel_loop3A_542 = arith.select %parallel_loop3A_537, %parallel_loop3A_540, %parallel_loop3A_541 : vector<16xi1>, vector<16xi32>
        %parallel_loop3A_543 = arith.subi %parallel_loop3A_534, %parallel_loop3A_542 : vector<16xi32>
        %parallel_loop3A_544 = arith.constant 16 : index
        %parallel_loop3A_545 = tpu.vector_load %arg8[%parallel_loop3A_544] {strides = array<i32>} : memref<192xi32, #tpu.memory_space<vmem>>, vector<16xi32>,
        %parallel_loop3A_546 = vector.shape_cast %parallel_loop3A_545 : vector<16xi32> to vector<16xi32>
        %parallel_loop3A_547 = arith.constant 80 : index
        %parallel_loop3A_548 = tpu.vector_load %arg8[%parallel_loop3A_547] {strides = array<i32>} : memref<192xi32, #tpu.memory_space<vmem>>, vector<16xi32>,
        %parallel_loop3A_549 = vector.shape_cast %parallel_loop3A_548 : vector<16xi32> to vector<16xi32>
        %parallel_loop3A_550 = arith.constant 144 : index
        %parallel_loop3A_551 = tpu.vector_load %arg8[%parallel_loop3A_550] {strides = array<i32>} : memref<192xi32, #tpu.memory_space<vmem>>, vector<16xi32>,
        %parallel_loop3A_552 = vector.shape_cast %parallel_loop3A_551 : vector<16xi32> to vector<16xi32>
        %parallel_loop3A_553 = arith.muli %parallel_loop3A_500, %parallel_loop3A_546 : vector<16xi32>
        %parallel_loop3A_554 = arith.muli %parallel_loop3A_503, %parallel_loop3A_549 : vector<16xi32>
        %parallel_loop3A_555 = arith.addi %parallel_loop3A_553, %parallel_loop3A_554 : vector<16xi32>
        %parallel_loop3A_556 = arith.addi %parallel_loop3A_555, %parallel_loop3A_552 : vector<16xi32>
        %parallel_loop3A_557 = arith.sitofp %parallel_loop3A_556 : vector<16xi32> to vector<16xf32>
        %parallel_loop3A_558 = arith.constant 9.99999974E-6 : f32
        %parallel_loop3A_559 = vector.broadcast %parallel_loop3A_558 : f32 to vector<16xf32>
        %parallel_loop3A_560 = arith.mulf %parallel_loop3A_557, %parallel_loop3A_559 : vector<16xf32>
        %parallel_loop3A_561 = arith.fptosi %parallel_loop3A_560 : vector<16xf32> to vector<16xi32>
        %parallel_loop3A_562 = arith.constant 100000 : i32
        %parallel_loop3A_563 = vector.broadcast %parallel_loop3A_562 : i32 to vector<16xi32>
        %parallel_loop3A_564 = arith.muli %parallel_loop3A_561, %parallel_loop3A_563 : vector<16xi32>
        %parallel_loop3A_565 = arith.subi %parallel_loop3A_556, %parallel_loop3A_564 : vector<16xi32>
        %parallel_loop3A_566 = arith.constant 0 : i32
        %parallel_loop3A_567 = vector.broadcast %parallel_loop3A_566 : i32 to vector<16xi32>
        %parallel_loop3A_568 = arith.cmpi slt, %parallel_loop3A_565, %parallel_loop3A_567 : vector<16xi32>
        %parallel_loop3A_569 = arith.constant 100000 : i32
        %parallel_loop3A_570 = arith.constant 0 : i32
        %parallel_loop3A_571 = vector.broadcast %parallel_loop3A_569 : i32 to vector<16xi32>
        %parallel_loop3A_572 = vector.broadcast %parallel_loop3A_570 : i32 to vector<16xi32>
        %parallel_loop3A_573 = arith.select %parallel_loop3A_568, %parallel_loop3A_571, %parallel_loop3A_572 : vector<16xi1>, vector<16xi32>
        %parallel_loop3A_574 = arith.addi %parallel_loop3A_565, %parallel_loop3A_573 : vector<16xi32>
        %parallel_loop3A_575 = arith.constant 100000 : i32
        %parallel_loop3A_576 = vector.broadcast %parallel_loop3A_575 : i32 to vector<16xi32>
        %parallel_loop3A_577 = arith.cmpi sge, %parallel_loop3A_574, %parallel_loop3A_576 : vector<16xi32>
        %parallel_loop3A_578 = arith.constant 100000 : i32
        %parallel_loop3A_579 = arith.constant 0 : i32
        %parallel_loop3A_580 = vector.broadcast %parallel_loop3A_578 : i32 to vector<16xi32>
        %parallel_loop3A_581 = vector.broadcast %parallel_loop3A_579 : i32 to vector<16xi32>
        %parallel_loop3A_582 = arith.select %parallel_loop3A_577, %parallel_loop3A_580, %parallel_loop3A_581 : vector<16xi1>, vector<16xi32>
        %parallel_loop3A_583 = arith.subi %parallel_loop3A_574, %parallel_loop3A_582 : vector<16xi32>
        %parallel_loop3A_584 = arith.constant 32 : index
        %parallel_loop3A_585 = tpu.vector_load %arg8[%parallel_loop3A_584] {strides = array<i32>} : memref<192xi32, #tpu.memory_space<vmem>>, vector<16xi32>,
        %parallel_loop3A_586 = vector.shape_cast %parallel_loop3A_585 : vector<16xi32> to vector<16xi32>
        %parallel_loop3A_587 = arith.constant 96 : index
        %parallel_loop3A_588 = tpu.vector_load %arg8[%parallel_loop3A_587] {strides = array<i32>} : memref<192xi32, #tpu.memory_space<vmem>>, vector<16xi32>,
        %parallel_loop3A_589 = vector.shape_cast %parallel_loop3A_588 : vector<16xi32> to vector<16xi32>
        %parallel_loop3A_590 = arith.constant 160 : index
        %parallel_loop3A_591 = tpu.vector_load %arg8[%parallel_loop3A_590] {strides = array<i32>} : memref<192xi32, #tpu.memory_space<vmem>>, vector<16xi32>,
        %parallel_loop3A_592 = vector.shape_cast %parallel_loop3A_591 : vector<16xi32> to vector<16xi32>
        %parallel_loop3A_593 = arith.muli %parallel_loop3A_500, %parallel_loop3A_586 : vector<16xi32>
        %parallel_loop3A_594 = arith.muli %parallel_loop3A_503, %parallel_loop3A_589 : vector<16xi32>
        %parallel_loop3A_595 = arith.addi %parallel_loop3A_593, %parallel_loop3A_594 : vector<16xi32>
        %parallel_loop3A_596 = arith.addi %parallel_loop3A_595, %parallel_loop3A_592 : vector<16xi32>
        %parallel_loop3A_597 = arith.sitofp %parallel_loop3A_596 : vector<16xi32> to vector<16xf32>
        %parallel_loop3A_598 = arith.constant 9.99999974E-6 : f32
        %parallel_loop3A_599 = vector.broadcast %parallel_loop3A_598 : f32 to vector<16xf32>
        %parallel_loop3A_600 = arith.mulf %parallel_loop3A_597, %parallel_loop3A_599 : vector<16xf32>
        %parallel_loop3A_601 = arith.fptosi %parallel_loop3A_600 : vector<16xf32> to vector<16xi32>
        %parallel_loop3A_602 = arith.constant 100000 : i32
        %parallel_loop3A_603 = vector.broadcast %parallel_loop3A_602 : i32 to vector<16xi32>
        %parallel_loop3A_604 = arith.muli %parallel_loop3A_601, %parallel_loop3A_603 : vector<16xi32>
        %parallel_loop3A_605 = arith.subi %parallel_loop3A_596, %parallel_loop3A_604 : vector<16xi32>
        %parallel_loop3A_606 = arith.constant 0 : i32
        %parallel_loop3A_607 = vector.broadcast %parallel_loop3A_606 : i32 to vector<16xi32>
        %parallel_loop3A_608 = arith.cmpi slt, %parallel_loop3A_605, %parallel_loop3A_607 : vector<16xi32>
        %parallel_loop3A_609 = arith.constant 100000 : i32
        %parallel_loop3A_610 = arith.constant 0 : i32
        %parallel_loop3A_611 = vector.broadcast %parallel_loop3A_609 : i32 to vector<16xi32>
        %parallel_loop3A_612 = vector.broadcast %parallel_loop3A_610 : i32 to vector<16xi32>
        %parallel_loop3A_613 = arith.select %parallel_loop3A_608, %parallel_loop3A_611, %parallel_loop3A_612 : vector<16xi1>, vector<16xi32>
        %parallel_loop3A_614 = arith.addi %parallel_loop3A_605, %parallel_loop3A_613 : vector<16xi32>
        %parallel_loop3A_615 = arith.constant 100000 : i32
        %parallel_loop3A_616 = vector.broadcast %parallel_loop3A_615 : i32 to vector<16xi32>
        %parallel_loop3A_617 = arith.cmpi sge, %parallel_loop3A_614, %parallel_loop3A_616 : vector<16xi32>
        %parallel_loop3A_618 = arith.constant 100000 : i32
        %parallel_loop3A_619 = arith.constant 0 : i32
        %parallel_loop3A_620 = vector.broadcast %parallel_loop3A_618 : i32 to vector<16xi32>
        %parallel_loop3A_621 = vector.broadcast %parallel_loop3A_619 : i32 to vector<16xi32>
        %parallel_loop3A_622 = arith.select %parallel_loop3A_617, %parallel_loop3A_620, %parallel_loop3A_621 : vector<16xi1>, vector<16xi32>
        %parallel_loop3A_623 = arith.subi %parallel_loop3A_614, %parallel_loop3A_622 : vector<16xi32>
        %parallel_loop3A_624 = arith.constant 48 : index
        %parallel_loop3A_625 = tpu.vector_load %arg8[%parallel_loop3A_624] {strides = array<i32>} : memref<192xi32, #tpu.memory_space<vmem>>, vector<16xi32>,
        %parallel_loop3A_626 = vector.shape_cast %parallel_loop3A_625 : vector<16xi32> to vector<16xi32>
        %parallel_loop3A_627 = arith.constant 112 : index
        %parallel_loop3A_628 = tpu.vector_load %arg8[%parallel_loop3A_627] {strides = array<i32>} : memref<192xi32, #tpu.memory_space<vmem>>, vector<16xi32>,
        %parallel_loop3A_629 = vector.shape_cast %parallel_loop3A_628 : vector<16xi32> to vector<16xi32>
        %parallel_loop3A_630 = arith.constant 176 : index
        %parallel_loop3A_631 = tpu.vector_load %arg8[%parallel_loop3A_630] {strides = array<i32>} : memref<192xi32, #tpu.memory_space<vmem>>, vector<16xi32>,
        %parallel_loop3A_632 = vector.shape_cast %parallel_loop3A_631 : vector<16xi32> to vector<16xi32>
        %parallel_loop3A_633 = arith.muli %parallel_loop3A_500, %parallel_loop3A_626 : vector<16xi32>
        %parallel_loop3A_634 = arith.muli %parallel_loop3A_503, %parallel_loop3A_629 : vector<16xi32>
        %parallel_loop3A_635 = arith.addi %parallel_loop3A_633, %parallel_loop3A_634 : vector<16xi32>
        %parallel_loop3A_636 = arith.addi %parallel_loop3A_635, %parallel_loop3A_632 : vector<16xi32>
        %parallel_loop3A_637 = arith.sitofp %parallel_loop3A_636 : vector<16xi32> to vector<16xf32>
        %parallel_loop3A_638 = arith.constant 9.99999974E-6 : f32
        %parallel_loop3A_639 = vector.broadcast %parallel_loop3A_638 : f32 to vector<16xf32>
        %parallel_loop3A_640 = arith.mulf %parallel_loop3A_637, %parallel_loop3A_639 : vector<16xf32>
        %parallel_loop3A_641 = arith.fptosi %parallel_loop3A_640 : vector<16xf32> to vector<16xi32>
        %parallel_loop3A_642 = arith.constant 100000 : i32
        %parallel_loop3A_643 = vector.broadcast %parallel_loop3A_642 : i32 to vector<16xi32>
        %parallel_loop3A_644 = arith.muli %parallel_loop3A_641, %parallel_loop3A_643 : vector<16xi32>
        %parallel_loop3A_645 = arith.subi %parallel_loop3A_636, %parallel_loop3A_644 : vector<16xi32>
        %parallel_loop3A_646 = arith.constant 0 : i32
        %parallel_loop3A_647 = vector.broadcast %parallel_loop3A_646 : i32 to vector<16xi32>
        %parallel_loop3A_648 = arith.cmpi slt, %parallel_loop3A_645, %parallel_loop3A_647 : vector<16xi32>
        %parallel_loop3A_649 = arith.constant 100000 : i32
        %parallel_loop3A_650 = arith.constant 0 : i32
        %parallel_loop3A_651 = vector.broadcast %parallel_loop3A_649 : i32 to vector<16xi32>
        %parallel_loop3A_652 = vector.broadcast %parallel_loop3A_650 : i32 to vector<16xi32>
        %parallel_loop3A_653 = arith.select %parallel_loop3A_648, %parallel_loop3A_651, %parallel_loop3A_652 : vector<16xi1>, vector<16xi32>
        %parallel_loop3A_654 = arith.addi %parallel_loop3A_645, %parallel_loop3A_653 : vector<16xi32>
        %parallel_loop3A_655 = arith.constant 100000 : i32
        %parallel_loop3A_656 = vector.broadcast %parallel_loop3A_655 : i32 to vector<16xi32>
        %parallel_loop3A_657 = arith.cmpi sge, %parallel_loop3A_654, %parallel_loop3A_656 : vector<16xi32>
        %parallel_loop3A_658 = arith.constant 100000 : i32
        %parallel_loop3A_659 = arith.constant 0 : i32
        %parallel_loop3A_660 = vector.broadcast %parallel_loop3A_658 : i32 to vector<16xi32>
        %parallel_loop3A_661 = vector.broadcast %parallel_loop3A_659 : i32 to vector<16xi32>
        %parallel_loop3A_662 = arith.select %parallel_loop3A_657, %parallel_loop3A_660, %parallel_loop3A_661 : vector<16xi1>, vector<16xi32>
        %parallel_loop3A_663 = arith.subi %parallel_loop3A_654, %parallel_loop3A_662 : vector<16xi32>
        %parallel_loop3A_664 = arith.constant 100000 : i32
        %parallel_loop3A_665 = vector.broadcast %parallel_loop3A_664 : i32 to vector<16xi32>
        %parallel_loop3A_666 = arith.addi %parallel_loop3A_665, %parallel_loop3A_494 : vector<16xi32>
        %parallel_loop3A_667 = arith.constant 101568 : i32
        %parallel_loop3A_668 = vector.broadcast %parallel_loop3A_667 : i32 to vector<16xi32>
        %parallel_loop3A_669 = arith.addi %parallel_loop3A_668, %parallel_loop3A_543 : vector<16xi32>
        %parallel_loop3A_670 = arith.select %parallel_loop3A_460, %parallel_loop3A_666, %parallel_loop3A_669 : vector<16xi1>, vector<16xi32>
        %parallel_loop3A_671 = arith.select %parallel_loop3A_450, %parallel_loop3A_442, %parallel_loop3A_670 : vector<16xi1>, vector<16xi32>
        %parallel_loop3A_672 = arith.constant 100640 : i32
        %parallel_loop3A_673 = vector.broadcast %parallel_loop3A_672 : i32 to vector<16xi32>
        %parallel_loop3A_674 = arith.addi %parallel_loop3A_673, %parallel_loop3A_490 : vector<16xi32>
        %parallel_loop3A_675 = arith.constant 201568 : i32
        %parallel_loop3A_676 = vector.broadcast %parallel_loop3A_675 : i32 to vector<16xi32>
        %parallel_loop3A_677 = arith.addi %parallel_loop3A_676, %parallel_loop3A_583 : vector<16xi32>
        %parallel_loop3A_678 = arith.constant 101536 : i32
        %parallel_loop3A_679 = vector.broadcast %parallel_loop3A_678 : i32 to vector<16xi32>
        %parallel_loop3A_680 = arith.select %parallel_loop3A_453, %parallel_loop3A_677, %parallel_loop3A_679 : vector<16xi1>, vector<16xi32>
        %parallel_loop3A_681 = arith.select %parallel_loop3A_460, %parallel_loop3A_674, %parallel_loop3A_680 : vector<16xi1>, vector<16xi32>
        %parallel_loop3A_682 = arith.constant 301568 : i32
        %parallel_loop3A_683 = vector.broadcast %parallel_loop3A_682 : i32 to vector<16xi32>
        %parallel_loop3A_684 = arith.addi %parallel_loop3A_683, %parallel_loop3A_623 : vector<16xi32>
        %parallel_loop3A_685 = arith.constant 101536 : i32
        %parallel_loop3A_686 = vector.broadcast %parallel_loop3A_685 : i32 to vector<16xi32>
        %parallel_loop3A_687 = arith.select %parallel_loop3A_453, %parallel_loop3A_684, %parallel_loop3A_686 : vector<16xi1>, vector<16xi32>
        %parallel_loop3A_688 = arith.select %parallel_loop3A_460, %parallel_loop3A_447, %parallel_loop3A_687 : vector<16xi1>, vector<16xi32>
        %parallel_loop3A_689 = arith.constant 401568 : i32
        %parallel_loop3A_690 = vector.broadcast %parallel_loop3A_689 : i32 to vector<16xi32>
        %parallel_loop3A_691 = arith.addi %parallel_loop3A_690, %parallel_loop3A_663 : vector<16xi32>
        %parallel_loop3A_692 = arith.constant 101536 : i32
        %parallel_loop3A_693 = vector.broadcast %parallel_loop3A_692 : i32 to vector<16xi32>
        %parallel_loop3A_694 = arith.select %parallel_loop3A_453, %parallel_loop3A_691, %parallel_loop3A_693 : vector<16xi1>, vector<16xi32>
        %parallel_loop3A_695 = arith.constant 1 : i32
        %parallel_loop3A_696 = arith.index_cast %parallel_loop3A_695 : i32 to index
        %parallel_loop3A_697 = arith.index_cast %parallel_loop3A_438 : i32 to index
        %parallel_loop3A_698 = tpu.vector_load %arg11[%parallel_loop3A_696, %parallel_loop3A_697] {strides = array<i32>} : memref<2x512xi32, #tpu.memory_space<vmem>>, vector<1x16xi32>,
        %parallel_loop3A_699 = vector.shape_cast %parallel_loop3A_698 : vector<1x16xi32> to vector<16xi32>
        %parallel_loop3A_700 = vector.shape_cast %parallel_loop3A_671 : vector<16xi32> to vector<1x16xi32>
        tpu.vector_store %arg11[%parallel_loop3A_696, %parallel_loop3A_697], %parallel_loop3A_700 {strides = array<i32>} : memref<2x512xi32, #tpu.memory_space<vmem>>, vector<1x16xi32>,
        %parallel_loop3A_701 = arith.constant 128 : i32
        %parallel_loop3A_702 = arith.addi %parallel_loop3A_701, %parallel_loop3A_438 : i32
        %parallel_loop3A_703 = arith.constant 1 : i32
        %parallel_loop3A_704 = arith.index_cast %parallel_loop3A_703 : i32 to index
        %parallel_loop3A_705 = arith.index_cast %parallel_loop3A_702 : i32 to index
        %parallel_loop3A_706 = tpu.vector_load %arg11[%parallel_loop3A_704, %parallel_loop3A_705] {strides = array<i32>} : memref<2x512xi32, #tpu.memory_space<vmem>>, vector<1x16xi32>,
        %parallel_loop3A_707 = vector.shape_cast %parallel_loop3A_706 : vector<1x16xi32> to vector<16xi32>
        %parallel_loop3A_708 = vector.shape_cast %parallel_loop3A_681 : vector<16xi32> to vector<1x16xi32>
        tpu.vector_store %arg11[%parallel_loop3A_704, %parallel_loop3A_705], %parallel_loop3A_708 {strides = array<i32>} : memref<2x512xi32, #tpu.memory_space<vmem>>, vector<1x16xi32>,
        %parallel_loop3A_709 = arith.constant 256 : i32
        %parallel_loop3A_710 = arith.addi %parallel_loop3A_709, %parallel_loop3A_438 : i32
        %parallel_loop3A_711 = arith.constant 1 : i32
        %parallel_loop3A_712 = arith.index_cast %parallel_loop3A_711 : i32 to index
        %parallel_loop3A_713 = arith.index_cast %parallel_loop3A_710 : i32 to index
        %parallel_loop3A_714 = tpu.vector_load %arg11[%parallel_loop3A_712, %parallel_loop3A_713] {strides = array<i32>} : memref<2x512xi32, #tpu.memory_space<vmem>>, vector<1x16xi32>,
        %parallel_loop3A_715 = vector.shape_cast %parallel_loop3A_714 : vector<1x16xi32> to vector<16xi32>
        %parallel_loop3A_716 = vector.shape_cast %parallel_loop3A_688 : vector<16xi32> to vector<1x16xi32>
        tpu.vector_store %arg11[%parallel_loop3A_712, %parallel_loop3A_713], %parallel_loop3A_716 {strides = array<i32>} : memref<2x512xi32, #tpu.memory_space<vmem>>, vector<1x16xi32>,
        %parallel_loop3A_717 = arith.constant 384 : i32
        %parallel_loop3A_718 = arith.addi %parallel_loop3A_717, %parallel_loop3A_438 : i32
        %parallel_loop3A_719 = arith.constant 1 : i32
        %parallel_loop3A_720 = arith.index_cast %parallel_loop3A_719 : i32 to index
        %parallel_loop3A_721 = arith.index_cast %parallel_loop3A_718 : i32 to index
        %parallel_loop3A_722 = tpu.vector_load %arg11[%parallel_loop3A_720, %parallel_loop3A_721] {strides = array<i32>} : memref<2x512xi32, #tpu.memory_space<vmem>>, vector<1x16xi32>,
        %parallel_loop3A_723 = vector.shape_cast %parallel_loop3A_722 : vector<1x16xi32> to vector<16xi32>
        %parallel_loop3A_724 = vector.shape_cast %parallel_loop3A_694 : vector<16xi32> to vector<1x16xi32>
        tpu.vector_store %arg11[%parallel_loop3A_720, %parallel_loop3A_721], %parallel_loop3A_724 {strides = array<i32>} : memref<2x512xi32, #tpu.memory_space<vmem>>, vector<1x16xi32>,
      } {sc.loop_unroll_factor = 2 : i64, sc.parallel_access}
      %dma_wait3A_180 = arith.constant 0 : i32
      %dma_wait3A_181 = arith.constant 0 : i32
      %dma_wait3A_182 = arith.constant 0 : i32
      %dma_wait3A_183 = tpu.memref_slice %arg12[%dma_wait3A_180, %dma_wait3A_181, %dma_wait3A_182] : memref<2x512x64xf32, #tpu.memory_space<vmem>> -> memref<1x128x64xf32, #tpu.memory_space<vmem>>
      %dma_wait3A_184 = tpu.memref_squeeze %dma_wait3A_183 : memref<1x128x64xf32, #tpu.memory_space<vmem>> -> memref<128x64xf32, #tpu.memory_space<vmem>>
      %dma_wait3A_185 = arith.constant 0 : i32
      %dma_wait3A_186 = arith.constant 0 : i32
      %dma_wait3A_187 = tpu.memref_slice %arg2[%dma_wait3A_185, %dma_wait3A_186] : memref<501568x64xf32, #tpu.memory_space<hbm>> -> memref<128x64xf32, #tpu.memory_space<hbm>>
      %dma_wait3A_188 = arith.constant 0 : i32
      %dma_wait3A_189 = arith.constant 0 : i32
      %dma_wait3A_190 = tpu.memref_slice %arg12[%dma_wait3A_180, %dma_wait3A_188, %dma_wait3A_189] : memref<2x512x64xf32, #tpu.memory_space<vmem>> -> memref<1x128x64xf32, #tpu.memory_space<vmem>>
      %dma_wait3A_191 = tpu.memref_squeeze %dma_wait3A_190 : memref<1x128x64xf32, #tpu.memory_space<vmem>> -> memref<128x64xf32, #tpu.memory_space<vmem>>
      %dma_wait3A_192 = arith.constant 0 : i32
      %dma_wait3A_193 = arith.constant 0 : i32
      %dma_wait3A_194 = tpu.memref_slice %arg2[%dma_wait3A_192, %dma_wait3A_193] : memref<501568x64xf32, #tpu.memory_space<hbm>> -> memref<128x64xf32, #tpu.memory_space<hbm>>
      tpu.wait_dma2 semaphore(%arg15 : memref<!tpu.dma_semaphore, #tpu.memory_space<semaphore_mem>>) src(%dma_wait3A_194 : memref<128x64xf32, #tpu.memory_space<hbm>>) dst(%dma_wait3A_191 : memref<128x64xf32, #tpu.memory_space<vmem>>)
      %dma_wait3A_195 = arith.constant 0 : i32
      %dma_wait3A_196 = arith.constant 128 : i32
      %dma_wait3A_197 = arith.constant 0 : i32
      %dma_wait3A_198 = tpu.memref_slice %arg12[%dma_wait3A_195, %dma_wait3A_196, %dma_wait3A_197] : memref<2x512x64xf32, #tpu.memory_space<vmem>> -> memref<1x128x64xf32, #tpu.memory_space<vmem>>
      %dma_wait3A_199 = tpu.memref_squeeze %dma_wait3A_198 : memref<1x128x64xf32, #tpu.memory_space<vmem>> -> memref<128x64xf32, #tpu.memory_space<vmem>>
      %dma_wait3A_200 = arith.constant 0 : i32
      %dma_wait3A_201 = arith.constant 0 : i32
      %dma_wait3A_202 = tpu.memref_slice %arg2[%dma_wait3A_200, %dma_wait3A_201] : memref<501568x64xf32, #tpu.memory_space<hbm>> -> memref<128x64xf32, #tpu.memory_space<hbm>>
      %dma_wait3A_203 = arith.constant 128 : i32
      %dma_wait3A_204 = arith.constant 0 : i32
      %dma_wait3A_205 = tpu.memref_slice %arg12[%dma_wait3A_195, %dma_wait3A_203, %dma_wait3A_204] : memref<2x512x64xf32, #tpu.memory_space<vmem>> -> memref<1x128x64xf32, #tpu.memory_space<vmem>>
      %dma_wait3A_206 = tpu.memref_squeeze %dma_wait3A_205 : memref<1x128x64xf32, #tpu.memory_space<vmem>> -> memref<128x64xf32, #tpu.memory_space<vmem>>
      %dma_wait3A_207 = arith.constant 0 : i32
      %dma_wait3A_208 = arith.constant 0 : i32
      %dma_wait3A_209 = tpu.memref_slice %arg2[%dma_wait3A_207, %dma_wait3A_208] : memref<501568x64xf32, #tpu.memory_space<hbm>> -> memref<128x64xf32, #tpu.memory_space<hbm>>
      tpu.wait_dma2 semaphore(%arg15 : memref<!tpu.dma_semaphore, #tpu.memory_space<semaphore_mem>>) src(%dma_wait3A_209 : memref<128x64xf32, #tpu.memory_space<hbm>>) dst(%dma_wait3A_206 : memref<128x64xf32, #tpu.memory_space<vmem>>)
      %dma_wait3A_210 = arith.constant 0 : i32
      %dma_wait3A_211 = arith.constant 256 : i32
      %dma_wait3A_212 = arith.constant 0 : i32
      %dma_wait3A_213 = tpu.memref_slice %arg12[%dma_wait3A_210, %dma_wait3A_211, %dma_wait3A_212] : memref<2x512x64xf32, #tpu.memory_space<vmem>> -> memref<1x128x64xf32, #tpu.memory_space<vmem>>
      %dma_wait3A_214 = tpu.memref_squeeze %dma_wait3A_213 : memref<1x128x64xf32, #tpu.memory_space<vmem>> -> memref<128x64xf32, #tpu.memory_space<vmem>>
      %dma_wait3A_215 = arith.constant 0 : i32
      %dma_wait3A_216 = arith.constant 0 : i32
      %dma_wait3A_217 = tpu.memref_slice %arg2[%dma_wait3A_215, %dma_wait3A_216] : memref<501568x64xf32, #tpu.memory_space<hbm>> -> memref<128x64xf32, #tpu.memory_space<hbm>>
      %dma_wait3A_218 = arith.constant 256 : i32
      %dma_wait3A_219 = arith.constant 0 : i32
      %dma_wait3A_220 = tpu.memref_slice %arg12[%dma_wait3A_210, %dma_wait3A_218, %dma_wait3A_219] : memref<2x512x64xf32, #tpu.memory_space<vmem>> -> memref<1x128x64xf32, #tpu.memory_space<vmem>>
      %dma_wait3A_221 = tpu.memref_squeeze %dma_wait3A_220 : memref<1x128x64xf32, #tpu.memory_space<vmem>> -> memref<128x64xf32, #tpu.memory_space<vmem>>
      %dma_wait3A_222 = arith.constant 0 : i32
      %dma_wait3A_223 = arith.constant 0 : i32
      %dma_wait3A_224 = tpu.memref_slice %arg2[%dma_wait3A_222, %dma_wait3A_223] : memref<501568x64xf32, #tpu.memory_space<hbm>> -> memref<128x64xf32, #tpu.memory_space<hbm>>
      tpu.wait_dma2 semaphore(%arg15 : memref<!tpu.dma_semaphore, #tpu.memory_space<semaphore_mem>>) src(%dma_wait3A_224 : memref<128x64xf32, #tpu.memory_space<hbm>>) dst(%dma_wait3A_221 : memref<128x64xf32, #tpu.memory_space<vmem>>)
      %dma_wait3A_225 = arith.constant 0 : i32
      %dma_wait3A_226 = arith.constant 384 : i32
      %dma_wait3A_227 = arith.constant 0 : i32
      %dma_wait3A_228 = tpu.memref_slice %arg12[%dma_wait3A_225, %dma_wait3A_226, %dma_wait3A_227] : memref<2x512x64xf32, #tpu.memory_space<vmem>> -> memref<1x128x64xf32, #tpu.memory_space<vmem>>
      %dma_wait3A_229 = tpu.memref_squeeze %dma_wait3A_228 : memref<1x128x64xf32, #tpu.memory_space<vmem>> -> memref<128x64xf32, #tpu.memory_space<vmem>>
      %dma_wait3A_230 = arith.constant 0 : i32
      %dma_wait3A_231 = arith.constant 0 : i32
      %dma_wait3A_232 = tpu.memref_slice %arg2[%dma_wait3A_230, %dma_wait3A_231] : memref<501568x64xf32, #tpu.memory_space<hbm>> -> memref<128x64xf32, #tpu.memory_space<hbm>>
      %dma_wait3A_233 = arith.constant 384 : i32
      %dma_wait3A_234 = arith.constant 0 : i32
      %dma_wait3A_235 = tpu.memref_slice %arg12[%dma_wait3A_225, %dma_wait3A_233, %dma_wait3A_234] : memref<2x512x64xf32, #tpu.memory_space<vmem>> -> memref<1x128x64xf32, #tpu.memory_space<vmem>>
      %dma_wait3A_236 = tpu.memref_squeeze %dma_wait3A_235 : memref<1x128x64xf32, #tpu.memory_space<vmem>> -> memref<128x64xf32, #tpu.memory_space<vmem>>
      %dma_wait3A_237 = arith.constant 0 : i32
      %dma_wait3A_238 = arith.constant 0 : i32
      %dma_wait3A_239 = tpu.memref_slice %arg2[%dma_wait3A_237, %dma_wait3A_238] : memref<501568x64xf32, #tpu.memory_space<hbm>> -> memref<128x64xf32, #tpu.memory_space<hbm>>
      tpu.wait_dma2 semaphore(%arg15 : memref<!tpu.dma_semaphore, #tpu.memory_space<semaphore_mem>>) src(%dma_wait3A_239 : memref<128x64xf32, #tpu.memory_space<hbm>>) dst(%dma_wait3A_236 : memref<128x64xf32, #tpu.memory_space<vmem>>)
      %dma_start3A_240 = arith.constant 1 : i32
      %dma_start3A_241 = arith.constant 1 : i32
      %dma_start3A_242 = arith.constant 0 : i32
      %dma_start3A_243 = arith.constant 0 : i32
      %dma_start3A_244 = tpu.memref_slice %arg12[%dma_start3A_241, %dma_start3A_242, %dma_start3A_243] : memref<2x512x64xf32, #tpu.memory_space<vmem>> -> memref<1x128x64xf32, #tpu.memory_space<vmem>>
      %dma_start3A_245 = tpu.memref_squeeze %dma_start3A_244 : memref<1x128x64xf32, #tpu.memory_space<vmem>> -> memref<128x64xf32, #tpu.memory_space<vmem>>
      %dma_start3A_246 = arith.constant 0 : i32
      %dma_start3A_247 = tpu.memref_slice %arg11[%dma_start3A_240, %dma_start3A_246] : memref<2x512xi32, #tpu.memory_space<vmem>> -> memref<1x128xi32, #tpu.memory_space<vmem>>
      %dma_start3A_248 = tpu.memref_squeeze %dma_start3A_247 : memref<1x128xi32, #tpu.memory_space<vmem>> -> memref<128xi32, #tpu.memory_space<vmem>>
      %dma_start3A_249 = arith.constant 0 : i32
      %dma_start3A_250 = arith.constant 0 : i32
      %dma_start3A_251 = tpu.memref_slice %arg2[%dma_start3A_249, %dma_start3A_250] : memref<501568x64xf32, #tpu.memory_space<hbm>> -> memref<501568x64xf32, #tpu.memory_space<hbm>>
      tpu.enqueue_indirect_dma source(%dma_start3A_251 : memref<501568x64xf32, #tpu.memory_space<hbm>>) target(%dma_start3A_245 : memref<128x64xf32, #tpu.memory_space<vmem>>) offsets(%dma_start3A_248 : memref<128xi32, #tpu.memory_space<vmem>>) semaphore(%arg16 : memref<!tpu.dma_semaphore, #tpu.memory_space<semaphore_mem>>)
      %dma_start3A_252 = arith.constant 1 : i32
      %dma_start3A_253 = arith.constant 1 : i32
      %dma_start3A_254 = arith.constant 128 : i32
      %dma_start3A_255 = arith.constant 0 : i32
      %dma_start3A_256 = tpu.memref_slice %arg12[%dma_start3A_253, %dma_start3A_254, %dma_start3A_255] : memref<2x512x64xf32, #tpu.memory_space<vmem>> -> memref<1x128x64xf32, #tpu.memory_space<vmem>>
      %dma_start3A_257 = tpu.memref_squeeze %dma_start3A_256 : memref<1x128x64xf32, #tpu.memory_space<vmem>> -> memref<128x64xf32, #tpu.memory_space<vmem>>
      %dma_start3A_258 = arith.constant 128 : i32
      %dma_start3A_259 = tpu.memref_slice %arg11[%dma_start3A_252, %dma_start3A_258] : memref<2x512xi32, #tpu.memory_space<vmem>> -> memref<1x128xi32, #tpu.memory_space<vmem>>
      %dma_start3A_260 = tpu.memref_squeeze %dma_start3A_259 : memref<1x128xi32, #tpu.memory_space<vmem>> -> memref<128xi32, #tpu.memory_space<vmem>>
      %dma_start3A_261 = arith.constant 0 : i32
      %dma_start3A_262 = arith.constant 0 : i32
      %dma_start3A_263 = tpu.memref_slice %arg2[%dma_start3A_261, %dma_start3A_262] : memref<501568x64xf32, #tpu.memory_space<hbm>> -> memref<501568x64xf32, #tpu.memory_space<hbm>>
      tpu.enqueue_indirect_dma source(%dma_start3A_263 : memref<501568x64xf32, #tpu.memory_space<hbm>>) target(%dma_start3A_257 : memref<128x64xf32, #tpu.memory_space<vmem>>) offsets(%dma_start3A_260 : memref<128xi32, #tpu.memory_space<vmem>>) semaphore(%arg16 : memref<!tpu.dma_semaphore, #tpu.memory_space<semaphore_mem>>)
      %dma_start3A_264 = arith.constant 1 : i32
      %dma_start3A_265 = arith.constant 1 : i32
      %dma_start3A_266 = arith.constant 256 : i32
      %dma_start3A_267 = arith.constant 0 : i32
      %dma_start3A_268 = tpu.memref_slice %arg12[%dma_start3A_265, %dma_start3A_266, %dma_start3A_267] : memref<2x512x64xf32, #tpu.memory_space<vmem>> -> memref<1x128x64xf32, #tpu.memory_space<vmem>>
      %dma_start3A_269 = tpu.memref_squeeze %dma_start3A_268 : memref<1x128x64xf32, #tpu.memory_space<vmem>> -> memref<128x64xf32, #tpu.memory_space<vmem>>
      %dma_start3A_270 = arith.constant 256 : i32
      %dma_start3A_271 = tpu.memref_slice %arg11[%dma_start3A_264, %dma_start3A_270] : memref<2x512xi32, #tpu.memory_space<vmem>> -> memref<1x128xi32, #tpu.memory_space<vmem>>
      %dma_start3A_272 = tpu.memref_squeeze %dma_start3A_271 : memref<1x128xi32, #tpu.memory_space<vmem>> -> memref<128xi32, #tpu.memory_space<vmem>>
      %dma_start3A_273 = arith.constant 0 : i32
      %dma_start3A_274 = arith.constant 0 : i32
      %dma_start3A_275 = tpu.memref_slice %arg2[%dma_start3A_273, %dma_start3A_274] : memref<501568x64xf32, #tpu.memory_space<hbm>> -> memref<501568x64xf32, #tpu.memory_space<hbm>>
      tpu.enqueue_indirect_dma source(%dma_start3A_275 : memref<501568x64xf32, #tpu.memory_space<hbm>>) target(%dma_start3A_269 : memref<128x64xf32, #tpu.memory_space<vmem>>) offsets(%dma_start3A_272 : memref<128xi32, #tpu.memory_space<vmem>>) semaphore(%arg16 : memref<!tpu.dma_semaphore, #tpu.memory_space<semaphore_mem>>)
      %dma_start3A_276 = arith.constant 1 : i32
      %dma_start3A_277 = arith.constant 1 : i32
      %dma_start3A_278 = arith.constant 384 : i32
      %dma_start3A_279 = arith.constant 0 : i32
      %dma_start3A_280 = tpu.memref_slice %arg12[%dma_start3A_277, %dma_start3A_278, %dma_start3A_279] : memref<2x512x64xf32, #tpu.memory_space<vmem>> -> memref<1x128x64xf32, #tpu.memory_space<vmem>>
      %dma_start3A_281 = tpu.memref_squeeze %dma_start3A_280 : memref<1x128x64xf32, #tpu.memory_space<vmem>> -> memref<128x64xf32, #tpu.memory_space<vmem>>
      %dma_start3A_282 = arith.constant 384 : i32
      %dma_start3A_283 = tpu.memref_slice %arg11[%dma_start3A_276, %dma_start3A_282] : memref<2x512xi32, #tpu.memory_space<vmem>> -> memref<1x128xi32, #tpu.memory_space<vmem>>
      %dma_start3A_284 = tpu.memref_squeeze %dma_start3A_283 : memref<1x128xi32, #tpu.memory_space<vmem>> -> memref<128xi32, #tpu.memory_space<vmem>>
      %dma_start3A_285 = arith.constant 0 : i32
      %dma_start3A_286 = arith.constant 0 : i32
      %dma_start3A_287 = tpu.memref_slice %arg2[%dma_start3A_285, %dma_start3A_286] : memref<501568x64xf32, #tpu.memory_space<hbm>> -> memref<501568x64xf32, #tpu.memory_space<hbm>>
      tpu.enqueue_indirect_dma source(%dma_start3A_287 : memref<501568x64xf32, #tpu.memory_space<hbm>>) target(%dma_start3A_281 : memref<128x64xf32, #tpu.memory_space<vmem>>) offsets(%dma_start3A_284 : memref<128xi32, #tpu.memory_space<vmem>>) semaphore(%arg16 : memref<!tpu.dma_semaphore, #tpu.memory_space<semaphore_mem>>)
      %add3A_288 = arith.addi %mul3A_2, %add3A_150 : i32
      %parallel_loop3A_289 = arith.constant 0 : i32
      %parallel_loop3A_290 = arith.constant 128 : i32
      %parallel_loop3A_291 = arith.constant 1 : i32
      scf.for %parallel_loop3A_436 = %parallel_loop3A_289 to %parallel_loop3A_290 step %parallel_loop3A_291  : i32 {
        %parallel_loop3A_437 = arith.constant 0 : i32
        %parallel_loop3A_438 = arith.constant 16 : i32
        %parallel_loop3A_439 = arith.muli %parallel_loop3A_437, %parallel_loop3A_438 : i32
        %parallel_loop3A_440 = arith.constant 0 : i32
        %parallel_loop3A_441 = arith.index_cast %parallel_loop3A_440 : i32 to index
        %parallel_loop3A_442 = arith.index_cast %parallel_loop3A_436 : i32 to index
        %parallel_loop3A_443 = arith.index_cast %parallel_loop3A_439 : i32 to index
        %parallel_loop3A_444 = tpu.vector_load %arg12[%parallel_loop3A_441, %parallel_loop3A_442, %parallel_loop3A_443] {strides = array<i32>} : memref<2x512x64xf32, #tpu.memory_space<vmem>>, vector<1x1x16xf32>,
        %parallel_loop3A_445 = vector.shape_cast %parallel_loop3A_444 : vector<1x1x16xf32> to vector<16xf32>
        %parallel_loop3A_446 = arith.constant 128 : i32
        %parallel_loop3A_447 = arith.addi %parallel_loop3A_446, %parallel_loop3A_436 : i32
        %parallel_loop3A_448 = arith.constant 0 : i32
        %parallel_loop3A_449 = arith.index_cast %parallel_loop3A_448 : i32 to index
        %parallel_loop3A_450 = arith.index_cast %parallel_loop3A_447 : i32 to index
        %parallel_loop3A_451 = arith.index_cast %parallel_loop3A_439 : i32 to index
        %parallel_loop3A_452 = tpu.vector_load %arg12[%parallel_loop3A_449, %parallel_loop3A_450, %parallel_loop3A_451] {strides = array<i32>} : memref<2x512x64xf32, #tpu.memory_space<vmem>>, vector<1x1x16xf32>,
        %parallel_loop3A_453 = vector.shape_cast %parallel_loop3A_452 : vector<1x1x16xf32> to vector<16xf32>
        %parallel_loop3A_454 = arith.addf %parallel_loop3A_445, %parallel_loop3A_453 : vector<16xf32>
        %parallel_loop3A_455 = arith.constant 256 : i32
        %parallel_loop3A_456 = arith.addi %parallel_loop3A_455, %parallel_loop3A_436 : i32
        %parallel_loop3A_457 = arith.constant 0 : i32
        %parallel_loop3A_458 = arith.index_cast %parallel_loop3A_457 : i32 to index
        %parallel_loop3A_459 = arith.index_cast %parallel_loop3A_456 : i32 to index
        %parallel_loop3A_460 = arith.index_cast %parallel_loop3A_439 : i32 to index
        %parallel_loop3A_461 = tpu.vector_load %arg12[%parallel_loop3A_458, %parallel_loop3A_459, %parallel_loop3A_460] {strides = array<i32>} : memref<2x512x64xf32, #tpu.memory_space<vmem>>, vector<1x1x16xf32>,
        %parallel_loop3A_462 = vector.shape_cast %parallel_loop3A_461 : vector<1x1x16xf32> to vector<16xf32>
        %parallel_loop3A_463 = arith.addf %parallel_loop3A_454, %parallel_loop3A_462 : vector<16xf32>
        %parallel_loop3A_464 = arith.constant 384 : i32
        %parallel_loop3A_465 = arith.addi %parallel_loop3A_464, %parallel_loop3A_436 : i32
        %parallel_loop3A_466 = arith.constant 0 : i32
        %parallel_loop3A_467 = arith.index_cast %parallel_loop3A_466 : i32 to index
        %parallel_loop3A_468 = arith.index_cast %parallel_loop3A_465 : i32 to index
        %parallel_loop3A_469 = arith.index_cast %parallel_loop3A_439 : i32 to index
        %parallel_loop3A_470 = tpu.vector_load %arg12[%parallel_loop3A_467, %parallel_loop3A_468, %parallel_loop3A_469] {strides = array<i32>} : memref<2x512x64xf32, #tpu.memory_space<vmem>>, vector<1x1x16xf32>,
        %parallel_loop3A_471 = vector.shape_cast %parallel_loop3A_470 : vector<1x1x16xf32> to vector<16xf32>
        %parallel_loop3A_472 = arith.addf %parallel_loop3A_463, %parallel_loop3A_471 : vector<16xf32>
        %parallel_loop3A_473 = arith.index_cast %parallel_loop3A_436 : i32 to index
        %parallel_loop3A_474 = arith.index_cast %parallel_loop3A_439 : i32 to index
        %parallel_loop3A_475 = tpu.vector_load %arg13[%parallel_loop3A_473, %parallel_loop3A_474] {strides = array<i32>} : memref<128x64xf32, #tpu.memory_space<vmem>>, vector<1x16xf32>,
        %parallel_loop3A_476 = vector.shape_cast %parallel_loop3A_475 : vector<1x16xf32> to vector<16xf32>
        %parallel_loop3A_477 = vector.shape_cast %parallel_loop3A_472 : vector<16xf32> to vector<1x16xf32>
        tpu.vector_store %arg13[%parallel_loop3A_473, %parallel_loop3A_474], %parallel_loop3A_477 {strides = array<i32>} : memref<128x64xf32, #tpu.memory_space<vmem>>, vector<1x16xf32>,
        %parallel_loop3A_478 = arith.constant 1 : i32
        %parallel_loop3A_479 = arith.constant 16 : i32
        %parallel_loop3A_480 = arith.muli %parallel_loop3A_478, %parallel_loop3A_479 : i32
        %parallel_loop3A_481 = arith.constant 0 : i32
        %parallel_loop3A_482 = arith.index_cast %parallel_loop3A_481 : i32 to index
        %parallel_loop3A_483 = arith.index_cast %parallel_loop3A_436 : i32 to index
        %parallel_loop3A_484 = arith.index_cast %parallel_loop3A_480 : i32 to index
        %parallel_loop3A_485 = tpu.vector_load %arg12[%parallel_loop3A_482, %parallel_loop3A_483, %parallel_loop3A_484] {strides = array<i32>} : memref<2x512x64xf32, #tpu.memory_space<vmem>>, vector<1x1x16xf32>,
        %parallel_loop3A_486 = vector.shape_cast %parallel_loop3A_485 : vector<1x1x16xf32> to vector<16xf32>
        %parallel_loop3A_487 = arith.constant 128 : i32
        %parallel_loop3A_488 = arith.addi %parallel_loop3A_487, %parallel_loop3A_436 : i32
        %parallel_loop3A_489 = arith.constant 0 : i32
        %parallel_loop3A_490 = arith.index_cast %parallel_loop3A_489 : i32 to index
        %parallel_loop3A_491 = arith.index_cast %parallel_loop3A_488 : i32 to index
        %parallel_loop3A_492 = arith.index_cast %parallel_loop3A_480 : i32 to index
        %parallel_loop3A_493 = tpu.vector_load %arg12[%parallel_loop3A_490, %parallel_loop3A_491, %parallel_loop3A_492] {strides = array<i32>} : memref<2x512x64xf32, #tpu.memory_space<vmem>>, vector<1x1x16xf32>,
        %parallel_loop3A_494 = vector.shape_cast %parallel_loop3A_493 : vector<1x1x16xf32> to vector<16xf32>
        %parallel_loop3A_495 = arith.addf %parallel_loop3A_486, %parallel_loop3A_494 : vector<16xf32>
        %parallel_loop3A_496 = arith.constant 256 : i32
        %parallel_loop3A_497 = arith.addi %parallel_loop3A_496, %parallel_loop3A_436 : i32
        %parallel_loop3A_498 = arith.constant 0 : i32
        %parallel_loop3A_499 = arith.index_cast %parallel_loop3A_498 : i32 to index
        %parallel_loop3A_500 = arith.index_cast %parallel_loop3A_497 : i32 to index
        %parallel_loop3A_501 = arith.index_cast %parallel_loop3A_480 : i32 to index
        %parallel_loop3A_502 = tpu.vector_load %arg12[%parallel_loop3A_499, %parallel_loop3A_500, %parallel_loop3A_501] {strides = array<i32>} : memref<2x512x64xf32, #tpu.memory_space<vmem>>, vector<1x1x16xf32>,
        %parallel_loop3A_503 = vector.shape_cast %parallel_loop3A_502 : vector<1x1x16xf32> to vector<16xf32>
        %parallel_loop3A_504 = arith.addf %parallel_loop3A_495, %parallel_loop3A_503 : vector<16xf32>
        %parallel_loop3A_505 = arith.constant 384 : i32
        %parallel_loop3A_506 = arith.addi %parallel_loop3A_505, %parallel_loop3A_436 : i32
        %parallel_loop3A_507 = arith.constant 0 : i32
        %parallel_loop3A_508 = arith.index_cast %parallel_loop3A_507 : i32 to index
        %parallel_loop3A_509 = arith.index_cast %parallel_loop3A_506 : i32 to index
        %parallel_loop3A_510 = arith.index_cast %parallel_loop3A_480 : i32 to index
        %parallel_loop3A_511 = tpu.vector_load %arg12[%parallel_loop3A_508, %parallel_loop3A_509, %parallel_loop3A_510] {strides = array<i32>} : memref<2x512x64xf32, #tpu.memory_space<vmem>>, vector<1x1x16xf32>,
        %parallel_loop3A_512 = vector.shape_cast %parallel_loop3A_511 : vector<1x1x16xf32> to vector<16xf32>
        %parallel_loop3A_513 = arith.addf %parallel_loop3A_504, %parallel_loop3A_512 : vector<16xf32>
        %parallel_loop3A_514 = arith.index_cast %parallel_loop3A_436 : i32 to index
        %parallel_loop3A_515 = arith.index_cast %parallel_loop3A_480 : i32 to index
        %parallel_loop3A_516 = tpu.vector_load %arg13[%parallel_loop3A_514, %parallel_loop3A_515] {strides = array<i32>} : memref<128x64xf32, #tpu.memory_space<vmem>>, vector<1x16xf32>,
        %parallel_loop3A_517 = vector.shape_cast %parallel_loop3A_516 : vector<1x16xf32> to vector<16xf32>
        %parallel_loop3A_518 = vector.shape_cast %parallel_loop3A_513 : vector<16xf32> to vector<1x16xf32>
        tpu.vector_store %arg13[%parallel_loop3A_514, %parallel_loop3A_515], %parallel_loop3A_518 {strides = array<i32>} : memref<128x64xf32, #tpu.memory_space<vmem>>, vector<1x16xf32>,
        %parallel_loop3A_519 = arith.constant 2 : i32
        %parallel_loop3A_520 = arith.constant 16 : i32
        %parallel_loop3A_521 = arith.muli %parallel_loop3A_519, %parallel_loop3A_520 : i32
        %parallel_loop3A_522 = arith.constant 0 : i32
        %parallel_loop3A_523 = arith.index_cast %parallel_loop3A_522 : i32 to index
        %parallel_loop3A_524 = arith.index_cast %parallel_loop3A_436 : i32 to index
        %parallel_loop3A_525 = arith.index_cast %parallel_loop3A_521 : i32 to index
        %parallel_loop3A_526 = tpu.vector_load %arg12[%parallel_loop3A_523, %parallel_loop3A_524, %parallel_loop3A_525] {strides = array<i32>} : memref<2x512x64xf32, #tpu.memory_space<vmem>>, vector<1x1x16xf32>,
        %parallel_loop3A_527 = vector.shape_cast %parallel_loop3A_526 : vector<1x1x16xf32> to vector<16xf32>
        %parallel_loop3A_528 = arith.constant 128 : i32
        %parallel_loop3A_529 = arith.addi %parallel_loop3A_528, %parallel_loop3A_436 : i32
        %parallel_loop3A_530 = arith.constant 0 : i32
        %parallel_loop3A_531 = arith.index_cast %parallel_loop3A_530 : i32 to index
        %parallel_loop3A_532 = arith.index_cast %parallel_loop3A_529 : i32 to index
        %parallel_loop3A_533 = arith.index_cast %parallel_loop3A_521 : i32 to index
        %parallel_loop3A_534 = tpu.vector_load %arg12[%parallel_loop3A_531, %parallel_loop3A_532, %parallel_loop3A_533] {strides = array<i32>} : memref<2x512x64xf32, #tpu.memory_space<vmem>>, vector<1x1x16xf32>,
        %parallel_loop3A_535 = vector.shape_cast %parallel_loop3A_534 : vector<1x1x16xf32> to vector<16xf32>
        %parallel_loop3A_536 = arith.addf %parallel_loop3A_527, %parallel_loop3A_535 : vector<16xf32>
        %parallel_loop3A_537 = arith.constant 256 : i32
        %parallel_loop3A_538 = arith.addi %parallel_loop3A_537, %parallel_loop3A_436 : i32
        %parallel_loop3A_539 = arith.constant 0 : i32
        %parallel_loop3A_540 = arith.index_cast %parallel_loop3A_539 : i32 to index
        %parallel_loop3A_541 = arith.index_cast %parallel_loop3A_538 : i32 to index
        %parallel_loop3A_542 = arith.index_cast %parallel_loop3A_521 : i32 to index
        %parallel_loop3A_543 = tpu.vector_load %arg12[%parallel_loop3A_540, %parallel_loop3A_541, %parallel_loop3A_542] {strides = array<i32>} : memref<2x512x64xf32, #tpu.memory_space<vmem>>, vector<1x1x16xf32>,
        %parallel_loop3A_544 = vector.shape_cast %parallel_loop3A_543 : vector<1x1x16xf32> to vector<16xf32>
        %parallel_loop3A_545 = arith.addf %parallel_loop3A_536, %parallel_loop3A_544 : vector<16xf32>
        %parallel_loop3A_546 = arith.constant 384 : i32
        %parallel_loop3A_547 = arith.addi %parallel_loop3A_546, %parallel_loop3A_436 : i32
        %parallel_loop3A_548 = arith.constant 0 : i32
        %parallel_loop3A_549 = arith.index_cast %parallel_loop3A_548 : i32 to index
        %parallel_loop3A_550 = arith.index_cast %parallel_loop3A_547 : i32 to index
        %parallel_loop3A_551 = arith.index_cast %parallel_loop3A_521 : i32 to index
        %parallel_loop3A_552 = tpu.vector_load %arg12[%parallel_loop3A_549, %parallel_loop3A_550, %parallel_loop3A_551] {strides = array<i32>} : memref<2x512x64xf32, #tpu.memory_space<vmem>>, vector<1x1x16xf32>,
        %parallel_loop3A_553 = vector.shape_cast %parallel_loop3A_552 : vector<1x1x16xf32> to vector<16xf32>
        %parallel_loop3A_554 = arith.addf %parallel_loop3A_545, %parallel_loop3A_553 : vector<16xf32>
        %parallel_loop3A_555 = arith.index_cast %parallel_loop3A_436 : i32 to index
        %parallel_loop3A_556 = arith.index_cast %parallel_loop3A_521 : i32 to index
        %parallel_loop3A_557 = tpu.vector_load %arg13[%parallel_loop3A_555, %parallel_loop3A_556] {strides = array<i32>} : memref<128x64xf32, #tpu.memory_space<vmem>>, vector<1x16xf32>,
        %parallel_loop3A_558 = vector.shape_cast %parallel_loop3A_557 : vector<1x16xf32> to vector<16xf32>
        %parallel_loop3A_559 = vector.shape_cast %parallel_loop3A_554 : vector<16xf32> to vector<1x16xf32>
        tpu.vector_store %arg13[%parallel_loop3A_555, %parallel_loop3A_556], %parallel_loop3A_559 {strides = array<i32>} : memref<128x64xf32, #tpu.memory_space<vmem>>, vector<1x16xf32>,
        %parallel_loop3A_560 = arith.constant 3 : i32
        %parallel_loop3A_561 = arith.constant 16 : i32
        %parallel_loop3A_562 = arith.muli %parallel_loop3A_560, %parallel_loop3A_561 : i32
        %parallel_loop3A_563 = arith.constant 0 : i32
        %parallel_loop3A_564 = arith.index_cast %parallel_loop3A_563 : i32 to index
        %parallel_loop3A_565 = arith.index_cast %parallel_loop3A_436 : i32 to index
        %parallel_loop3A_566 = arith.index_cast %parallel_loop3A_562 : i32 to index
        %parallel_loop3A_567 = tpu.vector_load %arg12[%parallel_loop3A_564, %parallel_loop3A_565, %parallel_loop3A_566] {strides = array<i32>} : memref<2x512x64xf32, #tpu.memory_space<vmem>>, vector<1x1x16xf32>,
        %parallel_loop3A_568 = vector.shape_cast %parallel_loop3A_567 : vector<1x1x16xf32> to vector<16xf32>
        %parallel_loop3A_569 = arith.constant 128 : i32
        %parallel_loop3A_570 = arith.addi %parallel_loop3A_569, %parallel_loop3A_436 : i32
        %parallel_loop3A_571 = arith.constant 0 : i32
        %parallel_loop3A_572 = arith.index_cast %parallel_loop3A_571 : i32 to index
        %parallel_loop3A_573 = arith.index_cast %parallel_loop3A_570 : i32 to index
        %parallel_loop3A_574 = arith.index_cast %parallel_loop3A_562 : i32 to index
        %parallel_loop3A_575 = tpu.vector_load %arg12[%parallel_loop3A_572, %parallel_loop3A_573, %parallel_loop3A_574] {strides = array<i32>} : memref<2x512x64xf32, #tpu.memory_space<vmem>>, vector<1x1x16xf32>,
        %parallel_loop3A_576 = vector.shape_cast %parallel_loop3A_575 : vector<1x1x16xf32> to vector<16xf32>
        %parallel_loop3A_577 = arith.addf %parallel_loop3A_568, %parallel_loop3A_576 : vector<16xf32>
        %parallel_loop3A_578 = arith.constant 256 : i32
        %parallel_loop3A_579 = arith.addi %parallel_loop3A_578, %parallel_loop3A_436 : i32
        %parallel_loop3A_580 = arith.constant 0 : i32
        %parallel_loop3A_581 = arith.index_cast %parallel_loop3A_580 : i32 to index
        %parallel_loop3A_582 = arith.index_cast %parallel_loop3A_579 : i32 to index
        %parallel_loop3A_583 = arith.index_cast %parallel_loop3A_562 : i32 to index
        %parallel_loop3A_584 = tpu.vector_load %arg12[%parallel_loop3A_581, %parallel_loop3A_582, %parallel_loop3A_583] {strides = array<i32>} : memref<2x512x64xf32, #tpu.memory_space<vmem>>, vector<1x1x16xf32>,
        %parallel_loop3A_585 = vector.shape_cast %parallel_loop3A_584 : vector<1x1x16xf32> to vector<16xf32>
        %parallel_loop3A_586 = arith.addf %parallel_loop3A_577, %parallel_loop3A_585 : vector<16xf32>
        %parallel_loop3A_587 = arith.constant 384 : i32
        %parallel_loop3A_588 = arith.addi %parallel_loop3A_587, %parallel_loop3A_436 : i32
        %parallel_loop3A_589 = arith.constant 0 : i32
        %parallel_loop3A_590 = arith.index_cast %parallel_loop3A_589 : i32 to index
        %parallel_loop3A_591 = arith.index_cast %parallel_loop3A_588 : i32 to index
        %parallel_loop3A_592 = arith.index_cast %parallel_loop3A_562 : i32 to index
        %parallel_loop3A_593 = tpu.vector_load %arg12[%parallel_loop3A_590, %parallel_loop3A_591, %parallel_loop3A_592] {strides = array<i32>} : memref<2x512x64xf32, #tpu.memory_space<vmem>>, vector<1x1x16xf32>,
        %parallel_loop3A_594 = vector.shape_cast %parallel_loop3A_593 : vector<1x1x16xf32> to vector<16xf32>
        %parallel_loop3A_595 = arith.addf %parallel_loop3A_586, %parallel_loop3A_594 : vector<16xf32>
        %parallel_loop3A_596 = arith.index_cast %parallel_loop3A_436 : i32 to index
        %parallel_loop3A_597 = arith.index_cast %parallel_loop3A_562 : i32 to index
        %parallel_loop3A_598 = tpu.vector_load %arg13[%parallel_loop3A_596, %parallel_loop3A_597] {strides = array<i32>} : memref<128x64xf32, #tpu.memory_space<vmem>>, vector<1x16xf32>,
        %parallel_loop3A_599 = vector.shape_cast %parallel_loop3A_598 : vector<1x16xf32> to vector<16xf32>
        %parallel_loop3A_600 = vector.shape_cast %parallel_loop3A_595 : vector<16xf32> to vector<1x16xf32>
        tpu.vector_store %arg13[%parallel_loop3A_596, %parallel_loop3A_597], %parallel_loop3A_600 {strides = array<i32>} : memref<128x64xf32, #tpu.memory_space<vmem>>, vector<1x16xf32>,
      } {sc.loop_unroll_factor = 4 : i64, sc.parallel_access}
      "tpu.region"() ({
        %run_scoped3A = tpu.sem_alloc : memref<!tpu.dma_semaphore, #tpu.memory_space<semaphore_mem>>
        %dma_start3A_436 = arith.constant 0 : i32
        %dma_start3A_437 = tpu.memref_slice %arg6[%add3A_288, %dma_start3A_436] : memref<819200x64xf32, #tpu.memory_space<hbm>> -> memref<128x64xf32, #tpu.memory_space<hbm>>
        %dma_start3A_438 = arith.constant 0 : i32
        %dma_start3A_439 = tpu.memref_slice %arg6[%add3A_288, %dma_start3A_438] : memref<819200x64xf32, #tpu.memory_space<hbm>> -> memref<128x64xf32, #tpu.memory_space<hbm>>
        tpu.enqueue_dma source(%arg13 : memref<128x64xf32, #tpu.memory_space<vmem>>) target(%dma_start3A_439 : memref<128x64xf32, #tpu.memory_space<hbm>>) target_semaphore(%run_scoped3A : memref<!tpu.dma_semaphore, #tpu.memory_space<semaphore_mem>>)
        %dma_wait3A_440 = arith.constant 0 : i32
        %dma_wait3A_441 = tpu.memref_slice %arg6[%add3A_288, %dma_wait3A_440] : memref<819200x64xf32, #tpu.memory_space<hbm>> -> memref<128x64xf32, #tpu.memory_space<hbm>>
        %dma_wait3A_442 = arith.constant 0 : i32
        %dma_wait3A_443 = tpu.memref_slice %arg6[%add3A_288, %dma_wait3A_442] : memref<819200x64xf32, #tpu.memory_space<hbm>> -> memref<128x64xf32, #tpu.memory_space<hbm>>
        tpu.wait_dma2 semaphore(%run_scoped3A : memref<!tpu.dma_semaphore, #tpu.memory_space<semaphore_mem>>) src(%arg13 : memref<128x64xf32, #tpu.memory_space<vmem>>) dst(%dma_wait3A_443 : memref<128x64xf32, #tpu.memory_space<hbm>>)
        tpu.yield
      }) : () -> ()
      %add3A_292 = arith.constant 128 : i32
      %add3A_293 = arith.addi %mul3A_148, %add3A_292 : i32
      %add3A_294 = arith.constant 128 : i32
      %add3A_295 = arith.addi %add3A_293, %add3A_294 : i32
      %min3A_296 = arith.constant 25472 : i32
      %min3A_297 = arith.minsi %add3A_295, %min3A_296 : i32
      %parallel_loop3A_298 = arith.constant 0 : i32
      %parallel_loop3A_299 = arith.constant 8 : i32
      %parallel_loop3A_300 = arith.constant 1 : i32
      scf.for %parallel_loop3A_436 = %parallel_loop3A_298 to %parallel_loop3A_299 step %parallel_loop3A_300  : i32 {
        %parallel_loop3A_437 = arith.constant 16 : i32
        %parallel_loop3A_438 = arith.muli %parallel_loop3A_436, %parallel_loop3A_437 : i32
        %parallel_loop3A_439 = arith.addi %min3A_297, %parallel_loop3A_438 : i32
        %parallel_loop3A_440 = arith.index_cast %parallel_loop3A_439 : i32 to index
        %parallel_loop3A_441 = tpu.vector_load %arg7[%parallel_loop3A_440] {strides = array<i32>} : memref<25600xi32, #tpu.memory_space<vmem>>, vector<16xi32>,
        %parallel_loop3A_442 = vector.shape_cast %parallel_loop3A_441 : vector<16xi32> to vector<16xi32>
        %parallel_loop3A_443 = arith.constant 100000 : i32
        %parallel_loop3A_444 = vector.broadcast %parallel_loop3A_443 : i32 to vector<16xi32>
        %parallel_loop3A_445 = arith.cmpi sge, %parallel_loop3A_442, %parallel_loop3A_444 : vector<16xi32>
        %parallel_loop3A_446 = arith.constant 500000 : i32
        %parallel_loop3A_447 = vector.broadcast %parallel_loop3A_446 : i32 to vector<16xi32>
        %parallel_loop3A_448 = arith.cmpi slt, %parallel_loop3A_442, %parallel_loop3A_447 : vector<16xi32>
        %parallel_loop3A_449 = arith.andi %parallel_loop3A_445, %parallel_loop3A_448 : vector<16xi1>
        %parallel_loop3A_450 = arith.constant 100000 : i32
        %parallel_loop3A_451 = vector.broadcast %parallel_loop3A_450 : i32 to vector<16xi32>
        %parallel_loop3A_452 = arith.subi %parallel_loop3A_442, %parallel_loop3A_451 : vector<16xi32>
        %parallel_loop3A_453 = arith.constant 0 : i32
        %parallel_loop3A_454 = vector.broadcast %parallel_loop3A_453 : i32 to vector<16xi32>
        %parallel_loop3A_455 = arith.select %parallel_loop3A_449, %parallel_loop3A_452, %parallel_loop3A_454 : vector<16xi1>, vector<16xi32>
        %parallel_loop3A_456 = arith.constant 16 : i32
        %parallel_loop3A_457 = arith.muli %parallel_loop3A_436, %parallel_loop3A_456 : i32
        %parallel_loop3A_458 = arith.constant 0 : i32
        %parallel_loop3A_459 = arith.index_cast %parallel_loop3A_458 : i32 to index
        %parallel_loop3A_460 = arith.index_cast %parallel_loop3A_457 : i32 to index
        %parallel_loop3A_461 = tpu.vector_load %arg9[%parallel_loop3A_459, %parallel_loop3A_460] {strides = array<i32>} : memref<2x128xi32, #tpu.memory_space<vmem>>, vector<1x16xi32>,
        %parallel_loop3A_462 = vector.shape_cast %parallel_loop3A_461 : vector<1x16xi32> to vector<16xi32>
        %parallel_loop3A_463 = vector.shape_cast %parallel_loop3A_455 : vector<16xi32> to vector<1x16xi32>
        tpu.vector_store %arg9[%parallel_loop3A_459, %parallel_loop3A_460], %parallel_loop3A_463 {strides = array<i32>} : memref<2x128xi32, #tpu.memory_space<vmem>>, vector<1x16xi32>,
      } {sc.loop_unroll_factor = 4 : i64, sc.parallel_access}
      %dma_start3A_301 = arith.constant 0 : i32
      %dma_start3A_302 = arith.constant 0 : i32
      %dma_start3A_303 = arith.constant 0 : i32
      %dma_start3A_304 = tpu.memref_slice %arg10[%dma_start3A_302, %dma_start3A_303] : memref<2x128xi32, #tpu.memory_space<vmem>> -> memref<1x128xi32, #tpu.memory_space<vmem>>
      %dma_start3A_305 = tpu.memref_squeeze %dma_start3A_304 : memref<1x128xi32, #tpu.memory_space<vmem>> -> memref<128xi32, #tpu.memory_space<vmem>>
      %dma_start3A_306 = arith.constant 0 : i32
      %dma_start3A_307 = tpu.memref_slice %arg9[%dma_start3A_301, %dma_start3A_306] : memref<2x128xi32, #tpu.memory_space<vmem>> -> memref<1x128xi32, #tpu.memory_space<vmem>>
      %dma_start3A_308 = tpu.memref_squeeze %dma_start3A_307 : memref<1x128xi32, #tpu.memory_space<vmem>> -> memref<128xi32, #tpu.memory_space<vmem>>
      %dma_start3A_309 = arith.constant 0 : i32
      %dma_start3A_310 = tpu.memref_slice %arg4[%dma_start3A_309] : memref<400000xi32, #tpu.memory_space<hbm>> -> memref<400000xi32, #tpu.memory_space<hbm>>
      tpu.enqueue_indirect_dma source(%dma_start3A_310 : memref<400000xi32, #tpu.memory_space<hbm>>) target(%dma_start3A_305 : memref<128xi32, #tpu.memory_space<vmem>>) offsets(%dma_start3A_308 : memref<128xi32, #tpu.memory_space<vmem>>) semaphore(%arg14 : memref<!tpu.dma_semaphore, #tpu.memory_space<semaphore_mem>>)
      %dma_wait3A_311 = arith.constant 0 : i32
      %dma_wait3A_312 = arith.constant 0 : i32
      %dma_wait3A_313 = arith.constant 0 : i32
      %dma_wait3A_314 = tpu.memref_slice %arg10[%dma_wait3A_312, %dma_wait3A_313] : memref<2x128xi32, #tpu.memory_space<vmem>> -> memref<1x128xi32, #tpu.memory_space<vmem>>
      %dma_wait3A_315 = tpu.memref_squeeze %dma_wait3A_314 : memref<1x128xi32, #tpu.memory_space<vmem>> -> memref<128xi32, #tpu.memory_space<vmem>>
      %dma_wait3A_316 = arith.constant 0 : i32
      %dma_wait3A_317 = tpu.memref_slice %arg9[%dma_wait3A_311, %dma_wait3A_316] : memref<2x128xi32, #tpu.memory_space<vmem>> -> memref<1x128xi32, #tpu.memory_space<vmem>>
      %dma_wait3A_318 = tpu.memref_squeeze %dma_wait3A_317 : memref<1x128xi32, #tpu.memory_space<vmem>> -> memref<128xi32, #tpu.memory_space<vmem>>
      %dma_wait3A_319 = arith.constant 0 : i32
      %dma_wait3A_320 = tpu.memref_slice %arg4[%dma_wait3A_319] : memref<400000xi32, #tpu.memory_space<hbm>> -> memref<400000xi32, #tpu.memory_space<hbm>>
      tpu.wait_indirect_dma semaphore(%arg14 : memref<!tpu.dma_semaphore, #tpu.memory_space<semaphore_mem>>) src(%dma_wait3A_320 : memref<400000xi32, #tpu.memory_space<hbm>>) dst(%dma_wait3A_315 : memref<128xi32, #tpu.memory_space<vmem>>)
      %parallel_loop3A_321 = arith.constant 0 : i32
      %parallel_loop3A_322 = arith.constant 8 : i32
      %parallel_loop3A_323 = arith.constant 1 : i32
      scf.for %parallel_loop3A_436 = %parallel_loop3A_321 to %parallel_loop3A_322 step %parallel_loop3A_323  : i32 {
        %parallel_loop3A_437 = arith.constant 16 : i32
        %parallel_loop3A_438 = arith.muli %parallel_loop3A_436, %parallel_loop3A_437 : i32
        %parallel_loop3A_439 = arith.addi %min3A_297, %parallel_loop3A_438 : i32
        %parallel_loop3A_440 = arith.index_cast %parallel_loop3A_439 : i32 to index
        %parallel_loop3A_441 = tpu.vector_load %arg7[%parallel_loop3A_440] {strides = array<i32>} : memref<25600xi32, #tpu.memory_space<vmem>>, vector<16xi32>,
        %parallel_loop3A_442 = vector.shape_cast %parallel_loop3A_441 : vector<16xi32> to vector<16xi32>
        %parallel_loop3A_443 = arith.constant 0 : i32
        %parallel_loop3A_444 = arith.index_cast %parallel_loop3A_443 : i32 to index
        %parallel_loop3A_445 = arith.index_cast %parallel_loop3A_438 : i32 to index
        %parallel_loop3A_446 = tpu.vector_load %arg10[%parallel_loop3A_444, %parallel_loop3A_445] {strides = array<i32>} : memref<2x128xi32, #tpu.memory_space<vmem>>, vector<1x16xi32>,
        %parallel_loop3A_447 = vector.shape_cast %parallel_loop3A_446 : vector<1x16xi32> to vector<16xi32>
        %parallel_loop3A_448 = arith.constant 100000 : i32
        %parallel_loop3A_449 = vector.broadcast %parallel_loop3A_448 : i32 to vector<16xi32>
        %parallel_loop3A_450 = arith.cmpi slt, %parallel_loop3A_442, %parallel_loop3A_449 : vector<16xi32>
        %parallel_loop3A_451 = arith.constant 500000 : i32
        %parallel_loop3A_452 = vector.broadcast %parallel_loop3A_451 : i32 to vector<16xi32>
        %parallel_loop3A_453 = arith.cmpi sge, %parallel_loop3A_442, %parallel_loop3A_452 : vector<16xi32>
        %parallel_loop3A_454 = arith.constant 100000 : i32
        %parallel_loop3A_455 = vector.broadcast %parallel_loop3A_454 : i32 to vector<16xi32>
        %parallel_loop3A_456 = arith.cmpi sge, %parallel_loop3A_442, %parallel_loop3A_455 : vector<16xi32>
        %parallel_loop3A_457 = arith.constant 500000 : i32
        %parallel_loop3A_458 = vector.broadcast %parallel_loop3A_457 : i32 to vector<16xi32>
        %parallel_loop3A_459 = arith.cmpi slt, %parallel_loop3A_442, %parallel_loop3A_458 : vector<16xi32>
        %parallel_loop3A_460 = arith.andi %parallel_loop3A_456, %parallel_loop3A_459 : vector<16xi1>
        %parallel_loop3A_461 = arith.constant 100000 : i32
        %parallel_loop3A_462 = vector.broadcast %parallel_loop3A_461 : i32 to vector<16xi32>
        %parallel_loop3A_463 = arith.subi %parallel_loop3A_442, %parallel_loop3A_462 : vector<16xi32>
        %parallel_loop3A_464 = arith.sitofp %parallel_loop3A_463 : vector<16xi32> to vector<16xf32>
        %parallel_loop3A_465 = arith.constant 0.00157977885 : f32
        %parallel_loop3A_466 = vector.broadcast %parallel_loop3A_465 : f32 to vector<16xf32>
        %parallel_loop3A_467 = arith.mulf %parallel_loop3A_464, %parallel_loop3A_466 : vector<16xf32>
        %parallel_loop3A_468 = arith.fptosi %parallel_loop3A_467 : vector<16xf32> to vector<16xi32>
        %parallel_loop3A_469 = arith.constant 633 : i32
        %parallel_loop3A_470 = vector.broadcast %parallel_loop3A_469 : i32 to vector<16xi32>
        %parallel_loop3A_471 = arith.muli %parallel_loop3A_468, %parallel_loop3A_470 : vector<16xi32>
        %parallel_loop3A_472 = arith.subi %parallel_loop3A_463, %parallel_loop3A_471 : vector<16xi32>
        %parallel_loop3A_473 = arith.constant 633 : i32
        %parallel_loop3A_474 = vector.broadcast %parallel_loop3A_473 : i32 to vector<16xi32>
        %parallel_loop3A_475 = arith.cmpi sge, %parallel_loop3A_472, %parallel_loop3A_474 : vector<16xi32>
        %parallel_loop3A_476 = arith.constant 1 : i32
        %parallel_loop3A_477 = arith.constant 0 : i32
        %parallel_loop3A_478 = vector.broadcast %parallel_loop3A_476 : i32 to vector<16xi32>
        %parallel_loop3A_479 = vector.broadcast %parallel_loop3A_477 : i32 to vector<16xi32>
        %parallel_loop3A_480 = arith.select %parallel_loop3A_475, %parallel_loop3A_478, %parallel_loop3A_479 : vector<16xi1>, vector<16xi32>
        %parallel_loop3A_481 = arith.addi %parallel_loop3A_468, %parallel_loop3A_480 : vector<16xi32>
        %parallel_loop3A_482 = arith.constant 0 : i32
        %parallel_loop3A_483 = vector.broadcast %parallel_loop3A_482 : i32 to vector<16xi32>
        %parallel_loop3A_484 = arith.cmpi slt, %parallel_loop3A_472, %parallel_loop3A_483 : vector<16xi32>
        %parallel_loop3A_485 = arith.constant 1 : i32
        %parallel_loop3A_486 = arith.constant 0 : i32
        %parallel_loop3A_487 = vector.broadcast %parallel_loop3A_485 : i32 to vector<16xi32>
        %parallel_loop3A_488 = vector.broadcast %parallel_loop3A_486 : i32 to vector<16xi32>
        %parallel_loop3A_489 = arith.select %parallel_loop3A_484, %parallel_loop3A_487, %parallel_loop3A_488 : vector<16xi1>, vector<16xi32>
        %parallel_loop3A_490 = arith.subi %parallel_loop3A_481, %parallel_loop3A_489 : vector<16xi32>
        %parallel_loop3A_491 = arith.constant 633 : i32
        %parallel_loop3A_492 = vector.broadcast %parallel_loop3A_491 : i32 to vector<16xi32>
        %parallel_loop3A_493 = arith.muli %parallel_loop3A_490, %parallel_loop3A_492 : vector<16xi32>
        %parallel_loop3A_494 = arith.subi %parallel_loop3A_463, %parallel_loop3A_493 : vector<16xi32>
        %parallel_loop3A_495 = arith.constant 500000 : i32
        %parallel_loop3A_496 = vector.broadcast %parallel_loop3A_495 : i32 to vector<16xi32>
        %parallel_loop3A_497 = arith.subi %parallel_loop3A_442, %parallel_loop3A_496 : vector<16xi32>
        %parallel_loop3A_498 = arith.constant 8 : i32
        %parallel_loop3A_499 = vector.broadcast %parallel_loop3A_498 : i32 to vector<16xi32>
        %parallel_loop3A_500 = arith.shrsi %parallel_loop3A_497, %parallel_loop3A_499 : vector<16xi32>
        %parallel_loop3A_501 = arith.constant 255 : i32
        %parallel_loop3A_502 = vector.broadcast %parallel_loop3A_501 : i32 to vector<16xi32>
        %parallel_loop3A_503 = arith.andi %parallel_loop3A_497, %parallel_loop3A_502 : vector<16xi32>
        %parallel_loop3A_504 = arith.constant 0 : index
        %parallel_loop3A_505 = tpu.vector_load %arg8[%parallel_loop3A_504] {strides = array<i32>} : memref<192xi32, #tpu.memory_space<vmem>>, vector<16xi32>,
        %parallel_loop3A_506 = vector.shape_cast %parallel_loop3A_505 : vector<16xi32> to vector<16xi32>
        %parallel_loop3A_507 = arith.constant 64 : index
        %parallel_loop3A_508 = tpu.vector_load %arg8[%parallel_loop3A_507] {strides = array<i32>} : memref<192xi32, #tpu.memory_space<vmem>>, vector<16xi32>,
        %parallel_loop3A_509 = vector.shape_cast %parallel_loop3A_508 : vector<16xi32> to vector<16xi32>
        %parallel_loop3A_510 = arith.constant 128 : index
        %parallel_loop3A_511 = tpu.vector_load %arg8[%parallel_loop3A_510] {strides = array<i32>} : memref<192xi32, #tpu.memory_space<vmem>>, vector<16xi32>,
        %parallel_loop3A_512 = vector.shape_cast %parallel_loop3A_511 : vector<16xi32> to vector<16xi32>
        %parallel_loop3A_513 = arith.muli %parallel_loop3A_500, %parallel_loop3A_506 : vector<16xi32>
        %parallel_loop3A_514 = arith.muli %parallel_loop3A_503, %parallel_loop3A_509 : vector<16xi32>
        %parallel_loop3A_515 = arith.addi %parallel_loop3A_513, %parallel_loop3A_514 : vector<16xi32>
        %parallel_loop3A_516 = arith.addi %parallel_loop3A_515, %parallel_loop3A_512 : vector<16xi32>
        %parallel_loop3A_517 = arith.sitofp %parallel_loop3A_516 : vector<16xi32> to vector<16xf32>
        %parallel_loop3A_518 = arith.constant 9.99999974E-6 : f32
        %parallel_loop3A_519 = vector.broadcast %parallel_loop3A_518 : f32 to vector<16xf32>
        %parallel_loop3A_520 = arith.mulf %parallel_loop3A_517, %parallel_loop3A_519 : vector<16xf32>
        %parallel_loop3A_521 = arith.fptosi %parallel_loop3A_520 : vector<16xf32> to vector<16xi32>
        %parallel_loop3A_522 = arith.constant 100000 : i32
        %parallel_loop3A_523 = vector.broadcast %parallel_loop3A_522 : i32 to vector<16xi32>
        %parallel_loop3A_524 = arith.muli %parallel_loop3A_521, %parallel_loop3A_523 : vector<16xi32>
        %parallel_loop3A_525 = arith.subi %parallel_loop3A_516, %parallel_loop3A_524 : vector<16xi32>
        %parallel_loop3A_526 = arith.constant 0 : i32
        %parallel_loop3A_527 = vector.broadcast %parallel_loop3A_526 : i32 to vector<16xi32>
        %parallel_loop3A_528 = arith.cmpi slt, %parallel_loop3A_525, %parallel_loop3A_527 : vector<16xi32>
        %parallel_loop3A_529 = arith.constant 100000 : i32
        %parallel_loop3A_530 = arith.constant 0 : i32
        %parallel_loop3A_531 = vector.broadcast %parallel_loop3A_529 : i32 to vector<16xi32>
        %parallel_loop3A_532 = vector.broadcast %parallel_loop3A_530 : i32 to vector<16xi32>
        %parallel_loop3A_533 = arith.select %parallel_loop3A_528, %parallel_loop3A_531, %parallel_loop3A_532 : vector<16xi1>, vector<16xi32>
        %parallel_loop3A_534 = arith.addi %parallel_loop3A_525, %parallel_loop3A_533 : vector<16xi32>
        %parallel_loop3A_535 = arith.constant 100000 : i32
        %parallel_loop3A_536 = vector.broadcast %parallel_loop3A_535 : i32 to vector<16xi32>
        %parallel_loop3A_537 = arith.cmpi sge, %parallel_loop3A_534, %parallel_loop3A_536 : vector<16xi32>
        %parallel_loop3A_538 = arith.constant 100000 : i32
        %parallel_loop3A_539 = arith.constant 0 : i32
        %parallel_loop3A_540 = vector.broadcast %parallel_loop3A_538 : i32 to vector<16xi32>
        %parallel_loop3A_541 = vector.broadcast %parallel_loop3A_539 : i32 to vector<16xi32>
        %parallel_loop3A_542 = arith.select %parallel_loop3A_537, %parallel_loop3A_540, %parallel_loop3A_541 : vector<16xi1>, vector<16xi32>
        %parallel_loop3A_543 = arith.subi %parallel_loop3A_534, %parallel_loop3A_542 : vector<16xi32>
        %parallel_loop3A_544 = arith.constant 16 : index
        %parallel_loop3A_545 = tpu.vector_load %arg8[%parallel_loop3A_544] {strides = array<i32>} : memref<192xi32, #tpu.memory_space<vmem>>, vector<16xi32>,
        %parallel_loop3A_546 = vector.shape_cast %parallel_loop3A_545 : vector<16xi32> to vector<16xi32>
        %parallel_loop3A_547 = arith.constant 80 : index
        %parallel_loop3A_548 = tpu.vector_load %arg8[%parallel_loop3A_547] {strides = array<i32>} : memref<192xi32, #tpu.memory_space<vmem>>, vector<16xi32>,
        %parallel_loop3A_549 = vector.shape_cast %parallel_loop3A_548 : vector<16xi32> to vector<16xi32>
        %parallel_loop3A_550 = arith.constant 144 : index
        %parallel_loop3A_551 = tpu.vector_load %arg8[%parallel_loop3A_550] {strides = array<i32>} : memref<192xi32, #tpu.memory_space<vmem>>, vector<16xi32>,
        %parallel_loop3A_552 = vector.shape_cast %parallel_loop3A_551 : vector<16xi32> to vector<16xi32>
        %parallel_loop3A_553 = arith.muli %parallel_loop3A_500, %parallel_loop3A_546 : vector<16xi32>
        %parallel_loop3A_554 = arith.muli %parallel_loop3A_503, %parallel_loop3A_549 : vector<16xi32>
        %parallel_loop3A_555 = arith.addi %parallel_loop3A_553, %parallel_loop3A_554 : vector<16xi32>
        %parallel_loop3A_556 = arith.addi %parallel_loop3A_555, %parallel_loop3A_552 : vector<16xi32>
        %parallel_loop3A_557 = arith.sitofp %parallel_loop3A_556 : vector<16xi32> to vector<16xf32>
        %parallel_loop3A_558 = arith.constant 9.99999974E-6 : f32
        %parallel_loop3A_559 = vector.broadcast %parallel_loop3A_558 : f32 to vector<16xf32>
        %parallel_loop3A_560 = arith.mulf %parallel_loop3A_557, %parallel_loop3A_559 : vector<16xf32>
        %parallel_loop3A_561 = arith.fptosi %parallel_loop3A_560 : vector<16xf32> to vector<16xi32>
        %parallel_loop3A_562 = arith.constant 100000 : i32
        %parallel_loop3A_563 = vector.broadcast %parallel_loop3A_562 : i32 to vector<16xi32>
        %parallel_loop3A_564 = arith.muli %parallel_loop3A_561, %parallel_loop3A_563 : vector<16xi32>
        %parallel_loop3A_565 = arith.subi %parallel_loop3A_556, %parallel_loop3A_564 : vector<16xi32>
        %parallel_loop3A_566 = arith.constant 0 : i32
        %parallel_loop3A_567 = vector.broadcast %parallel_loop3A_566 : i32 to vector<16xi32>
        %parallel_loop3A_568 = arith.cmpi slt, %parallel_loop3A_565, %parallel_loop3A_567 : vector<16xi32>
        %parallel_loop3A_569 = arith.constant 100000 : i32
        %parallel_loop3A_570 = arith.constant 0 : i32
        %parallel_loop3A_571 = vector.broadcast %parallel_loop3A_569 : i32 to vector<16xi32>
        %parallel_loop3A_572 = vector.broadcast %parallel_loop3A_570 : i32 to vector<16xi32>
        %parallel_loop3A_573 = arith.select %parallel_loop3A_568, %parallel_loop3A_571, %parallel_loop3A_572 : vector<16xi1>, vector<16xi32>
        %parallel_loop3A_574 = arith.addi %parallel_loop3A_565, %parallel_loop3A_573 : vector<16xi32>
        %parallel_loop3A_575 = arith.constant 100000 : i32
        %parallel_loop3A_576 = vector.broadcast %parallel_loop3A_575 : i32 to vector<16xi32>
        %parallel_loop3A_577 = arith.cmpi sge, %parallel_loop3A_574, %parallel_loop3A_576 : vector<16xi32>
        %parallel_loop3A_578 = arith.constant 100000 : i32
        %parallel_loop3A_579 = arith.constant 0 : i32
        %parallel_loop3A_580 = vector.broadcast %parallel_loop3A_578 : i32 to vector<16xi32>
        %parallel_loop3A_581 = vector.broadcast %parallel_loop3A_579 : i32 to vector<16xi32>
        %parallel_loop3A_582 = arith.select %parallel_loop3A_577, %parallel_loop3A_580, %parallel_loop3A_581 : vector<16xi1>, vector<16xi32>
        %parallel_loop3A_583 = arith.subi %parallel_loop3A_574, %parallel_loop3A_582 : vector<16xi32>
        %parallel_loop3A_584 = arith.constant 32 : index
        %parallel_loop3A_585 = tpu.vector_load %arg8[%parallel_loop3A_584] {strides = array<i32>} : memref<192xi32, #tpu.memory_space<vmem>>, vector<16xi32>,
        %parallel_loop3A_586 = vector.shape_cast %parallel_loop3A_585 : vector<16xi32> to vector<16xi32>
        %parallel_loop3A_587 = arith.constant 96 : index
        %parallel_loop3A_588 = tpu.vector_load %arg8[%parallel_loop3A_587] {strides = array<i32>} : memref<192xi32, #tpu.memory_space<vmem>>, vector<16xi32>,
        %parallel_loop3A_589 = vector.shape_cast %parallel_loop3A_588 : vector<16xi32> to vector<16xi32>
        %parallel_loop3A_590 = arith.constant 160 : index
        %parallel_loop3A_591 = tpu.vector_load %arg8[%parallel_loop3A_590] {strides = array<i32>} : memref<192xi32, #tpu.memory_space<vmem>>, vector<16xi32>,
        %parallel_loop3A_592 = vector.shape_cast %parallel_loop3A_591 : vector<16xi32> to vector<16xi32>
        %parallel_loop3A_593 = arith.muli %parallel_loop3A_500, %parallel_loop3A_586 : vector<16xi32>
        %parallel_loop3A_594 = arith.muli %parallel_loop3A_503, %parallel_loop3A_589 : vector<16xi32>
        %parallel_loop3A_595 = arith.addi %parallel_loop3A_593, %parallel_loop3A_594 : vector<16xi32>
        %parallel_loop3A_596 = arith.addi %parallel_loop3A_595, %parallel_loop3A_592 : vector<16xi32>
        %parallel_loop3A_597 = arith.sitofp %parallel_loop3A_596 : vector<16xi32> to vector<16xf32>
        %parallel_loop3A_598 = arith.constant 9.99999974E-6 : f32
        %parallel_loop3A_599 = vector.broadcast %parallel_loop3A_598 : f32 to vector<16xf32>
        %parallel_loop3A_600 = arith.mulf %parallel_loop3A_597, %parallel_loop3A_599 : vector<16xf32>
        %parallel_loop3A_601 = arith.fptosi %parallel_loop3A_600 : vector<16xf32> to vector<16xi32>
        %parallel_loop3A_602 = arith.constant 100000 : i32
        %parallel_loop3A_603 = vector.broadcast %parallel_loop3A_602 : i32 to vector<16xi32>
        %parallel_loop3A_604 = arith.muli %parallel_loop3A_601, %parallel_loop3A_603 : vector<16xi32>
        %parallel_loop3A_605 = arith.subi %parallel_loop3A_596, %parallel_loop3A_604 : vector<16xi32>
        %parallel_loop3A_606 = arith.constant 0 : i32
        %parallel_loop3A_607 = vector.broadcast %parallel_loop3A_606 : i32 to vector<16xi32>
        %parallel_loop3A_608 = arith.cmpi slt, %parallel_loop3A_605, %parallel_loop3A_607 : vector<16xi32>
        %parallel_loop3A_609 = arith.constant 100000 : i32
        %parallel_loop3A_610 = arith.constant 0 : i32
        %parallel_loop3A_611 = vector.broadcast %parallel_loop3A_609 : i32 to vector<16xi32>
        %parallel_loop3A_612 = vector.broadcast %parallel_loop3A_610 : i32 to vector<16xi32>
        %parallel_loop3A_613 = arith.select %parallel_loop3A_608, %parallel_loop3A_611, %parallel_loop3A_612 : vector<16xi1>, vector<16xi32>
        %parallel_loop3A_614 = arith.addi %parallel_loop3A_605, %parallel_loop3A_613 : vector<16xi32>
        %parallel_loop3A_615 = arith.constant 100000 : i32
        %parallel_loop3A_616 = vector.broadcast %parallel_loop3A_615 : i32 to vector<16xi32>
        %parallel_loop3A_617 = arith.cmpi sge, %parallel_loop3A_614, %parallel_loop3A_616 : vector<16xi32>
        %parallel_loop3A_618 = arith.constant 100000 : i32
        %parallel_loop3A_619 = arith.constant 0 : i32
        %parallel_loop3A_620 = vector.broadcast %parallel_loop3A_618 : i32 to vector<16xi32>
        %parallel_loop3A_621 = vector.broadcast %parallel_loop3A_619 : i32 to vector<16xi32>
        %parallel_loop3A_622 = arith.select %parallel_loop3A_617, %parallel_loop3A_620, %parallel_loop3A_621 : vector<16xi1>, vector<16xi32>
        %parallel_loop3A_623 = arith.subi %parallel_loop3A_614, %parallel_loop3A_622 : vector<16xi32>
        %parallel_loop3A_624 = arith.constant 48 : index
        %parallel_loop3A_625 = tpu.vector_load %arg8[%parallel_loop3A_624] {strides = array<i32>} : memref<192xi32, #tpu.memory_space<vmem>>, vector<16xi32>,
        %parallel_loop3A_626 = vector.shape_cast %parallel_loop3A_625 : vector<16xi32> to vector<16xi32>
        %parallel_loop3A_627 = arith.constant 112 : index
        %parallel_loop3A_628 = tpu.vector_load %arg8[%parallel_loop3A_627] {strides = array<i32>} : memref<192xi32, #tpu.memory_space<vmem>>, vector<16xi32>,
        %parallel_loop3A_629 = vector.shape_cast %parallel_loop3A_628 : vector<16xi32> to vector<16xi32>
        %parallel_loop3A_630 = arith.constant 176 : index
        %parallel_loop3A_631 = tpu.vector_load %arg8[%parallel_loop3A_630] {strides = array<i32>} : memref<192xi32, #tpu.memory_space<vmem>>, vector<16xi32>,
        %parallel_loop3A_632 = vector.shape_cast %parallel_loop3A_631 : vector<16xi32> to vector<16xi32>
        %parallel_loop3A_633 = arith.muli %parallel_loop3A_500, %parallel_loop3A_626 : vector<16xi32>
        %parallel_loop3A_634 = arith.muli %parallel_loop3A_503, %parallel_loop3A_629 : vector<16xi32>
        %parallel_loop3A_635 = arith.addi %parallel_loop3A_633, %parallel_loop3A_634 : vector<16xi32>
        %parallel_loop3A_636 = arith.addi %parallel_loop3A_635, %parallel_loop3A_632 : vector<16xi32>
        %parallel_loop3A_637 = arith.sitofp %parallel_loop3A_636 : vector<16xi32> to vector<16xf32>
        %parallel_loop3A_638 = arith.constant 9.99999974E-6 : f32
        %parallel_loop3A_639 = vector.broadcast %parallel_loop3A_638 : f32 to vector<16xf32>
        %parallel_loop3A_640 = arith.mulf %parallel_loop3A_637, %parallel_loop3A_639 : vector<16xf32>
        %parallel_loop3A_641 = arith.fptosi %parallel_loop3A_640 : vector<16xf32> to vector<16xi32>
        %parallel_loop3A_642 = arith.constant 100000 : i32
        %parallel_loop3A_643 = vector.broadcast %parallel_loop3A_642 : i32 to vector<16xi32>
        %parallel_loop3A_644 = arith.muli %parallel_loop3A_641, %parallel_loop3A_643 : vector<16xi32>
        %parallel_loop3A_645 = arith.subi %parallel_loop3A_636, %parallel_loop3A_644 : vector<16xi32>
        %parallel_loop3A_646 = arith.constant 0 : i32
        %parallel_loop3A_647 = vector.broadcast %parallel_loop3A_646 : i32 to vector<16xi32>
        %parallel_loop3A_648 = arith.cmpi slt, %parallel_loop3A_645, %parallel_loop3A_647 : vector<16xi32>
        %parallel_loop3A_649 = arith.constant 100000 : i32
        %parallel_loop3A_650 = arith.constant 0 : i32
        %parallel_loop3A_651 = vector.broadcast %parallel_loop3A_649 : i32 to vector<16xi32>
        %parallel_loop3A_652 = vector.broadcast %parallel_loop3A_650 : i32 to vector<16xi32>
        %parallel_loop3A_653 = arith.select %parallel_loop3A_648, %parallel_loop3A_651, %parallel_loop3A_652 : vector<16xi1>, vector<16xi32>
        %parallel_loop3A_654 = arith.addi %parallel_loop3A_645, %parallel_loop3A_653 : vector<16xi32>
        %parallel_loop3A_655 = arith.constant 100000 : i32
        %parallel_loop3A_656 = vector.broadcast %parallel_loop3A_655 : i32 to vector<16xi32>
        %parallel_loop3A_657 = arith.cmpi sge, %parallel_loop3A_654, %parallel_loop3A_656 : vector<16xi32>
        %parallel_loop3A_658 = arith.constant 100000 : i32
        %parallel_loop3A_659 = arith.constant 0 : i32
        %parallel_loop3A_660 = vector.broadcast %parallel_loop3A_658 : i32 to vector<16xi32>
        %parallel_loop3A_661 = vector.broadcast %parallel_loop3A_659 : i32 to vector<16xi32>
        %parallel_loop3A_662 = arith.select %parallel_loop3A_657, %parallel_loop3A_660, %parallel_loop3A_661 : vector<16xi1>, vector<16xi32>
        %parallel_loop3A_663 = arith.subi %parallel_loop3A_654, %parallel_loop3A_662 : vector<16xi32>
        %parallel_loop3A_664 = arith.constant 100000 : i32
        %parallel_loop3A_665 = vector.broadcast %parallel_loop3A_664 : i32 to vector<16xi32>
        %parallel_loop3A_666 = arith.addi %parallel_loop3A_665, %parallel_loop3A_494 : vector<16xi32>
        %parallel_loop3A_667 = arith.constant 101568 : i32
        %parallel_loop3A_668 = vector.broadcast %parallel_loop3A_667 : i32 to vector<16xi32>
        %parallel_loop3A_669 = arith.addi %parallel_loop3A_668, %parallel_loop3A_543 : vector<16xi32>
        %parallel_loop3A_670 = arith.select %parallel_loop3A_460, %parallel_loop3A_666, %parallel_loop3A_669 : vector<16xi1>, vector<16xi32>
        %parallel_loop3A_671 = arith.select %parallel_loop3A_450, %parallel_loop3A_442, %parallel_loop3A_670 : vector<16xi1>, vector<16xi32>
        %parallel_loop3A_672 = arith.constant 100640 : i32
        %parallel_loop3A_673 = vector.broadcast %parallel_loop3A_672 : i32 to vector<16xi32>
        %parallel_loop3A_674 = arith.addi %parallel_loop3A_673, %parallel_loop3A_490 : vector<16xi32>
        %parallel_loop3A_675 = arith.constant 201568 : i32
        %parallel_loop3A_676 = vector.broadcast %parallel_loop3A_675 : i32 to vector<16xi32>
        %parallel_loop3A_677 = arith.addi %parallel_loop3A_676, %parallel_loop3A_583 : vector<16xi32>
        %parallel_loop3A_678 = arith.constant 101536 : i32
        %parallel_loop3A_679 = vector.broadcast %parallel_loop3A_678 : i32 to vector<16xi32>
        %parallel_loop3A_680 = arith.select %parallel_loop3A_453, %parallel_loop3A_677, %parallel_loop3A_679 : vector<16xi1>, vector<16xi32>
        %parallel_loop3A_681 = arith.select %parallel_loop3A_460, %parallel_loop3A_674, %parallel_loop3A_680 : vector<16xi1>, vector<16xi32>
        %parallel_loop3A_682 = arith.constant 301568 : i32
        %parallel_loop3A_683 = vector.broadcast %parallel_loop3A_682 : i32 to vector<16xi32>
        %parallel_loop3A_684 = arith.addi %parallel_loop3A_683, %parallel_loop3A_623 : vector<16xi32>
        %parallel_loop3A_685 = arith.constant 101536 : i32
        %parallel_loop3A_686 = vector.broadcast %parallel_loop3A_685 : i32 to vector<16xi32>
        %parallel_loop3A_687 = arith.select %parallel_loop3A_453, %parallel_loop3A_684, %parallel_loop3A_686 : vector<16xi1>, vector<16xi32>
        %parallel_loop3A_688 = arith.select %parallel_loop3A_460, %parallel_loop3A_447, %parallel_loop3A_687 : vector<16xi1>, vector<16xi32>
        %parallel_loop3A_689 = arith.constant 401568 : i32
        %parallel_loop3A_690 = vector.broadcast %parallel_loop3A_689 : i32 to vector<16xi32>
        %parallel_loop3A_691 = arith.addi %parallel_loop3A_690, %parallel_loop3A_663 : vector<16xi32>
        %parallel_loop3A_692 = arith.constant 101536 : i32
        %parallel_loop3A_693 = vector.broadcast %parallel_loop3A_692 : i32 to vector<16xi32>
        %parallel_loop3A_694 = arith.select %parallel_loop3A_453, %parallel_loop3A_691, %parallel_loop3A_693 : vector<16xi1>, vector<16xi32>
        %parallel_loop3A_695 = arith.constant 0 : i32
        %parallel_loop3A_696 = arith.index_cast %parallel_loop3A_695 : i32 to index
        %parallel_loop3A_697 = arith.index_cast %parallel_loop3A_438 : i32 to index
        %parallel_loop3A_698 = tpu.vector_load %arg11[%parallel_loop3A_696, %parallel_loop3A_697] {strides = array<i32>} : memref<2x512xi32, #tpu.memory_space<vmem>>, vector<1x16xi32>,
        %parallel_loop3A_699 = vector.shape_cast %parallel_loop3A_698 : vector<1x16xi32> to vector<16xi32>
        %parallel_loop3A_700 = vector.shape_cast %parallel_loop3A_671 : vector<16xi32> to vector<1x16xi32>
        tpu.vector_store %arg11[%parallel_loop3A_696, %parallel_loop3A_697], %parallel_loop3A_700 {strides = array<i32>} : memref<2x512xi32, #tpu.memory_space<vmem>>, vector<1x16xi32>,
        %parallel_loop3A_701 = arith.constant 128 : i32
        %parallel_loop3A_702 = arith.addi %parallel_loop3A_701, %parallel_loop3A_438 : i32
        %parallel_loop3A_703 = arith.constant 0 : i32
        %parallel_loop3A_704 = arith.index_cast %parallel_loop3A_703 : i32 to index
        %parallel_loop3A_705 = arith.index_cast %parallel_loop3A_702 : i32 to index
        %parallel_loop3A_706 = tpu.vector_load %arg11[%parallel_loop3A_704, %parallel_loop3A_705] {strides = array<i32>} : memref<2x512xi32, #tpu.memory_space<vmem>>, vector<1x16xi32>,
        %parallel_loop3A_707 = vector.shape_cast %parallel_loop3A_706 : vector<1x16xi32> to vector<16xi32>
        %parallel_loop3A_708 = vector.shape_cast %parallel_loop3A_681 : vector<16xi32> to vector<1x16xi32>
        tpu.vector_store %arg11[%parallel_loop3A_704, %parallel_loop3A_705], %parallel_loop3A_708 {strides = array<i32>} : memref<2x512xi32, #tpu.memory_space<vmem>>, vector<1x16xi32>,
        %parallel_loop3A_709 = arith.constant 256 : i32
        %parallel_loop3A_710 = arith.addi %parallel_loop3A_709, %parallel_loop3A_438 : i32
        %parallel_loop3A_711 = arith.constant 0 : i32
        %parallel_loop3A_712 = arith.index_cast %parallel_loop3A_711 : i32 to index
        %parallel_loop3A_713 = arith.index_cast %parallel_loop3A_710 : i32 to index
        %parallel_loop3A_714 = tpu.vector_load %arg11[%parallel_loop3A_712, %parallel_loop3A_713] {strides = array<i32>} : memref<2x512xi32, #tpu.memory_space<vmem>>, vector<1x16xi32>,
        %parallel_loop3A_715 = vector.shape_cast %parallel_loop3A_714 : vector<1x16xi32> to vector<16xi32>
        %parallel_loop3A_716 = vector.shape_cast %parallel_loop3A_688 : vector<16xi32> to vector<1x16xi32>
        tpu.vector_store %arg11[%parallel_loop3A_712, %parallel_loop3A_713], %parallel_loop3A_716 {strides = array<i32>} : memref<2x512xi32, #tpu.memory_space<vmem>>, vector<1x16xi32>,
        %parallel_loop3A_717 = arith.constant 384 : i32
        %parallel_loop3A_718 = arith.addi %parallel_loop3A_717, %parallel_loop3A_438 : i32
        %parallel_loop3A_719 = arith.constant 0 : i32
        %parallel_loop3A_720 = arith.index_cast %parallel_loop3A_719 : i32 to index
        %parallel_loop3A_721 = arith.index_cast %parallel_loop3A_718 : i32 to index
        %parallel_loop3A_722 = tpu.vector_load %arg11[%parallel_loop3A_720, %parallel_loop3A_721] {strides = array<i32>} : memref<2x512xi32, #tpu.memory_space<vmem>>, vector<1x16xi32>,
        %parallel_loop3A_723 = vector.shape_cast %parallel_loop3A_722 : vector<1x16xi32> to vector<16xi32>
        %parallel_loop3A_724 = vector.shape_cast %parallel_loop3A_694 : vector<16xi32> to vector<1x16xi32>
        tpu.vector_store %arg11[%parallel_loop3A_720, %parallel_loop3A_721], %parallel_loop3A_724 {strides = array<i32>} : memref<2x512xi32, #tpu.memory_space<vmem>>, vector<1x16xi32>,
      } {sc.loop_unroll_factor = 2 : i64, sc.parallel_access}
      %dma_wait3A_324 = arith.constant 1 : i32
      %dma_wait3A_325 = arith.constant 0 : i32
      %dma_wait3A_326 = arith.constant 0 : i32
      %dma_wait3A_327 = tpu.memref_slice %arg12[%dma_wait3A_324, %dma_wait3A_325, %dma_wait3A_326] : memref<2x512x64xf32, #tpu.memory_space<vmem>> -> memref<1x128x64xf32, #tpu.memory_space<vmem>>
      %dma_wait3A_328 = tpu.memref_squeeze %dma_wait3A_327 : memref<1x128x64xf32, #tpu.memory_space<vmem>> -> memref<128x64xf32, #tpu.memory_space<vmem>>
      %dma_wait3A_329 = arith.constant 0 : i32
      %dma_wait3A_330 = arith.constant 0 : i32
      %dma_wait3A_331 = tpu.memref_slice %arg2[%dma_wait3A_329, %dma_wait3A_330] : memref<501568x64xf32, #tpu.memory_space<hbm>> -> memref<128x64xf32, #tpu.memory_space<hbm>>
      %dma_wait3A_332 = arith.constant 0 : i32
      %dma_wait3A_333 = arith.constant 0 : i32
      %dma_wait3A_334 = tpu.memref_slice %arg12[%dma_wait3A_324, %dma_wait3A_332, %dma_wait3A_333] : memref<2x512x64xf32, #tpu.memory_space<vmem>> -> memref<1x128x64xf32, #tpu.memory_space<vmem>>
      %dma_wait3A_335 = tpu.memref_squeeze %dma_wait3A_334 : memref<1x128x64xf32, #tpu.memory_space<vmem>> -> memref<128x64xf32, #tpu.memory_space<vmem>>
      %dma_wait3A_336 = arith.constant 0 : i32
      %dma_wait3A_337 = arith.constant 0 : i32
      %dma_wait3A_338 = tpu.memref_slice %arg2[%dma_wait3A_336, %dma_wait3A_337] : memref<501568x64xf32, #tpu.memory_space<hbm>> -> memref<128x64xf32, #tpu.memory_space<hbm>>
      tpu.wait_dma2 semaphore(%arg16 : memref<!tpu.dma_semaphore, #tpu.memory_space<semaphore_mem>>) src(%dma_wait3A_338 : memref<128x64xf32, #tpu.memory_space<hbm>>) dst(%dma_wait3A_335 : memref<128x64xf32, #tpu.memory_space<vmem>>)
      %dma_wait3A_339 = arith.constant 1 : i32
      %dma_wait3A_340 = arith.constant 128 : i32
      %dma_wait3A_341 = arith.constant 0 : i32
      %dma_wait3A_342 = tpu.memref_slice %arg12[%dma_wait3A_339, %dma_wait3A_340, %dma_wait3A_341] : memref<2x512x64xf32, #tpu.memory_space<vmem>> -> memref<1x128x64xf32, #tpu.memory_space<vmem>>
      %dma_wait3A_343 = tpu.memref_squeeze %dma_wait3A_342 : memref<1x128x64xf32, #tpu.memory_space<vmem>> -> memref<128x64xf32, #tpu.memory_space<vmem>>
      %dma_wait3A_344 = arith.constant 0 : i32
      %dma_wait3A_345 = arith.constant 0 : i32
      %dma_wait3A_346 = tpu.memref_slice %arg2[%dma_wait3A_344, %dma_wait3A_345] : memref<501568x64xf32, #tpu.memory_space<hbm>> -> memref<128x64xf32, #tpu.memory_space<hbm>>
      %dma_wait3A_347 = arith.constant 128 : i32
      %dma_wait3A_348 = arith.constant 0 : i32
      %dma_wait3A_349 = tpu.memref_slice %arg12[%dma_wait3A_339, %dma_wait3A_347, %dma_wait3A_348] : memref<2x512x64xf32, #tpu.memory_space<vmem>> -> memref<1x128x64xf32, #tpu.memory_space<vmem>>
      %dma_wait3A_350 = tpu.memref_squeeze %dma_wait3A_349 : memref<1x128x64xf32, #tpu.memory_space<vmem>> -> memref<128x64xf32, #tpu.memory_space<vmem>>
      %dma_wait3A_351 = arith.constant 0 : i32
      %dma_wait3A_352 = arith.constant 0 : i32
      %dma_wait3A_353 = tpu.memref_slice %arg2[%dma_wait3A_351, %dma_wait3A_352] : memref<501568x64xf32, #tpu.memory_space<hbm>> -> memref<128x64xf32, #tpu.memory_space<hbm>>
      tpu.wait_dma2 semaphore(%arg16 : memref<!tpu.dma_semaphore, #tpu.memory_space<semaphore_mem>>) src(%dma_wait3A_353 : memref<128x64xf32, #tpu.memory_space<hbm>>) dst(%dma_wait3A_350 : memref<128x64xf32, #tpu.memory_space<vmem>>)
      %dma_wait3A_354 = arith.constant 1 : i32
      %dma_wait3A_355 = arith.constant 256 : i32
      %dma_wait3A_356 = arith.constant 0 : i32
      %dma_wait3A_357 = tpu.memref_slice %arg12[%dma_wait3A_354, %dma_wait3A_355, %dma_wait3A_356] : memref<2x512x64xf32, #tpu.memory_space<vmem>> -> memref<1x128x64xf32, #tpu.memory_space<vmem>>
      %dma_wait3A_358 = tpu.memref_squeeze %dma_wait3A_357 : memref<1x128x64xf32, #tpu.memory_space<vmem>> -> memref<128x64xf32, #tpu.memory_space<vmem>>
      %dma_wait3A_359 = arith.constant 0 : i32
      %dma_wait3A_360 = arith.constant 0 : i32
      %dma_wait3A_361 = tpu.memref_slice %arg2[%dma_wait3A_359, %dma_wait3A_360] : memref<501568x64xf32, #tpu.memory_space<hbm>> -> memref<128x64xf32, #tpu.memory_space<hbm>>
      %dma_wait3A_362 = arith.constant 256 : i32
      %dma_wait3A_363 = arith.constant 0 : i32
      %dma_wait3A_364 = tpu.memref_slice %arg12[%dma_wait3A_354, %dma_wait3A_362, %dma_wait3A_363] : memref<2x512x64xf32, #tpu.memory_space<vmem>> -> memref<1x128x64xf32, #tpu.memory_space<vmem>>
      %dma_wait3A_365 = tpu.memref_squeeze %dma_wait3A_364 : memref<1x128x64xf32, #tpu.memory_space<vmem>> -> memref<128x64xf32, #tpu.memory_space<vmem>>
      %dma_wait3A_366 = arith.constant 0 : i32
      %dma_wait3A_367 = arith.constant 0 : i32
      %dma_wait3A_368 = tpu.memref_slice %arg2[%dma_wait3A_366, %dma_wait3A_367] : memref<501568x64xf32, #tpu.memory_space<hbm>> -> memref<128x64xf32, #tpu.memory_space<hbm>>
      tpu.wait_dma2 semaphore(%arg16 : memref<!tpu.dma_semaphore, #tpu.memory_space<semaphore_mem>>) src(%dma_wait3A_368 : memref<128x64xf32, #tpu.memory_space<hbm>>) dst(%dma_wait3A_365 : memref<128x64xf32, #tpu.memory_space<vmem>>)
      %dma_wait3A_369 = arith.constant 1 : i32
      %dma_wait3A_370 = arith.constant 384 : i32
      %dma_wait3A_371 = arith.constant 0 : i32
      %dma_wait3A_372 = tpu.memref_slice %arg12[%dma_wait3A_369, %dma_wait3A_370, %dma_wait3A_371] : memref<2x512x64xf32, #tpu.memory_space<vmem>> -> memref<1x128x64xf32, #tpu.memory_space<vmem>>
      %dma_wait3A_373 = tpu.memref_squeeze %dma_wait3A_372 : memref<1x128x64xf32, #tpu.memory_space<vmem>> -> memref<128x64xf32, #tpu.memory_space<vmem>>
      %dma_wait3A_374 = arith.constant 0 : i32
      %dma_wait3A_375 = arith.constant 0 : i32
      %dma_wait3A_376 = tpu.memref_slice %arg2[%dma_wait3A_374, %dma_wait3A_375] : memref<501568x64xf32, #tpu.memory_space<hbm>> -> memref<128x64xf32, #tpu.memory_space<hbm>>
      %dma_wait3A_377 = arith.constant 384 : i32
      %dma_wait3A_378 = arith.constant 0 : i32
      %dma_wait3A_379 = tpu.memref_slice %arg12[%dma_wait3A_369, %dma_wait3A_377, %dma_wait3A_378] : memref<2x512x64xf32, #tpu.memory_space<vmem>> -> memref<1x128x64xf32, #tpu.memory_space<vmem>>
      %dma_wait3A_380 = tpu.memref_squeeze %dma_wait3A_379 : memref<1x128x64xf32, #tpu.memory_space<vmem>> -> memref<128x64xf32, #tpu.memory_space<vmem>>
      %dma_wait3A_381 = arith.constant 0 : i32
      %dma_wait3A_382 = arith.constant 0 : i32
      %dma_wait3A_383 = tpu.memref_slice %arg2[%dma_wait3A_381, %dma_wait3A_382] : memref<501568x64xf32, #tpu.memory_space<hbm>> -> memref<128x64xf32, #tpu.memory_space<hbm>>
      tpu.wait_dma2 semaphore(%arg16 : memref<!tpu.dma_semaphore, #tpu.memory_space<semaphore_mem>>) src(%dma_wait3A_383 : memref<128x64xf32, #tpu.memory_space<hbm>>) dst(%dma_wait3A_380 : memref<128x64xf32, #tpu.memory_space<vmem>>)
      %dma_start3A_384 = arith.constant 0 : i32
      %dma_start3A_385 = arith.constant 0 : i32
      %dma_start3A_386 = arith.constant 0 : i32
      %dma_start3A_387 = arith.constant 0 : i32
      %dma_start3A_388 = tpu.memref_slice %arg12[%dma_start3A_385, %dma_start3A_386, %dma_start3A_387] : memref<2x512x64xf32, #tpu.memory_space<vmem>> -> memref<1x128x64xf32, #tpu.memory_space<vmem>>
      %dma_start3A_389 = tpu.memref_squeeze %dma_start3A_388 : memref<1x128x64xf32, #tpu.memory_space<vmem>> -> memref<128x64xf32, #tpu.memory_space<vmem>>
      %dma_start3A_390 = arith.constant 0 : i32
      %dma_start3A_391 = tpu.memref_slice %arg11[%dma_start3A_384, %dma_start3A_390] : memref<2x512xi32, #tpu.memory_space<vmem>> -> memref<1x128xi32, #tpu.memory_space<vmem>>
      %dma_start3A_392 = tpu.memref_squeeze %dma_start3A_391 : memref<1x128xi32, #tpu.memory_space<vmem>> -> memref<128xi32, #tpu.memory_space<vmem>>
      %dma_start3A_393 = arith.constant 0 : i32
      %dma_start3A_394 = arith.constant 0 : i32
      %dma_start3A_395 = tpu.memref_slice %arg2[%dma_start3A_393, %dma_start3A_394] : memref<501568x64xf32, #tpu.memory_space<hbm>> -> memref<501568x64xf32, #tpu.memory_space<hbm>>
      tpu.enqueue_indirect_dma source(%dma_start3A_395 : memref<501568x64xf32, #tpu.memory_space<hbm>>) target(%dma_start3A_389 : memref<128x64xf32, #tpu.memory_space<vmem>>) offsets(%dma_start3A_392 : memref<128xi32, #tpu.memory_space<vmem>>) semaphore(%arg15 : memref<!tpu.dma_semaphore, #tpu.memory_space<semaphore_mem>>)
      %dma_start3A_396 = arith.constant 0 : i32
      %dma_start3A_397 = arith.constant 0 : i32
      %dma_start3A_398 = arith.constant 128 : i32
      %dma_start3A_399 = arith.constant 0 : i32
      %dma_start3A_400 = tpu.memref_slice %arg12[%dma_start3A_397, %dma_start3A_398, %dma_start3A_399] : memref<2x512x64xf32, #tpu.memory_space<vmem>> -> memref<1x128x64xf32, #tpu.memory_space<vmem>>
      %dma_start3A_401 = tpu.memref_squeeze %dma_start3A_400 : memref<1x128x64xf32, #tpu.memory_space<vmem>> -> memref<128x64xf32, #tpu.memory_space<vmem>>
      %dma_start3A_402 = arith.constant 128 : i32
      %dma_start3A_403 = tpu.memref_slice %arg11[%dma_start3A_396, %dma_start3A_402] : memref<2x512xi32, #tpu.memory_space<vmem>> -> memref<1x128xi32, #tpu.memory_space<vmem>>
      %dma_start3A_404 = tpu.memref_squeeze %dma_start3A_403 : memref<1x128xi32, #tpu.memory_space<vmem>> -> memref<128xi32, #tpu.memory_space<vmem>>
      %dma_start3A_405 = arith.constant 0 : i32
      %dma_start3A_406 = arith.constant 0 : i32
      %dma_start3A_407 = tpu.memref_slice %arg2[%dma_start3A_405, %dma_start3A_406] : memref<501568x64xf32, #tpu.memory_space<hbm>> -> memref<501568x64xf32, #tpu.memory_space<hbm>>
      tpu.enqueue_indirect_dma source(%dma_start3A_407 : memref<501568x64xf32, #tpu.memory_space<hbm>>) target(%dma_start3A_401 : memref<128x64xf32, #tpu.memory_space<vmem>>) offsets(%dma_start3A_404 : memref<128xi32, #tpu.memory_space<vmem>>) semaphore(%arg15 : memref<!tpu.dma_semaphore, #tpu.memory_space<semaphore_mem>>)
      %dma_start3A_408 = arith.constant 0 : i32
      %dma_start3A_409 = arith.constant 0 : i32
      %dma_start3A_410 = arith.constant 256 : i32
      %dma_start3A_411 = arith.constant 0 : i32
      %dma_start3A_412 = tpu.memref_slice %arg12[%dma_start3A_409, %dma_start3A_410, %dma_start3A_411] : memref<2x512x64xf32, #tpu.memory_space<vmem>> -> memref<1x128x64xf32, #tpu.memory_space<vmem>>
      %dma_start3A_413 = tpu.memref_squeeze %dma_start3A_412 : memref<1x128x64xf32, #tpu.memory_space<vmem>> -> memref<128x64xf32, #tpu.memory_space<vmem>>
      %dma_start3A_414 = arith.constant 256 : i32
      %dma_start3A_415 = tpu.memref_slice %arg11[%dma_start3A_408, %dma_start3A_414] : memref<2x512xi32, #tpu.memory_space<vmem>> -> memref<1x128xi32, #tpu.memory_space<vmem>>
      %dma_start3A_416 = tpu.memref_squeeze %dma_start3A_415 : memref<1x128xi32, #tpu.memory_space<vmem>> -> memref<128xi32, #tpu.memory_space<vmem>>
      %dma_start3A_417 = arith.constant 0 : i32
      %dma_start3A_418 = arith.constant 0 : i32
      %dma_start3A_419 = tpu.memref_slice %arg2[%dma_start3A_417, %dma_start3A_418] : memref<501568x64xf32, #tpu.memory_space<hbm>> -> memref<501568x64xf32, #tpu.memory_space<hbm>>
      tpu.enqueue_indirect_dma source(%dma_start3A_419 : memref<501568x64xf32, #tpu.memory_space<hbm>>) target(%dma_start3A_413 : memref<128x64xf32, #tpu.memory_space<vmem>>) offsets(%dma_start3A_416 : memref<128xi32, #tpu.memory_space<vmem>>) semaphore(%arg15 : memref<!tpu.dma_semaphore, #tpu.memory_space<semaphore_mem>>)
      %dma_start3A_420 = arith.constant 0 : i32
      %dma_start3A_421 = arith.constant 0 : i32
      %dma_start3A_422 = arith.constant 384 : i32
      %dma_start3A_423 = arith.constant 0 : i32
      %dma_start3A_424 = tpu.memref_slice %arg12[%dma_start3A_421, %dma_start3A_422, %dma_start3A_423] : memref<2x512x64xf32, #tpu.memory_space<vmem>> -> memref<1x128x64xf32, #tpu.memory_space<vmem>>
      %dma_start3A_425 = tpu.memref_squeeze %dma_start3A_424 : memref<1x128x64xf32, #tpu.memory_space<vmem>> -> memref<128x64xf32, #tpu.memory_space<vmem>>
      %dma_start3A_426 = arith.constant 384 : i32
      %dma_start3A_427 = tpu.memref_slice %arg11[%dma_start3A_420, %dma_start3A_426] : memref<2x512xi32, #tpu.memory_space<vmem>> -> memref<1x128xi32, #tpu.memory_space<vmem>>
      %dma_start3A_428 = tpu.memref_squeeze %dma_start3A_427 : memref<1x128xi32, #tpu.memory_space<vmem>> -> memref<128xi32, #tpu.memory_space<vmem>>
      %dma_start3A_429 = arith.constant 0 : i32
      %dma_start3A_430 = arith.constant 0 : i32
      %dma_start3A_431 = tpu.memref_slice %arg2[%dma_start3A_429, %dma_start3A_430] : memref<501568x64xf32, #tpu.memory_space<hbm>> -> memref<501568x64xf32, #tpu.memory_space<hbm>>
      tpu.enqueue_indirect_dma source(%dma_start3A_431 : memref<501568x64xf32, #tpu.memory_space<hbm>>) target(%dma_start3A_425 : memref<128x64xf32, #tpu.memory_space<vmem>>) offsets(%dma_start3A_428 : memref<128xi32, #tpu.memory_space<vmem>>) semaphore(%arg15 : memref<!tpu.dma_semaphore, #tpu.memory_space<semaphore_mem>>)
      %add3A_432 = arith.addi %mul3A_2, %add3A_293 : i32
      %parallel_loop3A_433 = arith.constant 0 : i32
      %parallel_loop3A_434 = arith.constant 128 : i32
      %parallel_loop3A_435 = arith.constant 1 : i32
      scf.for %parallel_loop3A_436 = %parallel_loop3A_433 to %parallel_loop3A_434 step %parallel_loop3A_435  : i32 {
        %parallel_loop3A_437 = arith.constant 0 : i32
        %parallel_loop3A_438 = arith.constant 16 : i32
        %parallel_loop3A_439 = arith.muli %parallel_loop3A_437, %parallel_loop3A_438 : i32
        %parallel_loop3A_440 = arith.constant 1 : i32
        %parallel_loop3A_441 = arith.index_cast %parallel_loop3A_440 : i32 to index
        %parallel_loop3A_442 = arith.index_cast %parallel_loop3A_436 : i32 to index
        %parallel_loop3A_443 = arith.index_cast %parallel_loop3A_439 : i32 to index
        %parallel_loop3A_444 = tpu.vector_load %arg12[%parallel_loop3A_441, %parallel_loop3A_442, %parallel_loop3A_443] {strides = array<i32>} : memref<2x512x64xf32, #tpu.memory_space<vmem>>, vector<1x1x16xf32>,
        %parallel_loop3A_445 = vector.shape_cast %parallel_loop3A_444 : vector<1x1x16xf32> to vector<16xf32>
        %parallel_loop3A_446 = arith.constant 128 : i32
        %parallel_loop3A_447 = arith.addi %parallel_loop3A_446, %parallel_loop3A_436 : i32
        %parallel_loop3A_448 = arith.constant 1 : i32
        %parallel_loop3A_449 = arith.index_cast %parallel_loop3A_448 : i32 to index
        %parallel_loop3A_450 = arith.index_cast %parallel_loop3A_447 : i32 to index
        %parallel_loop3A_451 = arith.index_cast %parallel_loop3A_439 : i32 to index
        %parallel_loop3A_452 = tpu.vector_load %arg12[%parallel_loop3A_449, %parallel_loop3A_450, %parallel_loop3A_451] {strides = array<i32>} : memref<2x512x64xf32, #tpu.memory_space<vmem>>, vector<1x1x16xf32>,
        %parallel_loop3A_453 = vector.shape_cast %parallel_loop3A_452 : vector<1x1x16xf32> to vector<16xf32>
        %parallel_loop3A_454 = arith.addf %parallel_loop3A_445, %parallel_loop3A_453 : vector<16xf32>
        %parallel_loop3A_455 = arith.constant 256 : i32
        %parallel_loop3A_456 = arith.addi %parallel_loop3A_455, %parallel_loop3A_436 : i32
        %parallel_loop3A_457 = arith.constant 1 : i32
        %parallel_loop3A_458 = arith.index_cast %parallel_loop3A_457 : i32 to index
        %parallel_loop3A_459 = arith.index_cast %parallel_loop3A_456 : i32 to index
        %parallel_loop3A_460 = arith.index_cast %parallel_loop3A_439 : i32 to index
        %parallel_loop3A_461 = tpu.vector_load %arg12[%parallel_loop3A_458, %parallel_loop3A_459, %parallel_loop3A_460] {strides = array<i32>} : memref<2x512x64xf32, #tpu.memory_space<vmem>>, vector<1x1x16xf32>,
        %parallel_loop3A_462 = vector.shape_cast %parallel_loop3A_461 : vector<1x1x16xf32> to vector<16xf32>
        %parallel_loop3A_463 = arith.addf %parallel_loop3A_454, %parallel_loop3A_462 : vector<16xf32>
        %parallel_loop3A_464 = arith.constant 384 : i32
        %parallel_loop3A_465 = arith.addi %parallel_loop3A_464, %parallel_loop3A_436 : i32
        %parallel_loop3A_466 = arith.constant 1 : i32
        %parallel_loop3A_467 = arith.index_cast %parallel_loop3A_466 : i32 to index
        %parallel_loop3A_468 = arith.index_cast %parallel_loop3A_465 : i32 to index
        %parallel_loop3A_469 = arith.index_cast %parallel_loop3A_439 : i32 to index
        %parallel_loop3A_470 = tpu.vector_load %arg12[%parallel_loop3A_467, %parallel_loop3A_468, %parallel_loop3A_469] {strides = array<i32>} : memref<2x512x64xf32, #tpu.memory_space<vmem>>, vector<1x1x16xf32>,
        %parallel_loop3A_471 = vector.shape_cast %parallel_loop3A_470 : vector<1x1x16xf32> to vector<16xf32>
        %parallel_loop3A_472 = arith.addf %parallel_loop3A_463, %parallel_loop3A_471 : vector<16xf32>
        %parallel_loop3A_473 = arith.index_cast %parallel_loop3A_436 : i32 to index
        %parallel_loop3A_474 = arith.index_cast %parallel_loop3A_439 : i32 to index
        %parallel_loop3A_475 = tpu.vector_load %arg13[%parallel_loop3A_473, %parallel_loop3A_474] {strides = array<i32>} : memref<128x64xf32, #tpu.memory_space<vmem>>, vector<1x16xf32>,
        %parallel_loop3A_476 = vector.shape_cast %parallel_loop3A_475 : vector<1x16xf32> to vector<16xf32>
        %parallel_loop3A_477 = vector.shape_cast %parallel_loop3A_472 : vector<16xf32> to vector<1x16xf32>
        tpu.vector_store %arg13[%parallel_loop3A_473, %parallel_loop3A_474], %parallel_loop3A_477 {strides = array<i32>} : memref<128x64xf32, #tpu.memory_space<vmem>>, vector<1x16xf32>,
        %parallel_loop3A_478 = arith.constant 1 : i32
        %parallel_loop3A_479 = arith.constant 16 : i32
        %parallel_loop3A_480 = arith.muli %parallel_loop3A_478, %parallel_loop3A_479 : i32
        %parallel_loop3A_481 = arith.constant 1 : i32
        %parallel_loop3A_482 = arith.index_cast %parallel_loop3A_481 : i32 to index
        %parallel_loop3A_483 = arith.index_cast %parallel_loop3A_436 : i32 to index
        %parallel_loop3A_484 = arith.index_cast %parallel_loop3A_480 : i32 to index
        %parallel_loop3A_485 = tpu.vector_load %arg12[%parallel_loop3A_482, %parallel_loop3A_483, %parallel_loop3A_484] {strides = array<i32>} : memref<2x512x64xf32, #tpu.memory_space<vmem>>, vector<1x1x16xf32>,
        %parallel_loop3A_486 = vector.shape_cast %parallel_loop3A_485 : vector<1x1x16xf32> to vector<16xf32>
        %parallel_loop3A_487 = arith.constant 128 : i32
        %parallel_loop3A_488 = arith.addi %parallel_loop3A_487, %parallel_loop3A_436 : i32
        %parallel_loop3A_489 = arith.constant 1 : i32
        %parallel_loop3A_490 = arith.index_cast %parallel_loop3A_489 : i32 to index
        %parallel_loop3A_491 = arith.index_cast %parallel_loop3A_488 : i32 to index
        %parallel_loop3A_492 = arith.index_cast %parallel_loop3A_480 : i32 to index
        %parallel_loop3A_493 = tpu.vector_load %arg12[%parallel_loop3A_490, %parallel_loop3A_491, %parallel_loop3A_492] {strides = array<i32>} : memref<2x512x64xf32, #tpu.memory_space<vmem>>, vector<1x1x16xf32>,
        %parallel_loop3A_494 = vector.shape_cast %parallel_loop3A_493 : vector<1x1x16xf32> to vector<16xf32>
        %parallel_loop3A_495 = arith.addf %parallel_loop3A_486, %parallel_loop3A_494 : vector<16xf32>
        %parallel_loop3A_496 = arith.constant 256 : i32
        %parallel_loop3A_497 = arith.addi %parallel_loop3A_496, %parallel_loop3A_436 : i32
        %parallel_loop3A_498 = arith.constant 1 : i32
        %parallel_loop3A_499 = arith.index_cast %parallel_loop3A_498 : i32 to index
        %parallel_loop3A_500 = arith.index_cast %parallel_loop3A_497 : i32 to index
        %parallel_loop3A_501 = arith.index_cast %parallel_loop3A_480 : i32 to index
        %parallel_loop3A_502 = tpu.vector_load %arg12[%parallel_loop3A_499, %parallel_loop3A_500, %parallel_loop3A_501] {strides = array<i32>} : memref<2x512x64xf32, #tpu.memory_space<vmem>>, vector<1x1x16xf32>,
        %parallel_loop3A_503 = vector.shape_cast %parallel_loop3A_502 : vector<1x1x16xf32> to vector<16xf32>
        %parallel_loop3A_504 = arith.addf %parallel_loop3A_495, %parallel_loop3A_503 : vector<16xf32>
        %parallel_loop3A_505 = arith.constant 384 : i32
        %parallel_loop3A_506 = arith.addi %parallel_loop3A_505, %parallel_loop3A_436 : i32
        %parallel_loop3A_507 = arith.constant 1 : i32
        %parallel_loop3A_508 = arith.index_cast %parallel_loop3A_507 : i32 to index
        %parallel_loop3A_509 = arith.index_cast %parallel_loop3A_506 : i32 to index
        %parallel_loop3A_510 = arith.index_cast %parallel_loop3A_480 : i32 to index
        %parallel_loop3A_511 = tpu.vector_load %arg12[%parallel_loop3A_508, %parallel_loop3A_509, %parallel_loop3A_510] {strides = array<i32>} : memref<2x512x64xf32, #tpu.memory_space<vmem>>, vector<1x1x16xf32>,
        %parallel_loop3A_512 = vector.shape_cast %parallel_loop3A_511 : vector<1x1x16xf32> to vector<16xf32>
        %parallel_loop3A_513 = arith.addf %parallel_loop3A_504, %parallel_loop3A_512 : vector<16xf32>
        %parallel_loop3A_514 = arith.index_cast %parallel_loop3A_436 : i32 to index
        %parallel_loop3A_515 = arith.index_cast %parallel_loop3A_480 : i32 to index
        %parallel_loop3A_516 = tpu.vector_load %arg13[%parallel_loop3A_514, %parallel_loop3A_515] {strides = array<i32>} : memref<128x64xf32, #tpu.memory_space<vmem>>, vector<1x16xf32>,
        %parallel_loop3A_517 = vector.shape_cast %parallel_loop3A_516 : vector<1x16xf32> to vector<16xf32>
        %parallel_loop3A_518 = vector.shape_cast %parallel_loop3A_513 : vector<16xf32> to vector<1x16xf32>
        tpu.vector_store %arg13[%parallel_loop3A_514, %parallel_loop3A_515], %parallel_loop3A_518 {strides = array<i32>} : memref<128x64xf32, #tpu.memory_space<vmem>>, vector<1x16xf32>,
        %parallel_loop3A_519 = arith.constant 2 : i32
        %parallel_loop3A_520 = arith.constant 16 : i32
        %parallel_loop3A_521 = arith.muli %parallel_loop3A_519, %parallel_loop3A_520 : i32
        %parallel_loop3A_522 = arith.constant 1 : i32
        %parallel_loop3A_523 = arith.index_cast %parallel_loop3A_522 : i32 to index
        %parallel_loop3A_524 = arith.index_cast %parallel_loop3A_436 : i32 to index
        %parallel_loop3A_525 = arith.index_cast %parallel_loop3A_521 : i32 to index
        %parallel_loop3A_526 = tpu.vector_load %arg12[%parallel_loop3A_523, %parallel_loop3A_524, %parallel_loop3A_525] {strides = array<i32>} : memref<2x512x64xf32, #tpu.memory_space<vmem>>, vector<1x1x16xf32>,
        %parallel_loop3A_527 = vector.shape_cast %parallel_loop3A_526 : vector<1x1x16xf32> to vector<16xf32>
        %parallel_loop3A_528 = arith.constant 128 : i32
        %parallel_loop3A_529 = arith.addi %parallel_loop3A_528, %parallel_loop3A_436 : i32
        %parallel_loop3A_530 = arith.constant 1 : i32
        %parallel_loop3A_531 = arith.index_cast %parallel_loop3A_530 : i32 to index
        %parallel_loop3A_532 = arith.index_cast %parallel_loop3A_529 : i32 to index
        %parallel_loop3A_533 = arith.index_cast %parallel_loop3A_521 : i32 to index
        %parallel_loop3A_534 = tpu.vector_load %arg12[%parallel_loop3A_531, %parallel_loop3A_532, %parallel_loop3A_533] {strides = array<i32>} : memref<2x512x64xf32, #tpu.memory_space<vmem>>, vector<1x1x16xf32>,
        %parallel_loop3A_535 = vector.shape_cast %parallel_loop3A_534 : vector<1x1x16xf32> to vector<16xf32>
        %parallel_loop3A_536 = arith.addf %parallel_loop3A_527, %parallel_loop3A_535 : vector<16xf32>
        %parallel_loop3A_537 = arith.constant 256 : i32
        %parallel_loop3A_538 = arith.addi %parallel_loop3A_537, %parallel_loop3A_436 : i32
        %parallel_loop3A_539 = arith.constant 1 : i32
        %parallel_loop3A_540 = arith.index_cast %parallel_loop3A_539 : i32 to index
        %parallel_loop3A_541 = arith.index_cast %parallel_loop3A_538 : i32 to index
        %parallel_loop3A_542 = arith.index_cast %parallel_loop3A_521 : i32 to index
        %parallel_loop3A_543 = tpu.vector_load %arg12[%parallel_loop3A_540, %parallel_loop3A_541, %parallel_loop3A_542] {strides = array<i32>} : memref<2x512x64xf32, #tpu.memory_space<vmem>>, vector<1x1x16xf32>,
        %parallel_loop3A_544 = vector.shape_cast %parallel_loop3A_543 : vector<1x1x16xf32> to vector<16xf32>
        %parallel_loop3A_545 = arith.addf %parallel_loop3A_536, %parallel_loop3A_544 : vector<16xf32>
        %parallel_loop3A_546 = arith.constant 384 : i32
        %parallel_loop3A_547 = arith.addi %parallel_loop3A_546, %parallel_loop3A_436 : i32
        %parallel_loop3A_548 = arith.constant 1 : i32
        %parallel_loop3A_549 = arith.index_cast %parallel_loop3A_548 : i32 to index
        %parallel_loop3A_550 = arith.index_cast %parallel_loop3A_547 : i32 to index
        %parallel_loop3A_551 = arith.index_cast %parallel_loop3A_521 : i32 to index
        %parallel_loop3A_552 = tpu.vector_load %arg12[%parallel_loop3A_549, %parallel_loop3A_550, %parallel_loop3A_551] {strides = array<i32>} : memref<2x512x64xf32, #tpu.memory_space<vmem>>, vector<1x1x16xf32>,
        %parallel_loop3A_553 = vector.shape_cast %parallel_loop3A_552 : vector<1x1x16xf32> to vector<16xf32>
        %parallel_loop3A_554 = arith.addf %parallel_loop3A_545, %parallel_loop3A_553 : vector<16xf32>
        %parallel_loop3A_555 = arith.index_cast %parallel_loop3A_436 : i32 to index
        %parallel_loop3A_556 = arith.index_cast %parallel_loop3A_521 : i32 to index
        %parallel_loop3A_557 = tpu.vector_load %arg13[%parallel_loop3A_555, %parallel_loop3A_556] {strides = array<i32>} : memref<128x64xf32, #tpu.memory_space<vmem>>, vector<1x16xf32>,
        %parallel_loop3A_558 = vector.shape_cast %parallel_loop3A_557 : vector<1x16xf32> to vector<16xf32>
        %parallel_loop3A_559 = vector.shape_cast %parallel_loop3A_554 : vector<16xf32> to vector<1x16xf32>
        tpu.vector_store %arg13[%parallel_loop3A_555, %parallel_loop3A_556], %parallel_loop3A_559 {strides = array<i32>} : memref<128x64xf32, #tpu.memory_space<vmem>>, vector<1x16xf32>,
        %parallel_loop3A_560 = arith.constant 3 : i32
        %parallel_loop3A_561 = arith.constant 16 : i32
        %parallel_loop3A_562 = arith.muli %parallel_loop3A_560, %parallel_loop3A_561 : i32
        %parallel_loop3A_563 = arith.constant 1 : i32
        %parallel_loop3A_564 = arith.index_cast %parallel_loop3A_563 : i32 to index
        %parallel_loop3A_565 = arith.index_cast %parallel_loop3A_436 : i32 to index
        %parallel_loop3A_566 = arith.index_cast %parallel_loop3A_562 : i32 to index
        %parallel_loop3A_567 = tpu.vector_load %arg12[%parallel_loop3A_564, %parallel_loop3A_565, %parallel_loop3A_566] {strides = array<i32>} : memref<2x512x64xf32, #tpu.memory_space<vmem>>, vector<1x1x16xf32>,
        %parallel_loop3A_568 = vector.shape_cast %parallel_loop3A_567 : vector<1x1x16xf32> to vector<16xf32>
        %parallel_loop3A_569 = arith.constant 128 : i32
        %parallel_loop3A_570 = arith.addi %parallel_loop3A_569, %parallel_loop3A_436 : i32
        %parallel_loop3A_571 = arith.constant 1 : i32
        %parallel_loop3A_572 = arith.index_cast %parallel_loop3A_571 : i32 to index
        %parallel_loop3A_573 = arith.index_cast %parallel_loop3A_570 : i32 to index
        %parallel_loop3A_574 = arith.index_cast %parallel_loop3A_562 : i32 to index
        %parallel_loop3A_575 = tpu.vector_load %arg12[%parallel_loop3A_572, %parallel_loop3A_573, %parallel_loop3A_574] {strides = array<i32>} : memref<2x512x64xf32, #tpu.memory_space<vmem>>, vector<1x1x16xf32>,
        %parallel_loop3A_576 = vector.shape_cast %parallel_loop3A_575 : vector<1x1x16xf32> to vector<16xf32>
        %parallel_loop3A_577 = arith.addf %parallel_loop3A_568, %parallel_loop3A_576 : vector<16xf32>
        %parallel_loop3A_578 = arith.constant 256 : i32
        %parallel_loop3A_579 = arith.addi %parallel_loop3A_578, %parallel_loop3A_436 : i32
        %parallel_loop3A_580 = arith.constant 1 : i32
        %parallel_loop3A_581 = arith.index_cast %parallel_loop3A_580 : i32 to index
        %parallel_loop3A_582 = arith.index_cast %parallel_loop3A_579 : i32 to index
        %parallel_loop3A_583 = arith.index_cast %parallel_loop3A_562 : i32 to index
        %parallel_loop3A_584 = tpu.vector_load %arg12[%parallel_loop3A_581, %parallel_loop3A_582, %parallel_loop3A_583] {strides = array<i32>} : memref<2x512x64xf32, #tpu.memory_space<vmem>>, vector<1x1x16xf32>,
        %parallel_loop3A_585 = vector.shape_cast %parallel_loop3A_584 : vector<1x1x16xf32> to vector<16xf32>
        %parallel_loop3A_586 = arith.addf %parallel_loop3A_577, %parallel_loop3A_585 : vector<16xf32>
        %parallel_loop3A_587 = arith.constant 384 : i32
        %parallel_loop3A_588 = arith.addi %parallel_loop3A_587, %parallel_loop3A_436 : i32
        %parallel_loop3A_589 = arith.constant 1 : i32
        %parallel_loop3A_590 = arith.index_cast %parallel_loop3A_589 : i32 to index
        %parallel_loop3A_591 = arith.index_cast %parallel_loop3A_588 : i32 to index
        %parallel_loop3A_592 = arith.index_cast %parallel_loop3A_562 : i32 to index
        %parallel_loop3A_593 = tpu.vector_load %arg12[%parallel_loop3A_590, %parallel_loop3A_591, %parallel_loop3A_592] {strides = array<i32>} : memref<2x512x64xf32, #tpu.memory_space<vmem>>, vector<1x1x16xf32>,
        %parallel_loop3A_594 = vector.shape_cast %parallel_loop3A_593 : vector<1x1x16xf32> to vector<16xf32>
        %parallel_loop3A_595 = arith.addf %parallel_loop3A_586, %parallel_loop3A_594 : vector<16xf32>
        %parallel_loop3A_596 = arith.index_cast %parallel_loop3A_436 : i32 to index
        %parallel_loop3A_597 = arith.index_cast %parallel_loop3A_562 : i32 to index
        %parallel_loop3A_598 = tpu.vector_load %arg13[%parallel_loop3A_596, %parallel_loop3A_597] {strides = array<i32>} : memref<128x64xf32, #tpu.memory_space<vmem>>, vector<1x16xf32>,
        %parallel_loop3A_599 = vector.shape_cast %parallel_loop3A_598 : vector<1x16xf32> to vector<16xf32>
        %parallel_loop3A_600 = vector.shape_cast %parallel_loop3A_595 : vector<16xf32> to vector<1x16xf32>
        tpu.vector_store %arg13[%parallel_loop3A_596, %parallel_loop3A_597], %parallel_loop3A_600 {strides = array<i32>} : memref<128x64xf32, #tpu.memory_space<vmem>>, vector<1x16xf32>,
      } {sc.loop_unroll_factor = 4 : i64, sc.parallel_access}
      "tpu.region"() ({
        %run_scoped3A = tpu.sem_alloc : memref<!tpu.dma_semaphore, #tpu.memory_space<semaphore_mem>>
        %dma_start3A_436 = arith.constant 0 : i32
        %dma_start3A_437 = tpu.memref_slice %arg6[%add3A_432, %dma_start3A_436] : memref<819200x64xf32, #tpu.memory_space<hbm>> -> memref<128x64xf32, #tpu.memory_space<hbm>>
        %dma_start3A_438 = arith.constant 0 : i32
        %dma_start3A_439 = tpu.memref_slice %arg6[%add3A_432, %dma_start3A_438] : memref<819200x64xf32, #tpu.memory_space<hbm>> -> memref<128x64xf32, #tpu.memory_space<hbm>>
        tpu.enqueue_dma source(%arg13 : memref<128x64xf32, #tpu.memory_space<vmem>>) target(%dma_start3A_439 : memref<128x64xf32, #tpu.memory_space<hbm>>) target_semaphore(%run_scoped3A : memref<!tpu.dma_semaphore, #tpu.memory_space<semaphore_mem>>)
        %dma_wait3A_440 = arith.constant 0 : i32
        %dma_wait3A_441 = tpu.memref_slice %arg6[%add3A_432, %dma_wait3A_440] : memref<819200x64xf32, #tpu.memory_space<hbm>> -> memref<128x64xf32, #tpu.memory_space<hbm>>
        %dma_wait3A_442 = arith.constant 0 : i32
        %dma_wait3A_443 = tpu.memref_slice %arg6[%add3A_432, %dma_wait3A_442] : memref<819200x64xf32, #tpu.memory_space<hbm>> -> memref<128x64xf32, #tpu.memory_space<hbm>>
        tpu.wait_dma2 semaphore(%run_scoped3A : memref<!tpu.dma_semaphore, #tpu.memory_space<semaphore_mem>>) src(%arg13 : memref<128x64xf32, #tpu.memory_space<vmem>>) dst(%dma_wait3A_443 : memref<128x64xf32, #tpu.memory_space<hbm>>)
        tpu.yield
      }) : () -> ()
    }
    %dma_wait3A_86 = arith.constant 0 : i32
    %dma_wait3A_87 = arith.constant 0 : i32
    %dma_wait3A_88 = arith.constant 0 : i32
    %dma_wait3A_89 = tpu.memref_slice %arg12[%dma_wait3A_86, %dma_wait3A_87, %dma_wait3A_88] : memref<2x512x64xf32, #tpu.memory_space<vmem>> -> memref<1x128x64xf32, #tpu.memory_space<vmem>>
    %dma_wait3A_90 = tpu.memref_squeeze %dma_wait3A_89 : memref<1x128x64xf32, #tpu.memory_space<vmem>> -> memref<128x64xf32, #tpu.memory_space<vmem>>
    %dma_wait3A_91 = arith.constant 0 : i32
    %dma_wait3A_92 = arith.constant 0 : i32
    %dma_wait3A_93 = tpu.memref_slice %arg2[%dma_wait3A_91, %dma_wait3A_92] : memref<501568x64xf32, #tpu.memory_space<hbm>> -> memref<128x64xf32, #tpu.memory_space<hbm>>
    %dma_wait3A_94 = arith.constant 0 : i32
    %dma_wait3A_95 = arith.constant 0 : i32
    %dma_wait3A_96 = tpu.memref_slice %arg12[%dma_wait3A_86, %dma_wait3A_94, %dma_wait3A_95] : memref<2x512x64xf32, #tpu.memory_space<vmem>> -> memref<1x128x64xf32, #tpu.memory_space<vmem>>
    %dma_wait3A_97 = tpu.memref_squeeze %dma_wait3A_96 : memref<1x128x64xf32, #tpu.memory_space<vmem>> -> memref<128x64xf32, #tpu.memory_space<vmem>>
    %dma_wait3A_98 = arith.constant 0 : i32
    %dma_wait3A_99 = arith.constant 0 : i32
    %dma_wait3A_100 = tpu.memref_slice %arg2[%dma_wait3A_98, %dma_wait3A_99] : memref<501568x64xf32, #tpu.memory_space<hbm>> -> memref<128x64xf32, #tpu.memory_space<hbm>>
    tpu.wait_dma2 semaphore(%arg15 : memref<!tpu.dma_semaphore, #tpu.memory_space<semaphore_mem>>) src(%dma_wait3A_100 : memref<128x64xf32, #tpu.memory_space<hbm>>) dst(%dma_wait3A_97 : memref<128x64xf32, #tpu.memory_space<vmem>>)
    %dma_wait3A_101 = arith.constant 0 : i32
    %dma_wait3A_102 = arith.constant 128 : i32
    %dma_wait3A_103 = arith.constant 0 : i32
    %dma_wait3A_104 = tpu.memref_slice %arg12[%dma_wait3A_101, %dma_wait3A_102, %dma_wait3A_103] : memref<2x512x64xf32, #tpu.memory_space<vmem>> -> memref<1x128x64xf32, #tpu.memory_space<vmem>>
    %dma_wait3A_105 = tpu.memref_squeeze %dma_wait3A_104 : memref<1x128x64xf32, #tpu.memory_space<vmem>> -> memref<128x64xf32, #tpu.memory_space<vmem>>
    %dma_wait3A_106 = arith.constant 0 : i32
    %dma_wait3A_107 = arith.constant 0 : i32
    %dma_wait3A_108 = tpu.memref_slice %arg2[%dma_wait3A_106, %dma_wait3A_107] : memref<501568x64xf32, #tpu.memory_space<hbm>> -> memref<128x64xf32, #tpu.memory_space<hbm>>
    %dma_wait3A_109 = arith.constant 128 : i32
    %dma_wait3A_110 = arith.constant 0 : i32
    %dma_wait3A_111 = tpu.memref_slice %arg12[%dma_wait3A_101, %dma_wait3A_109, %dma_wait3A_110] : memref<2x512x64xf32, #tpu.memory_space<vmem>> -> memref<1x128x64xf32, #tpu.memory_space<vmem>>
    %dma_wait3A_112 = tpu.memref_squeeze %dma_wait3A_111 : memref<1x128x64xf32, #tpu.memory_space<vmem>> -> memref<128x64xf32, #tpu.memory_space<vmem>>
    %dma_wait3A_113 = arith.constant 0 : i32
    %dma_wait3A_114 = arith.constant 0 : i32
    %dma_wait3A_115 = tpu.memref_slice %arg2[%dma_wait3A_113, %dma_wait3A_114] : memref<501568x64xf32, #tpu.memory_space<hbm>> -> memref<128x64xf32, #tpu.memory_space<hbm>>
    tpu.wait_dma2 semaphore(%arg15 : memref<!tpu.dma_semaphore, #tpu.memory_space<semaphore_mem>>) src(%dma_wait3A_115 : memref<128x64xf32, #tpu.memory_space<hbm>>) dst(%dma_wait3A_112 : memref<128x64xf32, #tpu.memory_space<vmem>>)
    %dma_wait3A_116 = arith.constant 0 : i32
    %dma_wait3A_117 = arith.constant 256 : i32
    %dma_wait3A_118 = arith.constant 0 : i32
    %dma_wait3A_119 = tpu.memref_slice %arg12[%dma_wait3A_116, %dma_wait3A_117, %dma_wait3A_118] : memref<2x512x64xf32, #tpu.memory_space<vmem>> -> memref<1x128x64xf32, #tpu.memory_space<vmem>>
    %dma_wait3A_120 = tpu.memref_squeeze %dma_wait3A_119 : memref<1x128x64xf32, #tpu.memory_space<vmem>> -> memref<128x64xf32, #tpu.memory_space<vmem>>
    %dma_wait3A_121 = arith.constant 0 : i32
    %dma_wait3A_122 = arith.constant 0 : i32
    %dma_wait3A_123 = tpu.memref_slice %arg2[%dma_wait3A_121, %dma_wait3A_122] : memref<501568x64xf32, #tpu.memory_space<hbm>> -> memref<128x64xf32, #tpu.memory_space<hbm>>
    %dma_wait3A_124 = arith.constant 256 : i32
    %dma_wait3A_125 = arith.constant 0 : i32
    %dma_wait3A_126 = tpu.memref_slice %arg12[%dma_wait3A_116, %dma_wait3A_124, %dma_wait3A_125] : memref<2x512x64xf32, #tpu.memory_space<vmem>> -> memref<1x128x64xf32, #tpu.memory_space<vmem>>
    %dma_wait3A_127 = tpu.memref_squeeze %dma_wait3A_126 : memref<1x128x64xf32, #tpu.memory_space<vmem>> -> memref<128x64xf32, #tpu.memory_space<vmem>>
    %dma_wait3A_128 = arith.constant 0 : i32
    %dma_wait3A_129 = arith.constant 0 : i32
    %dma_wait3A_130 = tpu.memref_slice %arg2[%dma_wait3A_128, %dma_wait3A_129] : memref<501568x64xf32, #tpu.memory_space<hbm>> -> memref<128x64xf32, #tpu.memory_space<hbm>>
    tpu.wait_dma2 semaphore(%arg15 : memref<!tpu.dma_semaphore, #tpu.memory_space<semaphore_mem>>) src(%dma_wait3A_130 : memref<128x64xf32, #tpu.memory_space<hbm>>) dst(%dma_wait3A_127 : memref<128x64xf32, #tpu.memory_space<vmem>>)
    %dma_wait3A_131 = arith.constant 0 : i32
    %dma_wait3A_132 = arith.constant 384 : i32
    %dma_wait3A_133 = arith.constant 0 : i32
    %dma_wait3A_134 = tpu.memref_slice %arg12[%dma_wait3A_131, %dma_wait3A_132, %dma_wait3A_133] : memref<2x512x64xf32, #tpu.memory_space<vmem>> -> memref<1x128x64xf32, #tpu.memory_space<vmem>>
    %dma_wait3A_135 = tpu.memref_squeeze %dma_wait3A_134 : memref<1x128x64xf32, #tpu.memory_space<vmem>> -> memref<128x64xf32, #tpu.memory_space<vmem>>
    %dma_wait3A_136 = arith.constant 0 : i32
    %dma_wait3A_137 = arith.constant 0 : i32
    %dma_wait3A_138 = tpu.memref_slice %arg2[%dma_wait3A_136, %dma_wait3A_137] : memref<501568x64xf32, #tpu.memory_space<hbm>> -> memref<128x64xf32, #tpu.memory_space<hbm>>
    %dma_wait3A_139 = arith.constant 384 : i32
    %dma_wait3A_140 = arith.constant 0 : i32
    %dma_wait3A_141 = tpu.memref_slice %arg12[%dma_wait3A_131, %dma_wait3A_139, %dma_wait3A_140] : memref<2x512x64xf32, #tpu.memory_space<vmem>> -> memref<1x128x64xf32, #tpu.memory_space<vmem>>
    %dma_wait3A_142 = tpu.memref_squeeze %dma_wait3A_141 : memref<1x128x64xf32, #tpu.memory_space<vmem>> -> memref<128x64xf32, #tpu.memory_space<vmem>>
    %dma_wait3A_143 = arith.constant 0 : i32
    %dma_wait3A_144 = arith.constant 0 : i32
    %dma_wait3A_145 = tpu.memref_slice %arg2[%dma_wait3A_143, %dma_wait3A_144] : memref<501568x64xf32, #tpu.memory_space<hbm>> -> memref<128x64xf32, #tpu.memory_space<hbm>>
    tpu.wait_dma2 semaphore(%arg15 : memref<!tpu.dma_semaphore, #tpu.memory_space<semaphore_mem>>) src(%dma_wait3A_145 : memref<128x64xf32, #tpu.memory_space<hbm>>) dst(%dma_wait3A_142 : memref<128x64xf32, #tpu.memory_space<vmem>>)
    return
  }
}

module attributes {stable_mosaic.version = 14 : i64} {
  func.func @body(%arg0: i32, %arg1: memref<4000x32xf32, #tpu.memory_space<vmem>>, %arg2: memref<32x64xf32, #tpu.memory_space<vmem>>, %arg3: memref<4000x64xf32, #tpu.memory_space<vmem>>) attributes {dimension_semantics = [#tpu.dimension_semantics<arbitrary>], iteration_bounds = array<i64: 20>, scalar_prefetch = 0 : i64, scratch_operands = 0 : i64, tpu.core_type = #tpu.core_type<tc>, window_params = [{transform_indices = @transform_0, window_bounds = array<i64: 4000, 32>}, {pipeline_mode = #tpu.pipeline_mode<synchronous>, transform_indices = @transform_1, window_bounds = array<i64: 32, 64>}, {transform_indices = @transform_2, window_bounds = array<i64: 4000, 64>}]} {
    %get3A = arith.constant 0 : index
    %get3A_0 = arith.constant 0 : index
    %get3A_1 = vector.load %arg1[%get3A, %get3A_0] : memref<4000x32xf32, #tpu.memory_space<vmem>>, vector<4000x32xf32>
    %get3A_2 = arith.constant 0 : index
    %get3A_3 = arith.constant 0 : index
    %get3A_4 = vector.load %arg2[%get3A_2, %get3A_3] : memref<32x64xf32, #tpu.memory_space<vmem>>, vector<32x64xf32>
    %dot_general3A = arith.constant dense<0.000000e+00> : vector<4000x64xf32>
    %dot_general3A_5 = tpu.matmul %get3A_1, %get3A_4, %dot_general3A {dimension_numbers = #tpu.dot_dimension_numbers<[1], [0], [0], [1], [0, 0, 1, 1], [], []>, transpose_lhs_hint = false} : vector<4000x32xf32>, vector<32x64xf32>, vector<4000x64xf32> -> vector<4000x64xf32>
    %swap3A = arith.constant 0 : index
    %swap3A_6 = arith.constant 0 : index
    %swap3A_7 = vector.load %arg3[%swap3A, %swap3A_6] : memref<4000x64xf32, #tpu.memory_space<vmem>>, vector<4000x64xf32>
    tpu.vector_store %arg3[%swap3A, %swap3A_6], %dot_general3A_5 {strides = array<i32>} : memref<4000x64xf32, #tpu.memory_space<vmem>>, vector<4000x64xf32>,
    return
  }
  func.func @transform_0(%arg0: i32) -> (i32, i32) {
    %c0_i32 = arith.constant 0 : i32
    %c0_i32_0 = arith.constant 0 : i32
    return %arg0, %c0_i32 : i32, i32
  }
  func.func @transform_1(%arg0: i32) -> (i32, i32) {
    %c0_i32 = arith.constant 0 : i32
    %c0_i32_0 = arith.constant 0 : i32
    %c0_i32_1 = arith.constant 0 : i32
    return %c0_i32, %c0_i32_0 : i32, i32
  }
  func.func @transform_2(%arg0: i32) -> (i32, i32) {
    %c0_i32 = arith.constant 0 : i32
    %c0_i32_0 = arith.constant 0 : i32
    return %arg0, %c0_i32 : i32, i32
  }
}

module attributes {stable_mosaic.version = 14 : i64} {
  func.func @body(%arg0: memref<1568x64xf32, #tpu.memory_space<vmem>>, %arg1: memref<64x64xf32, #tpu.memory_space<vmem>>, %arg2: memref<1568x64xf32, #tpu.memory_space<vmem>>, %arg3: memref<1568x64xf32, #tpu.memory_space<vmem>>) attributes {dimension_semantics = [], scalar_prefetch = 0 : i64, scratch_operands = 0 : i64, tpu.core_type = #tpu.core_type<tc>} {
    %get3A = arith.constant 0 : index
    %get3A_0 = arith.constant 0 : index
    %get3A_1 = vector.load %arg0[%get3A, %get3A_0] : memref<1568x64xf32, #tpu.memory_space<vmem>>, vector<1568x64xf32>
    %get3A_2 = arith.constant 0 : index
    %get3A_3 = arith.constant 0 : index
    %get3A_4 = vector.load %arg1[%get3A_2, %get3A_3] : memref<64x64xf32, #tpu.memory_space<vmem>>, vector<64x64xf32>
    %dot_general3A = arith.constant dense<0.000000e+00> : vector<1568x64xf32>
    %dot_general3A_5 = tpu.matmul %get3A_1, %get3A_4, %dot_general3A {dimension_numbers = #tpu.dot_dimension_numbers<[1], [0], [0], [1], [0, 0, 1, 1], [], []>, transpose_lhs_hint = false} : vector<1568x64xf32>, vector<64x64xf32>, vector<1568x64xf32> -> vector<1568x64xf32>
    %get3A_6 = arith.constant 0 : index
    %get3A_7 = arith.constant 0 : index
    %get3A_8 = vector.load %arg2[%get3A_6, %get3A_7] : memref<1568x64xf32, #tpu.memory_space<vmem>>, vector<1568x64xf32>
    %add3A = arith.addf %dot_general3A_5, %get3A_8 : vector<1568x64xf32>
    %swap3A = arith.constant 0 : index
    %swap3A_9 = arith.constant 0 : index
    %swap3A_10 = vector.load %arg3[%swap3A, %swap3A_9] : memref<1568x64xf32, #tpu.memory_space<vmem>>, vector<1568x64xf32>
    tpu.vector_store %arg3[%swap3A, %swap3A_9], %add3A {strides = array<i32>} : memref<1568x64xf32, #tpu.memory_space<vmem>>, vector<1568x64xf32>,
    return
  }
}

module attributes {stable_mosaic.version = 14 : i64} {
  func.func @body(%arg0: i32, %arg1: i32, %arg2: memref<1x10000x16xf32, #tpu.memory_space<vmem>>, %arg3: memref<1x16x64xf32, #tpu.memory_space<vmem>>, %arg4: memref<1x1x64xf32, #tpu.memory_space<vmem>>, %arg5: memref<1x10000x64xf32, #tpu.memory_space<vmem>>) attributes {dimension_semantics = [#tpu.dimension_semantics<arbitrary>, #tpu.dimension_semantics<arbitrary>], iteration_bounds = array<i64: 4, 10>, scalar_prefetch = 0 : i64, scratch_operands = 0 : i64, tpu.core_type = #tpu.core_type<tc>, window_params = [{transform_indices = @transform_0, window_bounds = array<i64: 1, 10000, 16>}, {transform_indices = @transform_1, window_bounds = array<i64: 1, 16, 64>}, {transform_indices = @transform_2, window_bounds = array<i64: 1, 1, 64>}, {transform_indices = @transform_3, window_bounds = array<i64: 1, 10000, 64>}]} {
    %get3A = arith.constant 0 : index
    %get3A_0 = arith.constant 0 : index
    %get3A_1 = arith.constant 0 : index
    %get3A_2 = vector.load %arg2[%get3A, %get3A_0, %get3A_1] : memref<1x10000x16xf32, #tpu.memory_space<vmem>>, vector<1x10000x16xf32>
    %get3A_3 = vector.shape_cast %get3A_2 : vector<1x10000x16xf32> to vector<10000x16xf32>
    %get3A_4 = arith.constant 0 : index
    %get3A_5 = arith.constant 0 : index
    %get3A_6 = arith.constant 0 : index
    %get3A_7 = vector.load %arg3[%get3A_4, %get3A_5, %get3A_6] : memref<1x16x64xf32, #tpu.memory_space<vmem>>, vector<1x16x64xf32>
    %get3A_8 = vector.shape_cast %get3A_7 : vector<1x16x64xf32> to vector<16x64xf32>
    %dot_general3A = arith.constant dense<0.000000e+00> : vector<10000x64xf32>
    %dot_general3A_9 = tpu.matmul %get3A_3, %get3A_8, %dot_general3A {dimension_numbers = #tpu.dot_dimension_numbers<[1], [0], [0], [1], [0, 0, 1, 1], [], []>, transpose_lhs_hint = false} : vector<10000x16xf32>, vector<16x64xf32>, vector<10000x64xf32> -> vector<10000x64xf32>
    %get3A_10 = arith.constant 0 : index
    %get3A_11 = arith.constant 0 : index
    %get3A_12 = arith.constant 0 : index
    %get3A_13 = vector.load %arg4[%get3A_10, %get3A_11, %get3A_12] : memref<1x1x64xf32, #tpu.memory_space<vmem>>, vector<1x1x64xf32>
    %get3A_14 = vector.shape_cast %get3A_13 : vector<1x1x64xf32> to vector<1x64xf32>
    %add3A = vector.broadcast %get3A_14 : vector<1x64xf32> to vector<10000x64xf32>
    %add3A_15 = arith.addf %dot_general3A_9, %add3A : vector<10000x64xf32>
    %swap3A = arith.constant 0 : index
    %swap3A_16 = arith.constant 0 : index
    %swap3A_17 = arith.constant 0 : index
    %swap3A_18 = vector.load %arg5[%swap3A, %swap3A_16, %swap3A_17] : memref<1x10000x64xf32, #tpu.memory_space<vmem>>, vector<1x10000x64xf32>
    %swap3A_19 = vector.shape_cast %swap3A_18 : vector<1x10000x64xf32> to vector<10000x64xf32>
    %swap3A_20 = vector.shape_cast %add3A_15 : vector<10000x64xf32> to vector<1x10000x64xf32>
    tpu.vector_store %arg5[%swap3A, %swap3A_16, %swap3A_17], %swap3A_20 {strides = array<i32>} : memref<1x10000x64xf32, #tpu.memory_space<vmem>>, vector<1x10000x64xf32>,
    return
  }
  func.func @transform_0(%arg0: i32, %arg1: i32) -> (i32, i32, i32) {
    %c0_i32 = arith.constant 0 : i32
    %c0_i32_0 = arith.constant 0 : i32
    return %arg0, %arg1, %c0_i32 : i32, i32, i32
  }
  func.func @transform_1(%arg0: i32, %arg1: i32) -> (i32, i32, i32) {
    %c0_i32 = arith.constant 0 : i32
    %c0_i32_0 = arith.constant 0 : i32
    %c0_i32_1 = arith.constant 0 : i32
    return %arg0, %c0_i32, %c0_i32_0 : i32, i32, i32
  }
  func.func @transform_2(%arg0: i32, %arg1: i32) -> (i32, i32, i32) {
    %c0_i32 = arith.constant 0 : i32
    %c0_i32_0 = arith.constant 0 : i32
    %c0_i32_1 = arith.constant 0 : i32
    return %arg0, %c0_i32, %c0_i32_0 : i32, i32, i32
  }
  func.func @transform_3(%arg0: i32, %arg1: i32) -> (i32, i32, i32) {
    %c0_i32 = arith.constant 0 : i32
    %c0_i32_0 = arith.constant 0 : i32
    return %arg0, %arg1, %c0_i32 : i32, i32, i32
  }
}

</mosaic_0001>

<sc_bundles>
// kernel: kernel.6.cloned.1.call-start
scs
__scs_entry_jumppad:
0x0: {  	(pc) =	sbr.rel $0x88, $3  }
0x1: {  	(tag) =	ssettag $0x0;
	lr =	simm.s32 $0x1  }
0x2: {  	[smem:$0x3F92] =	sst lr;
	_ =	strace $0xD0000000  }
0x3: {  	_ = 	snop  }
0x4: {  	_ = 	snop  }
0x5: {  	_ = 	snop  }
0x6: {  	_ = 	snop  }
0x7: {  	_ = 	snop  }
__scs_overlays_trampoline_lowered:
0x8: {  	[smem:$0x3FA1] =	sst s0  }
0x9: {  	[smem:$0x3FA2] =	sst s1  }
0xa: {  	[smem:$0x3FA3] =	sst s2  }
0xb: {  	[smem:$0x3FA4] =	sst s3  }
0xc: {  	[smem:$0x3FA5] =	sst s4  }
0xd: {  	[smem:$0x3FA6] =	sst s5  }
0xe: {  	[smem:$0x3FA7] =	sst s6  }
0xf: {  	[smem:$0x3FA8] =	sst s7  }
0x10: {  	[smem:$0x3FA9] =	sst s8  }
0x11: {  	[smem:$0x3FAA] =	sst s9;
	s0 =	simm.s32 @!p0 $0x0  }
0x12: {  	s1 =	sld [smem:$0x3F90];
	s0 =	simm.s32 @p0 $0x1  }
0x13: {  	[smem:$0x3FAB] =	sst s0;
	s0 =	simm.s32 @!p1 $0x0  }
0x14: {  	s2 =	sld [smem:$0x3F8F];
	s0 =	simm.s32 @p1 $0x1  }
0x15: {  	[smem:$0x3FAC] =	sst s0;
	s0 =	simm.s32 @!p2 $0x0  }
0x16: {  	s3 =	sld [smem:$0x3FDB];
	s0 =	simm.s32 @p2 $0x1  }
0x17: {  	s4 =	simm.s32 $0x1BF5;
	[smem:$0x3FAE] =	sst s0  }
0x18: {  	s0 =	sld [smem:$0x3F91];
	_ =	swait.ge [sflag:s4], $0x0  }
0x19: {  	s7 =	sld [smem:$0x3F92]  }
0x1a: {  	s8 =	sadd.s32 $0xFFFFE003, lr  }
0x1b: {  	s9 =	sadd.s32 $0xFFFFFEF7, lr;
	s5 =	simm.s32 $0xFFFFFFFF;
	p2 =	slt.u32 s8, $0xFFFFF086  }
0x1c: {  	p1 =	slt.u32 s9, $0xF7A;
	s5 =	simm.s32 @!p2 $0x0  }
0x1d: {  	s5 =	simm.s32 @p1 $0x1;
	p0 =	seq.s32 s7, s2  }
0x1e: {  	s7 =	smul.u32 @!p0 $0xF7A, s2;
	p2 =	seq.s32 @!p0 s5, $0x0  }
0x1f: {  	s9 =	smul.u32 $0xF7A, s1;
	s8 =	simm.s32 @!p0 $0x1BF5;
	p2 =	por !p2, p0  }
0x20: {  	[sflag:s8] =	ssyncset.s32 @!p0 $0xFFFFF086;
	s6 =	sadd.s32 @!p0 s3, s7;
	s7 =	simm.s32 @!p0 $0x108  }
0x21: {  	s3 =	sadd.s32 s3, s9;
	s6 =	sadd.s32 @!p0 $0x88, s6;
	s7 =	simm.s32 @p2 $0x1082  }
0x22: {  	[simem:s7], [sflag:s8] =	dma.local @!p0 [hbm:s6], $0xF7A  }
0x23: {  	s9 =	sor.u32 $0xD0000000, s2;
	s6 =	simm.s32 $0x108;
	_ =	swait.ge @!p0 [sflag:s8], $0x0  }
0x24: {  	s3 =	sadd.s32 $0x88, s3;
	s6 =	simm.s32 @!p1 $0x1082;
	[sflag:s4] =	ssyncset.s32 $0xFFFFF086  }
0x25: {  	[simem:s6], [sflag:s4] =	dma.local [hbm:s3], $0xF7A  }
0x26: {  	[smem:$0x3F92] =	sst s1;
	(tag) =	ssettag s2;
	_ =	strace s9  }
0x27: {  	s1 =	sld [smem:$0x3FA2]  }
0x28: {  	s2 =	sld [smem:$0x3FA3]  }
0x29: {  	s4 =	sld [smem:$0x3FA5]  }
0x2a: {  	p0 =	seq.s32 s5, $0x0;
	s5 =	sld [smem:$0x3FA6]  }
0x2b: {  	s6 =	sld [smem:$0x3FA7]  }
0x2c: {  	s7 =	sld [smem:$0x3FA8]  }
0x2d: {  	s3 =	simm.s32 $0x108;
	s8 =	sld [smem:$0x3FA9]  }
0x2e: {  	s3 =	simm.s32 @!p0 $0x1082;
	s9 =	sld [smem:$0x3FAA]  }
0x2f: {  	lr =	sadd.s32 s0, s3;
	s0 =	sld [smem:$0x3FA1]  }
0x30: {  	s3 =	sld [smem:$0x3FA4]  }
0x31: {  	[smem:$0x3FAD] =	sst s10  }
0x32: {  	s10 =	sld [smem:$0x3FAB];
	_ =	sdelay $0x3  }
0x33: {  	p0 =	seq.s32 s10, $0x1;
	s10 =	sld [smem:$0x3FAD];
	_ =	sdelay $0x3  }
0x34: {  	[smem:$0x3FAD] =	sst s10  }
0x35: {  	s10 =	sld [smem:$0x3FAC];
	_ =	sdelay $0x3  }
0x36: {  	p1 =	seq.s32 s10, $0x1;
	s10 =	sld [smem:$0x3FAD];
	_ =	sdelay $0x3  }
0x37: {  	[smem:$0x3FAD] =	sst s10  }
0x38: {  	s10 =	sld [smem:$0x3FAE]  }
0x39: {  	_ = 	snop;
	(pc) =	sbr.ind lr, $3  }
0x3a: {  	_ = 	snop  }
0x3b: {  	_ = 	snop  }
0x3c: {  	p2 =	seq.s32 s10, $0x1;
	s10 =	sld [smem:$0x3FAD]  }
0x3d: {  	_ =	shalt  }
0x3e: {  	_ =	shalt  }
0x3f: {  	_ =	shalt  }
0x40: {  	_ =	shalt  }
0x41: {  	_ =	shalt  }
0x42: {  	_ =	shalt  }
0x43: {  	_ =	shalt  }
0x44: {  	_ =	shalt  }
0x45: {  	_ =	shalt  }
0x46: {  	_ =	shalt  }
0x47: {  	_ =	shalt  }
0x48: {  	_ =	shalt  }
0x49: {  	_ =	shalt  }
0x4a: {  	_ =	shalt  }
0x4b: {  	_ =	shalt  }
0x4c: {  	_ =	shalt  }
0x4d: {  	_ =	shalt  }
0x4e: {  	_ =	shalt  }
0x4f: {  	_ =	shalt  }
0x50: {  	_ =	shalt  }
0x51: {  	_ =	shalt  }
0x52: {  	_ =	shalt  }
0x53: {  	_ =	shalt  }
0x54: {  	_ =	shalt  }
0x55: {  	_ =	shalt  }
0x56: {  	_ =	shalt  }
0x57: {  	_ =	shalt  }
0x58: {  	_ =	shalt  }
0x59: {  	_ =	shalt  }
0x5a: {  	_ =	shalt  }
0x5b: {  	_ =	shalt  }
0x5c: {  	_ =	shalt  }
0x5d: {  	_ =	shalt  }
0x5e: {  	_ =	shalt  }
0x5f: {  	_ =	shalt  }
0x60: {  	_ =	shalt  }
0x61: {  	_ =	shalt  }
0x62: {  	_ =	shalt  }
0x63: {  	_ =	shalt  }
0x64: {  	_ =	shalt  }
0x65: {  	_ =	shalt  }
0x66: {  	_ =	shalt  }
0x67: {  	_ =	shalt  }
0x68: {  	_ =	shalt  }
0x69: {  	_ =	shalt  }
0x6a: {  	_ =	shalt  }
0x6b: {  	_ =	shalt  }
0x6c: {  	_ =	shalt  }
0x6d: {  	_ =	shalt  }
0x6e: {  	_ =	shalt  }
0x6f: {  	_ =	shalt  }
0x70: {  	_ =	shalt  }
0x71: {  	_ =	shalt  }
0x72: {  	_ =	shalt  }
0x73: {  	_ =	shalt  }
0x74: {  	_ =	shalt  }
0x75: {  	_ =	shalt  }
0x76: {  	_ =	shalt  }
0x77: {  	_ =	shalt  }
0x78: {  	_ =	shalt  }
0x79: {  	_ =	shalt  }
0x7a: {  	_ =	shalt  }
0x7b: {  	_ =	shalt  }
0x7c: {  	_ =	shalt  }
0x7d: {  	_ =	shalt  }
0x7e: {  	_ =	shalt  }
0x7f: {  	_ =	shalt  }
0x80: {  	_ =	shalt  }
0x81: {  	_ =	shalt  }
0x82: {  	_ =	shalt  }
0x83: {  	_ =	shalt  }
0x84: {  	_ =	shalt  }
0x85: {  	_ =	shalt  }
0x86: {  	_ =	shalt  }
0x87: {  	_ =	shalt  }
.Lfunc_end0:
.L_simem_size_0:
called_computation_lowered:
.L_overlay_start_0:
0x88: {  	s2 =	sld [smem:$0x3FD9]  }
0x89: {  	s3 =	sld [smem:$0x3FFE];
	_ =	sdelay $0x1  }
0x8a: {  	s1 =	srdreg.scid  }
0x8b: {  	s0 =	sand.u32 $0x1, s1  }
0x8c: {  	s16 =	sshll.u32 s0, $0xA;
	s2 =	sadd.s32 s3, s2  }
0x8d: {  	s2 =	sadd.s32 s2, s16  }
0x8e: {  	[smem:$0x3FB9] =	sst s2  }
0x8f: {  	_ = 	snop  }
0x90: {  	(tm) =	ssettm $0x1  }
0x91: {  	s17 =	sld [smem:$0x3FFB];
	_ =	sdelay $0x3  }
0x92: {  	_ =	strace s17  }
0x93: {  	s2 =	sld [smem:$0x3FFC];
	_ =	sdelay $0x3  }
0x94: {  	_ =	strace s2  }
0x95: {  	s2 =	sld [smem:$0x3FFD];
	_ =	sdelay $0x3  }
0x96: {  	_ =	strace s2  }
0x97: {  	_ =	strace $0x8FFFFFFF  }
0x98: {  	s18 =	sld [smem:$0x3FDB];
	_ =	sdelay $0x1  }
0x99: {  	s19 =	simm.s32 $_scs_section_size  }
0x9a: {  	s4 =	simm.s32 $_size__tile_overlayer_lowered;
	s5 =	simm.s32 $_tile_overlayer_lowered  }
0x9b: {  	s22 =	simm.s32 $0x1BFF;
	s21 =	sshll.u32 s5, $0x1;
	s2 =	sadd.s32 s19, s18  }
0x9c: {  	s6 =	simm.s32 $0x0;
	s20 =	sshll.u32 s4, $0x1;
	s4 =	sadd.s32 s21, s2  }
0x9d: {  	[timem:s6], [sflag:s22] =	dma.local [hbm:s4], s20  }
0x9e: {  	_ =	swait.ge [sflag:s22], s20  }
0x9f: {  	s3 =	ssub.s32 $0x0, s20;
	[sflag:s22] =	ssyncset.done $0x0  }
0xa0: {  	[sflag:s22] =	ssyncadd.s32 s3;
	_ =	sdelay $0x1  }
0xa1: {  	s23 =	simm.s32 $0x1B8B  }
0xa2: {  	_ =	swait.ge [sflag:s23], $0x1  }
0xa3: {  	[sflag:s23] =	ssyncset.done $0x0  }
0xa4: {  	s25 =	simm.s32 $0x1B8E;
	s24 =	sld [smem:$0x3FFE];
	[sflag:s23] =	ssyncadd.s32 $0xFFFFFFFF  }
0xa5: {  	s26 =	simm.s32 $execute0_lowered;
	[smem:$0x3FD2] =	sst s25  }
0xa6: {  	s4 =	sshll.u32 s26, $0x1;
	_ =	strace $0x80000046;
	[dreg:$0x1] =	wrdreg $0xFFFFFFFF  }
0xa7: {  	s28 =	simm.s32 $_size_execute0_lowered;
	s2 =	sadd.s32 s2, s4;
	[dreg:$0x0] =	wrdreg $0x0  }
0xa8: {  	s4 =	sshll.u32 s28, $0x1;
	[dreg:$0x2] =	wrdreg s2  }
0xa9: {  	[dreg:$0x3] =	wrdreg s4  }
0xaa: {  	[dreg:$0x4] =	wrdreg $0xC0  }
0xab: {  	_ =	task [dreg:s6], $0x5FFFF  }
0xac: {  	[dreg:$0x1] =	wrdreg $0xFFFFFFFF  }
0xad: {  	[dreg:$0x0] =	wrdreg $0x60  }
0xae: {  	[dreg:$0x2] =	wrdreg s24  }
0xaf: {  	[dreg:$0x3] =	wrdreg $0x9  }
0xb0: {  	_ =	task.clear_ibuf [dreg:s6], $0x4FFFF;
	_ =	strace $0x90000046  }
0xb1: {  	s29 =	simm.s32 $0x9;
	_ =	strace $0x80000048  }
0xb2: {  	_ =	swait.ge [sflag:s29], $0x1  }
0xb3: {  	[sflag:s29] =	ssyncadd.s32 $0xFFFFFFFF  }
0xb4: {  	_ =	strace $0x90000048  }
0xb5: {  	_ =	sfence  }
0xb6: {  	s30 =	sld [smem:$0x0];
	_ =	sdelay $0x2  }
0xb7: {  	s31 =	sshll.u32 s1, $0xD;
	s1 =	sshrl.u32 s1, $0x2  }
0xb8: {  	s3 =	sand.u32 $0x4000, s31;
	s1 =	sadd.s32 s1, s30  }
0xb9: {  	s0 =	sor.u32 s3, s0;
	s1 =	sshll.u32 s1, $0x11  }
0xba: {  	s0 =	sor.u32 s1, s0  }
0xbb: {  	s0 =	sadd.s32 $0x8F2B, s0  }
0xbc: {  	[sflag:s0] =	ssyncadd.remote.s32 $0x1  }
0xbd: {  	_ =	sfence.sel $0xFFFF  }
0xbe: {  	[dreg:$0x0] =	wrdreg $0xFFFFFFFF;
	(pc) =	sbr.abs _section_cstart, $3  }
0xbf: {  	[dreg:$0x1] =	wrdreg $0xFFFFFFFF  }
0xc0: {  	_ =	task.clear_ibuf [dreg:s6], $0x2FFFF;
	_ =	strace $0x9FFFFFFF  }
0xc1: {  	(tm) =	ssettm $0x7FFFFFFF  }
tec
execute0_lowered:
.L_overlay_start_1:
0x0: {  	(tag) =	ssettag $0x1  }
0x1: {  	s0 =	srdreg.scid  }
0x2: {  	s2 =	stileid.u32;
	s1 =	rddreg [dreg:$0x0];
	s11 =	simm.s32 $0x4  }
0x3: {  	s12 =	simm.s32 $0x80;
	s14 =	simm.s32 $0x65C0;
	s15 =	simm.s32 $0x1  }
0x4: {  	s16 =	simm.s32 $0x66C0;
	s17 =	simm.s32 $0x6AC0;
	s18 =	simm.s32 $0x6740  }
0x5: {  	s19 =	simm.s32 $0x8AC0;
	s20 =	simm.s32 $0x67C0;
	s21 =	simm.s32 $0xAAC0  }
0x6: {  	s22 =	simm.s32 $0x6840;
	s23 =	simm.s32 $0xCAC0;
	s26 =	simm.s32 $0x2  }
0x7: {  	s9 =	simm.s32 $0x3;
	s0 =	sand.u32 $0x1, s0;
	s3 =	sshll.u32 s2, $0x1  }
0x8: {  	s2 =	simm.s32 $0x0;
	s4 =	sadd.s32 $0x28A00, s1;
	s3 =	sor.u32 s0, s3  }
0x9: {  	[smem:$0x7FF] =	sst s2;
	s0 =	ssub.s32 $0x2, s0;
	s3 =	smul.u32 $0x6400, s3  }
0xa: {  	s7 =	sadd.s32 $0x3400, s1;
	_ =	strace $0x80000047;
	s8 =	sshrl.u32 s0, $0x1  }
0xb: {  	[dreg:$0x2] =	wrdreg s7;
	s0 =	ssub.s32 s0, s8;
	s5 =	sshrl.u32 s3, $0x3  }
0xc: {  	s7 =	sadd.s32 $0x3FC400, s1;
	s0 =	smax.u32 s0, $0x1;
	s6 =	sadd.s32 s5, s1  }
0xd: {  	s8 =	simm.s32 $0x16AC0;
	[dreg:$0x4] =	wrdreg s0;
	s31 =	sadd.s32 $0xFA00, s6  }
0xe: {  	v0 =	vimm.s32 $0xFFFE7960;
	v1 =	vimm.s32 $0x0;
	s5 =	sadd.s32 $0x3600, s1;
	s1 =	simm.s32 $0x0;
	[dreg:$0x3] =	wrdreg s31  }
.LBB2_1:
0xf: {  	[dreg:$0x5] =	wrdreg s1  }
0x10: {  	s0 =	rddreg [dreg:$0x2];
	s30 =	simm.s32 $0x6400  }
0x11: {  	[tilespmem:s30], [sflag:$0x4] =	stream.linear.gather [hbm4b:s0+s2], $0xC0, $0x38;
	[tilespmem:$0x18AC0] =	vst v63  }
0x12: {  	_ =	swait.ge [sflag:s11], $0xC0  }
0x13: {  	[sflag:s11] =	ssyncset.done $0x0  }
0x14: {  	s31 =	rddreg [dreg:$0x3];
	[sflag:s11] =	ssyncadd.s32 $0xFFFFFF40  }
0x15: {  	[tilespmem:s2], [sflag:$0x4] =	stream.linear.gather [hbm4b:s31+s2], $0x6400, $0x38;
	[tilespmem:$0x18AC0] =	vst v63  }
0x16: {  	_ =	swait.ge [sflag:s11], $0x6400  }
0x17: {  	[sflag:s11] =	ssyncset.done $0x0  }
0x18: {  	p0 =	por $0x1, $0x1;
	s0 =	simm.s32 $0x0;
	[sflag:s11] =	ssyncadd.s32 $0xFFFF9C00  }
.LBB2_2:
0x19: {  	v2 =	vld [tilespmem:s0+$0x0];
	s1 =	sor.u32 $0x10, s0  }
0x1a: {  	s30 =	sor.u32 $0x20, s0;
	v3 =	vld [tilespmem:s1+$0x0]  }
0x1b: {  	s31 =	sor.u32 $0x30, s0;
	v4 =	vld [tilespmem:s30+$0x0]  }
0x1c: {  	v5 =	vld [tilespmem:s31+$0x0];
	_ =	sdelay $0x1  }
0x1d: {  	v2 =	vadd.s32 $0xFFFE7960, v2  }
0x1e: {  	p1 =	por p0, p0;
	vm0 =	vlt.u32 v2, $0x61A80;
	v3 =	vadd.s32 $0xFFFE7960, v3  }
.Ltmp0:
0x1f: {  	v4 =	vadd.s32 $0xFFFE7960, v4;
	v2 =	vnsel vm0, $0x0, v2;
	vm13 =	vlt.u32 v3, $0x61A80;
	(pc) =	sbr.rel @p1 .LBB2_2-.Ltmp0, $4  }
0x20: {  	vm14 =	vlt.u32 v4, $0x61A80;
	[tilespmem:s0+$0x64C0] =	vst v2;
	v2 =	vnsel vm13, $0x0, v3;
	v3 =	vadd.s32 $0xFFFE7960, v5  }
0x21: {  	[tilespmem:s0+$0x64D0] =	vst v2;
	v2 =	vnsel vm14, $0x0, v4;
	vm15 =	vlt.u32 v3, $0x61A80  }
0x22: {  	[tilespmem:s0+$0x64E0] =	vst v2;
	v2 =	vnsel vm15, $0x0, v3  }
0x23: {  	p0 =	por $0x0, $0x0;
	[tilespmem:s0+$0x64F0] =	vst v2;
	s0 =	simm.s32 $0x40  }
0x24: {  	s0 =	simm.s32 $0x64C0  }
0x25: {  	[tilespmem:s14], [sflag:$0x1] =	stream.indirect.gather [hbm4b:s5+s12], $0x1, s0, s12, $0xb8;
	[tilespmem:$0x18AC0] =	vst v63  }
0x26: {  	_ =	swait.ge [sflag:s15], $0x80  }
0x27: {  	[sflag:s15] =	ssyncset.done $0x0  }
0x28: {  	[sflag:s15] =	ssyncadd.s32 $0xFFFFFF80  }
0x29: {  	s24 =	simm.s32 $0x10;
	v4 =	vld [tilespmem:$0x6400]  }
0x2a: {  	v2 =	vld [tilespmem:s24+$0x0]  }
0x2b: {  	v3 =	vld [tilespmem:s24+$0xFFFFFFF0]  }
0x2c: {  	v5 =	vld [tilespmem:$0x6440]  }
0x2d: {  	v6 =	vld [tilespmem:$0x6410]  }
0x2e: {  	v7 =	vld [tilespmem:$0x6460]  }
0x2f: {  	v8 =	vld [tilespmem:$0x6420]  }
0x30: {  	v9 =	vld [tilespmem:$0x64A0];
	vm0 =	vlt.s32 v2, $0x186A0;
	v11 =	vadd.s32 $0xFFF85EE0, v2;
	v12 =	vadd.s32 $0xFFF85EE0, v3  }
0x31: {  	v10 =	vld [tilespmem:$0x6450];
	v13 =	vadd.s32 $0xFFFE7960, v3;
	v53 =	vadd.s32 $0xFFFE7960, v2;
	vm4 =	vgt.s32 v2, $0x7A11F  }
0x32: {  	v14 =	vld [tilespmem:$0x6430];
	vm5 =	vgt.s32 v3, $0x7A11F;
	vm3 =	vlt.s32 v3, $0x186A0;
	v15 =	vand.u32 $0xFF, v11  }
0x33: {  	v17 =	vld [tilespmem:$0x6470];
	v16 =	vshra.s32 v12, $0x8;
	v11 =	vshra.s32 v11, $0x8;
	v12 =	vand.u32 $0xFF, v12  }
0x34: {  	v50 =	vcvt.s32.f32 v13;
	v54 =	vcvt.s32.f32 v53;
	vm2 =	vlt.u32 v13, $0x61A80  }
0x35: {  	v18 =	vmul.u32 v7, v15;
	v19 =	vmul.u32 v4, v16;
	v20 =	vmul.u32 v8, v11  }
0x36: {  	v21 =	vmul.u32 v12, v5;
	v22 =	vmul.u32 v16, v6;
	v24 =	vmul.u32 v12, v10  }
0x37: {  	v23 =	vld [tilespmem:$0x6480];
	v8 =	vmul.u32 v16, v8;
	v7 =	vmul.u32 v12, v7;
	v5 =	vmul.u32 v5, v15  }
0x38: {  	v44 =	vld [tilespmem:$0x6490];
	v16 =	vmul.u32 v16, v14;
	v12 =	vmul.u32 v12, v17;
	v18 =	vadd.s32 v9, v18  }
0x39: {  	v10 =	vmul.u32 v10, v15;
	v4 =	vmul.u32 v4, v11;
	v18 =	vadd.s32 v20, v18  }
0x3a: {  	v6 =	vmul.u32 v6, v11;
	v15 =	vmul.u32 v17, v15;
	v25 =	vcvt.s32.f32 v18  }
0x3b: {  	v46 =	vld [tilespmem:$0x64B0];
	v11 =	vmul.u32 v14, v11;
	v19 =	vadd.s32 v19, v21;
	v45 =	vadd.s32 v22, v24  }
0x3c: {  	v7 =	vadd.s32 v8, v7;
	v5 =	vadd.s32 v23, v5;
	v25 =	vmul.f32 $9.999999740e-06, v25  }
0x3d: {  	v10 =	vadd.s32 v44, v10;
	v14 =	vadd.s32 v23, v19;
	v17 =	vadd.s32 v44, v45  }
0x3e: {  	v7 =	vadd.s32 v9, v7;
	v4 =	vadd.s32 v4, v5;
	v8 =	vtrunc.f32 v25  }
0x3f: {  	v5 =	vadd.s32 v6, v10;
	v9 =	vadd.s32 v16, v12;
	v8 =	vcvt.f32.s32 v8  }
0x40: {  	v10 =	vadd.s32 v46, v15;
	v20 =	vmul.f32 $1.579778850e-03, v50;
	v23 =	vmul.f32 $1.579778850e-03, v54  }
0x41: {  	v12 =	vcvt.s32.f32 v17;
	v15 =	vcvt.s32.f32 v7;
	v6 =	vmul.u32 $0xFFFE7960, v8  }
0x42: {  	v16 =	vcvt.s32.f32 v4;
	v47 =	vcvt.s32.f32 v5;
	v9 =	vadd.s32 v46, v9  }
0x43: {  	v10 =	vadd.s32 v11, v10;
	v11 =	vcvt.s32.f32 v9;
	v6 =	vadd.s32 v18, v6  }
0x44: {  	v49 =	vcvt.s32.f32 v10;
	v56 =	vtrunc.f32 v20;
	v48 =	vshra.s32 v6, $0x1F  }
0x45: {  	v57 =	vtrunc.f32 v23;
	v12 =	vmul.f32 $9.999999740e-06, v12;
	v19 =	vand.u32 $0x186A0, v48  }
0x46: {  	s1 =	simm.s32 $0x65D0;
	v15 =	vmul.f32 $9.999999740e-06, v15;
	v11 =	vmul.f32 $9.999999740e-06, v11;
	v6 =	vadd.s32 v6, v19  }
0x47: {  	v51 =	vld [tilespmem:s1+$0x0];
	v16 =	vmul.f32 $9.999999740e-06, v16;
	v20 =	vcvt.f32.s32 v57;
	vm1 =	vlt.s32 v6, $0x186A0  }
0x48: {  	v11 =	vtrunc.f32 v11;
	v8 =	vcvt.s32.f32 v14;
	v52 =	vsel vm1, $0x0, v0  }
0x49: {  	v11 =	vcvt.f32.s32 v11;
	v19 =	vmul.f32 $9.999999740e-06, v49;
	v6 =	vadd.s32 v52, v6  }
0x4a: {  	v8 =	vmul.f32 $9.999999740e-06, v8;
	v18 =	vmul.f32 $9.999999740e-06, v47;
	v6 =	vadd.s32 $0x49A00, v6  }
0x4b: {  	vm1 =	vlt.u32 v53, $0x61A80;
	v55 =	vtrunc.f32 v19;
	v6 =	vnsel vm4, $0x18CA0, v6  }
0x4c: {  	v19 =	vcvt.f32.s32 v56;
	v21 =	vsel vm1, v51, v6;
	v6 =	vtrunc.f32 v8  }
0x4d: {  	v11 =	vmul.u32 $0xFFFE7960, v11;
	v8 =	vtrunc.f32 v12;
	v12 =	vtrunc.f32 v15  }
0x4e: {  	v58 =	vmul.u32 $0xFFFFFD87, v19;
	v15 =	vtrunc.f32 v16;
	v16 =	vtrunc.f32 v18  }
0x4f: {  	v9 =	vadd.s32 v9, v11;
	v18 =	vcvt.f32.s32 v55;
	v6 =	vcvt.f32.s32 v6  }
0x50: {  	v13 =	vadd.s32 v13, v58;
	v8 =	vcvt.f32.s32 v8;
	v12 =	vcvt.f32.s32 v12  }
0x51: {  	v15 =	vcvt.f32.s32 v15;
	v16 =	vcvt.f32.s32 v16;
	vm6 =	vgt.s32 v13, $0x278  }
0x52: {  	v13 =	vshra.s32 v13, $0x1F;
	v6 =	vmul.u32 $0xFFFE7960, v6;
	v8 =	vmul.u32 $0xFFFE7960, v8  }
0x53: {  	v12 =	vmul.u32 $0xFFFE7960, v12;
	v15 =	vmul.u32 $0xFFFE7960, v15;
	v16 =	vmul.u32 $0xFFFE7960, v16  }
0x54: {  	v6 =	vadd.s32 v14, v6;
	v14 =	vmul.u32 $0xFFFE7960, v18;
	v8 =	vadd.s32 v17, v8  }
0x55: {  	v17 =	vmul.u32 $0xFFFFFD87, v20;
	v7 =	vadd.s32 v7, v12;
	v4 =	vadd.s32 v4, v15  }
0x56: {  	v5 =	vadd.s32 v5, v16;
	v12 =	vshra.s32 v6, $0x1F;
	v15 =	vshra.s32 v8, $0x1F  }
0x57: {  	v16 =	vshra.s32 v7, $0x1F;
	v11 =	vshra.s32 v4, $0x1F;
	v59 =	vshra.s32 v5, $0x1F  }
0x58: {  	v17 =	vadd.s32 v53, v17;
	v10 =	vadd.s32 v10, v14;
	v12 =	vand.u32 $0x186A0, v12  }
0x59: {  	v14 =	vand.u32 $0x186A0, v15;
	v15 =	vand.u32 $0x186A0, v16;
	v16 =	vshra.s32 v9, $0x1F  }
0x5a: {  	v11 =	vand.u32 $0x186A0, v11;
	v60 =	vand.u32 $0x186A0, v59;
	v61 =	vshra.s32 v10, $0x1F  }
0x5b: {  	v12 =	vadd.s32 v6, v12;
	vm7 =	vgt.s32 v17, $0x278;
	v6 =	vshra.s32 v17, $0x1F  }
0x5c: {  	v14 =	vadd.s32 v8, v14;
	v17 =	vadd.s32 v7, v15;
	v11 =	vadd.s32 v4, v11  }
0x5d: {  	v4 =	vand.u32 $0x186A0, v16;
	v16 =	vadd.s32 v5, v60;
	v5 =	vsel vm6, $0x1, v1  }
0x5e: {  	v7 =	vadd.s32 v19, v13;
	v8 =	vand.u32 $0x186A0, v61;
	v13 =	vsel vm7, $0x1, v1  }
0x5f: {  	vm6 =	vlt.s32 v12, $0x186A0;
	vm7 =	vlt.s32 v14, $0x186A0;
	v15 =	vadd.s32 v20, v6  }
0x60: {  	vm8 =	vlt.s32 v17, $0x186A0;
	vm9 =	vlt.s32 v11, $0x186A0;
	vm10 =	vlt.s32 v16, $0x186A0  }
0x61: {  	v5 =	vadd.s32 v5, v7;
	v7 =	vadd.s32 v9, v4;
	v6 =	vadd.s32 v10, v8  }
0x62: {  	v4 =	vsel vm6, $0x0, v0;
	v10 =	vsel vm7, $0x0, v0;
	v8 =	vadd.s32 v13, v15  }
0x63: {  	v13 =	vsel vm8, $0x0, v0;
	v62 =	vsel vm9, $0x0, v0;
	v63 =	vsel vm10, $0x0, v0  }
0x64: {  	v9 =	vmul.u32 $0xFFFFFD87, v5;
	vm7 =	vlt.s32 v7, $0x186A0;
	vm6 =	vlt.s32 v6, $0x186A0  }
0x65: {  	s0 =	simm.s32 $0x67C0;
	v15 =	vadd.s32 v4, v12;
	v12 =	vadd.s32 v10, v14;
	v10 =	vmul.u32 $0xFFFFFD87, v8  }
0x66: {  	s6 =	simm.s32 $0x0;
	s25 =	simm.s32 $0x67C0;
	[tilespmem:s0+$0x10] =	vst v21;
	v4 =	vld [tilespmem:s1+$0xFFFFFFF0];
	v14 =	vadd.s32 v13, v17;
	v13 =	vadd.s32 v62, v11;
	v11 =	vadd.s32 v63, v16  }
.LBB2_4:
0x67: {  	v17 =	vsel vm7, $0x0, v0;
	v15 =	vadd.s32 $0x18CC0, v15  }
0x68: {  	v16 =	vld [tilespmem:$0x6400];
	v18 =	vsel vm6, $0x0, v0;
	vm6 =	vmmov vm4;
	vm7 =	vmmov vm5  }
0x69: {  	v12 =	vadd.s32 $0x31360, v12;
	v14 =	vadd.s32 $0x49A00, v14;
	v13 =	vadd.s32 $0x18CC0, v13;
	v19 =	vld [tilespmem:$0x6440]  }
0x6a: {  	v11 =	vadd.s32 $0x31360, v11;
	s24 =	sadd.s32 $0x20, s24;
	v7 =	vadd.s32 v17, v7;
	v6 =	vadd.s32 v18, v6;
	v20 =	vld [tilespmem:$0x6410]  }
0x6b: {  	s6 =	sadd.s32 $0x2, s6;
	v9 =	vadd.s32 v3, v9;
	v10 =	vadd.s32 v2, v10;
	v12 =	vnsel vm7, $0x18CA0, v12;
	v17 =	vld [tilespmem:s24+$0x0]  }
0x6c: {  	p0 =	slt.u32 s6, $0x6;
	v9 =	vsel vm2, v9, v15;
	v14 =	vnsel vm7, $0x18CA0, v14;
	v10 =	vsel vm1, v10, v13;
	v18 =	vld [tilespmem:s24+$0xFFFFFFF0]  }
0x6d: {  	v11 =	vnsel vm6, $0x18CA0, v11;
	v7 =	vadd.s32 $0x620A0, v7;
	v6 =	vadd.s32 $0x620A0, v6;
	v13 =	vld [tilespmem:$0x6460]  }
0x6e: {  	v5 =	vadd.s32 $0x18920, v5;
	v8 =	vadd.s32 $0x18920, v8;
	v3 =	vsel vm3, v3, v9;
	v15 =	vld [tilespmem:$0x6420]  }
0x6f: {  	v5 =	vsel vm2, v5, v12;
	v4 =	vsel vm2, v4, v14;
	v10 =	vsel vm0, v2, v10;
	v9 =	vld [tilespmem:$0x64A0];
	[tilespmem:s0+$0xFFFFFF00] =	vst v3  }
0x70: {  	v8 =	vsel vm1, v8, v11;
	v12 =	vld [tilespmem:$0x6450];
	vm0 =	vlt.s32 v17, $0x186A0;
	v14 =	vadd.s32 $0xFFF85EE0, v17;
	[tilespmem:s0+$0xFFFFFF80] =	vst v5;
	v2 =	vmovc v17  }
0x71: {  	v5 =	vadd.s32 $0xFFFE7960, v18;
	v11 =	vadd.s32 $0xFFF85EE0, v18;
	v17 =	vld [tilespmem:$0x6430];
	v21 =	vand.u32 $0xFF, v14;
	[tilespmem:s0+$0x0] =	vst v4;
	v3 =	vmovc v18  }
0x72: {  	v14 =	vshra.s32 v14, $0x8;
	v4 =	vshra.s32 v11, $0x8;
	v18 =	vld [tilespmem:$0x6470];
	v22 =	vmul.u32 v13, v21;
	[tilespmem:s0+$0xFFFFFF10] =	vst v10  }
0x73: {  	v10 =	vand.u32 $0xFF, v11;
	v11 =	vmul.u32 v16, v4;
	v23 =	vmul.u32 v15, v14;
	[tilespmem:s0+$0xFFFFFF90] =	vst v8  }
0x74: {  	v8 =	vmul.u32 v10, v19;
	v24 =	vmul.u32 v4, v20;
	v22 =	vadd.s32 v9, v22  }
0x75: {  	v15 =	vmul.u32 v4, v15;
	v25 =	vld [tilespmem:$0x6480];
	v26 =	vmul.u32 v10, v12;
	v22 =	vadd.s32 v23, v22  }
0x76: {  	v13 =	vmul.u32 v10, v13;
	v19 =	vmul.u32 v19, v21;
	v23 =	vld [tilespmem:$0x6490];
	v27 =	vcvt.s32.f32 v22  }
0x77: {  	v12 =	vmul.u32 v12, v21;
	v4 =	vmul.u32 v4, v17;
	v10 =	vmul.u32 v10, v18  }
0x78: {  	v16 =	vmul.u32 v16, v14;
	v20 =	vmul.u32 v20, v14;
	v27 =	vmul.f32 $9.999999740e-06, v27  }
0x79: {  	v8 =	vadd.s32 v11, v8;
	v11 =	vadd.s32 v24, v26;
	v18 =	vmul.u32 v18, v21;
	v24 =	vld [tilespmem:$0x64B0]  }
0x7a: {  	v13 =	vadd.s32 v15, v13;
	v15 =	vadd.s32 v25, v19;
	v19 =	vtrunc.f32 v27  }
0x7b: {  	v14 =	vmul.u32 v17, v14;
	v12 =	vadd.s32 v23, v12;
	v19 =	vcvt.f32.s32 v19  }
0x7c: {  	v9 =	vadd.s32 v9, v13;
	v8 =	vadd.s32 v25, v8;
	v11 =	vadd.s32 v23, v11  }
0x7d: {  	v13 =	vadd.s32 v16, v15;
	v12 =	vadd.s32 v20, v12;
	v15 =	vmul.u32 $0xFFFE7960, v19  }
0x7e: {  	v4 =	vadd.s32 v4, v10;
	v16 =	vcvt.s32.f32 v8;
	v10 =	vadd.s32 v24, v18  }
0x7f: {  	v17 =	vcvt.s32.f32 v11;
	v18 =	vcvt.s32.f32 v9;
	v15 =	vadd.s32 v22, v15  }
0x80: {  	v19 =	vcvt.s32.f32 v13;
	v20 =	vcvt.s32.f32 v12;
	v21 =	vshra.s32 v15, $0x1F  }
0x81: {  	v22 =	vadd.s32 v24, v4;
	v10 =	vadd.s32 v14, v10;
	v4 =	vand.u32 $0x186A0, v21  }
0x82: {  	s1 =	sadd.s32 $0x20, s1;
	v14 =	vcvt.s32.f32 v22;
	v21 =	vcvt.s32.f32 v10;
	v15 =	vadd.s32 v15, v4  }
0x83: {  	v23 =	vcvt.s32.f32 v5;
	v16 =	vmul.f32 $9.999999740e-06, v16;
	v24 =	vld [tilespmem:s1+$0x0];
	vm1 =	vlt.s32 v15, $0x186A0  }
0x84: {  	v17 =	vmul.f32 $9.999999740e-06, v17;
	v18 =	vmul.f32 $9.999999740e-06, v18;
	v4 =	vld [tilespmem:s1+$0xFFFFFFF0];
	v25 =	vsel vm1, $0x0, v0  }
0x85: {  	v19 =	vmul.f32 $9.999999740e-06, v19;
	v20 =	vmul.f32 $9.999999740e-06, v20;
	v15 =	vadd.s32 v25, v15  }
0x86: {  	vm4 =	vgt.s32 v2, $0x7A11F;
	v25 =	vadd.s32 $0xFFFE7960, v2;
	v15 =	vadd.s32 $0x49A00, v15  }
0x87: {  	vm1 =	vlt.u32 v25, $0x61A80;
	v26 =	vcvt.s32.f32 v25;
	v15 =	vnsel vm4, $0x18CA0, v15  }
0x88: {  	s0 =	sadd.s32 $0x20, s0;
	v14 =	vmul.f32 $9.999999740e-06, v14;
	v21 =	vmul.f32 $9.999999740e-06, v21;
	v15 =	vsel vm1, v24, v15  }
0x89: {  	vm2 =	vlt.u32 v5, $0x61A80;
	v23 =	vmul.f32 $1.579778850e-03, v23;
	v24 =	vmul.f32 $1.579778850e-03, v26;
	[tilespmem:s0+$0x10] =	vst v15  }
0x8a: {  	vm5 =	vgt.s32 v3, $0x7A11F;
	v15 =	vtrunc.f32 v16;
	v16 =	vtrunc.f32 v17  }
0x8b: {  	vm3 =	vlt.s32 v3, $0x186A0;
	v17 =	vtrunc.f32 v18;
	v18 =	vtrunc.f32 v19  }
0x8c: {  	v7 =	vnsel vm7, $0x18CA0, v7;
	v19 =	vtrunc.f32 v20;
	v15 =	vcvt.f32.s32 v15  }
0x8d: {  	v6 =	vnsel vm6, $0x18CA0, v6;
	v16 =	vcvt.f32.s32 v16;
	v17 =	vcvt.f32.s32 v17;
	[tilespmem:s25+$0x80] =	vst v7  }
0x8e: {  	v7 =	vmul.u32 $0xFFFE7960, v15;
	v15 =	vcvt.f32.s32 v18;
	v18 =	vcvt.f32.s32 v19;
	[tilespmem:s25+$0x90] =	vst v6;
	s25 =	smov.u32 s0  }
0x8f: {  	v14 =	vtrunc.f32 v14;
	v6 =	vmul.u32 $0xFFFE7960, v16;
	v16 =	vtrunc.f32 v21  }
0x90: {  	v20 =	vtrunc.f32 v24;
	v17 =	vmul.u32 $0xFFFE7960, v17;
	v19 =	vtrunc.f32 v23  }
0x91: {  	v14 =	vcvt.f32.s32 v14;
	v15 =	vmul.u32 $0xFFFE7960, v15;
	v16 =	vcvt.f32.s32 v16  }
0x92: {  	v20 =	vcvt.f32.s32 v20;
	v19 =	vcvt.f32.s32 v19;
	v18 =	vmul.u32 $0xFFFE7960, v18  }
0x93: {  	v7 =	vadd.s32 v8, v7;
	v8 =	vmul.u32 $0xFFFE7960, v14;
	v14 =	vmul.u32 $0xFFFE7960, v16  }
0x94: {  	v6 =	vadd.s32 v11, v6;
	v11 =	vmul.u32 $0xFFFFFD87, v20;
	v16 =	vmul.u32 $0xFFFFFD87, v19  }
0x95: {  	v9 =	vadd.s32 v9, v17;
	v13 =	vadd.s32 v13, v15;
	v12 =	vadd.s32 v12, v18  }
0x96: {  	v15 =	vshra.s32 v7, $0x1F;
	v17 =	vshra.s32 v6, $0x1F;
	v18 =	vshra.s32 v9, $0x1F  }
0x97: {  	v8 =	vadd.s32 v22, v8;
	v21 =	vshra.s32 v13, $0x1F;
	v22 =	vshra.s32 v12, $0x1F  }
0x98: {  	v11 =	vadd.s32 v25, v11;
	v5 =	vadd.s32 v5, v16;
	v10 =	vadd.s32 v10, v14  }
0x99: {  	v14 =	vand.u32 $0x186A0, v15;
	v15 =	vand.u32 $0x186A0, v17;
	v16 =	vand.u32 $0x186A0, v18  }
0x9a: {  	v17 =	vshra.s32 v8, $0x1F;
	v18 =	vand.u32 $0x186A0, v21;
	v21 =	vand.u32 $0x186A0, v22  }
0x9b: {  	vm6 =	vgt.s32 v5, $0x278;
	v5 =	vshra.s32 v5, $0x1F;
	v22 =	vshra.s32 v10, $0x1F  }
0x9c: {  	vm7 =	vgt.s32 v11, $0x278;
	v14 =	vadd.s32 v7, v14;
	v7 =	vshra.s32 v11, $0x1F  }
0x9d: {  	v11 =	vadd.s32 v6, v15;
	v16 =	vadd.s32 v9, v16;
	v13 =	vadd.s32 v13, v18  }
0x9e: {  	v6 =	vand.u32 $0x186A0, v17;
	v17 =	vadd.s32 v12, v21;
	v9 =	vand.u32 $0x186A0, v22  }
0x9f: {  	v15 =	vsel vm7, $0x1, v1;
	v12 =	vsel vm6, $0x1, v1;
	v5 =	vadd.s32 v19, v5  }
0xa0: {  	vm6 =	vlt.s32 v14, $0x186A0;
	vm7 =	vlt.s32 v11, $0x186A0;
	v18 =	vadd.s32 v20, v7  }
0xa1: {  	vm8 =	vlt.s32 v16, $0x186A0;
	vm9 =	vlt.s32 v13, $0x186A0;
	vm10 =	vlt.s32 v17, $0x186A0  }
0xa2: {  	v7 =	vadd.s32 v8, v6;
	v5 =	vadd.s32 v12, v5;
	v6 =	vadd.s32 v10, v9  }
.Ltmp1:
0xa3: {  	v10 =	vsel vm6, $0x0, v0;
	v12 =	vsel vm7, $0x0, v0;
	v8 =	vadd.s32 v15, v18;
	(pc) =	sbr.rel @p0 .LBB2_4-.Ltmp1, $4  }
0xa4: {  	v18 =	vsel vm8, $0x0, v0;
	v19 =	vsel vm9, $0x0, v0;
	v20 =	vsel vm10, $0x0, v0  }
0xa5: {  	vm7 =	vlt.s32 v7, $0x186A0;
	v9 =	vmul.u32 $0xFFFFFD87, v5;
	vm6 =	vlt.s32 v6, $0x186A0  }
0xa6: {  	v15 =	vadd.s32 v10, v14;
	v12 =	vadd.s32 v12, v11;
	v10 =	vmul.u32 $0xFFFFFD87, v8  }
0xa7: {  	v14 =	vadd.s32 v18, v16;
	v13 =	vadd.s32 v19, v13;
	v11 =	vadd.s32 v20, v17  }
0xa8: {  	v16 =	vsel vm7, $0x0, v0;
	v15 =	vadd.s32 $0x18CC0, v15  }
0xa9: {  	v17 =	vsel vm6, $0x0, v0;
	vm4 =	vmmov vm4;
	vm5 =	vmmov vm5  }
0xaa: {  	v12 =	vadd.s32 $0x31360, v12;
	v14 =	vadd.s32 $0x49A00, v14;
	v9 =	vadd.s32 v3, v9  }
0xab: {  	v13 =	vadd.s32 $0x18CC0, v13;
	v5 =	vadd.s32 $0x18920, v5;
	v9 =	vsel vm2, v9, v15  }
0xac: {  	v59 =	vadd.s32 v2, v10;
	v12 =	vnsel vm5, $0x18CA0, v12;
	v3 =	vsel vm3, v3, v9  }
0xad: {  	v61 =	vadd.s32 $0x18920, v8;
	v60 =	vnsel vm5, $0x18CA0, v14;
	v5 =	vsel vm2, v5, v12;
	[tilespmem:s0+$0xFFFFFF00] =	vst v3  }
0xae: {  	v9 =	vsel vm1, v59, v13;
	v4 =	vsel vm2, v4, v60;
	v3 =	vadd.s32 $0x31360, v11;
	[tilespmem:s0+$0xFFFFFF80] =	vst v5  }
0xaf: {  	v7 =	vadd.s32 v16, v7;
	v2 =	vsel vm0, v2, v9;
	[tilespmem:s0+$0x0] =	vst v4;
	v3 =	vnsel vm4, $0x18CA0, v3  }
0xb0: {  	v62 =	vadd.s32 v17, v6;
	v63 =	vadd.s32 $0x620A0, v7;
	[tilespmem:s0+$0xFFFFFF10] =	vst v2;
	v3 =	vsel vm1, v61, v3  }
0xb1: {  	v2 =	vadd.s32 $0x620A0, v62;
	[tilespmem:s0+$0xFFFFFF90] =	vst v3;
	v3 =	vnsel vm5, $0x18CA0, v63  }
0xb2: {  	v2 =	vnsel vm4, $0x18CA0, v2;
	[tilespmem:s25+$0x80] =	vst v3  }
0xb3: {  	[tilespmem:s25+$0x90] =	vst v2  }
0xb4: {  	[tilespmem:s17], [sflag:$0x2] =	stream.indirect.gather [hbm4b:s4+s12], $0x40, s16, s12, $0xb8;
	[tilespmem:$0x18AC0] =	vst v63  }
0xb5: {  	_ = 	snop  }
0xb6: {  	[tilespmem:s19], [sflag:$0x2] =	stream.indirect.gather [hbm4b:s4+s12], $0x40, s18, s12, $0xb8;
	[tilespmem:$0x18AC0] =	vst v63  }
0xb7: {  	_ = 	snop  }
0xb8: {  	[tilespmem:s21], [sflag:$0x2] =	stream.indirect.gather [hbm4b:s4+s12], $0x40, s20, s12, $0xb8;
	[tilespmem:$0x18AC0] =	vst v63  }
0xb9: {  	s13 =	simm.s32 $0x90;
	s28 =	simm.s32 $0x0;
	s25 =	simm.s32 $0x0  }
0xba: {  	[tilespmem:s23], [sflag:$0x2] =	stream.indirect.gather [hbm4b:s4+s12], $0x40, s22, s12, $0xb8;
	[tilespmem:$0x18AC0] =	vst v63  }
.LBB2_6:
0xbb: {  	s31 =	sshll.u32 s28, $0x8  }
0xbc: {  	s29 =	sor.u32 $0x80, s31  }
0xbd: {  	p0 =	slt.s32 s25, $0x6280;
	s0 =	smov.u32 s25;
	v2 =	vmov s29  }
0xbe: {  	s0 =	simm.s32 @!p0 $0x6280  }
0xbf: {  	s0 =	sshll.u32 s0, $0x2  }
0xc0: {  	s0 =	sshra.s32 s0, $0x2  }
0xc1: {  	p0 =	por $0x1, $0x1;
	s30 =	sadd.s32 $0x110, s0;
	s0 =	simm.s32 $0x0  }
.LBB2_7:
0xc2: {  	v3 =	vld.idx.msk [tilespmem:v2+s0+$0x0 ss:$0x1], $0xffff  }
0xc3: {  	v4 =	vld.idx.msk [tilespmem:v2+s0+$0x10 ss:$0x1], $0xffff  }
0xc4: {  	v5 =	vld.idx.msk [tilespmem:v2+s0+$0x20 ss:$0x1], $0xffff  }
0xc5: {  	v6 =	vld.idx.msk [tilespmem:v2+s0+$0x30 ss:$0x1], $0xffff;
	_ =	sdelay $0x1  }
0xc6: {  	v3 =	vadd.s32 $0xFFFE7960, v3  }
0xc7: {  	p1 =	por p0, p0;
	v4 =	vadd.s32 $0xFFFE7960, v4;
	vm0 =	vlt.u32 v3, $0x61A80  }
.Ltmp2:
0xc8: {  	v5 =	vadd.s32 $0xFFFE7960, v5;
	vm13 =	vlt.u32 v4, $0x61A80;
	v3 =	vnsel vm0, $0x0, v3;
	(pc) =	sbr.rel @p1 .LBB2_7-.Ltmp2, $4  }
0xc9: {  	v63 =	vadd.s32 $0xFFFE7960, v6;
	vm14 =	vlt.u32 v5, $0x61A80;
	[tilespmem:s0+$0x6540] =	vst v3;
	v3 =	vnsel vm13, $0x0, v4  }
0xca: {  	vm15 =	vlt.u32 v63, $0x61A80;
	[tilespmem:s0+$0x6550] =	vst v3;
	v3 =	vnsel vm14, $0x0, v5  }
0xcb: {  	[tilespmem:s0+$0x6560] =	vst v3;
	v3 =	vnsel vm15, $0x0, v63  }
0xcc: {  	p0 =	por $0x0, $0x0;
	[tilespmem:s0+$0x6570] =	vst v3;
	s0 =	simm.s32 $0x40  }
0xcd: {  	s0 =	simm.s32 $0x6540;
	s1 =	simm.s32 $0x6640  }
0xce: {  	[tilespmem:s1], [sflag:$0x1] =	stream.indirect.gather [hbm4b:s5+s12], $0x1, s0, s12, $0xb8;
	[tilespmem:$0x18AC0] =	vst v63  }
0xcf: {  	_ =	swait.ge [sflag:s15], $0x80  }
0xd0: {  	[sflag:s15] =	ssyncset.done $0x0  }
0xd1: {  	[sflag:s15] =	ssyncadd.s32 $0xFFFFFF80  }
0xd2: {  	v4 =	vld [tilespmem:$0x6400]  }
0xd3: {  	v2 =	vld [tilespmem:s13+$0x0]  }
0xd4: {  	v3 =	vld [tilespmem:s13+$0xFFFFFFF0]  }
0xd5: {  	v5 =	vld [tilespmem:$0x6440]  }
0xd6: {  	v6 =	vld [tilespmem:$0x6410]  }
0xd7: {  	v7 =	vld [tilespmem:$0x6460]  }
0xd8: {  	v8 =	vld [tilespmem:$0x6420]  }
0xd9: {  	v9 =	vld [tilespmem:$0x64A0];
	vm0 =	vlt.s32 v2, $0x186A0;
	v11 =	vadd.s32 $0xFFF85EE0, v2;
	v12 =	vadd.s32 $0xFFF85EE0, v3  }
0xda: {  	v10 =	vld [tilespmem:$0x6450];
	v13 =	vadd.s32 $0xFFFE7960, v3;
	v53 =	vadd.s32 $0xFFFE7960, v2;
	vm4 =	vgt.s32 v2, $0x7A11F  }
0xdb: {  	v14 =	vld [tilespmem:$0x6430];
	vm5 =	vgt.s32 v3, $0x7A11F;
	vm3 =	vlt.s32 v3, $0x186A0;
	v15 =	vand.u32 $0xFF, v11  }
0xdc: {  	v17 =	vld [tilespmem:$0x6470];
	v16 =	vshra.s32 v12, $0x8;
	v11 =	vshra.s32 v11, $0x8;
	v12 =	vand.u32 $0xFF, v12  }
0xdd: {  	v50 =	vcvt.s32.f32 v13;
	v54 =	vcvt.s32.f32 v53;
	vm2 =	vlt.u32 v13, $0x61A80  }
0xde: {  	v18 =	vmul.u32 v7, v15;
	v19 =	vmul.u32 v4, v16;
	v20 =	vmul.u32 v8, v11  }
0xdf: {  	v21 =	vmul.u32 v12, v5;
	v22 =	vmul.u32 v16, v6;
	v24 =	vmul.u32 v12, v10  }
0xe0: {  	v23 =	vld [tilespmem:$0x6480];
	v8 =	vmul.u32 v16, v8;
	v7 =	vmul.u32 v12, v7;
	v5 =	vmul.u32 v5, v15  }
0xe1: {  	v44 =	vld [tilespmem:$0x6490];
	v16 =	vmul.u32 v16, v14;
	v12 =	vmul.u32 v12, v17;
	v18 =	vadd.s32 v9, v18  }
0xe2: {  	v10 =	vmul.u32 v10, v15;
	v4 =	vmul.u32 v4, v11;
	v18 =	vadd.s32 v20, v18  }
0xe3: {  	v6 =	vmul.u32 v6, v11;
	v15 =	vmul.u32 v17, v15;
	v25 =	vcvt.s32.f32 v18  }
0xe4: {  	v46 =	vld [tilespmem:$0x64B0];
	v11 =	vmul.u32 v14, v11;
	v19 =	vadd.s32 v19, v21;
	v45 =	vadd.s32 v22, v24  }
0xe5: {  	v7 =	vadd.s32 v8, v7;
	v5 =	vadd.s32 v23, v5;
	v25 =	vmul.f32 $9.999999740e-06, v25  }
0xe6: {  	v10 =	vadd.s32 v44, v10;
	v14 =	vadd.s32 v23, v19;
	v17 =	vadd.s32 v44, v45  }
0xe7: {  	v7 =	vadd.s32 v9, v7;
	v4 =	vadd.s32 v4, v5;
	v8 =	vtrunc.f32 v25  }
0xe8: {  	v5 =	vadd.s32 v6, v10;
	v9 =	vadd.s32 v16, v12;
	v8 =	vcvt.f32.s32 v8  }
0xe9: {  	v10 =	vadd.s32 v46, v15;
	v20 =	vmul.f32 $1.579778850e-03, v50;
	v23 =	vmul.f32 $1.579778850e-03, v54  }
0xea: {  	v12 =	vcvt.s32.f32 v17;
	v15 =	vcvt.s32.f32 v7;
	v6 =	vmul.u32 $0xFFFE7960, v8  }
0xeb: {  	v16 =	vcvt.s32.f32 v4;
	v47 =	vcvt.s32.f32 v5;
	v9 =	vadd.s32 v46, v9  }
0xec: {  	v10 =	vadd.s32 v11, v10;
	v11 =	vcvt.s32.f32 v9;
	v6 =	vadd.s32 v18, v6  }
0xed: {  	v49 =	vcvt.s32.f32 v10;
	v56 =	vtrunc.f32 v20;
	v48 =	vshra.s32 v6, $0x1F  }
0xee: {  	v57 =	vtrunc.f32 v23;
	v12 =	vmul.f32 $9.999999740e-06, v12;
	v19 =	vand.u32 $0x186A0, v48  }
0xef: {  	s1 =	simm.s32 $0x6650;
	v15 =	vmul.f32 $9.999999740e-06, v15;
	v11 =	vmul.f32 $9.999999740e-06, v11;
	v6 =	vadd.s32 v6, v19  }
0xf0: {  	v51 =	vld [tilespmem:s1+$0x0];
	v16 =	vmul.f32 $9.999999740e-06, v16;
	v20 =	vcvt.f32.s32 v57;
	vm1 =	vlt.s32 v6, $0x186A0  }
0xf1: {  	v11 =	vtrunc.f32 v11;
	v8 =	vcvt.s32.f32 v14;
	v52 =	vsel vm1, $0x0, v0  }
0xf2: {  	v11 =	vcvt.f32.s32 v11;
	v19 =	vmul.f32 $9.999999740e-06, v49;
	v6 =	vadd.s32 v52, v6  }
0xf3: {  	v8 =	vmul.f32 $9.999999740e-06, v8;
	v18 =	vmul.f32 $9.999999740e-06, v47;
	v6 =	vadd.s32 $0x49A00, v6  }
0xf4: {  	vm1 =	vlt.u32 v53, $0x61A80;
	v55 =	vtrunc.f32 v19;
	v6 =	vnsel vm4, $0x18CA0, v6  }
0xf5: {  	v19 =	vcvt.f32.s32 v56;
	v21 =	vsel vm1, v51, v6;
	v6 =	vtrunc.f32 v8  }
0xf6: {  	v11 =	vmul.u32 $0xFFFE7960, v11;
	v8 =	vtrunc.f32 v12;
	v12 =	vtrunc.f32 v15  }
0xf7: {  	v58 =	vmul.u32 $0xFFFFFD87, v19;
	v15 =	vtrunc.f32 v16;
	v16 =	vtrunc.f32 v18  }
0xf8: {  	v9 =	vadd.s32 v9, v11;
	v18 =	vcvt.f32.s32 v55;
	v6 =	vcvt.f32.s32 v6  }
0xf9: {  	v13 =	vadd.s32 v13, v58;
	v8 =	vcvt.f32.s32 v8;
	v12 =	vcvt.f32.s32 v12  }
0xfa: {  	v15 =	vcvt.f32.s32 v15;
	v16 =	vcvt.f32.s32 v16;
	vm6 =	vgt.s32 v13, $0x278  }
0xfb: {  	v13 =	vshra.s32 v13, $0x1F;
	v6 =	vmul.u32 $0xFFFE7960, v6;
	v8 =	vmul.u32 $0xFFFE7960, v8  }
0xfc: {  	v12 =	vmul.u32 $0xFFFE7960, v12;
	v15 =	vmul.u32 $0xFFFE7960, v15;
	v16 =	vmul.u32 $0xFFFE7960, v16  }
0xfd: {  	v6 =	vadd.s32 v14, v6;
	v14 =	vmul.u32 $0xFFFE7960, v18;
	v8 =	vadd.s32 v17, v8  }
0xfe: {  	v17 =	vmul.u32 $0xFFFFFD87, v20;
	v7 =	vadd.s32 v7, v12;
	v4 =	vadd.s32 v4, v15  }
0xff: {  	v5 =	vadd.s32 v5, v16;
	v12 =	vshra.s32 v6, $0x1F;
	v15 =	vshra.s32 v8, $0x1F  }
0x100: {  	v16 =	vshra.s32 v7, $0x1F;
	v11 =	vshra.s32 v4, $0x1F;
	v59 =	vshra.s32 v5, $0x1F  }
0x101: {  	v17 =	vadd.s32 v53, v17;
	v10 =	vadd.s32 v10, v14;
	v12 =	vand.u32 $0x186A0, v12  }
0x102: {  	v14 =	vand.u32 $0x186A0, v15;
	v15 =	vand.u32 $0x186A0, v16;
	v16 =	vshra.s32 v9, $0x1F  }
0x103: {  	v11 =	vand.u32 $0x186A0, v11;
	v60 =	vand.u32 $0x186A0, v59;
	v61 =	vshra.s32 v10, $0x1F  }
0x104: {  	v12 =	vadd.s32 v6, v12;
	vm7 =	vgt.s32 v17, $0x278;
	v6 =	vshra.s32 v17, $0x1F  }
0x105: {  	v14 =	vadd.s32 v8, v14;
	v17 =	vadd.s32 v7, v15;
	v11 =	vadd.s32 v4, v11  }
0x106: {  	v4 =	vand.u32 $0x186A0, v16;
	v16 =	vadd.s32 v5, v60;
	v5 =	vsel vm6, $0x1, v1  }
0x107: {  	v7 =	vadd.s32 v19, v13;
	v8 =	vand.u32 $0x186A0, v61;
	v13 =	vsel vm7, $0x1, v1  }
0x108: {  	vm6 =	vlt.s32 v12, $0x186A0;
	vm7 =	vlt.s32 v14, $0x186A0;
	v15 =	vadd.s32 v20, v6  }
0x109: {  	vm8 =	vlt.s32 v17, $0x186A0;
	vm9 =	vlt.s32 v11, $0x186A0;
	vm10 =	vlt.s32 v16, $0x186A0  }
0x10a: {  	v5 =	vadd.s32 v5, v7;
	v7 =	vadd.s32 v9, v4;
	v6 =	vadd.s32 v10, v8  }
0x10b: {  	v4 =	vsel vm6, $0x0, v0;
	v10 =	vsel vm7, $0x0, v0;
	v8 =	vadd.s32 v13, v15  }
0x10c: {  	v13 =	vsel vm8, $0x0, v0;
	v62 =	vsel vm9, $0x0, v0;
	v63 =	vsel vm10, $0x0, v0  }
0x10d: {  	v9 =	vmul.u32 $0xFFFFFD87, v5;
	vm7 =	vlt.s32 v7, $0x186A0;
	vm6 =	vlt.s32 v6, $0x186A0  }
0x10e: {  	s0 =	simm.s32 $0x6A50;
	v15 =	vadd.s32 v4, v12;
	v12 =	vadd.s32 v10, v14;
	v10 =	vmul.u32 $0xFFFFFD87, v8  }
0x10f: {  	s6 =	simm.s32 $0x0;
	s24 =	smov.u32 s13;
	s10 =	simm.s32 $0x6A50;
	[tilespmem:s0+$0xFFFFFF80] =	vst v21;
	v4 =	vld [tilespmem:s1+$0xFFFFFFF0];
	v14 =	vadd.s32 v13, v17;
	v13 =	vadd.s32 v62, v11;
	v11 =	vadd.s32 v63, v16  }
.LBB2_9:
0x110: {  	v17 =	vsel vm7, $0x0, v0;
	v15 =	vadd.s32 $0x18CC0, v15  }
0x111: {  	v16 =	vld [tilespmem:$0x6400];
	v18 =	vsel vm6, $0x0, v0;
	vm6 =	vmmov vm4;
	vm7 =	vmmov vm5  }
0x112: {  	v12 =	vadd.s32 $0x31360, v12;
	v14 =	vadd.s32 $0x49A00, v14;
	v13 =	vadd.s32 $0x18CC0, v13;
	v19 =	vld [tilespmem:$0x6440]  }
0x113: {  	v11 =	vadd.s32 $0x31360, v11;
	s24 =	sadd.s32 $0x20, s24;
	v7 =	vadd.s32 v17, v7;
	v6 =	vadd.s32 v18, v6;
	v20 =	vld [tilespmem:$0x6410]  }
0x114: {  	s6 =	sadd.s32 $0x2, s6;
	v9 =	vadd.s32 v3, v9;
	v10 =	vadd.s32 v2, v10;
	v12 =	vnsel vm7, $0x18CA0, v12;
	v17 =	vld [tilespmem:s24+$0x0]  }
0x115: {  	p0 =	slt.u32 s6, $0x6;
	v9 =	vsel vm2, v9, v15;
	v14 =	vnsel vm7, $0x18CA0, v14;
	v10 =	vsel vm1, v10, v13;
	v18 =	vld [tilespmem:s24+$0xFFFFFFF0]  }
0x116: {  	v11 =	vnsel vm6, $0x18CA0, v11;
	v7 =	vadd.s32 $0x620A0, v7;
	v6 =	vadd.s32 $0x620A0, v6;
	v13 =	vld [tilespmem:$0x6460]  }
0x117: {  	v5 =	vadd.s32 $0x18920, v5;
	v8 =	vadd.s32 $0x18920, v8;
	v3 =	vsel vm3, v3, v9;
	v15 =	vld [tilespmem:$0x6420]  }
0x118: {  	v5 =	vsel vm2, v5, v12;
	v4 =	vsel vm2, v4, v14;
	v10 =	vsel vm0, v2, v10;
	v9 =	vld [tilespmem:$0x64A0];
	[tilespmem:s0+$0xFFFFFE70] =	vst v3  }
0x119: {  	v8 =	vsel vm1, v8, v11;
	v12 =	vld [tilespmem:$0x6450];
	vm0 =	vlt.s32 v17, $0x186A0;
	v14 =	vadd.s32 $0xFFF85EE0, v17;
	[tilespmem:s0+$0xFFFFFEF0] =	vst v5;
	v2 =	vmovc v17  }
0x11a: {  	v5 =	vadd.s32 $0xFFFE7960, v18;
	v11 =	vadd.s32 $0xFFF85EE0, v18;
	v17 =	vld [tilespmem:$0x6430];
	v21 =	vand.u32 $0xFF, v14;
	[tilespmem:s0+$0xFFFFFF70] =	vst v4;
	v3 =	vmovc v18  }
0x11b: {  	v14 =	vshra.s32 v14, $0x8;
	v4 =	vshra.s32 v11, $0x8;
	v18 =	vld [tilespmem:$0x6470];
	v22 =	vmul.u32 v13, v21;
	[tilespmem:s0+$0xFFFFFE80] =	vst v10  }
0x11c: {  	v10 =	vand.u32 $0xFF, v11;
	v11 =	vmul.u32 v16, v4;
	v23 =	vmul.u32 v15, v14;
	[tilespmem:s0+$0xFFFFFF00] =	vst v8  }
0x11d: {  	v8 =	vmul.u32 v10, v19;
	v24 =	vmul.u32 v4, v20;
	v22 =	vadd.s32 v9, v22  }
0x11e: {  	v15 =	vmul.u32 v4, v15;
	v25 =	vld [tilespmem:$0x6480];
	v26 =	vmul.u32 v10, v12;
	v22 =	vadd.s32 v23, v22  }
0x11f: {  	v13 =	vmul.u32 v10, v13;
	v19 =	vmul.u32 v19, v21;
	v23 =	vld [tilespmem:$0x6490];
	v27 =	vcvt.s32.f32 v22  }
0x120: {  	v12 =	vmul.u32 v12, v21;
	v4 =	vmul.u32 v4, v17;
	v10 =	vmul.u32 v10, v18  }
0x121: {  	v16 =	vmul.u32 v16, v14;
	v20 =	vmul.u32 v20, v14;
	v27 =	vmul.f32 $9.999999740e-06, v27  }
0x122: {  	v8 =	vadd.s32 v11, v8;
	v11 =	vadd.s32 v24, v26;
	v18 =	vmul.u32 v18, v21;
	v24 =	vld [tilespmem:$0x64B0]  }
0x123: {  	v13 =	vadd.s32 v15, v13;
	v15 =	vadd.s32 v25, v19;
	v19 =	vtrunc.f32 v27  }
0x124: {  	v14 =	vmul.u32 v17, v14;
	v12 =	vadd.s32 v23, v12;
	v19 =	vcvt.f32.s32 v19  }
0x125: {  	v9 =	vadd.s32 v9, v13;
	v8 =	vadd.s32 v25, v8;
	v11 =	vadd.s32 v23, v11  }
0x126: {  	v13 =	vadd.s32 v16, v15;
	v12 =	vadd.s32 v20, v12;
	v15 =	vmul.u32 $0xFFFE7960, v19  }
0x127: {  	v4 =	vadd.s32 v4, v10;
	v16 =	vcvt.s32.f32 v8;
	v10 =	vadd.s32 v24, v18  }
0x128: {  	v17 =	vcvt.s32.f32 v11;
	v18 =	vcvt.s32.f32 v9;
	v15 =	vadd.s32 v22, v15  }
0x129: {  	v19 =	vcvt.s32.f32 v13;
	v20 =	vcvt.s32.f32 v12;
	v21 =	vshra.s32 v15, $0x1F  }
0x12a: {  	v22 =	vadd.s32 v24, v4;
	v10 =	vadd.s32 v14, v10;
	v4 =	vand.u32 $0x186A0, v21  }
0x12b: {  	s1 =	sadd.s32 $0x20, s1;
	v14 =	vcvt.s32.f32 v22;
	v21 =	vcvt.s32.f32 v10;
	v15 =	vadd.s32 v15, v4  }
0x12c: {  	v23 =	vcvt.s32.f32 v5;
	v16 =	vmul.f32 $9.999999740e-06, v16;
	v24 =	vld [tilespmem:s1+$0x0];
	vm1 =	vlt.s32 v15, $0x186A0  }
0x12d: {  	v17 =	vmul.f32 $9.999999740e-06, v17;
	v18 =	vmul.f32 $9.999999740e-06, v18;
	v4 =	vld [tilespmem:s1+$0xFFFFFFF0];
	v25 =	vsel vm1, $0x0, v0  }
0x12e: {  	v19 =	vmul.f32 $9.999999740e-06, v19;
	v20 =	vmul.f32 $9.999999740e-06, v20;
	v15 =	vadd.s32 v25, v15  }
0x12f: {  	vm4 =	vgt.s32 v2, $0x7A11F;
	v25 =	vadd.s32 $0xFFFE7960, v2;
	v15 =	vadd.s32 $0x49A00, v15  }
0x130: {  	vm1 =	vlt.u32 v25, $0x61A80;
	v26 =	vcvt.s32.f32 v25;
	v15 =	vnsel vm4, $0x18CA0, v15  }
0x131: {  	s0 =	sadd.s32 $0x20, s0;
	v14 =	vmul.f32 $9.999999740e-06, v14;
	v21 =	vmul.f32 $9.999999740e-06, v21;
	v15 =	vsel vm1, v24, v15  }
0x132: {  	vm2 =	vlt.u32 v5, $0x61A80;
	v23 =	vmul.f32 $1.579778850e-03, v23;
	v24 =	vmul.f32 $1.579778850e-03, v26;
	[tilespmem:s0+$0xFFFFFF80] =	vst v15  }
0x133: {  	vm5 =	vgt.s32 v3, $0x7A11F;
	v15 =	vtrunc.f32 v16;
	v16 =	vtrunc.f32 v17  }
0x134: {  	vm3 =	vlt.s32 v3, $0x186A0;
	v17 =	vtrunc.f32 v18;
	v18 =	vtrunc.f32 v19  }
0x135: {  	v7 =	vnsel vm7, $0x18CA0, v7;
	v19 =	vtrunc.f32 v20;
	v15 =	vcvt.f32.s32 v15  }
0x136: {  	v6 =	vnsel vm6, $0x18CA0, v6;
	v16 =	vcvt.f32.s32 v16;
	v17 =	vcvt.f32.s32 v17;
	[tilespmem:s10+$0xFFFFFFF0] =	vst v7  }
0x137: {  	v7 =	vmul.u32 $0xFFFE7960, v15;
	v15 =	vcvt.f32.s32 v18;
	v18 =	vcvt.f32.s32 v19;
	[tilespmem:s10+$0x0] =	vst v6;
	s10 =	smov.u32 s0  }
0x138: {  	v14 =	vtrunc.f32 v14;
	v6 =	vmul.u32 $0xFFFE7960, v16;
	v16 =	vtrunc.f32 v21  }
0x139: {  	v20 =	vtrunc.f32 v24;
	v17 =	vmul.u32 $0xFFFE7960, v17;
	v19 =	vtrunc.f32 v23  }
0x13a: {  	v14 =	vcvt.f32.s32 v14;
	v15 =	vmul.u32 $0xFFFE7960, v15;
	v16 =	vcvt.f32.s32 v16  }
0x13b: {  	v20 =	vcvt.f32.s32 v20;
	v19 =	vcvt.f32.s32 v19;
	v18 =	vmul.u32 $0xFFFE7960, v18  }
0x13c: {  	v7 =	vadd.s32 v8, v7;
	v8 =	vmul.u32 $0xFFFE7960, v14;
	v14 =	vmul.u32 $0xFFFE7960, v16  }
0x13d: {  	v6 =	vadd.s32 v11, v6;
	v11 =	vmul.u32 $0xFFFFFD87, v20;
	v16 =	vmul.u32 $0xFFFFFD87, v19  }
0x13e: {  	v9 =	vadd.s32 v9, v17;
	v13 =	vadd.s32 v13, v15;
	v12 =	vadd.s32 v12, v18  }
0x13f: {  	v15 =	vshra.s32 v7, $0x1F;
	v17 =	vshra.s32 v6, $0x1F;
	v18 =	vshra.s32 v9, $0x1F  }
0x140: {  	v8 =	vadd.s32 v22, v8;
	v21 =	vshra.s32 v13, $0x1F;
	v22 =	vshra.s32 v12, $0x1F  }
0x141: {  	v11 =	vadd.s32 v25, v11;
	v5 =	vadd.s32 v5, v16;
	v10 =	vadd.s32 v10, v14  }
0x142: {  	v14 =	vand.u32 $0x186A0, v15;
	v15 =	vand.u32 $0x186A0, v17;
	v16 =	vand.u32 $0x186A0, v18  }
0x143: {  	v17 =	vshra.s32 v8, $0x1F;
	v18 =	vand.u32 $0x186A0, v21;
	v21 =	vand.u32 $0x186A0, v22  }
0x144: {  	vm6 =	vgt.s32 v5, $0x278;
	v5 =	vshra.s32 v5, $0x1F;
	v22 =	vshra.s32 v10, $0x1F  }
0x145: {  	vm7 =	vgt.s32 v11, $0x278;
	v14 =	vadd.s32 v7, v14;
	v7 =	vshra.s32 v11, $0x1F  }
0x146: {  	v11 =	vadd.s32 v6, v15;
	v16 =	vadd.s32 v9, v16;
	v13 =	vadd.s32 v13, v18  }
0x147: {  	v6 =	vand.u32 $0x186A0, v17;
	v17 =	vadd.s32 v12, v21;
	v9 =	vand.u32 $0x186A0, v22  }
0x148: {  	v15 =	vsel vm7, $0x1, v1;
	v12 =	vsel vm6, $0x1, v1;
	v5 =	vadd.s32 v19, v5  }
0x149: {  	vm6 =	vlt.s32 v14, $0x186A0;
	vm7 =	vlt.s32 v11, $0x186A0;
	v18 =	vadd.s32 v20, v7  }
0x14a: {  	vm8 =	vlt.s32 v16, $0x186A0;
	vm9 =	vlt.s32 v13, $0x186A0;
	vm10 =	vlt.s32 v17, $0x186A0  }
0x14b: {  	v7 =	vadd.s32 v8, v6;
	v5 =	vadd.s32 v12, v5;
	v6 =	vadd.s32 v10, v9  }
.Ltmp3:
0x14c: {  	v10 =	vsel vm6, $0x0, v0;
	v12 =	vsel vm7, $0x0, v0;
	v8 =	vadd.s32 v15, v18;
	(pc) =	sbr.rel @p0 .LBB2_9-.Ltmp3, $4  }
0x14d: {  	v18 =	vsel vm8, $0x0, v0;
	v19 =	vsel vm9, $0x0, v0;
	v20 =	vsel vm10, $0x0, v0  }
0x14e: {  	vm7 =	vlt.s32 v7, $0x186A0;
	v9 =	vmul.u32 $0xFFFFFD87, v5;
	vm6 =	vlt.s32 v6, $0x186A0  }
0x14f: {  	v15 =	vadd.s32 v10, v14;
	v12 =	vadd.s32 v12, v11;
	v10 =	vmul.u32 $0xFFFFFD87, v8  }
0x150: {  	v14 =	vadd.s32 v18, v16;
	v13 =	vadd.s32 v19, v13;
	v11 =	vadd.s32 v20, v17  }
0x151: {  	v16 =	vsel vm7, $0x0, v0;
	v15 =	vadd.s32 $0x18CC0, v15  }
0x152: {  	v17 =	vsel vm6, $0x0, v0;
	vm4 =	vmmov vm4;
	vm5 =	vmmov vm5  }
0x153: {  	v12 =	vadd.s32 $0x31360, v12;
	v14 =	vadd.s32 $0x49A00, v14;
	v9 =	vadd.s32 v3, v9  }
0x154: {  	v13 =	vadd.s32 $0x18CC0, v13;
	v5 =	vadd.s32 $0x18920, v5;
	v9 =	vsel vm2, v9, v15  }
0x155: {  	v7 =	vadd.s32 v16, v7;
	v12 =	vnsel vm5, $0x18CA0, v12;
	v3 =	vsel vm3, v3, v9  }
0x156: {  	v9 =	vadd.s32 v2, v10;
	v10 =	vnsel vm5, $0x18CA0, v14;
	v5 =	vsel vm2, v5, v12;
	[tilespmem:s0+$0xFFFFFE70] =	vst v3  }
0x157: {  	v3 =	vadd.s32 $0x31360, v11;
	v9 =	vsel vm1, v9, v13;
	v4 =	vsel vm2, v4, v10;
	[tilespmem:s0+$0xFFFFFEF0] =	vst v5  }
0x158: {  	v5 =	vadd.s32 $0x18920, v8;
	v3 =	vnsel vm4, $0x18CA0, v3;
	v2 =	vsel vm0, v2, v9;
	[tilespmem:s0+$0xFFFFFF70] =	vst v4  }
0x159: {  	v4 =	vadd.s32 v17, v6;
	v6 =	vadd.s32 $0x620A0, v7;
	v3 =	vsel vm1, v5, v3;
	[tilespmem:s0+$0xFFFFFE80] =	vst v2  }
0x15a: {  	v2 =	vadd.s32 $0x620A0, v4;
	[tilespmem:s0+$0xFFFFFF00] =	vst v3;
	v3 =	vnsel vm5, $0x18CA0, v6  }
0x15b: {  	v2 =	vnsel vm4, $0x18CA0, v2;
	[tilespmem:s10+$0xFFFFFFF0] =	vst v3  }
0x15c: {  	[tilespmem:s10+$0x0] =	vst v2  }
0x15d: {  	_ =	swait.ge [sflag:s26], $0x2000  }
0x15e: {  	[sflag:s26] =	ssyncset.done $0x0  }
0x15f: {  	[sflag:s26] =	ssyncadd.s32 $0xFFFFE000  }
0x160: {  	_ =	swait.ge [sflag:s26], $0x2000  }
0x161: {  	[sflag:s26] =	ssyncset.done $0x0  }
0x162: {  	[sflag:s26] =	ssyncadd.s32 $0xFFFFE000  }
0x163: {  	_ =	swait.ge [sflag:s26], $0x2000  }
0x164: {  	[sflag:s26] =	ssyncset.done $0x0  }
0x165: {  	[sflag:s26] =	ssyncadd.s32 $0xFFFFE000  }
0x166: {  	_ =	swait.ge [sflag:s26], $0x2000  }
0x167: {  	[sflag:s26] =	ssyncset.done $0x0  }
0x168: {  	s6 =	simm.s32 $0x68C0;
	s1 =	simm.s32 $0xEAC0;
	[sflag:s26] =	ssyncadd.s32 $0xFFFFE000  }
0x169: {  	[tilespmem:s1], [sflag:$0x3] =	stream.indirect.gather [hbm4b:s4+s12], $0x40, s6, s12, $0xb8;
	[tilespmem:$0x18AC0] =	vst v63  }
0x16a: {  	s24 =	simm.s32 $0x10AC0;
	s10 =	simm.s32 $0x6940  }
0x16b: {  	[tilespmem:s24], [sflag:$0x3] =	stream.indirect.gather [hbm4b:s4+s12], $0x40, s10, s12, $0xb8;
	[tilespmem:$0x18AC0] =	vst v63  }
0x16c: {  	s1 =	simm.s32 $0x69C0;
	s6 =	simm.s32 $0x12AC0  }
0x16d: {  	[tilespmem:s6], [sflag:$0x3] =	stream.indirect.gather [hbm4b:s4+s12], $0x40, s1, s12, $0xb8;
	[tilespmem:$0x18AC0] =	vst v63  }
0x16e: {  	s0 =	simm.s32 $0x0;
	s10 =	simm.s32 $0x6A40;
	s24 =	simm.s32 $0x14AC0  }
0x16f: {  	[tilespmem:s24], [sflag:$0x3] =	stream.indirect.gather [hbm4b:s4+s12], $0x40, s10, s12, $0xb8;
	[tilespmem:$0x18AC0] =	vst v63  }
0x170: {  	v2 =	vld [tilespmem:s0+$0x6BB0]  }
0x171: {  	v3 =	vld [tilespmem:s0+$0x8BB0]  }
0x172: {  	v4 =	vld [tilespmem:s0+$0x6AC0]  }
0x173: {  	v5 =	vld [tilespmem:s0+$0xABB0]  }
0x174: {  	v6 =	vld [tilespmem:s0+$0x8AC0]  }
0x175: {  	v7 =	vld [tilespmem:s0+$0xCBB0]  }
0x176: {  	v8 =	vld [tilespmem:s0+$0x6AD0]  }
0x177: {  	v9 =	vld [tilespmem:s0+$0x8AD0]  }
0x178: {  	v10 =	vld [tilespmem:s0+$0x6AE0]  }
0x179: {  	v11 =	vld [tilespmem:s0+$0x8AE0]  }
0x17a: {  	v12 =	vld [tilespmem:s0+$0x6AF0]  }
0x17b: {  	v13 =	vld [tilespmem:s0+$0x8AF0]  }
0x17c: {  	v14 =	vld [tilespmem:s0+$0x6B00]  }
0x17d: {  	v15 =	vld [tilespmem:s0+$0x8B00]  }
0x17e: {  	v46 =	vld [tilespmem:s0+$0x6B10]  }
0x17f: {  	v47 =	vld [tilespmem:s0+$0x8B10]  }
0x180: {  	v18 =	vld [tilespmem:s0+$0x6B20]  }
0x181: {  	v19 =	vld [tilespmem:s0+$0x8B20]  }
0x182: {  	v20 =	vld [tilespmem:s0+$0x6B30]  }
0x183: {  	v21 =	vld [tilespmem:s0+$0x8B30]  }
0x184: {  	v22 =	vld [tilespmem:s0+$0x6B40]  }
0x185: {  	v23 =	vld [tilespmem:s0+$0x6B50]  }
0x186: {  	v24 =	vld [tilespmem:s0+$0x6B60]  }
0x187: {  	v25 =	vld [tilespmem:s0+$0x6B70]  }
0x188: {  	v26 =	vld [tilespmem:s0+$0x6B80]  }
0x189: {  	v27 =	vld [tilespmem:s0+$0x8B80]  }
0x18a: {  	v28 =	vld [tilespmem:s0+$0x6B90]  }
0x18b: {  	v29 =	vld [tilespmem:s0+$0x8B90]  }
0x18c: {  	v30 =	vld [tilespmem:s0+$0x6BA0]  }
0x18d: {  	v31 =	vld [tilespmem:s0+$0x8BA0]  }
0x18e: {  	v32 =	vld [tilespmem:s0+$0xAAC0]  }
0x18f: {  	v33 =	vld [tilespmem:s0+$0xAAD0]  }
0x190: {  	v34 =	vld [tilespmem:s0+$0xAAE0]  }
0x191: {  	v35 =	vld [tilespmem:s0+$0xAAF0]  }
0x192: {  	v36 =	vld [tilespmem:s0+$0xAB00]  }
0x193: {  	v37 =	vld [tilespmem:s0+$0xAB10]  }
0x194: {  	v38 =	vld [tilespmem:s0+$0xAB20]  }
0x195: {  	v39 =	vld [tilespmem:s0+$0xAB30]  }
0x196: {  	v40 =	vld [tilespmem:s0+$0xAB40];
	v2 =	vadd.f32 v3, v2  }
0x197: {  	v48 =	vld [tilespmem:s0+$0xAB80]  }
0x198: {  	v50 =	vld [tilespmem:s0+$0xAB90];
	v2 =	vadd.f32 v5, v2  }
0x199: {  	v56 =	vld [tilespmem:s0+$0xCAD0]  }
0x19a: {  	v57 =	vld [tilespmem:s0+$0xCAE0];
	v2 =	vadd.f32 v7, v2  }
0x19b: {  	v58 =	vld [tilespmem:s0+$0xCAF0];
	v4 =	vadd.f32 v6, v4  }
0x19c: {  	v8 =	vadd.f32 v9, v8;
	v9 =	vadd.f32 v11, v10;
	[tilespmem:s0+$0x16BB0] =	vst v2;
	v2 =	vld [tilespmem:s0+$0x8B70]  }
0x19d: {  	v59 =	vld [tilespmem:s0+$0xCB00];
	v11 =	vadd.f32 v13, v12;
	v12 =	vadd.f32 v15, v14  }
0x19e: {  	v60 =	vld [tilespmem:s0+$0xCB20];
	v14 =	vadd.f32 v47, v46;
	v15 =	vadd.f32 v19, v18  }
0x19f: {  	v3 =	vld [tilespmem:s0+$0x8B40];
	v49 =	vadd.f32 v21, v20;
	v53 =	vadd.f32 v27, v26  }
0x1a0: {  	v54 =	vadd.f32 v29, v28;
	v55 =	vadd.f32 v31, v30;
	v5 =	vld [tilespmem:s0+$0x8B50]  }
0x1a1: {  	v4 =	vadd.f32 v32, v4;
	v52 =	vadd.f32 v2, v25;
	v2 =	vld [tilespmem:s0+$0xCAC0]  }
0x1a2: {  	v62 =	vld [tilespmem:s0+$0xCB30];
	v8 =	vadd.f32 v33, v8;
	v9 =	vadd.f32 v34, v9  }
0x1a3: {  	v11 =	vadd.f32 v35, v11;
	v12 =	vadd.f32 v36, v12;
	v7 =	vld [tilespmem:s0+$0x8B60]  }
0x1a4: {  	v6 =	vld [tilespmem:s0+$0xAB50];
	v14 =	vadd.f32 v37, v14;
	v15 =	vadd.f32 v38, v15  }
0x1a5: {  	v10 =	vld [tilespmem:s0+$0xAB60];
	v8 =	vadd.f32 v56, v8;
	v3 =	vadd.f32 v3, v22  }
0x1a6: {  	v5 =	vadd.f32 v5, v23;
	v2 =	vadd.f32 v2, v4;
	v4 =	vld [tilespmem:s0+$0xCB10]  }
0x1a7: {  	v13 =	vld [tilespmem:s0+$0xAB70];
	v61 =	vadd.f32 v40, v3;
	v3 =	vadd.f32 v57, v9  }
0x1a8: {  	v63 =	vld [tilespmem:s0+$0xCB40];
	v17 =	vadd.f32 v39, v49;
	[tilespmem:s0+$0x16AD0] =	vst v8;
	v7 =	vadd.f32 v7, v24  }
0x1a9: {  	v51 =	vld [tilespmem:s0+$0xABA0];
	v5 =	vadd.f32 v6, v5;
	v6 =	vadd.f32 v58, v11;
	[tilespmem:s0+$0x16AE0] =	vst v3  }
0x1aa: {  	v9 =	vld [tilespmem:s0+$0xCB50];
	[tilespmem:s0+$0x16AC0] =	vst v2;
	v2 =	vadd.f32 v10, v7;
	v7 =	vadd.f32 v59, v12  }
0x1ab: {  	v8 =	vld [tilespmem:s0+$0xCB60];
	[tilespmem:s0+$0x16AF0] =	vst v6;
	v6 =	vadd.f32 v48, v53;
	v11 =	vadd.f32 v4, v14  }
0x1ac: {  	v3 =	vadd.f32 v13, v52;
	v12 =	vadd.f32 v60, v15;
	v10 =	vld [tilespmem:s0+$0xCB70];
	[tilespmem:s0+$0x16B00] =	vst v7  }
0x1ad: {  	v13 =	vadd.f32 v63, v61;
	v14 =	vadd.f32 v62, v17;
	[tilespmem:s0+$0x16B10] =	vst v11;
	v11 =	vld [tilespmem:s0+$0xCB80]  }
0x1ae: {  	s1 =	simm.s32 $0x0;
	s6 =	simm.s32 $0x400;
	v7 =	vadd.f32 v50, v54;
	[tilespmem:s0+$0x16B20] =	vst v12;
	v12 =	vld [tilespmem:s0+$0xCB90];
	v4 =	vadd.f32 v51, v55  }
.LBB2_11:
0x1af: {  	s10 =	sshra.s32 s6, $0x2;
	[tilespmem:s0+$0x16B30] =	vst v14;
	v5 =	vadd.f32 v9, v5;
	v9 =	vld [tilespmem:s0+$0xCBA0]  }
0x1b0: {  	s1 =	sadd.s32 $0x4, s1;
	v14 =	vld [tilespmem:s10+$0x6BB0];
	[tilespmem:s0+$0x16B40] =	vst v13;
	v2 =	vadd.f32 v8, v2  }
0x1b1: {  	p0 =	slt.u32 s1, $0x7C;
	v8 =	vld [tilespmem:s10+$0x8BB0];
	[tilespmem:s0+$0x16B50] =	vst v5;
	v3 =	vadd.f32 v10, v3  }
0x1b2: {  	v5 =	vld [tilespmem:s10+$0x6AC0];
	[tilespmem:s0+$0x16B60] =	vst v2;
	v2 =	vadd.f32 v11, v6  }
0x1b3: {  	v6 =	vld [tilespmem:s10+$0xABB0];
	[tilespmem:s0+$0x16B70] =	vst v3;
	v3 =	vadd.f32 v12, v7  }
0x1b4: {  	v7 =	vld [tilespmem:s10+$0x8AC0];
	[tilespmem:s0+$0x16B80] =	vst v2;
	v2 =	vadd.f32 v9, v4  }
0x1b5: {  	v4 =	vld [tilespmem:s10+$0xCBB0];
	[tilespmem:s0+$0x16B90] =	vst v3  }
0x1b6: {  	v3 =	vld [tilespmem:s10+$0x6AD0];
	v8 =	vadd.f32 v8, v14;
	[tilespmem:s0+$0x16BA0] =	vst v2;
	s0 =	smov.u32 s10  }
0x1b7: {  	v2 =	vld [tilespmem:s0+$0x8AD0]  }
0x1b8: {  	v9 =	vld [tilespmem:s0+$0x6AE0];
	v6 =	vadd.f32 v6, v8  }
0x1b9: {  	v5 =	vadd.f32 v7, v5;
	v7 =	vld [tilespmem:s0+$0x8AE0]  }
0x1ba: {  	v8 =	vld [tilespmem:s0+$0x6AF0];
	v4 =	vadd.f32 v4, v6  }
0x1bb: {  	v6 =	vld [tilespmem:s0+$0x8AF0]  }
0x1bc: {  	v2 =	vadd.f32 v2, v3;
	v3 =	vld [tilespmem:s0+$0x6B00];
	[tilespmem:s0+$0x16BB0] =	vst v4  }
0x1bd: {  	v4 =	vld [tilespmem:s0+$0x8B00]  }
0x1be: {  	v7 =	vadd.f32 v7, v9;
	v9 =	vld [tilespmem:s0+$0x6B10]  }
0x1bf: {  	v10 =	vld [tilespmem:s0+$0x8B10]  }
0x1c0: {  	v6 =	vadd.f32 v6, v8;
	v8 =	vld [tilespmem:s0+$0x6B20]  }
0x1c1: {  	v11 =	vld [tilespmem:s0+$0x8B20]  }
0x1c2: {  	v3 =	vadd.f32 v4, v3;
	v4 =	vld [tilespmem:s0+$0x6B30]  }
0x1c3: {  	v12 =	vld [tilespmem:s0+$0x8B30]  }
0x1c4: {  	v9 =	vadd.f32 v10, v9;
	v10 =	vld [tilespmem:s0+$0x6B40]  }
0x1c5: {  	v13 =	vld [tilespmem:s0+$0x8B40]  }
0x1c6: {  	v8 =	vadd.f32 v11, v8;
	v11 =	vld [tilespmem:s0+$0x6B50]  }
0x1c7: {  	v14 =	vld [tilespmem:s0+$0x8B50]  }
0x1c8: {  	v4 =	vadd.f32 v12, v4;
	v12 =	vld [tilespmem:s0+$0x6B60]  }
0x1c9: {  	v15 =	vld [tilespmem:s0+$0x8B60]  }
0x1ca: {  	v10 =	vadd.f32 v13, v10;
	v13 =	vld [tilespmem:s0+$0x6B70]  }
0x1cb: {  	v16 =	vld [tilespmem:s0+$0x8B70]  }
0x1cc: {  	v11 =	vadd.f32 v14, v11;
	v14 =	vld [tilespmem:s0+$0x6B80]  }
0x1cd: {  	v17 =	vld [tilespmem:s0+$0x8B80]  }
0x1ce: {  	v12 =	vadd.f32 v15, v12;
	v15 =	vld [tilespmem:s0+$0x6B90]  }
0x1cf: {  	v18 =	vld [tilespmem:s0+$0x8B90]  }
0x1d0: {  	v13 =	vadd.f32 v16, v13;
	v16 =	vld [tilespmem:s0+$0x6BA0]  }
0x1d1: {  	v19 =	vld [tilespmem:s0+$0x8BA0]  }
0x1d2: {  	v20 =	vld [tilespmem:s0+$0xAAC0];
	v14 =	vadd.f32 v17, v14  }
0x1d3: {  	v17 =	vld [tilespmem:s0+$0xAAD0]  }
0x1d4: {  	v21 =	vld [tilespmem:s0+$0xAAE0];
	v15 =	vadd.f32 v18, v15  }
0x1d5: {  	v18 =	vld [tilespmem:s0+$0xAAF0]  }
0x1d6: {  	v22 =	vld [tilespmem:s0+$0xAB00];
	v16 =	vadd.f32 v19, v16  }
0x1d7: {  	v19 =	vadd.f32 v20, v5;
	v5 =	vld [tilespmem:s0+$0xAB10]  }
0x1d8: {  	v17 =	vadd.f32 v17, v2;
	v2 =	vld [tilespmem:s0+$0xAB20]  }
0x1d9: {  	v20 =	vadd.f32 v21, v7;
	v7 =	vld [tilespmem:s0+$0xAB30]  }
0x1da: {  	v18 =	vadd.f32 v18, v6;
	v6 =	vld [tilespmem:s0+$0xAB40]  }
0x1db: {  	v21 =	vadd.f32 v22, v3;
	v3 =	vld [tilespmem:s0+$0xAB50]  }
0x1dc: {  	v22 =	vadd.f32 v5, v9;
	v9 =	vld [tilespmem:s0+$0xAB60]  }
0x1dd: {  	v23 =	vadd.f32 v2, v8;
	v8 =	vld [tilespmem:s0+$0xAB70]  }
0x1de: {  	v24 =	vadd.f32 v7, v4;
	v4 =	vld [tilespmem:s0+$0xAB80]  }
0x1df: {  	v25 =	vadd.f32 v6, v10;
	v7 =	vld [tilespmem:s0+$0xAB90]  }
0x1e0: {  	v5 =	vadd.f32 v3, v11;
	v10 =	vld [tilespmem:s0+$0xABA0]  }
0x1e1: {  	v11 =	vld [tilespmem:s0+$0xCAC0];
	v2 =	vadd.f32 v9, v12  }
0x1e2: {  	v9 =	vld [tilespmem:s0+$0xCAD0];
	v3 =	vadd.f32 v8, v13  }
0x1e3: {  	v8 =	vld [tilespmem:s0+$0xCAE0];
	v6 =	vadd.f32 v4, v14  }
0x1e4: {  	v12 =	vld [tilespmem:s0+$0xCAF0];
	v7 =	vadd.f32 v7, v15  }
0x1e5: {  	v13 =	vld [tilespmem:s0+$0xCB00];
	v4 =	vadd.f32 v10, v16  }
0x1e6: {  	v10 =	vadd.f32 v11, v19;
	v11 =	vld [tilespmem:s0+$0xCB10]  }
0x1e7: {  	v9 =	vadd.f32 v9, v17;
	v14 =	vld [tilespmem:s0+$0xCB20]  }
0x1e8: {  	[tilespmem:s0+$0x16AC0] =	vst v10;
	v8 =	vadd.f32 v8, v20;
	v15 =	vld [tilespmem:s0+$0xCB30]  }
0x1e9: {  	[tilespmem:s0+$0x16AD0] =	vst v9;
	v10 =	vadd.f32 v12, v18;
	v12 =	vld [tilespmem:s0+$0xCB40]  }
.Ltmp4:
0x1ea: {  	[tilespmem:s0+$0x16AE0] =	vst v8;
	v13 =	vadd.f32 v13, v21;
	v9 =	vld [tilespmem:s0+$0xCB50];
	(pc) =	sbr.rel @p0 .LBB2_11-.Ltmp4, $4  }
0x1eb: {  	[tilespmem:s0+$0x16AF0] =	vst v10;
	v11 =	vadd.f32 v11, v22;
	v8 =	vld [tilespmem:s0+$0xCB60]  }
0x1ec: {  	[tilespmem:s0+$0x16B00] =	vst v13;
	v13 =	vadd.f32 v14, v23;
	v10 =	vld [tilespmem:s0+$0xCB70]  }
0x1ed: {  	[tilespmem:s0+$0x16B10] =	vst v11;
	v14 =	vadd.f32 v15, v24;
	v11 =	vld [tilespmem:s0+$0xCB80]  }
0x1ee: {  	s6 =	sadd.s32 $0x400, s6;
	[tilespmem:s0+$0x16B20] =	vst v13;
	v13 =	vadd.f32 v12, v25;
	v12 =	vld [tilespmem:s0+$0xCB90]  }
0x1ef: {  	[tilespmem:s0+$0x16B30] =	vst v14;
	v5 =	vadd.f32 v9, v5;
	v63 =	vld [tilespmem:s0+$0xCBA0]  }
0x1f0: {  	[tilespmem:s0+$0x16B40] =	vst v13;
	v2 =	vadd.f32 v8, v2  }
0x1f1: {  	[tilespmem:s0+$0x16B50] =	vst v5;
	v3 =	vadd.f32 v10, v3  }
0x1f2: {  	[tilespmem:s0+$0x16B60] =	vst v2;
	v2 =	vadd.f32 v11, v6  }
0x1f3: {  	[tilespmem:s0+$0x16B70] =	vst v3;
	v3 =	vadd.f32 v12, v7  }
0x1f4: {  	s1 =	sadd.s32 s3, s31;
	[tilespmem:s0+$0x16B80] =	vst v2;
	v2 =	vadd.f32 v63, v4  }
0x1f5: {  	s1 =	sshll.u32 s1, $0x3;
	[tilespmem:s0+$0x16B90] =	vst v3  }
0x1f6: {  	s31 =	smin.u32 s31, $0x6280;
	s1 =	sadd.s32 s7, s1;
	[tilespmem:s0+$0x16BA0] =	vst v2;
	s0 =	simm.s32 $0x0  }
0x1f7: {  	[hbm4b:s1+s0] =	stream.linear.scatter [tilespmem:s8], [sflag:$0x4], $0x2000, $0x38;
	[tilespmem:$0x18AC0] =	vst v63  }
0x1f8: {  	s1 =	sadd.s32 $0x100, s31  }
0x1f9: {  	v2 =	vmov s1;
	_ =	sdelay $0x1  }
0x1fa: {  	_ =	swait.ge [sflag:s11], $0x2000  }
0x1fb: {  	[sflag:s11] =	ssyncset.done $0x0  }
0x1fc: {  	p0 =	por $0x1, $0x1;
	[sflag:s11] =	ssyncadd.s32 $0xFFFFE000  }
.LBB2_13:
0x1fd: {  	v3 =	vld.idx.msk [tilespmem:v2+s0+$0x0 ss:$0x1], $0xffff  }
0x1fe: {  	v4 =	vld.idx.msk [tilespmem:v2+s0+$0x10 ss:$0x1], $0xffff  }
0x1ff: {  	v5 =	vld.idx.msk [tilespmem:v2+s0+$0x20 ss:$0x1], $0xffff  }
0x200: {  	v6 =	vld.idx.msk [tilespmem:v2+s0+$0x30 ss:$0x1], $0xffff;
	_ =	sdelay $0x1  }
0x201: {  	v3 =	vadd.s32 $0xFFFE7960, v3  }
0x202: {  	p1 =	por p0, p0;
	v4 =	vadd.s32 $0xFFFE7960, v4;
	vm0 =	vlt.u32 v3, $0x61A80  }
.Ltmp5:
0x203: {  	v5 =	vadd.s32 $0xFFFE7960, v5;
	vm13 =	vlt.u32 v4, $0x61A80;
	v3 =	vnsel vm0, $0x0, v3;
	(pc) =	sbr.rel @p1 .LBB2_13-.Ltmp5, $4  }
0x204: {  	v63 =	vadd.s32 $0xFFFE7960, v6;
	vm14 =	vlt.u32 v5, $0x61A80;
	[tilespmem:s0+$0x64C0] =	vst v3;
	v3 =	vnsel vm13, $0x0, v4  }
0x205: {  	vm15 =	vlt.u32 v63, $0x61A80;
	[tilespmem:s0+$0x64D0] =	vst v3;
	v3 =	vnsel vm14, $0x0, v5  }
0x206: {  	[tilespmem:s0+$0x64E0] =	vst v3;
	v3 =	vnsel vm15, $0x0, v63  }
0x207: {  	p0 =	por $0x0, $0x0;
	[tilespmem:s0+$0x64F0] =	vst v3;
	s0 =	simm.s32 $0x40  }
0x208: {  	s0 =	simm.s32 $0x64C0  }
0x209: {  	[tilespmem:s14], [sflag:$0x1] =	stream.indirect.gather [hbm4b:s5+s12], $0x1, s0, s12, $0xb8;
	[tilespmem:$0x18AC0] =	vst v63  }
0x20a: {  	_ =	swait.ge [sflag:s15], $0x80  }
0x20b: {  	[sflag:s15] =	ssyncset.done $0x0  }
0x20c: {  	[sflag:s15] =	ssyncadd.s32 $0xFFFFFF80  }
0x20d: {  	v4 =	vld [tilespmem:$0x6400]  }
0x20e: {  	v2 =	vld [tilespmem:s30+$0x0]  }
0x20f: {  	v3 =	vld [tilespmem:s30+$0xFFFFFFF0]  }
0x210: {  	v5 =	vld [tilespmem:$0x6440]  }
0x211: {  	v6 =	vld [tilespmem:$0x6410]  }
0x212: {  	v7 =	vld [tilespmem:$0x6460]  }
0x213: {  	v8 =	vld [tilespmem:$0x6420]  }
0x214: {  	v9 =	vld [tilespmem:$0x64A0];
	vm0 =	vlt.s32 v2, $0x186A0;
	v11 =	vadd.s32 $0xFFF85EE0, v2;
	v12 =	vadd.s32 $0xFFF85EE0, v3  }
0x215: {  	v10 =	vld [tilespmem:$0x6450];
	v13 =	vadd.s32 $0xFFFE7960, v3;
	v53 =	vadd.s32 $0xFFFE7960, v2;
	vm4 =	vgt.s32 v2, $0x7A11F  }
0x216: {  	v14 =	vld [tilespmem:$0x6430];
	vm5 =	vgt.s32 v3, $0x7A11F;
	vm3 =	vlt.s32 v3, $0x186A0;
	v15 =	vand.u32 $0xFF, v11  }
0x217: {  	v17 =	vld [tilespmem:$0x6470];
	v16 =	vshra.s32 v12, $0x8;
	v11 =	vshra.s32 v11, $0x8;
	v12 =	vand.u32 $0xFF, v12  }
0x218: {  	v50 =	vcvt.s32.f32 v13;
	v54 =	vcvt.s32.f32 v53;
	vm2 =	vlt.u32 v13, $0x61A80  }
0x219: {  	v18 =	vmul.u32 v7, v15;
	v19 =	vmul.u32 v4, v16;
	v20 =	vmul.u32 v8, v11  }
0x21a: {  	v21 =	vmul.u32 v12, v5;
	v22 =	vmul.u32 v16, v6;
	v24 =	vmul.u32 v12, v10  }
0x21b: {  	v23 =	vld [tilespmem:$0x6480];
	v8 =	vmul.u32 v16, v8;
	v7 =	vmul.u32 v12, v7;
	v5 =	vmul.u32 v5, v15  }
0x21c: {  	v44 =	vld [tilespmem:$0x6490];
	v16 =	vmul.u32 v16, v14;
	v12 =	vmul.u32 v12, v17;
	v18 =	vadd.s32 v9, v18  }
0x21d: {  	v10 =	vmul.u32 v10, v15;
	v4 =	vmul.u32 v4, v11;
	v18 =	vadd.s32 v20, v18  }
0x21e: {  	v6 =	vmul.u32 v6, v11;
	v15 =	vmul.u32 v17, v15;
	v25 =	vcvt.s32.f32 v18  }
0x21f: {  	v46 =	vld [tilespmem:$0x64B0];
	v11 =	vmul.u32 v14, v11;
	v19 =	vadd.s32 v19, v21;
	v45 =	vadd.s32 v22, v24  }
0x220: {  	v7 =	vadd.s32 v8, v7;
	v5 =	vadd.s32 v23, v5;
	v25 =	vmul.f32 $9.999999740e-06, v25  }
0x221: {  	v10 =	vadd.s32 v44, v10;
	v14 =	vadd.s32 v23, v19;
	v17 =	vadd.s32 v44, v45  }
0x222: {  	v7 =	vadd.s32 v9, v7;
	v4 =	vadd.s32 v4, v5;
	v8 =	vtrunc.f32 v25  }
0x223: {  	v5 =	vadd.s32 v6, v10;
	v9 =	vadd.s32 v16, v12;
	v8 =	vcvt.f32.s32 v8  }
0x224: {  	v10 =	vadd.s32 v46, v15;
	v20 =	vmul.f32 $1.579778850e-03, v50;
	v23 =	vmul.f32 $1.579778850e-03, v54  }
0x225: {  	v12 =	vcvt.s32.f32 v17;
	v15 =	vcvt.s32.f32 v7;
	v6 =	vmul.u32 $0xFFFE7960, v8  }
0x226: {  	v16 =	vcvt.s32.f32 v4;
	v47 =	vcvt.s32.f32 v5;
	v9 =	vadd.s32 v46, v9  }
0x227: {  	v10 =	vadd.s32 v11, v10;
	v11 =	vcvt.s32.f32 v9;
	v6 =	vadd.s32 v18, v6  }
0x228: {  	v49 =	vcvt.s32.f32 v10;
	v56 =	vtrunc.f32 v20;
	v48 =	vshra.s32 v6, $0x1F  }
0x229: {  	v57 =	vtrunc.f32 v23;
	v12 =	vmul.f32 $9.999999740e-06, v12;
	v19 =	vand.u32 $0x186A0, v48  }
0x22a: {  	s1 =	simm.s32 $0x65D0;
	v15 =	vmul.f32 $9.999999740e-06, v15;
	v11 =	vmul.f32 $9.999999740e-06, v11;
	v6 =	vadd.s32 v6, v19  }
0x22b: {  	v51 =	vld [tilespmem:s1+$0x0];
	v16 =	vmul.f32 $9.999999740e-06, v16;
	v20 =	vcvt.f32.s32 v57;
	vm1 =	vlt.s32 v6, $0x186A0  }
0x22c: {  	v11 =	vtrunc.f32 v11;
	v8 =	vcvt.s32.f32 v14;
	v52 =	vsel vm1, $0x0, v0  }
0x22d: {  	v11 =	vcvt.f32.s32 v11;
	v19 =	vmul.f32 $9.999999740e-06, v49;
	v6 =	vadd.s32 v52, v6  }
0x22e: {  	v8 =	vmul.f32 $9.999999740e-06, v8;
	v18 =	vmul.f32 $9.999999740e-06, v47;
	v6 =	vadd.s32 $0x49A00, v6  }
0x22f: {  	vm1 =	vlt.u32 v53, $0x61A80;
	v55 =	vtrunc.f32 v19;
	v6 =	vnsel vm4, $0x18CA0, v6  }
0x230: {  	v19 =	vcvt.f32.s32 v56;
	v21 =	vsel vm1, v51, v6;
	v6 =	vtrunc.f32 v8  }
0x231: {  	v11 =	vmul.u32 $0xFFFE7960, v11;
	v8 =	vtrunc.f32 v12;
	v12 =	vtrunc.f32 v15  }
0x232: {  	v58 =	vmul.u32 $0xFFFFFD87, v19;
	v15 =	vtrunc.f32 v16;
	v16 =	vtrunc.f32 v18  }
0x233: {  	v9 =	vadd.s32 v9, v11;
	v18 =	vcvt.f32.s32 v55;
	v6 =	vcvt.f32.s32 v6  }
0x234: {  	v13 =	vadd.s32 v13, v58;
	v8 =	vcvt.f32.s32 v8;
	v12 =	vcvt.f32.s32 v12  }
0x235: {  	v15 =	vcvt.f32.s32 v15;
	v16 =	vcvt.f32.s32 v16;
	vm6 =	vgt.s32 v13, $0x278  }
0x236: {  	v13 =	vshra.s32 v13, $0x1F;
	v6 =	vmul.u32 $0xFFFE7960, v6;
	v8 =	vmul.u32 $0xFFFE7960, v8  }
0x237: {  	v12 =	vmul.u32 $0xFFFE7960, v12;
	v15 =	vmul.u32 $0xFFFE7960, v15;
	v16 =	vmul.u32 $0xFFFE7960, v16  }
0x238: {  	v6 =	vadd.s32 v14, v6;
	v14 =	vmul.u32 $0xFFFE7960, v18;
	v8 =	vadd.s32 v17, v8  }
0x239: {  	v17 =	vmul.u32 $0xFFFFFD87, v20;
	v7 =	vadd.s32 v7, v12;
	v4 =	vadd.s32 v4, v15  }
0x23a: {  	v5 =	vadd.s32 v5, v16;
	v12 =	vshra.s32 v6, $0x1F;
	v15 =	vshra.s32 v8, $0x1F  }
0x23b: {  	v16 =	vshra.s32 v7, $0x1F;
	v11 =	vshra.s32 v4, $0x1F;
	v59 =	vshra.s32 v5, $0x1F  }
0x23c: {  	v17 =	vadd.s32 v53, v17;
	v10 =	vadd.s32 v10, v14;
	v12 =	vand.u32 $0x186A0, v12  }
0x23d: {  	v14 =	vand.u32 $0x186A0, v15;
	v15 =	vand.u32 $0x186A0, v16;
	v16 =	vshra.s32 v9, $0x1F  }
0x23e: {  	v11 =	vand.u32 $0x186A0, v11;
	v60 =	vand.u32 $0x186A0, v59;
	v61 =	vshra.s32 v10, $0x1F  }
0x23f: {  	v12 =	vadd.s32 v6, v12;
	vm7 =	vgt.s32 v17, $0x278;
	v6 =	vshra.s32 v17, $0x1F  }
0x240: {  	v14 =	vadd.s32 v8, v14;
	v17 =	vadd.s32 v7, v15;
	v11 =	vadd.s32 v4, v11  }
0x241: {  	v4 =	vand.u32 $0x186A0, v16;
	v16 =	vadd.s32 v5, v60;
	v5 =	vsel vm6, $0x1, v1  }
0x242: {  	v7 =	vadd.s32 v19, v13;
	v8 =	vand.u32 $0x186A0, v61;
	v13 =	vsel vm7, $0x1, v1  }
0x243: {  	vm6 =	vlt.s32 v12, $0x186A0;
	vm7 =	vlt.s32 v14, $0x186A0;
	v15 =	vadd.s32 v20, v6  }
0x244: {  	vm8 =	vlt.s32 v17, $0x186A0;
	vm9 =	vlt.s32 v11, $0x186A0;
	vm10 =	vlt.s32 v16, $0x186A0  }
0x245: {  	v5 =	vadd.s32 v5, v7;
	v7 =	vadd.s32 v9, v4;
	v6 =	vadd.s32 v10, v8  }
0x246: {  	v4 =	vsel vm6, $0x0, v0;
	v10 =	vsel vm7, $0x0, v0;
	v8 =	vadd.s32 v13, v15  }
0x247: {  	v13 =	vsel vm8, $0x0, v0;
	v62 =	vsel vm9, $0x0, v0;
	v63 =	vsel vm10, $0x0, v0  }
0x248: {  	v9 =	vmul.u32 $0xFFFFFD87, v5;
	vm7 =	vlt.s32 v7, $0x186A0;
	vm6 =	vlt.s32 v6, $0x186A0  }
0x249: {  	s0 =	simm.s32 $0x67C0;
	v15 =	vadd.s32 v4, v12;
	v12 =	vadd.s32 v10, v14;
	v10 =	vmul.u32 $0xFFFFFD87, v8  }
0x24a: {  	s6 =	simm.s32 $0x0;
	s10 =	simm.s32 $0x67C0;
	[tilespmem:s0+$0x10] =	vst v21;
	v4 =	vld [tilespmem:s1+$0xFFFFFFF0];
	v14 =	vadd.s32 v13, v17;
	v13 =	vadd.s32 v62, v11;
	v11 =	vadd.s32 v63, v16  }
.LBB2_15:
0x24b: {  	v17 =	vsel vm7, $0x0, v0;
	v15 =	vadd.s32 $0x18CC0, v15  }
0x24c: {  	v16 =	vld [tilespmem:$0x6400];
	v18 =	vsel vm6, $0x0, v0;
	vm6 =	vmmov vm4;
	vm7 =	vmmov vm5  }
0x24d: {  	v12 =	vadd.s32 $0x31360, v12;
	v14 =	vadd.s32 $0x49A00, v14;
	v13 =	vadd.s32 $0x18CC0, v13;
	v19 =	vld [tilespmem:$0x6440]  }
0x24e: {  	v11 =	vadd.s32 $0x31360, v11;
	s30 =	sadd.s32 $0x20, s30;
	v7 =	vadd.s32 v17, v7;
	v6 =	vadd.s32 v18, v6;
	v20 =	vld [tilespmem:$0x6410]  }
0x24f: {  	s6 =	sadd.s32 $0x2, s6;
	v9 =	vadd.s32 v3, v9;
	v10 =	vadd.s32 v2, v10;
	v12 =	vnsel vm7, $0x18CA0, v12;
	v17 =	vld [tilespmem:s30+$0x0]  }
0x250: {  	p0 =	slt.u32 s6, $0x6;
	v9 =	vsel vm2, v9, v15;
	v14 =	vnsel vm7, $0x18CA0, v14;
	v10 =	vsel vm1, v10, v13;
	v18 =	vld [tilespmem:s30+$0xFFFFFFF0]  }
0x251: {  	v11 =	vnsel vm6, $0x18CA0, v11;
	v7 =	vadd.s32 $0x620A0, v7;
	v6 =	vadd.s32 $0x620A0, v6;
	v13 =	vld [tilespmem:$0x6460]  }
0x252: {  	v5 =	vadd.s32 $0x18920, v5;
	v8 =	vadd.s32 $0x18920, v8;
	v3 =	vsel vm3, v3, v9;
	v15 =	vld [tilespmem:$0x6420]  }
0x253: {  	v5 =	vsel vm2, v5, v12;
	v4 =	vsel vm2, v4, v14;
	v10 =	vsel vm0, v2, v10;
	v9 =	vld [tilespmem:$0x64A0];
	[tilespmem:s0+$0xFFFFFF00] =	vst v3  }
0x254: {  	v8 =	vsel vm1, v8, v11;
	v12 =	vld [tilespmem:$0x6450];
	vm0 =	vlt.s32 v17, $0x186A0;
	v14 =	vadd.s32 $0xFFF85EE0, v17;
	[tilespmem:s0+$0xFFFFFF80] =	vst v5;
	v2 =	vmovc v17  }
0x255: {  	v5 =	vadd.s32 $0xFFFE7960, v18;
	v11 =	vadd.s32 $0xFFF85EE0, v18;
	v17 =	vld [tilespmem:$0x6430];
	v21 =	vand.u32 $0xFF, v14;
	[tilespmem:s0+$0x0] =	vst v4;
	v3 =	vmovc v18  }
0x256: {  	v14 =	vshra.s32 v14, $0x8;
	v4 =	vshra.s32 v11, $0x8;
	v18 =	vld [tilespmem:$0x6470];
	v22 =	vmul.u32 v13, v21;
	[tilespmem:s0+$0xFFFFFF10] =	vst v10  }
0x257: {  	v10 =	vand.u32 $0xFF, v11;
	v11 =	vmul.u32 v16, v4;
	v23 =	vmul.u32 v15, v14;
	[tilespmem:s0+$0xFFFFFF90] =	vst v8  }
0x258: {  	v8 =	vmul.u32 v10, v19;
	v24 =	vmul.u32 v4, v20;
	v22 =	vadd.s32 v9, v22  }
0x259: {  	v15 =	vmul.u32 v4, v15;
	v25 =	vld [tilespmem:$0x6480];
	v26 =	vmul.u32 v10, v12;
	v22 =	vadd.s32 v23, v22  }
0x25a: {  	v13 =	vmul.u32 v10, v13;
	v19 =	vmul.u32 v19, v21;
	v23 =	vld [tilespmem:$0x6490];
	v27 =	vcvt.s32.f32 v22  }
0x25b: {  	v12 =	vmul.u32 v12, v21;
	v4 =	vmul.u32 v4, v17;
	v10 =	vmul.u32 v10, v18  }
0x25c: {  	v16 =	vmul.u32 v16, v14;
	v20 =	vmul.u32 v20, v14;
	v27 =	vmul.f32 $9.999999740e-06, v27  }
0x25d: {  	v8 =	vadd.s32 v11, v8;
	v11 =	vadd.s32 v24, v26;
	v18 =	vmul.u32 v18, v21;
	v24 =	vld [tilespmem:$0x64B0]  }
0x25e: {  	v13 =	vadd.s32 v15, v13;
	v15 =	vadd.s32 v25, v19;
	v19 =	vtrunc.f32 v27  }
0x25f: {  	v14 =	vmul.u32 v17, v14;
	v12 =	vadd.s32 v23, v12;
	v19 =	vcvt.f32.s32 v19  }
0x260: {  	v9 =	vadd.s32 v9, v13;
	v8 =	vadd.s32 v25, v8;
	v11 =	vadd.s32 v23, v11  }
0x261: {  	v13 =	vadd.s32 v16, v15;
	v12 =	vadd.s32 v20, v12;
	v15 =	vmul.u32 $0xFFFE7960, v19  }
0x262: {  	v4 =	vadd.s32 v4, v10;
	v16 =	vcvt.s32.f32 v8;
	v10 =	vadd.s32 v24, v18  }
0x263: {  	v17 =	vcvt.s32.f32 v11;
	v18 =	vcvt.s32.f32 v9;
	v15 =	vadd.s32 v22, v15  }
0x264: {  	v19 =	vcvt.s32.f32 v13;
	v20 =	vcvt.s32.f32 v12;
	v21 =	vshra.s32 v15, $0x1F  }
0x265: {  	v22 =	vadd.s32 v24, v4;
	v10 =	vadd.s32 v14, v10;
	v4 =	vand.u32 $0x186A0, v21  }
0x266: {  	s1 =	sadd.s32 $0x20, s1;
	v14 =	vcvt.s32.f32 v22;
	v21 =	vcvt.s32.f32 v10;
	v15 =	vadd.s32 v15, v4  }
0x267: {  	v23 =	vcvt.s32.f32 v5;
	v16 =	vmul.f32 $9.999999740e-06, v16;
	v24 =	vld [tilespmem:s1+$0x0];
	vm1 =	vlt.s32 v15, $0x186A0  }
0x268: {  	v17 =	vmul.f32 $9.999999740e-06, v17;
	v18 =	vmul.f32 $9.999999740e-06, v18;
	v4 =	vld [tilespmem:s1+$0xFFFFFFF0];
	v25 =	vsel vm1, $0x0, v0  }
0x269: {  	v19 =	vmul.f32 $9.999999740e-06, v19;
	v20 =	vmul.f32 $9.999999740e-06, v20;
	v15 =	vadd.s32 v25, v15  }
0x26a: {  	vm4 =	vgt.s32 v2, $0x7A11F;
	v25 =	vadd.s32 $0xFFFE7960, v2;
	v15 =	vadd.s32 $0x49A00, v15  }
0x26b: {  	vm1 =	vlt.u32 v25, $0x61A80;
	v26 =	vcvt.s32.f32 v25;
	v15 =	vnsel vm4, $0x18CA0, v15  }
0x26c: {  	s0 =	sadd.s32 $0x20, s0;
	v14 =	vmul.f32 $9.999999740e-06, v14;
	v21 =	vmul.f32 $9.999999740e-06, v21;
	v15 =	vsel vm1, v24, v15  }
0x26d: {  	vm2 =	vlt.u32 v5, $0x61A80;
	v23 =	vmul.f32 $1.579778850e-03, v23;
	v24 =	vmul.f32 $1.579778850e-03, v26;
	[tilespmem:s0+$0x10] =	vst v15  }
0x26e: {  	vm5 =	vgt.s32 v3, $0x7A11F;
	v15 =	vtrunc.f32 v16;
	v16 =	vtrunc.f32 v17  }
0x26f: {  	vm3 =	vlt.s32 v3, $0x186A0;
	v17 =	vtrunc.f32 v18;
	v18 =	vtrunc.f32 v19  }
0x270: {  	v7 =	vnsel vm7, $0x18CA0, v7;
	v19 =	vtrunc.f32 v20;
	v15 =	vcvt.f32.s32 v15  }
0x271: {  	v6 =	vnsel vm6, $0x18CA0, v6;
	v16 =	vcvt.f32.s32 v16;
	v17 =	vcvt.f32.s32 v17;
	[tilespmem:s10+$0x80] =	vst v7  }
0x272: {  	v7 =	vmul.u32 $0xFFFE7960, v15;
	v15 =	vcvt.f32.s32 v18;
	v18 =	vcvt.f32.s32 v19;
	[tilespmem:s10+$0x90] =	vst v6;
	s10 =	smov.u32 s0  }
0x273: {  	v14 =	vtrunc.f32 v14;
	v6 =	vmul.u32 $0xFFFE7960, v16;
	v16 =	vtrunc.f32 v21  }
0x274: {  	v20 =	vtrunc.f32 v24;
	v17 =	vmul.u32 $0xFFFE7960, v17;
	v19 =	vtrunc.f32 v23  }
0x275: {  	v14 =	vcvt.f32.s32 v14;
	v15 =	vmul.u32 $0xFFFE7960, v15;
	v16 =	vcvt.f32.s32 v16  }
0x276: {  	v20 =	vcvt.f32.s32 v20;
	v19 =	vcvt.f32.s32 v19;
	v18 =	vmul.u32 $0xFFFE7960, v18  }
0x277: {  	v7 =	vadd.s32 v8, v7;
	v8 =	vmul.u32 $0xFFFE7960, v14;
	v14 =	vmul.u32 $0xFFFE7960, v16  }
0x278: {  	v6 =	vadd.s32 v11, v6;
	v11 =	vmul.u32 $0xFFFFFD87, v20;
	v16 =	vmul.u32 $0xFFFFFD87, v19  }
0x279: {  	v9 =	vadd.s32 v9, v17;
	v13 =	vadd.s32 v13, v15;
	v12 =	vadd.s32 v12, v18  }
0x27a: {  	v15 =	vshra.s32 v7, $0x1F;
	v17 =	vshra.s32 v6, $0x1F;
	v18 =	vshra.s32 v9, $0x1F  }
0x27b: {  	v8 =	vadd.s32 v22, v8;
	v21 =	vshra.s32 v13, $0x1F;
	v22 =	vshra.s32 v12, $0x1F  }
0x27c: {  	v11 =	vadd.s32 v25, v11;
	v5 =	vadd.s32 v5, v16;
	v10 =	vadd.s32 v10, v14  }
0x27d: {  	v14 =	vand.u32 $0x186A0, v15;
	v15 =	vand.u32 $0x186A0, v17;
	v16 =	vand.u32 $0x186A0, v18  }
0x27e: {  	v17 =	vshra.s32 v8, $0x1F;
	v18 =	vand.u32 $0x186A0, v21;
	v21 =	vand.u32 $0x186A0, v22  }
0x27f: {  	vm6 =	vgt.s32 v5, $0x278;
	v5 =	vshra.s32 v5, $0x1F;
	v22 =	vshra.s32 v10, $0x1F  }
0x280: {  	vm7 =	vgt.s32 v11, $0x278;
	v14 =	vadd.s32 v7, v14;
	v7 =	vshra.s32 v11, $0x1F  }
0x281: {  	v11 =	vadd.s32 v6, v15;
	v16 =	vadd.s32 v9, v16;
	v13 =	vadd.s32 v13, v18  }
0x282: {  	v6 =	vand.u32 $0x186A0, v17;
	v17 =	vadd.s32 v12, v21;
	v9 =	vand.u32 $0x186A0, v22  }
0x283: {  	v15 =	vsel vm7, $0x1, v1;
	v12 =	vsel vm6, $0x1, v1;
	v5 =	vadd.s32 v19, v5  }
0x284: {  	vm6 =	vlt.s32 v14, $0x186A0;
	vm7 =	vlt.s32 v11, $0x186A0;
	v18 =	vadd.s32 v20, v7  }
0x285: {  	vm8 =	vlt.s32 v16, $0x186A0;
	vm9 =	vlt.s32 v13, $0x186A0;
	vm10 =	vlt.s32 v17, $0x186A0  }
0x286: {  	v7 =	vadd.s32 v8, v6;
	v5 =	vadd.s32 v12, v5;
	v6 =	vadd.s32 v10, v9  }
.Ltmp6:
0x287: {  	v10 =	vsel vm6, $0x0, v0;
	v12 =	vsel vm7, $0x0, v0;
	v8 =	vadd.s32 v15, v18;
	(pc) =	sbr.rel @p0 .LBB2_15-.Ltmp6, $4  }
0x288: {  	v18 =	vsel vm8, $0x0, v0;
	v19 =	vsel vm9, $0x0, v0;
	v20 =	vsel vm10, $0x0, v0  }
0x289: {  	vm7 =	vlt.s32 v7, $0x186A0;
	v9 =	vmul.u32 $0xFFFFFD87, v5;
	vm6 =	vlt.s32 v6, $0x186A0  }
0x28a: {  	v15 =	vadd.s32 v10, v14;
	v12 =	vadd.s32 v12, v11;
	v10 =	vmul.u32 $0xFFFFFD87, v8  }
0x28b: {  	v14 =	vadd.s32 v18, v16;
	v13 =	vadd.s32 v19, v13;
	v11 =	vadd.s32 v20, v17  }
0x28c: {  	v16 =	vsel vm7, $0x0, v0;
	v15 =	vadd.s32 $0x18CC0, v15  }
0x28d: {  	v17 =	vsel vm6, $0x0, v0;
	vm4 =	vmmov vm4;
	vm5 =	vmmov vm5  }
0x28e: {  	v12 =	vadd.s32 $0x31360, v12;
	v14 =	vadd.s32 $0x49A00, v14;
	v9 =	vadd.s32 v3, v9  }
0x28f: {  	v13 =	vadd.s32 $0x18CC0, v13;
	v5 =	vadd.s32 $0x18920, v5;
	v9 =	vsel vm2, v9, v15  }
0x290: {  	v7 =	vadd.s32 v16, v7;
	v12 =	vnsel vm5, $0x18CA0, v12;
	v3 =	vsel vm3, v3, v9  }
0x291: {  	v9 =	vadd.s32 v2, v10;
	v10 =	vnsel vm5, $0x18CA0, v14;
	v5 =	vsel vm2, v5, v12;
	[tilespmem:s0+$0xFFFFFF00] =	vst v3  }
0x292: {  	v3 =	vadd.s32 $0x31360, v11;
	v9 =	vsel vm1, v9, v13;
	v4 =	vsel vm2, v4, v10;
	[tilespmem:s0+$0xFFFFFF80] =	vst v5  }
0x293: {  	v5 =	vadd.s32 $0x18920, v8;
	v3 =	vnsel vm4, $0x18CA0, v3;
	v2 =	vsel vm0, v2, v9;
	[tilespmem:s0+$0x0] =	vst v4  }
0x294: {  	v4 =	vadd.s32 v17, v6;
	v6 =	vadd.s32 $0x620A0, v7;
	v3 =	vsel vm1, v5, v3;
	[tilespmem:s0+$0xFFFFFF10] =	vst v2  }
0x295: {  	v2 =	vadd.s32 $0x620A0, v4;
	[tilespmem:s0+$0xFFFFFF90] =	vst v3;
	v3 =	vnsel vm5, $0x18CA0, v6  }
0x296: {  	v2 =	vnsel vm4, $0x18CA0, v2;
	[tilespmem:s10+$0x80] =	vst v3  }
0x297: {  	[tilespmem:s10+$0x90] =	vst v2  }
0x298: {  	_ =	swait.ge [sflag:s9], $0x2000  }
0x299: {  	[sflag:s9] =	ssyncset.done $0x0  }
0x29a: {  	[sflag:s9] =	ssyncadd.s32 $0xFFFFE000  }
0x29b: {  	_ =	swait.ge [sflag:s9], $0x2000  }
0x29c: {  	[sflag:s9] =	ssyncset.done $0x0  }
0x29d: {  	[sflag:s9] =	ssyncadd.s32 $0xFFFFE000  }
0x29e: {  	_ =	swait.ge [sflag:s9], $0x2000  }
0x29f: {  	[sflag:s9] =	ssyncset.done $0x0  }
0x2a0: {  	[sflag:s9] =	ssyncadd.s32 $0xFFFFE000  }
0x2a1: {  	_ =	swait.ge [sflag:s9], $0x2000  }
0x2a2: {  	[sflag:s9] =	ssyncset.done $0x0  }
0x2a3: {  	[sflag:s9] =	ssyncadd.s32 $0xFFFFE000  }
0x2a4: {  	[tilespmem:s17], [sflag:$0x2] =	stream.indirect.gather [hbm4b:s4+s12], $0x40, s16, s12, $0xb8;
	[tilespmem:$0x18AC0] =	vst v63  }
0x2a5: {  	_ = 	snop  }
0x2a6: {  	[tilespmem:s19], [sflag:$0x2] =	stream.indirect.gather [hbm4b:s4+s12], $0x40, s18, s12, $0xb8;
	[tilespmem:$0x18AC0] =	vst v63  }
0x2a7: {  	_ = 	snop  }
0x2a8: {  	[tilespmem:s21], [sflag:$0x2] =	stream.indirect.gather [hbm4b:s4+s12], $0x40, s20, s12, $0xb8;
	[tilespmem:$0x18AC0] =	vst v63  }
0x2a9: {  	s0 =	simm.s32 $0x0  }
0x2aa: {  	[tilespmem:s23], [sflag:$0x2] =	stream.indirect.gather [hbm4b:s4+s12], $0x40, s22, s12, $0xb8;
	[tilespmem:$0x18AC0] =	vst v63  }
0x2ab: {  	v2 =	vld [tilespmem:s0+$0xEBB0]  }
0x2ac: {  	v3 =	vld [tilespmem:s0+$0x10BB0]  }
0x2ad: {  	v4 =	vld [tilespmem:s0+$0xEAC0]  }
0x2ae: {  	v5 =	vld [tilespmem:s0+$0x12BB0]  }
0x2af: {  	v6 =	vld [tilespmem:s0+$0x10AC0]  }
0x2b0: {  	v7 =	vld [tilespmem:s0+$0x14BB0]  }
0x2b1: {  	v8 =	vld [tilespmem:s0+$0xEAD0]  }
0x2b2: {  	v9 =	vld [tilespmem:s0+$0x10AD0]  }
0x2b3: {  	v10 =	vld [tilespmem:s0+$0xEAE0]  }
0x2b4: {  	v11 =	vld [tilespmem:s0+$0x10AE0]  }
0x2b5: {  	v12 =	vld [tilespmem:s0+$0xEAF0]  }
0x2b6: {  	v13 =	vld [tilespmem:s0+$0x10AF0]  }
0x2b7: {  	v14 =	vld [tilespmem:s0+$0xEB00]  }
0x2b8: {  	v15 =	vld [tilespmem:s0+$0x10B00]  }
0x2b9: {  	v45 =	vld [tilespmem:s0+$0xEB10]  }
0x2ba: {  	v46 =	vld [tilespmem:s0+$0x10B10]  }
0x2bb: {  	v18 =	vld [tilespmem:s0+$0xEB20]  }
0x2bc: {  	v19 =	vld [tilespmem:s0+$0x10B20]  }
0x2bd: {  	v20 =	vld [tilespmem:s0+$0xEB30]  }
0x2be: {  	v21 =	vld [tilespmem:s0+$0x10B30]  }
0x2bf: {  	v22 =	vld [tilespmem:s0+$0xEB40]  }
0x2c0: {  	v23 =	vld [tilespmem:s0+$0xEB50]  }
0x2c1: {  	v24 =	vld [tilespmem:s0+$0xEB60]  }
0x2c2: {  	v25 =	vld [tilespmem:s0+$0xEB70]  }
0x2c3: {  	v26 =	vld [tilespmem:s0+$0xEB80]  }
0x2c4: {  	v27 =	vld [tilespmem:s0+$0x10B80]  }
0x2c5: {  	v28 =	vld [tilespmem:s0+$0xEB90]  }
0x2c6: {  	v29 =	vld [tilespmem:s0+$0x10B90]  }
0x2c7: {  	v30 =	vld [tilespmem:s0+$0xEBA0]  }
0x2c8: {  	v31 =	vld [tilespmem:s0+$0x10BA0]  }
0x2c9: {  	v32 =	vld [tilespmem:s0+$0x12AC0]  }
0x2ca: {  	v33 =	vld [tilespmem:s0+$0x12AD0]  }
0x2cb: {  	v34 =	vld [tilespmem:s0+$0x12AE0]  }
0x2cc: {  	v35 =	vld [tilespmem:s0+$0x12AF0]  }
0x2cd: {  	v36 =	vld [tilespmem:s0+$0x12B00]  }
0x2ce: {  	v37 =	vld [tilespmem:s0+$0x12B10]  }
0x2cf: {  	v38 =	vld [tilespmem:s0+$0x12B20]  }
0x2d0: {  	v39 =	vld [tilespmem:s0+$0x12B30]  }
0x2d1: {  	v40 =	vld [tilespmem:s0+$0x12B40]  }
0x2d2: {  	v47 =	vld [tilespmem:s0+$0x12B80]  }
0x2d3: {  	v49 =	vld [tilespmem:s0+$0x12B90]  }
0x2d4: {  	v50 =	vld [tilespmem:s0+$0x12BA0]  }
0x2d5: {  	v52 =	vld [tilespmem:s0+$0x14AC0];
	v2 =	vadd.f32 v3, v2;
	v4 =	vadd.f32 v6, v4  }
0x2d6: {  	v55 =	vld [tilespmem:s0+$0x14AD0];
	v8 =	vadd.f32 v9, v8;
	v9 =	vadd.f32 v11, v10  }
0x2d7: {  	v56 =	vld [tilespmem:s0+$0x14AE0];
	v11 =	vadd.f32 v13, v12;
	v12 =	vadd.f32 v15, v14  }
0x2d8: {  	v57 =	vld [tilespmem:s0+$0x14AF0];
	v14 =	vadd.f32 v46, v45;
	v15 =	vadd.f32 v19, v18  }
0x2d9: {  	v58 =	vld [tilespmem:s0+$0x14B00];
	v48 =	vadd.f32 v21, v20;
	v51 =	vadd.f32 v27, v26  }
0x2da: {  	v59 =	vld [tilespmem:s0+$0x14B10];
	v53 =	vadd.f32 v29, v28;
	v54 =	vadd.f32 v31, v30  }
0x2db: {  	v3 =	vld [tilespmem:s0+$0x10B40];
	v2 =	vadd.f32 v5, v2;
	v4 =	vadd.f32 v32, v4  }
0x2dc: {  	v5 =	vld [tilespmem:s0+$0x10B50];
	v8 =	vadd.f32 v33, v8;
	v9 =	vadd.f32 v34, v9  }
0x2dd: {  	v6 =	vld [tilespmem:s0+$0x12B50];
	v11 =	vadd.f32 v35, v11;
	v12 =	vadd.f32 v36, v12  }
0x2de: {  	v14 =	vadd.f32 v37, v14;
	v2 =	vadd.f32 v7, v2;
	v7 =	vld [tilespmem:s0+$0x10B60]  }
0x2df: {  	v62 =	vld [tilespmem:s0+$0x14B30];
	v15 =	vadd.f32 v38, v15;
	v17 =	vadd.f32 v39, v48  }
0x2e0: {  	v4 =	vadd.f32 v52, v4;
	v3 =	vadd.f32 v3, v22;
	[tilespmem:s0+$0x16BB0] =	vst v2;
	v2 =	vld [tilespmem:s0+$0x10B70]  }
0x2e1: {  	v10 =	vld [tilespmem:s0+$0x12B60];
	v8 =	vadd.f32 v55, v8;
	v5 =	vadd.f32 v5, v23  }
0x2e2: {  	v60 =	vld [tilespmem:s0+$0x14B20];
	[tilespmem:s0+$0x16AC0] =	vst v4;
	v4 =	vadd.f32 v56, v9;
	v61 =	vadd.f32 v40, v3  }
0x2e3: {  	v13 =	vld [tilespmem:s0+$0x12B70];
	v7 =	vadd.f32 v7, v24;
	v5 =	vadd.f32 v6, v5  }
0x2e4: {  	v63 =	vld [tilespmem:s0+$0x14B40];
	[tilespmem:s0+$0x16AD0] =	vst v8;
	v6 =	vadd.f32 v57, v11;
	v11 =	vadd.f32 v59, v14  }
0x2e5: {  	v9 =	vld [tilespmem:s0+$0x14B50];
	[tilespmem:s0+$0x16AE0] =	vst v4;
	v14 =	vadd.f32 v62, v17;
	v2 =	vadd.f32 v2, v25  }
0x2e6: {  	v8 =	vld [tilespmem:s0+$0x14B60];
	v3 =	vadd.f32 v10, v7;
	v7 =	vadd.f32 v58, v12;
	[tilespmem:s0+$0x16AF0] =	vst v6  }
0x2e7: {  	v6 =	vadd.f32 v47, v51;
	v12 =	vadd.f32 v60, v15;
	v10 =	vld [tilespmem:s0+$0x14B70];
	[tilespmem:s0+$0x16B10] =	vst v11  }
0x2e8: {  	v11 =	vld [tilespmem:s0+$0x14B80];
	v4 =	vadd.f32 v13, v2;
	[tilespmem:s0+$0x16B00] =	vst v7;
	v7 =	vadd.f32 v49, v53  }
0x2e9: {  	s1 =	simm.s32 $0x0;
	s6 =	simm.s32 $0x400;
	v2 =	vadd.f32 v50, v54;
	[tilespmem:s0+$0x16B20] =	vst v12;
	v13 =	vadd.f32 v63, v61;
	v12 =	vld [tilespmem:s0+$0x14B90]  }
.LBB2_17:
0x2ea: {  	s10 =	sshra.s32 s6, $0x2;
	[tilespmem:s0+$0x16B30] =	vst v14;
	v5 =	vadd.f32 v9, v5;
	v9 =	vld [tilespmem:s0+$0x14BA0]  }
0x2eb: {  	s1 =	sadd.s32 $0x4, s1;
	v14 =	vld [tilespmem:s10+$0xEBB0];
	[tilespmem:s0+$0x16B40] =	vst v13;
	v3 =	vadd.f32 v8, v3  }
0x2ec: {  	p0 =	slt.u32 s1, $0x7C;
	v8 =	vld [tilespmem:s10+$0x10BB0];
	[tilespmem:s0+$0x16B50] =	vst v5;
	v4 =	vadd.f32 v10, v4  }
0x2ed: {  	v5 =	vld [tilespmem:s10+$0xEAC0];
	[tilespmem:s0+$0x16B60] =	vst v3;
	v3 =	vadd.f32 v11, v6  }
0x2ee: {  	v6 =	vld [tilespmem:s10+$0x12BB0];
	[tilespmem:s0+$0x16B70] =	vst v4;
	v4 =	vadd.f32 v12, v7  }
0x2ef: {  	v7 =	vld [tilespmem:s10+$0x10AC0];
	[tilespmem:s0+$0x16B80] =	vst v3;
	v2 =	vadd.f32 v9, v2  }
0x2f0: {  	v3 =	vld [tilespmem:s10+$0x14BB0];
	[tilespmem:s0+$0x16B90] =	vst v4  }
0x2f1: {  	v4 =	vld [tilespmem:s10+$0xEAD0];
	v8 =	vadd.f32 v8, v14;
	[tilespmem:s0+$0x16BA0] =	vst v2;
	s0 =	smov.u32 s10  }
0x2f2: {  	v2 =	vld [tilespmem:s0+$0x10AD0]  }
0x2f3: {  	v9 =	vld [tilespmem:s0+$0xEAE0];
	v6 =	vadd.f32 v6, v8  }
0x2f4: {  	v5 =	vadd.f32 v7, v5;
	v7 =	vld [tilespmem:s0+$0x10AE0]  }
0x2f5: {  	v8 =	vld [tilespmem:s0+$0xEAF0];
	v3 =	vadd.f32 v3, v6  }
0x2f6: {  	v6 =	vld [tilespmem:s0+$0x10AF0]  }
0x2f7: {  	v2 =	vadd.f32 v2, v4;
	v4 =	vld [tilespmem:s0+$0xEB00];
	[tilespmem:s0+$0x16BB0] =	vst v3  }
0x2f8: {  	v3 =	vld [tilespmem:s0+$0x10B00]  }
0x2f9: {  	v7 =	vadd.f32 v7, v9;
	v9 =	vld [tilespmem:s0+$0xEB10]  }
0x2fa: {  	v10 =	vld [tilespmem:s0+$0x10B10]  }
0x2fb: {  	v6 =	vadd.f32 v6, v8;
	v8 =	vld [tilespmem:s0+$0xEB20]  }
0x2fc: {  	v11 =	vld [tilespmem:s0+$0x10B20]  }
0x2fd: {  	v3 =	vadd.f32 v3, v4;
	v4 =	vld [tilespmem:s0+$0xEB30]  }
0x2fe: {  	v12 =	vld [tilespmem:s0+$0x10B30]  }
0x2ff: {  	v9 =	vadd.f32 v10, v9;
	v10 =	vld [tilespmem:s0+$0xEB40]  }
0x300: {  	v13 =	vld [tilespmem:s0+$0x10B40]  }
0x301: {  	v8 =	vadd.f32 v11, v8;
	v11 =	vld [tilespmem:s0+$0xEB50]  }
0x302: {  	v14 =	vld [tilespmem:s0+$0x10B50]  }
0x303: {  	v4 =	vadd.f32 v12, v4;
	v12 =	vld [tilespmem:s0+$0xEB60]  }
0x304: {  	v15 =	vld [tilespmem:s0+$0x10B60]  }
0x305: {  	v10 =	vadd.f32 v13, v10;
	v13 =	vld [tilespmem:s0+$0xEB70]  }
0x306: {  	v16 =	vld [tilespmem:s0+$0x10B70]  }
0x307: {  	v11 =	vadd.f32 v14, v11;
	v14 =	vld [tilespmem:s0+$0xEB80]  }
0x308: {  	v17 =	vld [tilespmem:s0+$0x10B80]  }
0x309: {  	v12 =	vadd.f32 v15, v12;
	v15 =	vld [tilespmem:s0+$0xEB90]  }
0x30a: {  	v18 =	vld [tilespmem:s0+$0x10B90]  }
0x30b: {  	v13 =	vadd.f32 v16, v13;
	v16 =	vld [tilespmem:s0+$0xEBA0]  }
0x30c: {  	v19 =	vld [tilespmem:s0+$0x10BA0]  }
0x30d: {  	v20 =	vld [tilespmem:s0+$0x12AC0];
	v14 =	vadd.f32 v17, v14  }
0x30e: {  	v17 =	vld [tilespmem:s0+$0x12AD0]  }
0x30f: {  	v21 =	vld [tilespmem:s0+$0x12AE0];
	v15 =	vadd.f32 v18, v15  }
0x310: {  	v18 =	vld [tilespmem:s0+$0x12AF0]  }
0x311: {  	v22 =	vld [tilespmem:s0+$0x12B00];
	v16 =	vadd.f32 v19, v16  }
0x312: {  	v19 =	vadd.f32 v20, v5;
	v5 =	vld [tilespmem:s0+$0x12B10]  }
0x313: {  	v17 =	vadd.f32 v17, v2;
	v2 =	vld [tilespmem:s0+$0x12B20]  }
0x314: {  	v20 =	vadd.f32 v21, v7;
	v7 =	vld [tilespmem:s0+$0x12B30]  }
0x315: {  	v18 =	vadd.f32 v18, v6;
	v6 =	vld [tilespmem:s0+$0x12B40]  }
0x316: {  	v21 =	vadd.f32 v22, v3;
	v3 =	vld [tilespmem:s0+$0x12B50]  }
0x317: {  	v22 =	vadd.f32 v5, v9;
	v9 =	vld [tilespmem:s0+$0x12B60]  }
0x318: {  	v23 =	vadd.f32 v2, v8;
	v2 =	vld [tilespmem:s0+$0x12B70]  }
0x319: {  	v24 =	vadd.f32 v7, v4;
	v7 =	vld [tilespmem:s0+$0x12B80]  }
0x31a: {  	v25 =	vadd.f32 v6, v10;
	v8 =	vld [tilespmem:s0+$0x12B90]  }
0x31b: {  	v5 =	vadd.f32 v3, v11;
	v10 =	vld [tilespmem:s0+$0x12BA0]  }
0x31c: {  	v11 =	vld [tilespmem:s0+$0x14AC0];
	v3 =	vadd.f32 v9, v12  }
0x31d: {  	v9 =	vld [tilespmem:s0+$0x14AD0];
	v4 =	vadd.f32 v2, v13  }
0x31e: {  	v12 =	vld [tilespmem:s0+$0x14AE0];
	v6 =	vadd.f32 v7, v14  }
0x31f: {  	v13 =	vld [tilespmem:s0+$0x14AF0];
	v7 =	vadd.f32 v8, v15  }
0x320: {  	v8 =	vld [tilespmem:s0+$0x14B00];
	v2 =	vadd.f32 v10, v16  }
0x321: {  	v10 =	vadd.f32 v11, v19;
	v11 =	vld [tilespmem:s0+$0x14B10]  }
0x322: {  	v9 =	vadd.f32 v9, v17;
	v14 =	vld [tilespmem:s0+$0x14B20]  }
0x323: {  	[tilespmem:s0+$0x16AC0] =	vst v10;
	v10 =	vadd.f32 v12, v20;
	v12 =	vld [tilespmem:s0+$0x14B30]  }
0x324: {  	[tilespmem:s0+$0x16AD0] =	vst v9;
	v13 =	vadd.f32 v13, v18;
	v15 =	vld [tilespmem:s0+$0x14B40]  }
.Ltmp7:
0x325: {  	[tilespmem:s0+$0x16AE0] =	vst v10;
	v10 =	vadd.f32 v8, v21;
	v9 =	vld [tilespmem:s0+$0x14B50];
	(pc) =	sbr.rel @p0 .LBB2_17-.Ltmp7, $4  }
0x326: {  	[tilespmem:s0+$0x16AF0] =	vst v13;
	v11 =	vadd.f32 v11, v22;
	v8 =	vld [tilespmem:s0+$0x14B60]  }
0x327: {  	[tilespmem:s0+$0x16B00] =	vst v10;
	v13 =	vadd.f32 v14, v23;
	v10 =	vld [tilespmem:s0+$0x14B70]  }
0x328: {  	[tilespmem:s0+$0x16B10] =	vst v11;
	v14 =	vadd.f32 v12, v24;
	v11 =	vld [tilespmem:s0+$0x14B80]  }
0x329: {  	s6 =	sadd.s32 $0x400, s6;
	[tilespmem:s0+$0x16B20] =	vst v13;
	v13 =	vadd.f32 v15, v25;
	v12 =	vld [tilespmem:s0+$0x14B90]  }
0x32a: {  	[tilespmem:s0+$0x16B30] =	vst v14;
	v5 =	vadd.f32 v9, v5;
	v62 =	vld [tilespmem:s0+$0x14BA0]  }
0x32b: {  	[tilespmem:s0+$0x16B40] =	vst v13;
	v3 =	vadd.f32 v8, v3  }
0x32c: {  	[tilespmem:s0+$0x16B50] =	vst v5;
	v4 =	vadd.f32 v10, v4  }
0x32d: {  	[tilespmem:s0+$0x16B60] =	vst v3;
	v3 =	vadd.f32 v11, v6  }
0x32e: {  	s1 =	sadd.s32 s3, s29;
	[tilespmem:s0+$0x16B70] =	vst v4;
	v63 =	vadd.f32 v12, v7  }
0x32f: {  	s28 =	sadd.s32 $0x1, s28;
	s1 =	sshll.u32 s1, $0x3;
	[tilespmem:s0+$0x16B80] =	vst v3;
	v2 =	vadd.f32 v62, v2  }
0x330: {  	p0 =	sne.s32 s28, $0x64;
	s1 =	sand.u32 $0x1FFFFC00, s1;
	[tilespmem:s0+$0x16B90] =	vst v63  }
.Ltmp8:
0x331: {  	s31 =	sadd.s32 s7, s1;
	[tilespmem:s0+$0x16BA0] =	vst v2;
	(pc) =	sbr.rel @p0 .LBB2_6-.Ltmp8, $4  }
0x332: {  	[hbm4b:s31+s2] =	stream.linear.scatter [tilespmem:s8], [sflag:$0x4], $0x2000, $0x38;
	[tilespmem:$0x18AC0] =	vst v63  }
0x333: {  	_ =	swait.ge [sflag:s11], $0x2000  }
0x334: {  	[sflag:s11] =	ssyncset.done $0x0  }
0x335: {  	s13 =	sadd.s32 $0x100, s13;
	s25 =	sadd.s32 $0x100, s25;
	[sflag:s11] =	ssyncadd.s32 $0xFFFFE000  }
0x336: {  	_ =	swait.ge [sflag:s26], $0x2000  }
0x337: {  	[sflag:s26] =	ssyncset.done $0x0  }
0x338: {  	[sflag:s26] =	ssyncadd.s32 $0xFFFFE000  }
0x339: {  	_ =	swait.ge [sflag:s26], $0x2000  }
0x33a: {  	[sflag:s26] =	ssyncset.done $0x0  }
0x33b: {  	[sflag:s26] =	ssyncadd.s32 $0xFFFFE000  }
0x33c: {  	_ =	swait.ge [sflag:s26], $0x2000  }
0x33d: {  	[sflag:s26] =	ssyncset.done $0x0  }
0x33e: {  	[sflag:s26] =	ssyncadd.s32 $0xFFFFE000  }
0x33f: {  	_ =	swait.ge [sflag:s26], $0x2000  }
0x340: {  	s1 =	rddreg [dreg:$0x5]  }
0x341: {  	s0 =	rddreg [dreg:$0x4];
	s1 =	sadd.s32 $0x1, s1  }
0x342: {  	p0 =	sne.s32 s1, s0  }
.Ltmp9:
0x343: {  	_ = 	snop;
	(pc) =	sbr.rel @p0 .LBB2_1-.Ltmp9, $3  }
0x344: {  	_ =	sdelay $0x1  }
0x345: {  	[sflag:s26] =	ssyncset.done $0x0  }
0x346: {  	[sflag:s26] =	ssyncadd.s32 $0xFFFFE000  }
0x347: {  	_ =	sfence.sel $0x180000  }
0x348: {  	[bflag:$0x0] =	sbarrier.arrive $0xFFFF  }
0x349: {  	_ =	strace $0x90000047  }
0x34a: {  	s0 =	stileid.u32;
	[bflag:$0x2] =	sbarrier.arrive $0xFFFF  }
0x34b: {  	p0 =	sne.s32 s0, $0x0;
	s0 =	rddreg [dreg:$0x1]  }
0x34c: {  	s0 =	sadd.s32 @!p0 $0x100000, s0  }
0x34d: {  	[sflag:s0] =	ssyncadd.tile.s32 @!p0 $0x1;
	_ =	shalt  }
.Lfunc_end2:
_tile_overlayer_lowered:
.L_overlay_start_2:
0x34e: {  	(tag) =	ssettag $0x2  }
0x34f: {  	s0 =	rddreg [dreg:$0x0];
	s2 =	stileid.u32  }
0x350: {  	s1 =	rddreg [dreg:$0x1];
	p0 =	sne.s32 s2, $0x0  }
0x351: {  	s3 =	rddreg [dreg:$0x2];
	[bflag:$0x3] =	sbarrier.arrive $0xFFFF;
	s2 =	simm.s32 @!p0 $0x1C04  }
0x352: {  	[timem:s3], [sflag:s2] =	dma.local @!p0 [hbm:s0], s1  }
0x353: {  	s0 =	simm.s32 @!p0 $0x4  }
0x354: {  	_ =	swait.ge @!p0 [sflag:s0], s1  }
0x355: {  	s1 =	ssub.s32 @!p0 $0x0, s1;
	[sflag:s0] =	ssyncset.done @!p0 $0x0  }
0x356: {  	[sflag:s0] =	ssyncadd.s32 @!p0 s1  }
0x357: {  	[bflag:$0x3] =	sbarrier.arrive $0xFFFF  }
0x358: {  	_ =	shalt  }

</sc_bundles>
